<compile_context>
chip_gen: v7x
topology: tpu7x:2x2x1
jax: 0.10.2.dev20260603
libtpu: 0.0.44.dev20260713+nightly
codegen_flags: <defaults>
</compile_context>

<pallas_src>
import functools

import jax
import jax.numpy as jnp
from jax import lax
from jax.experimental import pallas as pl
from jax.experimental.pallas import tpu as pltpu
from jax.experimental.pallas import tpu_sc as plsc

N = 10000
D_IN = 128
D = 256
NL = 6
NE = 4
E = 80000
CZ = D + D_IN

NPAD = 10240
ETOT = NE * E
CHUNK = 128
TILES = 16
NSC = 2
EPAD = 327680
ROWS2D = EPAD // CHUNK
RPT = ROWS2D // TILES
ST = 4
SROWS = RPT // ST
ART = NPAD // TILES


def _hw_body(h_ref, w_ref, o_ref):
    o_ref[...] = jnp.dot(h_ref[...], w_ref[0], preferred_element_type=jnp.float32)


_hw_call = pl.pallas_call(
    _hw_body,
    grid=(NSC, NE, 5),
    in_specs=[
        pl.BlockSpec((2000, D), lambda c, e, nb: (nb, 0)),
        pl.BlockSpec((1, D, 128), lambda c, e, nb: (e, 0, c)),
    ],
    out_specs=pl.BlockSpec((2000, 128), lambda c, e, nb: (c * 20 + e * 5 + nb, 0)),
    out_shape=jax.ShapeDtypeStruct((NSC * NE * N, 128), jnp.float32),
)


def _sc_agg(table, src3, dst2, zsrc, m_out, srcb, dstb, gbufa, gbufb, acc, sema, semb):
    c = lax.axis_index("c")
    s = lax.axis_index("s")
    pltpu.sync_copy(zsrc, gbufa)
    for kk in range(ART // CHUNK):
        pltpu.sync_copy(gbufa, acc.at[pl.ds(s * ART + kk * CHUNK, CHUNK)])
    plsc.subcore_barrier()

    def stage_body(st, carry):
        pltpu.sync_copy(src3.at[pl.ds(c * ROWS2D + s * RPT + st * SROWS, SROWS)], srcb)
        pltpu.sync_copy(dst2.at[pl.ds(s * RPT + st * SROWS, SROWS)], dstb)
        pltpu.async_copy(table.at[srcb.at[0]], gbufa, sema)

        def pair_body(p, carry2):
            k0 = 2 * p
            pltpu.async_copy(table.at[srcb.at[k0 + 1]], gbufb, semb)
            pltpu.make_async_copy(table.at[srcb.at[0]], gbufa, sema).wait()
            pltpu.sync_copy(gbufa, acc.at[dstb.at[k0]], add=True)
            knext = jnp.minimum(k0 + 2, SROWS - 1)
            pltpu.async_copy(table.at[srcb.at[knext]], gbufa, sema)
            pltpu.make_async_copy(table.at[srcb.at[0]], gbufb, semb).wait()
            pltpu.sync_copy(gbufb, acc.at[dstb.at[k0 + 1]], add=True)
            return carry2

        lax.fori_loop(0, SROWS // 2, pair_body, 0)
        pltpu.make_async_copy(table.at[srcb.at[0]], gbufa, sema).wait()
        return carry

    lax.fori_loop(0, ST, stage_body, 0)
    plsc.subcore_barrier()
    pltpu.sync_copy(
        acc.at[pl.ds(s * ART, ART)],
        m_out.at[pl.ds(s * ART, ART), pl.ds(c * 128, 128)],
    )


@functools.cache
def _sc_agg_call():
    mesh = plsc.VectorSubcoreMesh(core_axis_name="c", subcore_axis_name="s")
    return pl.kernel(
        _sc_agg,
        mesh=mesh,
        out_type=jax.ShapeDtypeStruct((NPAD, D), jnp.float32),
        scratch_types=[
            pltpu.VMEM((SROWS, CHUNK), jnp.int32),
            pltpu.VMEM((SROWS, CHUNK), jnp.int32),
            pltpu.VMEM((CHUNK, 128), jnp.float32),
            pltpu.VMEM((CHUNK, 128), jnp.float32),
            pltpu.VMEM_SHARED((NPAD, 128), jnp.float32),
            pltpu.SemaphoreType.DMA,
            pltpu.SemaphoreType.DMA,
        ],
    )


def _gru_body(m_ref, h_ref, wih_ref, whh_ref, bih_ref, bhh_ref, o_ref):
    m = m_ref[...]
    h = h_ref[...]
    cdims = (((1,), (1,)), ((), ()))
    gi = lax.dot_general(m, wih_ref[...], cdims, preferred_element_type=jnp.float32) + bih_ref[...]
    gh = lax.dot_general(h, whh_ref[...], cdims, preferred_element_type=jnp.float32) + bhh_ref[...]
    r = jax.nn.sigmoid(gi[:, 0:D] + gh[:, 0:D])
    z = jax.nn.sigmoid(gi[:, D:2 * D] + gh[:, D:2 * D])
    n = jnp.tanh(gi[:, 2 * D:3 * D] + r * gh[:, 2 * D:3 * D])
    o_ref[...] = (1.0 - z) * n + z * h


_gru_call = pl.pallas_call(
    _gru_body,
    grid=(10,),
    in_specs=[
        pl.BlockSpec((1000, D), lambda i: (i, 0)),
        pl.BlockSpec((1000, D), lambda i: (i, 0)),
        pl.BlockSpec((3 * D, D), lambda i: (0, 0)),
        pl.BlockSpec((3 * D, D), lambda i: (0, 0)),
        pl.BlockSpec((1, 3 * D), lambda i: (0, 0)),
        pl.BlockSpec((1, 3 * D), lambda i: (0, 0)),
    ],
    out_specs=pl.BlockSpec((1000, D), lambda i: (i, 0)),
    out_shape=jax.ShapeDtypeStruct((N, D), jnp.float32),
)


HB = 126
NHEAD = 20


def _conv_branch(xb, w1, b1, w2, b2):
    cdims = (((1,), (1,)), ((), ()))
    acc = lax.dot_general(xb[0:512], w1[0], cdims, preferred_element_type=jnp.float32)
    acc = acc + lax.dot_general(xb[1:513], w1[1], cdims, preferred_element_type=jnp.float32)
    acc = acc + lax.dot_general(xb[2:514], w1[2], cdims, preferred_element_type=jnp.float32)
    z1 = jnp.maximum(acc + b1, 0.0)
    z1m = z1.reshape(256, 2, z1.shape[1])
    ev = z1m[:, 0, :]
    ov = z1m[:, 1, :]
    z1p = jnp.maximum(jnp.maximum(ev[0:252], ov[0:252]), ev[1:253])
    z2 = lax.dot_general(z1p, w2[0], cdims, preferred_element_type=jnp.float32) + b2
    return jnp.max(z2.reshape(HB, 2, z2.shape[1]), axis=1)


def _head_body(hx_ref, wz1_ref, bz1_ref, wz2_ref, bz2_ref, wy1_ref, by1_ref,
               wy2_ref, by2_ref, mzw_ref, mzb_ref, myw_ref, myb_ref, o_ref):
    i0 = pl.program_id(0)
    cb = hx_ref[pl.ds(4 * HB * i0, 520), :]
    zf = _conv_branch(cb, wz1_ref[...], bz1_ref[...], wz2_ref[...], bz2_ref[...])
    yf = _conv_branch(cb[:, 0:D], wy1_ref[...], by1_ref[...], wy2_ref[...], by2_ref[...])
    zz = jnp.dot(zf, mzw_ref[...], preferred_element_type=jnp.float32) + mzb_ref[...]
    yy = jnp.dot(yf, myw_ref[...], preferred_element_type=jnp.float32) + myb_ref[...]
    prod = zz * yy
    gidx = HB * i0 + lax.broadcasted_iota(jnp.int32, (HB, 1), 0)
    prod = jnp.where(gidx < 2499, prod, 0.0)
    sv = jnp.sum(prod)
    svec = jnp.where(lax.broadcasted_iota(jnp.int32, (1, 128), 1) == 0, sv, 0.0)

    @pl.when(i0 == 0)
    def _():
        o_ref[...] = jnp.zeros((1, 128), jnp.float32)

    acc_o = o_ref[...] + svec
    o_ref[...] = acc_o

    @pl.when(i0 == NHEAD - 1)
    def _():
        o_ref[...] = jax.nn.sigmoid(acc_o / 2499.0)


_head_call = pl.pallas_call(
    _head_body,
    grid=(NHEAD,),
    in_specs=[
        pl.BlockSpec((10096, CZ), lambda i: (0, 0)),
        pl.BlockSpec((3, CZ, CZ), lambda i: (0, 0, 0)),
        pl.BlockSpec((1, CZ), lambda i: (0, 0)),
        pl.BlockSpec((1, CZ, CZ), lambda i: (0, 0, 0)),
        pl.BlockSpec((1, CZ), lambda i: (0, 0)),
        pl.BlockSpec((3, D, D), lambda i: (0, 0, 0)),
        pl.BlockSpec((1, D), lambda i: (0, 0)),
        pl.BlockSpec((1, D, D), lambda i: (0, 0, 0)),
        pl.BlockSpec((1, D), lambda i: (0, 0)),
        pl.BlockSpec((CZ, 1), lambda i: (0, 0)),
        pl.BlockSpec((1, 1), lambda i: (0, 0)),
        pl.BlockSpec((D, 1), lambda i: (0, 0)),
        pl.BlockSpec((1, 1), lambda i: (0, 0)),
    ],
    out_specs=pl.BlockSpec((1, 128), lambda i: (0, 0)),
    out_shape=jax.ShapeDtypeStruct((1, 128), jnp.float32),
)


def kernel(x, ast_edge_index, cfg_edge_index, ddg_edge_index, ncs_edge_index,
           W_ggnn, w_ih, w_hh, b_ih, b_hh,
           conv_z1_w, conv_z1_b, conv_z2_w, conv_z2_b,
           conv_y1_w, conv_y1_b, conv_y2_w, conv_y2_b,
           mlp_z_w, mlp_z_b, mlp_y_w, mlp_y_b):
    edges = [ast_edge_index, cfg_edge_index, ddg_edge_index, ncs_edge_index]
    src = jnp.concatenate([ei[0] + e * N for e, ei in enumerate(edges)])
    dst = jnp.concatenate([ei[1] for ei in edges])
    pad_i = jnp.arange(EPAD - ETOT, dtype=jnp.int32)
    src = jnp.concatenate([src, pad_i % N])
    dst = jnp.concatenate([dst, N + pad_i % (NPAD - N)])
    src3 = jnp.concatenate([src, src + NE * N]).reshape(2 * ROWS2D, CHUNK)
    dst2 = dst.reshape(ROWS2D, CHUNK)
    zsrc = jnp.zeros((CHUNK, 128), jnp.float32)

    h = jnp.pad(x, ((0, 0), (0, D - D_IN)))
    bih2 = b_ih.reshape(1, 3 * D)
    bhh2 = b_hh.reshape(1, 3 * D)
    for t in range(NL):
        hw = _hw_call(h, W_ggnn[t])
        m = _sc_agg_call()(hw, src3, dst2, zsrc)
        h = _gru_call(m[:N], h, w_ih, w_hh, bih2, bhh2)

    hx = jnp.pad(jnp.concatenate([h, x], axis=1), ((0, 96), (0, 0)))
    out = _head_call(
        hx,
        jnp.transpose(conv_z1_w, (2, 0, 1)), conv_z1_b.reshape(1, CZ),
        jnp.transpose(conv_z2_w, (2, 0, 1)), conv_z2_b.reshape(1, CZ),
        jnp.transpose(conv_y1_w, (2, 0, 1)), conv_y1_b.reshape(1, D),
        jnp.transpose(conv_y2_w, (2, 0, 1)), conv_y2_b.reshape(1, D),
        mlp_z_w, mlp_z_b.reshape(1, 1),
        mlp_y_w, mlp_y_b.reshape(1, 1),
    )
    return out[0, 0]

# --- scband reference (transcript-rebuilt; emitter-appended) ---
"""Pipeline reference for scband-circle-ggnn-65120294142518 (READ-ONLY COPY).

The authoritative reference and input builder live on the scoring server;
editing this copy changes nothing except your own understanding.
"""

import jax, jax.numpy as jnp
import numpy as np

N_NODES = 10000
D_IN = 128
D_OUT = 256
N_LAYERS = 6
N_ETYPES = 4
E_PER_TYPE = 80000
CZ = D_OUT + D_IN


def setup_inputs(seed: int = 0) -> dict:
    key = jax.random.key(seed)
    ks = jax.random.split(key, 24)
    sc = lambda f: 1.0 / np.sqrt(f)
    inp = {}
    inp["x"] = jax.random.normal(ks[0], (N_NODES, D_IN), dtype=jnp.float32)
    for i, name in enumerate(["ast_edge_index", "cfg_edge_index", "ddg_edge_index", "ncs_edge_index"]):
        inp[name] = jax.random.randint(ks[1 + i], (2, E_PER_TYPE), 0, N_NODES, dtype=jnp.int32)
    inp["W_ggnn"] = jax.random.normal(ks[5], (N_LAYERS, N_ETYPES, D_OUT, D_OUT), jnp.float32) * sc(D_OUT)
    inp["w_ih"] = jax.random.normal(ks[6], (3 * D_OUT, D_OUT), jnp.float32) * sc(D_OUT)
    inp["w_hh"] = jax.random.normal(ks[7], (3 * D_OUT, D_OUT), jnp.float32) * sc(D_OUT)
    inp["b_ih"] = jnp.zeros((3 * D_OUT,), jnp.float32)
    inp["b_hh"] = jnp.zeros((3 * D_OUT,), jnp.float32)
    inp["conv_z1_w"] = jax.random.normal(ks[8], (CZ, CZ, 3), jnp.float32) * sc(CZ * 3)
    inp["conv_z1_b"] = jnp.zeros((CZ,), jnp.float32)
    inp["conv_z2_w"] = jax.random.normal(ks[9], (CZ, CZ, 1), jnp.float32) * sc(CZ)
    inp["conv_z2_b"] = jnp.zeros((CZ,), jnp.float32)
    inp["conv_y1_w"] = jax.random.normal(ks[10], (D_OUT, D_OUT, 3), jnp.float32) * sc(D_OUT * 3)
    inp["conv_y1_b"] = jnp.zeros((D_OUT,), jnp.float32)
    inp["conv_y2_w"] = jax.random.normal(ks[11], (D_OUT, D_OUT, 1), jnp.float32) * sc(D_OUT)
    inp["conv_y2_b"] = jnp.zeros((D_OUT,), jnp.float32)
    inp["mlp_z_w"] = jax.random.normal(ks[12], (CZ, 1), jnp.float32) * sc(CZ)
    inp["mlp_z_b"] = jnp.zeros((1,), jnp.float32)
    inp["mlp_y_w"] = jax.random.normal(ks[13], (D_OUT, 1), jnp.float32) * sc(D_OUT)
    inp["mlp_y_b"] = jnp.zeros((1,), jnp.float32)
    return inp


def _conv1d(x, w, b):
    y = jax.lax.conv_general_dilated(x, w, (1,), "VALID", dimension_numbers=("NCH", "OIH", "NCH"))
    return y + b[None, :, None]


def _maxpool1d(x, k, s):
    return jax.lax.reduce_window(x, -jnp.inf, jax.lax.max, (1, 1, k), (1, 1, s), "VALID")


def _gru(m, h, w_ih, w_hh, b_ih, b_hh):
    gi = m @ w_ih.T + b_ih
    gh = h @ w_hh.T + b_hh
    i_r, i_z, i_n = jnp.split(gi, 3, axis=1)
    h_r, h_z, h_n = jnp.split(gh, 3, axis=1)
    r = jax.nn.sigmoid(i_r + h_r)
    z = jax.nn.sigmoid(i_z + h_z)
    n = jnp.tanh(i_n + r * h_n)
    return (1.0 - z) * n + z * h


def _circle_ggnn(x, edges, W, w_ih, w_hh, b_ih, b_hh):
    N = x.shape[0]
    h = jnp.pad(x, ((0, 0), (0, D_OUT - x.shape[1])))
    for t in range(N_LAYERS):
        m = jnp.zeros((N, D_OUT), dtype=h.dtype)
        for e in range(N_ETYPES):
            ei = edges[e]
            msg = (h @ W[t, e])[ei[0]]
            m = m.at[ei[1]].add(msg)
        h = _gru(m, h, w_ih, w_hh, b_ih, b_hh)
    return h


def _conv_output(h, x, conv_z1_w, conv_z1_b, conv_z2_w, conv_z2_b, conv_y1_w, conv_y1_b, conv_y2_w, conv_y2_b, mlp_z_w, mlp_z_b, mlp_y_w, mlp_y_b):
    c = jnp.concatenate([h, x], axis=1)[None].transpose(0, 2, 1)  # [1, CZ, N]
    z = _maxpool1d(jax.nn.relu(_conv1d(c, conv_z1_w, conv_z1_b)), 3, 2)
    z = _maxpool1d(_conv1d(z, conv_z2_w, conv_z2_b), 2, 2)
    z = z[0].T  # [L, CZ]
    y = h[None].transpose(0, 2, 1)  # [1, D_OUT, N]
    y = _maxpool1d(jax.nn.relu(_conv1d(y, conv_y1_w, conv_y1_b)), 3, 2)
    y = _maxpool1d(_conv1d(y, conv_y2_w, conv_y2_b), 2, 2)
    y = y[0].T  # [L, D_OUT]
    zz = z @ mlp_z_w + mlp_z_b
    yy = y @ mlp_y_w + mlp_y_b
    return jax.nn.sigmoid(jnp.mean(zz * yy))


def reference(x, ast_edge_index, cfg_edge_index, ddg_edge_index, ncs_edge_index, W_ggnn, w_ih, w_hh, b_ih, b_hh, conv_z1_w, conv_z1_b, conv_z2_w, conv_z2_b, conv_y1_w, conv_y1_b, conv_y2_w, conv_y2_b, mlp_z_w, mlp_z_b, mlp_y_w, mlp_y_b):
    edges = [ast_edge_index, cfg_edge_index, ddg_edge_index, ncs_edge_index]
    h = _circle_ggnn(x, edges, W_ggnn, w_ih, w_hh, b_ih, b_hh)
    y_hat = _conv_output(h, x, conv_z1_w, conv_z1_b, conv_z2_w, conv_z2_b, conv_y1_w, conv_y1_b, conv_y2_w, conv_y2_b, mlp_z_w, mlp_z_b, mlp_y_w, mlp_y_b)
    return y_hat

if __name__ == "__main__":
    import jax
    _d = setup_inputs()
    print(jax.jit(kernel)(*tuple(_d.values())))

</pallas_src>

<mosaic_0001>
#map = affine_map<(d0, d1) -> (0, 0)>
module attributes {stable_mosaic.version = 14 : i64} {
  func.func @_sc_agg(%arg0: i32, %arg1: i32, %arg2: memref<80000x128xf32, #tpu.memory_space<hbm>>, %arg3: memref<5120x128xi32, #tpu.memory_space<hbm>>, %arg4: memref<2560x128xi32, #tpu.memory_space<hbm>>, %arg5: memref<128x128xf32, #tpu.memory_space<hbm>>, %arg6: memref<10240x256xf32, #tpu.memory_space<hbm>>, %arg7: memref<40x128xi32, #tpu.memory_space<vmem>>, %arg8: memref<40x128xi32, #tpu.memory_space<vmem>>, %arg9: memref<128x128xf32, #tpu.memory_space<vmem>>, %arg10: memref<128x128xf32, #tpu.memory_space<vmem>>, %arg11: memref<10240x128xf32, #tpu.memory_space<vmem_shared>>, %arg12: memref<!tpu.dma_semaphore, #tpu.memory_space<semaphore_mem>>, %arg13: memref<!tpu.dma_semaphore, #tpu.memory_space<semaphore_mem>>) attributes {dimension_semantics = [#tpu.dimension_semantics<core_parallel>, #tpu.dimension_semantics<subcore_parallel>], iteration_bounds = array<i64: 2, 16>, scalar_prefetch = 0 : i64, scratch_operands = 7 : i64, tpu.core_type = #tpu.core_type<sc_vector_subcore>, window_params = [{transform_indices = #map}, {transform_indices = #map}, {transform_indices = #map}, {transform_indices = #map}, {transform_indices = #map}]} {
    "tpu.region"() ({
      %run_scoped3A = tpu.sem_alloc : memref<!tpu.dma_semaphore, #tpu.memory_space<semaphore_mem>>
      tpu.enqueue_dma source(%arg5 : memref<128x128xf32, #tpu.memory_space<hbm>>) target(%arg9 : memref<128x128xf32, #tpu.memory_space<vmem>>) target_semaphore(%run_scoped3A : memref<!tpu.dma_semaphore, #tpu.memory_space<semaphore_mem>>)
      tpu.wait_dma2 semaphore(%run_scoped3A : memref<!tpu.dma_semaphore, #tpu.memory_space<semaphore_mem>>) src(%arg5 : memref<128x128xf32, #tpu.memory_space<hbm>>) dst(%arg9 : memref<128x128xf32, #tpu.memory_space<vmem>>)
      tpu.yield
    }) : () -> ()
    %mul3A = arith.constant 640 : i32
    %mul3A_0 = arith.muli %arg1, %mul3A : i32
    %add3A = arith.constant 0 : i32
    %add3A_1 = arith.addi %mul3A_0, %add3A : i32
    "tpu.region"() ({
      %run_scoped3A = tpu.sem_alloc : memref<!tpu.dma_semaphore, #tpu.memory_space<semaphore_mem>>
      %dma_start3A = arith.constant 0 : i32
      %dma_start3A_30 = tpu.memref_slice %arg11[%add3A_1, %dma_start3A] : memref<10240x128xf32, #tpu.memory_space<vmem_shared>> -> memref<128x128xf32, #tpu.memory_space<vmem_shared>>
      %dma_start3A_31 = arith.constant 0 : i32
      %dma_start3A_32 = tpu.memref_slice %arg11[%add3A_1, %dma_start3A_31] : memref<10240x128xf32, #tpu.memory_space<vmem_shared>> -> memref<128x128xf32, #tpu.memory_space<vmem_shared>>
      tpu.enqueue_dma source(%arg9 : memref<128x128xf32, #tpu.memory_space<vmem>>) target(%dma_start3A_32 : memref<128x128xf32, #tpu.memory_space<vmem_shared>>) target_semaphore(%run_scoped3A : memref<!tpu.dma_semaphore, #tpu.memory_space<semaphore_mem>>)
      %dma_wait3A = arith.constant 0 : i32
      %dma_wait3A_33 = tpu.memref_slice %arg11[%add3A_1, %dma_wait3A] : memref<10240x128xf32, #tpu.memory_space<vmem_shared>> -> memref<128x128xf32, #tpu.memory_space<vmem_shared>>
      %dma_wait3A_34 = arith.constant 0 : i32
      %dma_wait3A_35 = tpu.memref_slice %arg11[%add3A_1, %dma_wait3A_34] : memref<10240x128xf32, #tpu.memory_space<vmem_shared>> -> memref<128x128xf32, #tpu.memory_space<vmem_shared>>
      tpu.wait_dma2 semaphore(%run_scoped3A : memref<!tpu.dma_semaphore, #tpu.memory_space<semaphore_mem>>) src(%arg9 : memref<128x128xf32, #tpu.memory_space<vmem>>) dst(%dma_wait3A_35 : memref<128x128xf32, #tpu.memory_space<vmem_shared>>)
      tpu.yield
    }) : () -> ()
    %mul3A_2 = arith.constant 640 : i32
    %mul3A_3 = arith.muli %arg1, %mul3A_2 : i32
    %add3A_4 = arith.constant 128 : i32
    %add3A_5 = arith.addi %mul3A_3, %add3A_4 : i32
    "tpu.region"() ({
      %run_scoped3A = tpu.sem_alloc : memref<!tpu.dma_semaphore, #tpu.memory_space<semaphore_mem>>
      %dma_start3A = arith.constant 0 : i32
      %dma_start3A_30 = tpu.memref_slice %arg11[%add3A_5, %dma_start3A] : memref<10240x128xf32, #tpu.memory_space<vmem_shared>> -> memref<128x128xf32, #tpu.memory_space<vmem_shared>>
      %dma_start3A_31 = arith.constant 0 : i32
      %dma_start3A_32 = tpu.memref_slice %arg11[%add3A_5, %dma_start3A_31] : memref<10240x128xf32, #tpu.memory_space<vmem_shared>> -> memref<128x128xf32, #tpu.memory_space<vmem_shared>>
      tpu.enqueue_dma source(%arg9 : memref<128x128xf32, #tpu.memory_space<vmem>>) target(%dma_start3A_32 : memref<128x128xf32, #tpu.memory_space<vmem_shared>>) target_semaphore(%run_scoped3A : memref<!tpu.dma_semaphore, #tpu.memory_space<semaphore_mem>>)
      %dma_wait3A = arith.constant 0 : i32
      %dma_wait3A_33 = tpu.memref_slice %arg11[%add3A_5, %dma_wait3A] : memref<10240x128xf32, #tpu.memory_space<vmem_shared>> -> memref<128x128xf32, #tpu.memory_space<vmem_shared>>
      %dma_wait3A_34 = arith.constant 0 : i32
      %dma_wait3A_35 = tpu.memref_slice %arg11[%add3A_5, %dma_wait3A_34] : memref<10240x128xf32, #tpu.memory_space<vmem_shared>> -> memref<128x128xf32, #tpu.memory_space<vmem_shared>>
      tpu.wait_dma2 semaphore(%run_scoped3A : memref<!tpu.dma_semaphore, #tpu.memory_space<semaphore_mem>>) src(%arg9 : memref<128x128xf32, #tpu.memory_space<vmem>>) dst(%dma_wait3A_35 : memref<128x128xf32, #tpu.memory_space<vmem_shared>>)
      tpu.yield
    }) : () -> ()
    %mul3A_6 = arith.constant 640 : i32
    %mul3A_7 = arith.muli %arg1, %mul3A_6 : i32
    %add3A_8 = arith.constant 256 : i32
    %add3A_9 = arith.addi %mul3A_7, %add3A_8 : i32
    "tpu.region"() ({
      %run_scoped3A = tpu.sem_alloc : memref<!tpu.dma_semaphore, #tpu.memory_space<semaphore_mem>>
      %dma_start3A = arith.constant 0 : i32
      %dma_start3A_30 = tpu.memref_slice %arg11[%add3A_9, %dma_start3A] : memref<10240x128xf32, #tpu.memory_space<vmem_shared>> -> memref<128x128xf32, #tpu.memory_space<vmem_shared>>
      %dma_start3A_31 = arith.constant 0 : i32
      %dma_start3A_32 = tpu.memref_slice %arg11[%add3A_9, %dma_start3A_31] : memref<10240x128xf32, #tpu.memory_space<vmem_shared>> -> memref<128x128xf32, #tpu.memory_space<vmem_shared>>
      tpu.enqueue_dma source(%arg9 : memref<128x128xf32, #tpu.memory_space<vmem>>) target(%dma_start3A_32 : memref<128x128xf32, #tpu.memory_space<vmem_shared>>) target_semaphore(%run_scoped3A : memref<!tpu.dma_semaphore, #tpu.memory_space<semaphore_mem>>)
      %dma_wait3A = arith.constant 0 : i32
      %dma_wait3A_33 = tpu.memref_slice %arg11[%add3A_9, %dma_wait3A] : memref<10240x128xf32, #tpu.memory_space<vmem_shared>> -> memref<128x128xf32, #tpu.memory_space<vmem_shared>>
      %dma_wait3A_34 = arith.constant 0 : i32
      %dma_wait3A_35 = tpu.memref_slice %arg11[%add3A_9, %dma_wait3A_34] : memref<10240x128xf32, #tpu.memory_space<vmem_shared>> -> memref<128x128xf32, #tpu.memory_space<vmem_shared>>
      tpu.wait_dma2 semaphore(%run_scoped3A : memref<!tpu.dma_semaphore, #tpu.memory_space<semaphore_mem>>) src(%arg9 : memref<128x128xf32, #tpu.memory_space<vmem>>) dst(%dma_wait3A_35 : memref<128x128xf32, #tpu.memory_space<vmem_shared>>)
      tpu.yield
    }) : () -> ()
    %mul3A_10 = arith.constant 640 : i32
    %mul3A_11 = arith.muli %arg1, %mul3A_10 : i32
    %add3A_12 = arith.constant 384 : i32
    %add3A_13 = arith.addi %mul3A_11, %add3A_12 : i32
    "tpu.region"() ({
      %run_scoped3A = tpu.sem_alloc : memref<!tpu.dma_semaphore, #tpu.memory_space<semaphore_mem>>
      %dma_start3A = arith.constant 0 : i32
      %dma_start3A_30 = tpu.memref_slice %arg11[%add3A_13, %dma_start3A] : memref<10240x128xf32, #tpu.memory_space<vmem_shared>> -> memref<128x128xf32, #tpu.memory_space<vmem_shared>>
      %dma_start3A_31 = arith.constant 0 : i32
      %dma_start3A_32 = tpu.memref_slice %arg11[%add3A_13, %dma_start3A_31] : memref<10240x128xf32, #tpu.memory_space<vmem_shared>> -> memref<128x128xf32, #tpu.memory_space<vmem_shared>>
      tpu.enqueue_dma source(%arg9 : memref<128x128xf32, #tpu.memory_space<vmem>>) target(%dma_start3A_32 : memref<128x128xf32, #tpu.memory_space<vmem_shared>>) target_semaphore(%run_scoped3A : memref<!tpu.dma_semaphore, #tpu.memory_space<semaphore_mem>>)
      %dma_wait3A = arith.constant 0 : i32
      %dma_wait3A_33 = tpu.memref_slice %arg11[%add3A_13, %dma_wait3A] : memref<10240x128xf32, #tpu.memory_space<vmem_shared>> -> memref<128x128xf32, #tpu.memory_space<vmem_shared>>
      %dma_wait3A_34 = arith.constant 0 : i32
      %dma_wait3A_35 = tpu.memref_slice %arg11[%add3A_13, %dma_wait3A_34] : memref<10240x128xf32, #tpu.memory_space<vmem_shared>> -> memref<128x128xf32, #tpu.memory_space<vmem_shared>>
      tpu.wait_dma2 semaphore(%run_scoped3A : memref<!tpu.dma_semaphore, #tpu.memory_space<semaphore_mem>>) src(%arg9 : memref<128x128xf32, #tpu.memory_space<vmem>>) dst(%dma_wait3A_35 : memref<128x128xf32, #tpu.memory_space<vmem_shared>>)
      tpu.yield
    }) : () -> ()
    %mul3A_14 = arith.constant 640 : i32
    %mul3A_15 = arith.muli %arg1, %mul3A_14 : i32
    %add3A_16 = arith.constant 512 : i32
    %add3A_17 = arith.addi %mul3A_15, %add3A_16 : i32
    "tpu.region"() ({
      %run_scoped3A = tpu.sem_alloc : memref<!tpu.dma_semaphore, #tpu.memory_space<semaphore_mem>>
      %dma_start3A = arith.constant 0 : i32
      %dma_start3A_30 = tpu.memref_slice %arg11[%add3A_17, %dma_start3A] : memref<10240x128xf32, #tpu.memory_space<vmem_shared>> -> memref<128x128xf32, #tpu.memory_space<vmem_shared>>
      %dma_start3A_31 = arith.constant 0 : i32
      %dma_start3A_32 = tpu.memref_slice %arg11[%add3A_17, %dma_start3A_31] : memref<10240x128xf32, #tpu.memory_space<vmem_shared>> -> memref<128x128xf32, #tpu.memory_space<vmem_shared>>
      tpu.enqueue_dma source(%arg9 : memref<128x128xf32, #tpu.memory_space<vmem>>) target(%dma_start3A_32 : memref<128x128xf32, #tpu.memory_space<vmem_shared>>) target_semaphore(%run_scoped3A : memref<!tpu.dma_semaphore, #tpu.memory_space<semaphore_mem>>)
      %dma_wait3A = arith.constant 0 : i32
      %dma_wait3A_33 = tpu.memref_slice %arg11[%add3A_17, %dma_wait3A] : memref<10240x128xf32, #tpu.memory_space<vmem_shared>> -> memref<128x128xf32, #tpu.memory_space<vmem_shared>>
      %dma_wait3A_34 = arith.constant 0 : i32
      %dma_wait3A_35 = tpu.memref_slice %arg11[%add3A_17, %dma_wait3A_34] : memref<10240x128xf32, #tpu.memory_space<vmem_shared>> -> memref<128x128xf32, #tpu.memory_space<vmem_shared>>
      tpu.wait_dma2 semaphore(%run_scoped3A : memref<!tpu.dma_semaphore, #tpu.memory_space<semaphore_mem>>) src(%arg9 : memref<128x128xf32, #tpu.memory_space<vmem>>) dst(%dma_wait3A_35 : memref<128x128xf32, #tpu.memory_space<vmem_shared>>)
      tpu.yield
    }) : () -> ()
    %barrier3A = arith.constant 0 : index
    tpu.barrier barrier_id(%barrier3A)
    %scan3A = arith.constant 0 : i32
    %scan3A_18 = arith.constant 0 : i32
    %scan3A_19 = arith.constant 4 : i32
    %scan3A_20 = arith.addi %scan3A_18, %scan3A_19 : i32
    %scan3A_21 = arith.constant 1 : i32
    scf.for %scan3A_30 = %scan3A_18 to %scan3A_20 step %scan3A_21  : i32 {
      %mul3A_31 = arith.constant 2560 : i32
      %mul3A_32 = arith.muli %arg0, %mul3A_31 : i32
      %mul3A_33 = arith.constant 160 : i32
      %mul3A_34 = arith.muli %arg1, %mul3A_33 : i32
      %add3A_35 = arith.addi %mul3A_32, %mul3A_34 : i32
      %mul3A_36 = arith.constant 40 : i32
      %mul3A_37 = arith.muli %scan3A_30, %mul3A_36 : i32
      %add3A_38 = arith.addi %add3A_35, %mul3A_37 : i32
      "tpu.region"() ({
        %run_scoped3A = tpu.sem_alloc : memref<!tpu.dma_semaphore, #tpu.memory_space<semaphore_mem>>
        %dma_start3A_62 = arith.constant 0 : i32
        %dma_start3A_63 = tpu.memref_slice %arg3[%add3A_38, %dma_start3A_62] : memref<5120x128xi32, #tpu.memory_space<hbm>> -> memref<40x128xi32, #tpu.memory_space<hbm>>
        %dma_start3A_64 = arith.constant 0 : i32
        %dma_start3A_65 = tpu.memref_slice %arg3[%add3A_38, %dma_start3A_64] : memref<5120x128xi32, #tpu.memory_space<hbm>> -> memref<40x128xi32, #tpu.memory_space<hbm>>
        tpu.enqueue_dma source(%dma_start3A_65 : memref<40x128xi32, #tpu.memory_space<hbm>>) target(%arg7 : memref<40x128xi32, #tpu.memory_space<vmem>>) target_semaphore(%run_scoped3A : memref<!tpu.dma_semaphore, #tpu.memory_space<semaphore_mem>>)
        %dma_wait3A_66 = arith.constant 0 : i32
        %dma_wait3A_67 = tpu.memref_slice %arg3[%add3A_38, %dma_wait3A_66] : memref<5120x128xi32, #tpu.memory_space<hbm>> -> memref<40x128xi32, #tpu.memory_space<hbm>>
        %dma_wait3A_68 = arith.constant 0 : i32
        %dma_wait3A_69 = tpu.memref_slice %arg3[%add3A_38, %dma_wait3A_68] : memref<5120x128xi32, #tpu.memory_space<hbm>> -> memref<40x128xi32, #tpu.memory_space<hbm>>
        tpu.wait_dma2 semaphore(%run_scoped3A : memref<!tpu.dma_semaphore, #tpu.memory_space<semaphore_mem>>) src(%dma_wait3A_69 : memref<40x128xi32, #tpu.memory_space<hbm>>) dst(%arg7 : memref<40x128xi32, #tpu.memory_space<vmem>>)
        tpu.yield
      }) : () -> ()
      %mul3A_39 = arith.constant 160 : i32
      %mul3A_40 = arith.muli %arg1, %mul3A_39 : i32
      %mul3A_41 = arith.constant 40 : i32
      %mul3A_42 = arith.muli %scan3A_30, %mul3A_41 : i32
      %add3A_43 = arith.addi %mul3A_40, %mul3A_42 : i32
      "tpu.region"() ({
        %run_scoped3A = tpu.sem_alloc : memref<!tpu.dma_semaphore, #tpu.memory_space<semaphore_mem>>
        %dma_start3A_62 = arith.constant 0 : i32
        %dma_start3A_63 = tpu.memref_slice %arg4[%add3A_43, %dma_start3A_62] : memref<2560x128xi32, #tpu.memory_space<hbm>> -> memref<40x128xi32, #tpu.memory_space<hbm>>
        %dma_start3A_64 = arith.constant 0 : i32
        %dma_start3A_65 = tpu.memref_slice %arg4[%add3A_43, %dma_start3A_64] : memref<2560x128xi32, #tpu.memory_space<hbm>> -> memref<40x128xi32, #tpu.memory_space<hbm>>
        tpu.enqueue_dma source(%dma_start3A_65 : memref<40x128xi32, #tpu.memory_space<hbm>>) target(%arg8 : memref<40x128xi32, #tpu.memory_space<vmem>>) target_semaphore(%run_scoped3A : memref<!tpu.dma_semaphore, #tpu.memory_space<semaphore_mem>>)
        %dma_wait3A_66 = arith.constant 0 : i32
        %dma_wait3A_67 = tpu.memref_slice %arg4[%add3A_43, %dma_wait3A_66] : memref<2560x128xi32, #tpu.memory_space<hbm>> -> memref<40x128xi32, #tpu.memory_space<hbm>>
        %dma_wait3A_68 = arith.constant 0 : i32
        %dma_wait3A_69 = tpu.memref_slice %arg4[%add3A_43, %dma_wait3A_68] : memref<2560x128xi32, #tpu.memory_space<hbm>> -> memref<40x128xi32, #tpu.memory_space<hbm>>
        tpu.wait_dma2 semaphore(%run_scoped3A : memref<!tpu.dma_semaphore, #tpu.memory_space<semaphore_mem>>) src(%dma_wait3A_69 : memref<40x128xi32, #tpu.memory_space<hbm>>) dst(%arg8 : memref<40x128xi32, #tpu.memory_space<vmem>>)
        tpu.yield
      }) : () -> ()
      %dma_start3A = arith.constant 0 : i32
      %dma_start3A_44 = arith.constant 0 : i32
      %dma_start3A_45 = tpu.memref_slice %arg7[%dma_start3A, %dma_start3A_44] : memref<40x128xi32, #tpu.memory_space<vmem>> -> memref<1x128xi32, #tpu.memory_space<vmem>>
      %dma_start3A_46 = tpu.memref_squeeze %dma_start3A_45 : memref<1x128xi32, #tpu.memory_space<vmem>> -> memref<128xi32, #tpu.memory_space<vmem>>
      %dma_start3A_47 = arith.constant 0 : i32
      %dma_start3A_48 = arith.constant 0 : i32
      %dma_start3A_49 = tpu.memref_slice %arg2[%dma_start3A_47, %dma_start3A_48] : memref<80000x128xf32, #tpu.memory_space<hbm>> -> memref<80000x128xf32, #tpu.memory_space<hbm>>
      tpu.enqueue_indirect_dma source(%dma_start3A_49 : memref<80000x128xf32, #tpu.memory_space<hbm>>) target(%arg9 : memref<128x128xf32, #tpu.memory_space<vmem>>) offsets(%dma_start3A_46 : memref<128xi32, #tpu.memory_space<vmem>>) semaphore(%arg12 : memref<!tpu.dma_semaphore, #tpu.memory_space<semaphore_mem>>)
      %scan3A_50 = arith.constant 0 : i32
      %scan3A_51 = arith.constant 0 : i32
      %scan3A_52 = arith.constant 20 : i32
      %scan3A_53 = arith.addi %scan3A_51, %scan3A_52 : i32
      %scan3A_54 = arith.constant 1 : i32
      scf.for %scan3A_62 = %scan3A_51 to %scan3A_53 step %scan3A_54  : i32 {
        %mul3A_63 = arith.constant 2 : i32
        %mul3A_64 = arith.muli %mul3A_63, %scan3A_62 : i32
        %add3A_65 = arith.constant 1 : i32
        %add3A_66 = arith.addi %mul3A_64, %add3A_65 : i32
        %dma_start3A_67 = arith.constant 0 : i32
        %dma_start3A_68 = tpu.memref_slice %arg7[%add3A_66, %dma_start3A_67] : memref<40x128xi32, #tpu.memory_space<vmem>> -> memref<1x128xi32, #tpu.memory_space<vmem>>
        %dma_start3A_69 = tpu.memref_squeeze %dma_start3A_68 : memref<1x128xi32, #tpu.memory_space<vmem>> -> memref<128xi32, #tpu.memory_space<vmem>>
        %dma_start3A_70 = arith.constant 0 : i32
        %dma_start3A_71 = arith.constant 0 : i32
        %dma_start3A_72 = tpu.memref_slice %arg2[%dma_start3A_70, %dma_start3A_71] : memref<80000x128xf32, #tpu.memory_space<hbm>> -> memref<80000x128xf32, #tpu.memory_space<hbm>>
        tpu.enqueue_indirect_dma source(%dma_start3A_72 : memref<80000x128xf32, #tpu.memory_space<hbm>>) target(%arg10 : memref<128x128xf32, #tpu.memory_space<vmem>>) offsets(%dma_start3A_69 : memref<128xi32, #tpu.memory_space<vmem>>) semaphore(%arg13 : memref<!tpu.dma_semaphore, #tpu.memory_space<semaphore_mem>>)
        %dma_wait3A_73 = arith.constant 0 : i32
        %dma_wait3A_74 = arith.constant 0 : i32
        %dma_wait3A_75 = tpu.memref_slice %arg7[%dma_wait3A_73, %dma_wait3A_74] : memref<40x128xi32, #tpu.memory_space<vmem>> -> memref<1x128xi32, #tpu.memory_space<vmem>>
        %dma_wait3A_76 = tpu.memref_squeeze %dma_wait3A_75 : memref<1x128xi32, #tpu.memory_space<vmem>> -> memref<128xi32, #tpu.memory_space<vmem>>
        %dma_wait3A_77 = arith.constant 0 : i32
        %dma_wait3A_78 = arith.constant 0 : i32
        %dma_wait3A_79 = tpu.memref_slice %arg2[%dma_wait3A_77, %dma_wait3A_78] : memref<80000x128xf32, #tpu.memory_space<hbm>> -> memref<80000x128xf32, #tpu.memory_space<hbm>>
        tpu.wait_indirect_dma semaphore(%arg12 : memref<!tpu.dma_semaphore, #tpu.memory_space<semaphore_mem>>) src(%dma_wait3A_79 : memref<80000x128xf32, #tpu.memory_space<hbm>>) dst(%arg9 : memref<128x128xf32, #tpu.memory_space<vmem>>)
        "tpu.region"() ({
          %run_scoped3A = tpu.sem_alloc : memref<!tpu.dma_semaphore, #tpu.memory_space<semaphore_mem>>
          %dma_start3A_98 = arith.constant 0 : i32
          %dma_start3A_99 = tpu.memref_slice %arg8[%mul3A_64, %dma_start3A_98] : memref<40x128xi32, #tpu.memory_space<vmem>> -> memref<1x128xi32, #tpu.memory_space<vmem>>
          %dma_start3A_100 = tpu.memref_squeeze %dma_start3A_99 : memref<1x128xi32, #tpu.memory_space<vmem>> -> memref<128xi32, #tpu.memory_space<vmem>>
          %dma_start3A_101 = arith.constant 0 : i32
          %dma_start3A_102 = arith.constant 0 : i32
          %dma_start3A_103 = tpu.memref_slice %arg11[%dma_start3A_101, %dma_start3A_102] : memref<10240x128xf32, #tpu.memory_space<vmem_shared>> -> memref<10240x128xf32, #tpu.memory_space<vmem_shared>>
          tpu.enqueue_indirect_dma source(%arg9 : memref<128x128xf32, #tpu.memory_space<vmem>>) target(%dma_start3A_103 : memref<10240x128xf32, #tpu.memory_space<vmem_shared>>) offsets(%dma_start3A_100 : memref<128xi32, #tpu.memory_space<vmem>>) semaphore(%run_scoped3A : memref<!tpu.dma_semaphore, #tpu.memory_space<semaphore_mem>>) {add = true}
          %dma_wait3A_104 = arith.constant 0 : i32
          %dma_wait3A_105 = tpu.memref_slice %arg8[%mul3A_64, %dma_wait3A_104] : memref<40x128xi32, #tpu.memory_space<vmem>> -> memref<1x128xi32, #tpu.memory_space<vmem>>
          %dma_wait3A_106 = tpu.memref_squeeze %dma_wait3A_105 : memref<1x128xi32, #tpu.memory_space<vmem>> -> memref<128xi32, #tpu.memory_space<vmem>>
          %dma_wait3A_107 = arith.constant 0 : i32
          %dma_wait3A_108 = arith.constant 0 : i32
          %dma_wait3A_109 = tpu.memref_slice %arg11[%dma_wait3A_107, %dma_wait3A_108] : memref<10240x128xf32, #tpu.memory_space<vmem_shared>> -> memref<10240x128xf32, #tpu.memory_space<vmem_shared>>
          tpu.wait_indirect_dma semaphore(%run_scoped3A : memref<!tpu.dma_semaphore, #tpu.memory_space<semaphore_mem>>) src(%arg9 : memref<128x128xf32, #tpu.memory_space<vmem>>) dst(%dma_wait3A_109 : memref<10240x128xf32, #tpu.memory_space<vmem_shared>>)
          tpu.yield
        }) : () -> ()
        %add3A_80 = arith.constant 2 : i32
        %add3A_81 = arith.addi %mul3A_64, %add3A_80 : i32
        %min3A = arith.constant 39 : i32
        %min3A_82 = arith.minsi %add3A_81, %min3A : i32
        %dma_start3A_83 = arith.constant 0 : i32
        %dma_start3A_84 = tpu.memref_slice %arg7[%min3A_82, %dma_start3A_83] : memref<40x128xi32, #tpu.memory_space<vmem>> -> memref<1x128xi32, #tpu.memory_space<vmem>>
        %dma_start3A_85 = tpu.memref_squeeze %dma_start3A_84 : memref<1x128xi32, #tpu.memory_space<vmem>> -> memref<128xi32, #tpu.memory_space<vmem>>
        %dma_start3A_86 = arith.constant 0 : i32
        %dma_start3A_87 = arith.constant 0 : i32
        %dma_start3A_88 = tpu.memref_slice %arg2[%dma_start3A_86, %dma_start3A_87] : memref<80000x128xf32, #tpu.memory_space<hbm>> -> memref<80000x128xf32, #tpu.memory_space<hbm>>
        tpu.enqueue_indirect_dma source(%dma_start3A_88 : memref<80000x128xf32, #tpu.memory_space<hbm>>) target(%arg9 : memref<128x128xf32, #tpu.memory_space<vmem>>) offsets(%dma_start3A_85 : memref<128xi32, #tpu.memory_space<vmem>>) semaphore(%arg12 : memref<!tpu.dma_semaphore, #tpu.memory_space<semaphore_mem>>)
        %dma_wait3A_89 = arith.constant 0 : i32
        %dma_wait3A_90 = arith.constant 0 : i32
        %dma_wait3A_91 = tpu.memref_slice %arg7[%dma_wait3A_89, %dma_wait3A_90] : memref<40x128xi32, #tpu.memory_space<vmem>> -> memref<1x128xi32, #tpu.memory_space<vmem>>
        %dma_wait3A_92 = tpu.memref_squeeze %dma_wait3A_91 : memref<1x128xi32, #tpu.memory_space<vmem>> -> memref<128xi32, #tpu.memory_space<vmem>>
        %dma_wait3A_93 = arith.constant 0 : i32
        %dma_wait3A_94 = arith.constant 0 : i32
        %dma_wait3A_95 = tpu.memref_slice %arg2[%dma_wait3A_93, %dma_wait3A_94] : memref<80000x128xf32, #tpu.memory_space<hbm>> -> memref<80000x128xf32, #tpu.memory_space<hbm>>
        tpu.wait_indirect_dma semaphore(%arg13 : memref<!tpu.dma_semaphore, #tpu.memory_space<semaphore_mem>>) src(%dma_wait3A_95 : memref<80000x128xf32, #tpu.memory_space<hbm>>) dst(%arg10 : memref<128x128xf32, #tpu.memory_space<vmem>>)
        %add3A_96 = arith.constant 1 : i32
        %add3A_97 = arith.addi %mul3A_64, %add3A_96 : i32
        "tpu.region"() ({
          %run_scoped3A = tpu.sem_alloc : memref<!tpu.dma_semaphore, #tpu.memory_space<semaphore_mem>>
          %dma_start3A_98 = arith.constant 0 : i32
          %dma_start3A_99 = tpu.memref_slice %arg8[%add3A_97, %dma_start3A_98] : memref<40x128xi32, #tpu.memory_space<vmem>> -> memref<1x128xi32, #tpu.memory_space<vmem>>
          %dma_start3A_100 = tpu.memref_squeeze %dma_start3A_99 : memref<1x128xi32, #tpu.memory_space<vmem>> -> memref<128xi32, #tpu.memory_space<vmem>>
          %dma_start3A_101 = arith.constant 0 : i32
          %dma_start3A_102 = arith.constant 0 : i32
          %dma_start3A_103 = tpu.memref_slice %arg11[%dma_start3A_101, %dma_start3A_102] : memref<10240x128xf32, #tpu.memory_space<vmem_shared>> -> memref<10240x128xf32, #tpu.memory_space<vmem_shared>>
          tpu.enqueue_indirect_dma source(%arg10 : memref<128x128xf32, #tpu.memory_space<vmem>>) target(%dma_start3A_103 : memref<10240x128xf32, #tpu.memory_space<vmem_shared>>) offsets(%dma_start3A_100 : memref<128xi32, #tpu.memory_space<vmem>>) semaphore(%run_scoped3A : memref<!tpu.dma_semaphore, #tpu.memory_space<semaphore_mem>>) {add = true}
          %dma_wait3A_104 = arith.constant 0 : i32
          %dma_wait3A_105 = tpu.memref_slice %arg8[%add3A_97, %dma_wait3A_104] : memref<40x128xi32, #tpu.memory_space<vmem>> -> memref<1x128xi32, #tpu.memory_space<vmem>>
          %dma_wait3A_106 = tpu.memref_squeeze %dma_wait3A_105 : memref<1x128xi32, #tpu.memory_space<vmem>> -> memref<128xi32, #tpu.memory_space<vmem>>
          %dma_wait3A_107 = arith.constant 0 : i32
          %dma_wait3A_108 = arith.constant 0 : i32
          %dma_wait3A_109 = tpu.memref_slice %arg11[%dma_wait3A_107, %dma_wait3A_108] : memref<10240x128xf32, #tpu.memory_space<vmem_shared>> -> memref<10240x128xf32, #tpu.memory_space<vmem_shared>>
          tpu.wait_indirect_dma semaphore(%run_scoped3A : memref<!tpu.dma_semaphore, #tpu.memory_space<semaphore_mem>>) src(%arg10 : memref<128x128xf32, #tpu.memory_space<vmem>>) dst(%dma_wait3A_109 : memref<10240x128xf32, #tpu.memory_space<vmem_shared>>)
          tpu.yield
        }) : () -> ()
      }
      %scan3A_55 = arith.constant 20 : i32
      %dma_wait3A = arith.constant 0 : i32
      %dma_wait3A_56 = arith.constant 0 : i32
      %dma_wait3A_57 = tpu.memref_slice %arg7[%dma_wait3A, %dma_wait3A_56] : memref<40x128xi32, #tpu.memory_space<vmem>> -> memref<1x128xi32, #tpu.memory_space<vmem>>
      %dma_wait3A_58 = tpu.memref_squeeze %dma_wait3A_57 : memref<1x128xi32, #tpu.memory_space<vmem>> -> memref<128xi32, #tpu.memory_space<vmem>>
      %dma_wait3A_59 = arith.constant 0 : i32
      %dma_wait3A_60 = arith.constant 0 : i32
      %dma_wait3A_61 = tpu.memref_slice %arg2[%dma_wait3A_59, %dma_wait3A_60] : memref<80000x128xf32, #tpu.memory_space<hbm>> -> memref<80000x128xf32, #tpu.memory_space<hbm>>
      tpu.wait_indirect_dma semaphore(%arg12 : memref<!tpu.dma_semaphore, #tpu.memory_space<semaphore_mem>>) src(%dma_wait3A_61 : memref<80000x128xf32, #tpu.memory_space<hbm>>) dst(%arg9 : memref<128x128xf32, #tpu.memory_space<vmem>>)
    }
    %scan3A_22 = arith.constant 4 : i32
    %barrier3A_23 = arith.constant 0 : index
    tpu.barrier barrier_id(%barrier3A_23)
    %mul3A_24 = arith.constant 640 : i32
    %mul3A_25 = arith.muli %arg1, %mul3A_24 : i32
    %mul3A_26 = arith.constant 640 : i32
    %mul3A_27 = arith.muli %arg1, %mul3A_26 : i32
    %mul3A_28 = arith.constant 128 : i32
    %mul3A_29 = arith.muli %arg0, %mul3A_28 : i32
    "tpu.region"() ({
      %run_scoped3A = tpu.sem_alloc : memref<!tpu.dma_semaphore, #tpu.memory_space<semaphore_mem>>
      %dma_start3A = tpu.memref_slice %arg6[%mul3A_27, %mul3A_29] : memref<10240x256xf32, #tpu.memory_space<hbm>> -> memref<640x128xf32, #tpu.memory_space<hbm>>
      %dma_start3A_30 = arith.constant 0 : i32
      %dma_start3A_31 = tpu.memref_slice %arg11[%mul3A_25, %dma_start3A_30] : memref<10240x128xf32, #tpu.memory_space<vmem_shared>> -> memref<640x128xf32, #tpu.memory_space<vmem_shared>>
      tpu.enqueue_dma source(%dma_start3A_31 : memref<640x128xf32, #tpu.memory_space<vmem_shared>>) target(%dma_start3A : memref<640x128xf32, #tpu.memory_space<hbm>>) target_semaphore(%run_scoped3A : memref<!tpu.dma_semaphore, #tpu.memory_space<semaphore_mem>>)
      %dma_wait3A = tpu.memref_slice %arg6[%mul3A_27, %mul3A_29] : memref<10240x256xf32, #tpu.memory_space<hbm>> -> memref<640x128xf32, #tpu.memory_space<hbm>>
      %dma_wait3A_32 = arith.constant 0 : i32
      %dma_wait3A_33 = tpu.memref_slice %arg11[%mul3A_25, %dma_wait3A_32] : memref<10240x128xf32, #tpu.memory_space<vmem_shared>> -> memref<640x128xf32, #tpu.memory_space<vmem_shared>>
      tpu.wait_dma2 semaphore(%run_scoped3A : memref<!tpu.dma_semaphore, #tpu.memory_space<semaphore_mem>>) src(%dma_wait3A_33 : memref<640x128xf32, #tpu.memory_space<vmem_shared>>) dst(%dma_wait3A : memref<640x128xf32, #tpu.memory_space<hbm>>)
      tpu.yield
    }) : () -> ()
    return
  }
}

#map = affine_map<(d0, d1) -> (0, 0)>
module attributes {stable_mosaic.version = 14 : i64} {
  func.func @_sc_agg(%arg0: i32, %arg1: i32, %arg2: memref<80000x128xf32, #tpu.memory_space<hbm>>, %arg3: memref<5120x128xi32, #tpu.memory_space<hbm>>, %arg4: memref<2560x128xi32, #tpu.memory_space<hbm>>, %arg5: memref<128x128xf32, #tpu.memory_space<hbm>>, %arg6: memref<10240x256xf32, #tpu.memory_space<hbm>>, %arg7: memref<40x128xi32, #tpu.memory_space<vmem>>, %arg8: memref<40x128xi32, #tpu.memory_space<vmem>>, %arg9: memref<128x128xf32, #tpu.memory_space<vmem>>, %arg10: memref<128x128xf32, #tpu.memory_space<vmem>>, %arg11: memref<10240x128xf32, #tpu.memory_space<vmem_shared>>, %arg12: memref<!tpu.dma_semaphore, #tpu.memory_space<semaphore_mem>>, %arg13: memref<!tpu.dma_semaphore, #tpu.memory_space<semaphore_mem>>) attributes {dimension_semantics = [#tpu.dimension_semantics<core_parallel>, #tpu.dimension_semantics<subcore_parallel>], iteration_bounds = array<i64: 2, 16>, scalar_prefetch = 0 : i64, scratch_operands = 7 : i64, tpu.core_type = #tpu.core_type<sc_vector_subcore>, window_params = [{transform_indices = #map}, {transform_indices = #map}, {transform_indices = #map}, {transform_indices = #map}, {transform_indices = #map}]} {
    "tpu.region"() ({
      %run_scoped3A = tpu.sem_alloc : memref<!tpu.dma_semaphore, #tpu.memory_space<semaphore_mem>>
      tpu.enqueue_dma source(%arg5 : memref<128x128xf32, #tpu.memory_space<hbm>>) target(%arg9 : memref<128x128xf32, #tpu.memory_space<vmem>>) target_semaphore(%run_scoped3A : memref<!tpu.dma_semaphore, #tpu.memory_space<semaphore_mem>>)
      tpu.wait_dma2 semaphore(%run_scoped3A : memref<!tpu.dma_semaphore, #tpu.memory_space<semaphore_mem>>) src(%arg5 : memref<128x128xf32, #tpu.memory_space<hbm>>) dst(%arg9 : memref<128x128xf32, #tpu.memory_space<vmem>>)
      tpu.yield
    }) : () -> ()
    %mul3A = arith.constant 640 : i32
    %mul3A_0 = arith.muli %arg1, %mul3A : i32
    %add3A = arith.constant 0 : i32
    %add3A_1 = arith.addi %mul3A_0, %add3A : i32
    "tpu.region"() ({
      %run_scoped3A = tpu.sem_alloc : memref<!tpu.dma_semaphore, #tpu.memory_space<semaphore_mem>>
      %dma_start3A = arith.constant 0 : i32
      %dma_start3A_30 = tpu.memref_slice %arg11[%add3A_1, %dma_start3A] : memref<10240x128xf32, #tpu.memory_space<vmem_shared>> -> memref<128x128xf32, #tpu.memory_space<vmem_shared>>
      %dma_start3A_31 = arith.constant 0 : i32
      %dma_start3A_32 = tpu.memref_slice %arg11[%add3A_1, %dma_start3A_31] : memref<10240x128xf32, #tpu.memory_space<vmem_shared>> -> memref<128x128xf32, #tpu.memory_space<vmem_shared>>
      tpu.enqueue_dma source(%arg9 : memref<128x128xf32, #tpu.memory_space<vmem>>) target(%dma_start3A_32 : memref<128x128xf32, #tpu.memory_space<vmem_shared>>) target_semaphore(%run_scoped3A : memref<!tpu.dma_semaphore, #tpu.memory_space<semaphore_mem>>)
      %dma_wait3A = arith.constant 0 : i32
      %dma_wait3A_33 = tpu.memref_slice %arg11[%add3A_1, %dma_wait3A] : memref<10240x128xf32, #tpu.memory_space<vmem_shared>> -> memref<128x128xf32, #tpu.memory_space<vmem_shared>>
      %dma_wait3A_34 = arith.constant 0 : i32
      %dma_wait3A_35 = tpu.memref_slice %arg11[%add3A_1, %dma_wait3A_34] : memref<10240x128xf32, #tpu.memory_space<vmem_shared>> -> memref<128x128xf32, #tpu.memory_space<vmem_shared>>
      tpu.wait_dma2 semaphore(%run_scoped3A : memref<!tpu.dma_semaphore, #tpu.memory_space<semaphore_mem>>) src(%arg9 : memref<128x128xf32, #tpu.memory_space<vmem>>) dst(%dma_wait3A_35 : memref<128x128xf32, #tpu.memory_space<vmem_shared>>)
      tpu.yield
    }) : () -> ()
    %mul3A_2 = arith.constant 640 : i32
    %mul3A_3 = arith.muli %arg1, %mul3A_2 : i32
    %add3A_4 = arith.constant 128 : i32
    %add3A_5 = arith.addi %mul3A_3, %add3A_4 : i32
    "tpu.region"() ({
      %run_scoped3A = tpu.sem_alloc : memref<!tpu.dma_semaphore, #tpu.memory_space<semaphore_mem>>
      %dma_start3A = arith.constant 0 : i32
      %dma_start3A_30 = tpu.memref_slice %arg11[%add3A_5, %dma_start3A] : memref<10240x128xf32, #tpu.memory_space<vmem_shared>> -> memref<128x128xf32, #tpu.memory_space<vmem_shared>>
      %dma_start3A_31 = arith.constant 0 : i32
      %dma_start3A_32 = tpu.memref_slice %arg11[%add3A_5, %dma_start3A_31] : memref<10240x128xf32, #tpu.memory_space<vmem_shared>> -> memref<128x128xf32, #tpu.memory_space<vmem_shared>>
      tpu.enqueue_dma source(%arg9 : memref<128x128xf32, #tpu.memory_space<vmem>>) target(%dma_start3A_32 : memref<128x128xf32, #tpu.memory_space<vmem_shared>>) target_semaphore(%run_scoped3A : memref<!tpu.dma_semaphore, #tpu.memory_space<semaphore_mem>>)
      %dma_wait3A = arith.constant 0 : i32
      %dma_wait3A_33 = tpu.memref_slice %arg11[%add3A_5, %dma_wait3A] : memref<10240x128xf32, #tpu.memory_space<vmem_shared>> -> memref<128x128xf32, #tpu.memory_space<vmem_shared>>
      %dma_wait3A_34 = arith.constant 0 : i32
      %dma_wait3A_35 = tpu.memref_slice %arg11[%add3A_5, %dma_wait3A_34] : memref<10240x128xf32, #tpu.memory_space<vmem_shared>> -> memref<128x128xf32, #tpu.memory_space<vmem_shared>>
      tpu.wait_dma2 semaphore(%run_scoped3A : memref<!tpu.dma_semaphore, #tpu.memory_space<semaphore_mem>>) src(%arg9 : memref<128x128xf32, #tpu.memory_space<vmem>>) dst(%dma_wait3A_35 : memref<128x128xf32, #tpu.memory_space<vmem_shared>>)
      tpu.yield
    }) : () -> ()
    %mul3A_6 = arith.constant 640 : i32
    %mul3A_7 = arith.muli %arg1, %mul3A_6 : i32
    %add3A_8 = arith.constant 256 : i32
    %add3A_9 = arith.addi %mul3A_7, %add3A_8 : i32
    "tpu.region"() ({
      %run_scoped3A = tpu.sem_alloc : memref<!tpu.dma_semaphore, #tpu.memory_space<semaphore_mem>>
      %dma_start3A = arith.constant 0 : i32
      %dma_start3A_30 = tpu.memref_slice %arg11[%add3A_9, %dma_start3A] : memref<10240x128xf32, #tpu.memory_space<vmem_shared>> -> memref<128x128xf32, #tpu.memory_space<vmem_shared>>
      %dma_start3A_31 = arith.constant 0 : i32
      %dma_start3A_32 = tpu.memref_slice %arg11[%add3A_9, %dma_start3A_31] : memref<10240x128xf32, #tpu.memory_space<vmem_shared>> -> memref<128x128xf32, #tpu.memory_space<vmem_shared>>
      tpu.enqueue_dma source(%arg9 : memref<128x128xf32, #tpu.memory_space<vmem>>) target(%dma_start3A_32 : memref<128x128xf32, #tpu.memory_space<vmem_shared>>) target_semaphore(%run_scoped3A : memref<!tpu.dma_semaphore, #tpu.memory_space<semaphore_mem>>)
      %dma_wait3A = arith.constant 0 : i32
      %dma_wait3A_33 = tpu.memref_slice %arg11[%add3A_9, %dma_wait3A] : memref<10240x128xf32, #tpu.memory_space<vmem_shared>> -> memref<128x128xf32, #tpu.memory_space<vmem_shared>>
      %dma_wait3A_34 = arith.constant 0 : i32
      %dma_wait3A_35 = tpu.memref_slice %arg11[%add3A_9, %dma_wait3A_34] : memref<10240x128xf32, #tpu.memory_space<vmem_shared>> -> memref<128x128xf32, #tpu.memory_space<vmem_shared>>
      tpu.wait_dma2 semaphore(%run_scoped3A : memref<!tpu.dma_semaphore, #tpu.memory_space<semaphore_mem>>) src(%arg9 : memref<128x128xf32, #tpu.memory_space<vmem>>) dst(%dma_wait3A_35 : memref<128x128xf32, #tpu.memory_space<vmem_shared>>)
      tpu.yield
    }) : () -> ()
    %mul3A_10 = arith.constant 640 : i32
    %mul3A_11 = arith.muli %arg1, %mul3A_10 : i32
    %add3A_12 = arith.constant 384 : i32
    %add3A_13 = arith.addi %mul3A_11, %add3A_12 : i32
    "tpu.region"() ({
      %run_scoped3A = tpu.sem_alloc : memref<!tpu.dma_semaphore, #tpu.memory_space<semaphore_mem>>
      %dma_start3A = arith.constant 0 : i32
      %dma_start3A_30 = tpu.memref_slice %arg11[%add3A_13, %dma_start3A] : memref<10240x128xf32, #tpu.memory_space<vmem_shared>> -> memref<128x128xf32, #tpu.memory_space<vmem_shared>>
      %dma_start3A_31 = arith.constant 0 : i32
      %dma_start3A_32 = tpu.memref_slice %arg11[%add3A_13, %dma_start3A_31] : memref<10240x128xf32, #tpu.memory_space<vmem_shared>> -> memref<128x128xf32, #tpu.memory_space<vmem_shared>>
      tpu.enqueue_dma source(%arg9 : memref<128x128xf32, #tpu.memory_space<vmem>>) target(%dma_start3A_32 : memref<128x128xf32, #tpu.memory_space<vmem_shared>>) target_semaphore(%run_scoped3A : memref<!tpu.dma_semaphore, #tpu.memory_space<semaphore_mem>>)
      %dma_wait3A = arith.constant 0 : i32
      %dma_wait3A_33 = tpu.memref_slice %arg11[%add3A_13, %dma_wait3A] : memref<10240x128xf32, #tpu.memory_space<vmem_shared>> -> memref<128x128xf32, #tpu.memory_space<vmem_shared>>
      %dma_wait3A_34 = arith.constant 0 : i32
      %dma_wait3A_35 = tpu.memref_slice %arg11[%add3A_13, %dma_wait3A_34] : memref<10240x128xf32, #tpu.memory_space<vmem_shared>> -> memref<128x128xf32, #tpu.memory_space<vmem_shared>>
      tpu.wait_dma2 semaphore(%run_scoped3A : memref<!tpu.dma_semaphore, #tpu.memory_space<semaphore_mem>>) src(%arg9 : memref<128x128xf32, #tpu.memory_space<vmem>>) dst(%dma_wait3A_35 : memref<128x128xf32, #tpu.memory_space<vmem_shared>>)
      tpu.yield
    }) : () -> ()
    %mul3A_14 = arith.constant 640 : i32
    %mul3A_15 = arith.muli %arg1, %mul3A_14 : i32
    %add3A_16 = arith.constant 512 : i32
    %add3A_17 = arith.addi %mul3A_15, %add3A_16 : i32
    "tpu.region"() ({
      %run_scoped3A = tpu.sem_alloc : memref<!tpu.dma_semaphore, #tpu.memory_space<semaphore_mem>>
      %dma_start3A = arith.constant 0 : i32
      %dma_start3A_30 = tpu.memref_slice %arg11[%add3A_17, %dma_start3A] : memref<10240x128xf32, #tpu.memory_space<vmem_shared>> -> memref<128x128xf32, #tpu.memory_space<vmem_shared>>
      %dma_start3A_31 = arith.constant 0 : i32
      %dma_start3A_32 = tpu.memref_slice %arg11[%add3A_17, %dma_start3A_31] : memref<10240x128xf32, #tpu.memory_space<vmem_shared>> -> memref<128x128xf32, #tpu.memory_space<vmem_shared>>
      tpu.enqueue_dma source(%arg9 : memref<128x128xf32, #tpu.memory_space<vmem>>) target(%dma_start3A_32 : memref<128x128xf32, #tpu.memory_space<vmem_shared>>) target_semaphore(%run_scoped3A : memref<!tpu.dma_semaphore, #tpu.memory_space<semaphore_mem>>)
      %dma_wait3A = arith.constant 0 : i32
      %dma_wait3A_33 = tpu.memref_slice %arg11[%add3A_17, %dma_wait3A] : memref<10240x128xf32, #tpu.memory_space<vmem_shared>> -> memref<128x128xf32, #tpu.memory_space<vmem_shared>>
      %dma_wait3A_34 = arith.constant 0 : i32
      %dma_wait3A_35 = tpu.memref_slice %arg11[%add3A_17, %dma_wait3A_34] : memref<10240x128xf32, #tpu.memory_space<vmem_shared>> -> memref<128x128xf32, #tpu.memory_space<vmem_shared>>
      tpu.wait_dma2 semaphore(%run_scoped3A : memref<!tpu.dma_semaphore, #tpu.memory_space<semaphore_mem>>) src(%arg9 : memref<128x128xf32, #tpu.memory_space<vmem>>) dst(%dma_wait3A_35 : memref<128x128xf32, #tpu.memory_space<vmem_shared>>)
      tpu.yield
    }) : () -> ()
    %barrier3A = arith.constant 0 : index
    tpu.barrier barrier_id(%barrier3A)
    %scan3A = arith.constant 0 : i32
    %scan3A_18 = arith.constant 0 : i32
    %scan3A_19 = arith.constant 4 : i32
    %scan3A_20 = arith.addi %scan3A_18, %scan3A_19 : i32
    %scan3A_21 = arith.constant 1 : i32
    scf.for %scan3A_30 = %scan3A_18 to %scan3A_20 step %scan3A_21  : i32 {
      %mul3A_31 = arith.constant 2560 : i32
      %mul3A_32 = arith.muli %arg0, %mul3A_31 : i32
      %mul3A_33 = arith.constant 160 : i32
      %mul3A_34 = arith.muli %arg1, %mul3A_33 : i32
      %add3A_35 = arith.addi %mul3A_32, %mul3A_34 : i32
      %mul3A_36 = arith.constant 40 : i32
      %mul3A_37 = arith.muli %scan3A_30, %mul3A_36 : i32
      %add3A_38 = arith.addi %add3A_35, %mul3A_37 : i32
      "tpu.region"() ({
        %run_scoped3A = tpu.sem_alloc : memref<!tpu.dma_semaphore, #tpu.memory_space<semaphore_mem>>
        %dma_start3A_62 = arith.constant 0 : i32
        %dma_start3A_63 = tpu.memref_slice %arg3[%add3A_38, %dma_start3A_62] : memref<5120x128xi32, #tpu.memory_space<hbm>> -> memref<40x128xi32, #tpu.memory_space<hbm>>
        %dma_start3A_64 = arith.constant 0 : i32
        %dma_start3A_65 = tpu.memref_slice %arg3[%add3A_38, %dma_start3A_64] : memref<5120x128xi32, #tpu.memory_space<hbm>> -> memref<40x128xi32, #tpu.memory_space<hbm>>
        tpu.enqueue_dma source(%dma_start3A_65 : memref<40x128xi32, #tpu.memory_space<hbm>>) target(%arg7 : memref<40x128xi32, #tpu.memory_space<vmem>>) target_semaphore(%run_scoped3A : memref<!tpu.dma_semaphore, #tpu.memory_space<semaphore_mem>>)
        %dma_wait3A_66 = arith.constant 0 : i32
        %dma_wait3A_67 = tpu.memref_slice %arg3[%add3A_38, %dma_wait3A_66] : memref<5120x128xi32, #tpu.memory_space<hbm>> -> memref<40x128xi32, #tpu.memory_space<hbm>>
        %dma_wait3A_68 = arith.constant 0 : i32
        %dma_wait3A_69 = tpu.memref_slice %arg3[%add3A_38, %dma_wait3A_68] : memref<5120x128xi32, #tpu.memory_space<hbm>> -> memref<40x128xi32, #tpu.memory_space<hbm>>
        tpu.wait_dma2 semaphore(%run_scoped3A : memref<!tpu.dma_semaphore, #tpu.memory_space<semaphore_mem>>) src(%dma_wait3A_69 : memref<40x128xi32, #tpu.memory_space<hbm>>) dst(%arg7 : memref<40x128xi32, #tpu.memory_space<vmem>>)
        tpu.yield
      }) : () -> ()
      %mul3A_39 = arith.constant 160 : i32
      %mul3A_40 = arith.muli %arg1, %mul3A_39 : i32
      %mul3A_41 = arith.constant 40 : i32
      %mul3A_42 = arith.muli %scan3A_30, %mul3A_41 : i32
      %add3A_43 = arith.addi %mul3A_40, %mul3A_42 : i32
      "tpu.region"() ({
        %run_scoped3A = tpu.sem_alloc : memref<!tpu.dma_semaphore, #tpu.memory_space<semaphore_mem>>
        %dma_start3A_62 = arith.constant 0 : i32
        %dma_start3A_63 = tpu.memref_slice %arg4[%add3A_43, %dma_start3A_62] : memref<2560x128xi32, #tpu.memory_space<hbm>> -> memref<40x128xi32, #tpu.memory_space<hbm>>
        %dma_start3A_64 = arith.constant 0 : i32
        %dma_start3A_65 = tpu.memref_slice %arg4[%add3A_43, %dma_start3A_64] : memref<2560x128xi32, #tpu.memory_space<hbm>> -> memref<40x128xi32, #tpu.memory_space<hbm>>
        tpu.enqueue_dma source(%dma_start3A_65 : memref<40x128xi32, #tpu.memory_space<hbm>>) target(%arg8 : memref<40x128xi32, #tpu.memory_space<vmem>>) target_semaphore(%run_scoped3A : memref<!tpu.dma_semaphore, #tpu.memory_space<semaphore_mem>>)
        %dma_wait3A_66 = arith.constant 0 : i32
        %dma_wait3A_67 = tpu.memref_slice %arg4[%add3A_43, %dma_wait3A_66] : memref<2560x128xi32, #tpu.memory_space<hbm>> -> memref<40x128xi32, #tpu.memory_space<hbm>>
        %dma_wait3A_68 = arith.constant 0 : i32
        %dma_wait3A_69 = tpu.memref_slice %arg4[%add3A_43, %dma_wait3A_68] : memref<2560x128xi32, #tpu.memory_space<hbm>> -> memref<40x128xi32, #tpu.memory_space<hbm>>
        tpu.wait_dma2 semaphore(%run_scoped3A : memref<!tpu.dma_semaphore, #tpu.memory_space<semaphore_mem>>) src(%dma_wait3A_69 : memref<40x128xi32, #tpu.memory_space<hbm>>) dst(%arg8 : memref<40x128xi32, #tpu.memory_space<vmem>>)
        tpu.yield
      }) : () -> ()
      %dma_start3A = arith.constant 0 : i32
      %dma_start3A_44 = arith.constant 0 : i32
      %dma_start3A_45 = tpu.memref_slice %arg7[%dma_start3A, %dma_start3A_44] : memref<40x128xi32, #tpu.memory_space<vmem>> -> memref<1x128xi32, #tpu.memory_space<vmem>>
      %dma_start3A_46 = tpu.memref_squeeze %dma_start3A_45 : memref<1x128xi32, #tpu.memory_space<vmem>> -> memref<128xi32, #tpu.memory_space<vmem>>
      %dma_start3A_47 = arith.constant 0 : i32
      %dma_start3A_48 = arith.constant 0 : i32
      %dma_start3A_49 = tpu.memref_slice %arg2[%dma_start3A_47, %dma_start3A_48] : memref<80000x128xf32, #tpu.memory_space<hbm>> -> memref<80000x128xf32, #tpu.memory_space<hbm>>
      tpu.enqueue_indirect_dma source(%dma_start3A_49 : memref<80000x128xf32, #tpu.memory_space<hbm>>) target(%arg9 : memref<128x128xf32, #tpu.memory_space<vmem>>) offsets(%dma_start3A_46 : memref<128xi32, #tpu.memory_space<vmem>>) semaphore(%arg12 : memref<!tpu.dma_semaphore, #tpu.memory_space<semaphore_mem>>)
      %scan3A_50 = arith.constant 0 : i32
      %scan3A_51 = arith.constant 0 : i32
      %scan3A_52 = arith.constant 20 : i32
      %scan3A_53 = arith.addi %scan3A_51, %scan3A_52 : i32
      %scan3A_54 = arith.constant 1 : i32
      scf.for %scan3A_62 = %scan3A_51 to %scan3A_53 step %scan3A_54  : i32 {
        %mul3A_63 = arith.constant 2 : i32
        %mul3A_64 = arith.muli %mul3A_63, %scan3A_62 : i32
        %add3A_65 = arith.constant 1 : i32
        %add3A_66 = arith.addi %mul3A_64, %add3A_65 : i32
        %dma_start3A_67 = arith.constant 0 : i32
        %dma_start3A_68 = tpu.memref_slice %arg7[%add3A_66, %dma_start3A_67] : memref<40x128xi32, #tpu.memory_space<vmem>> -> memref<1x128xi32, #tpu.memory_space<vmem>>
        %dma_start3A_69 = tpu.memref_squeeze %dma_start3A_68 : memref<1x128xi32, #tpu.memory_space<vmem>> -> memref<128xi32, #tpu.memory_space<vmem>>
        %dma_start3A_70 = arith.constant 0 : i32
        %dma_start3A_71 = arith.constant 0 : i32
        %dma_start3A_72 = tpu.memref_slice %arg2[%dma_start3A_70, %dma_start3A_71] : memref<80000x128xf32, #tpu.memory_space<hbm>> -> memref<80000x128xf32, #tpu.memory_space<hbm>>
        tpu.enqueue_indirect_dma source(%dma_start3A_72 : memref<80000x128xf32, #tpu.memory_space<hbm>>) target(%arg10 : memref<128x128xf32, #tpu.memory_space<vmem>>) offsets(%dma_start3A_69 : memref<128xi32, #tpu.memory_space<vmem>>) semaphore(%arg13 : memref<!tpu.dma_semaphore, #tpu.memory_space<semaphore_mem>>)
        %dma_wait3A_73 = arith.constant 0 : i32
        %dma_wait3A_74 = arith.constant 0 : i32
        %dma_wait3A_75 = tpu.memref_slice %arg7[%dma_wait3A_73, %dma_wait3A_74] : memref<40x128xi32, #tpu.memory_space<vmem>> -> memref<1x128xi32, #tpu.memory_space<vmem>>
        %dma_wait3A_76 = tpu.memref_squeeze %dma_wait3A_75 : memref<1x128xi32, #tpu.memory_space<vmem>> -> memref<128xi32, #tpu.memory_space<vmem>>
        %dma_wait3A_77 = arith.constant 0 : i32
        %dma_wait3A_78 = arith.constant 0 : i32
        %dma_wait3A_79 = tpu.memref_slice %arg2[%dma_wait3A_77, %dma_wait3A_78] : memref<80000x128xf32, #tpu.memory_space<hbm>> -> memref<80000x128xf32, #tpu.memory_space<hbm>>
        tpu.wait_indirect_dma semaphore(%arg12 : memref<!tpu.dma_semaphore, #tpu.memory_space<semaphore_mem>>) src(%dma_wait3A_79 : memref<80000x128xf32, #tpu.memory_space<hbm>>) dst(%arg9 : memref<128x128xf32, #tpu.memory_space<vmem>>)
        "tpu.region"() ({
          %run_scoped3A = tpu.sem_alloc : memref<!tpu.dma_semaphore, #tpu.memory_space<semaphore_mem>>
          %dma_start3A_98 = arith.constant 0 : i32
          %dma_start3A_99 = tpu.memref_slice %arg8[%mul3A_64, %dma_start3A_98] : memref<40x128xi32, #tpu.memory_space<vmem>> -> memref<1x128xi32, #tpu.memory_space<vmem>>
          %dma_start3A_100 = tpu.memref_squeeze %dma_start3A_99 : memref<1x128xi32, #tpu.memory_space<vmem>> -> memref<128xi32, #tpu.memory_space<vmem>>
          %dma_start3A_101 = arith.constant 0 : i32
          %dma_start3A_102 = arith.constant 0 : i32
          %dma_start3A_103 = tpu.memref_slice %arg11[%dma_start3A_101, %dma_start3A_102] : memref<10240x128xf32, #tpu.memory_space<vmem_shared>> -> memref<10240x128xf32, #tpu.memory_space<vmem_shared>>
          tpu.enqueue_indirect_dma source(%arg9 : memref<128x128xf32, #tpu.memory_space<vmem>>) target(%dma_start3A_103 : memref<10240x128xf32, #tpu.memory_space<vmem_shared>>) offsets(%dma_start3A_100 : memref<128xi32, #tpu.memory_space<vmem>>) semaphore(%run_scoped3A : memref<!tpu.dma_semaphore, #tpu.memory_space<semaphore_mem>>) {add = true}
          %dma_wait3A_104 = arith.constant 0 : i32
          %dma_wait3A_105 = tpu.memref_slice %arg8[%mul3A_64, %dma_wait3A_104] : memref<40x128xi32, #tpu.memory_space<vmem>> -> memref<1x128xi32, #tpu.memory_space<vmem>>
          %dma_wait3A_106 = tpu.memref_squeeze %dma_wait3A_105 : memref<1x128xi32, #tpu.memory_space<vmem>> -> memref<128xi32, #tpu.memory_space<vmem>>
          %dma_wait3A_107 = arith.constant 0 : i32
          %dma_wait3A_108 = arith.constant 0 : i32
          %dma_wait3A_109 = tpu.memref_slice %arg11[%dma_wait3A_107, %dma_wait3A_108] : memref<10240x128xf32, #tpu.memory_space<vmem_shared>> -> memref<10240x128xf32, #tpu.memory_space<vmem_shared>>
          tpu.wait_indirect_dma semaphore(%run_scoped3A : memref<!tpu.dma_semaphore, #tpu.memory_space<semaphore_mem>>) src(%arg9 : memref<128x128xf32, #tpu.memory_space<vmem>>) dst(%dma_wait3A_109 : memref<10240x128xf32, #tpu.memory_space<vmem_shared>>)
          tpu.yield
        }) : () -> ()
        %add3A_80 = arith.constant 2 : i32
        %add3A_81 = arith.addi %mul3A_64, %add3A_80 : i32
        %min3A = arith.constant 39 : i32
        %min3A_82 = arith.minsi %add3A_81, %min3A : i32
        %dma_start3A_83 = arith.constant 0 : i32
        %dma_start3A_84 = tpu.memref_slice %arg7[%min3A_82, %dma_start3A_83] : memref<40x128xi32, #tpu.memory_space<vmem>> -> memref<1x128xi32, #tpu.memory_space<vmem>>
        %dma_start3A_85 = tpu.memref_squeeze %dma_start3A_84 : memref<1x128xi32, #tpu.memory_space<vmem>> -> memref<128xi32, #tpu.memory_space<vmem>>
        %dma_start3A_86 = arith.constant 0 : i32
        %dma_start3A_87 = arith.constant 0 : i32
        %dma_start3A_88 = tpu.memref_slice %arg2[%dma_start3A_86, %dma_start3A_87] : memref<80000x128xf32, #tpu.memory_space<hbm>> -> memref<80000x128xf32, #tpu.memory_space<hbm>>
        tpu.enqueue_indirect_dma source(%dma_start3A_88 : memref<80000x128xf32, #tpu.memory_space<hbm>>) target(%arg9 : memref<128x128xf32, #tpu.memory_space<vmem>>) offsets(%dma_start3A_85 : memref<128xi32, #tpu.memory_space<vmem>>) semaphore(%arg12 : memref<!tpu.dma_semaphore, #tpu.memory_space<semaphore_mem>>)
        %dma_wait3A_89 = arith.constant 0 : i32
        %dma_wait3A_90 = arith.constant 0 : i32
        %dma_wait3A_91 = tpu.memref_slice %arg7[%dma_wait3A_89, %dma_wait3A_90] : memref<40x128xi32, #tpu.memory_space<vmem>> -> memref<1x128xi32, #tpu.memory_space<vmem>>
        %dma_wait3A_92 = tpu.memref_squeeze %dma_wait3A_91 : memref<1x128xi32, #tpu.memory_space<vmem>> -> memref<128xi32, #tpu.memory_space<vmem>>
        %dma_wait3A_93 = arith.constant 0 : i32
        %dma_wait3A_94 = arith.constant 0 : i32
        %dma_wait3A_95 = tpu.memref_slice %arg2[%dma_wait3A_93, %dma_wait3A_94] : memref<80000x128xf32, #tpu.memory_space<hbm>> -> memref<80000x128xf32, #tpu.memory_space<hbm>>
        tpu.wait_indirect_dma semaphore(%arg13 : memref<!tpu.dma_semaphore, #tpu.memory_space<semaphore_mem>>) src(%dma_wait3A_95 : memref<80000x128xf32, #tpu.memory_space<hbm>>) dst(%arg10 : memref<128x128xf32, #tpu.memory_space<vmem>>)
        %add3A_96 = arith.constant 1 : i32
        %add3A_97 = arith.addi %mul3A_64, %add3A_96 : i32
        "tpu.region"() ({
          %run_scoped3A = tpu.sem_alloc : memref<!tpu.dma_semaphore, #tpu.memory_space<semaphore_mem>>
          %dma_start3A_98 = arith.constant 0 : i32
          %dma_start3A_99 = tpu.memref_slice %arg8[%add3A_97, %dma_start3A_98] : memref<40x128xi32, #tpu.memory_space<vmem>> -> memref<1x128xi32, #tpu.memory_space<vmem>>
          %dma_start3A_100 = tpu.memref_squeeze %dma_start3A_99 : memref<1x128xi32, #tpu.memory_space<vmem>> -> memref<128xi32, #tpu.memory_space<vmem>>
          %dma_start3A_101 = arith.constant 0 : i32
          %dma_start3A_102 = arith.constant 0 : i32
          %dma_start3A_103 = tpu.memref_slice %arg11[%dma_start3A_101, %dma_start3A_102] : memref<10240x128xf32, #tpu.memory_space<vmem_shared>> -> memref<10240x128xf32, #tpu.memory_space<vmem_shared>>
          tpu.enqueue_indirect_dma source(%arg10 : memref<128x128xf32, #tpu.memory_space<vmem>>) target(%dma_start3A_103 : memref<10240x128xf32, #tpu.memory_space<vmem_shared>>) offsets(%dma_start3A_100 : memref<128xi32, #tpu.memory_space<vmem>>) semaphore(%run_scoped3A : memref<!tpu.dma_semaphore, #tpu.memory_space<semaphore_mem>>) {add = true}
          %dma_wait3A_104 = arith.constant 0 : i32
          %dma_wait3A_105 = tpu.memref_slice %arg8[%add3A_97, %dma_wait3A_104] : memref<40x128xi32, #tpu.memory_space<vmem>> -> memref<1x128xi32, #tpu.memory_space<vmem>>
          %dma_wait3A_106 = tpu.memref_squeeze %dma_wait3A_105 : memref<1x128xi32, #tpu.memory_space<vmem>> -> memref<128xi32, #tpu.memory_space<vmem>>
          %dma_wait3A_107 = arith.constant 0 : i32
          %dma_wait3A_108 = arith.constant 0 : i32
          %dma_wait3A_109 = tpu.memref_slice %arg11[%dma_wait3A_107, %dma_wait3A_108] : memref<10240x128xf32, #tpu.memory_space<vmem_shared>> -> memref<10240x128xf32, #tpu.memory_space<vmem_shared>>
          tpu.wait_indirect_dma semaphore(%run_scoped3A : memref<!tpu.dma_semaphore, #tpu.memory_space<semaphore_mem>>) src(%arg10 : memref<128x128xf32, #tpu.memory_space<vmem>>) dst(%dma_wait3A_109 : memref<10240x128xf32, #tpu.memory_space<vmem_shared>>)
          tpu.yield
        }) : () -> ()
      }
      %scan3A_55 = arith.constant 20 : i32
      %dma_wait3A = arith.constant 0 : i32
      %dma_wait3A_56 = arith.constant 0 : i32
      %dma_wait3A_57 = tpu.memref_slice %arg7[%dma_wait3A, %dma_wait3A_56] : memref<40x128xi32, #tpu.memory_space<vmem>> -> memref<1x128xi32, #tpu.memory_space<vmem>>
      %dma_wait3A_58 = tpu.memref_squeeze %dma_wait3A_57 : memref<1x128xi32, #tpu.memory_space<vmem>> -> memref<128xi32, #tpu.memory_space<vmem>>
      %dma_wait3A_59 = arith.constant 0 : i32
      %dma_wait3A_60 = arith.constant 0 : i32
      %dma_wait3A_61 = tpu.memref_slice %arg2[%dma_wait3A_59, %dma_wait3A_60] : memref<80000x128xf32, #tpu.memory_space<hbm>> -> memref<80000x128xf32, #tpu.memory_space<hbm>>
      tpu.wait_indirect_dma semaphore(%arg12 : memref<!tpu.dma_semaphore, #tpu.memory_space<semaphore_mem>>) src(%dma_wait3A_61 : memref<80000x128xf32, #tpu.memory_space<hbm>>) dst(%arg9 : memref<128x128xf32, #tpu.memory_space<vmem>>)
    }
    %scan3A_22 = arith.constant 4 : i32
    %barrier3A_23 = arith.constant 0 : index
    tpu.barrier barrier_id(%barrier3A_23)
    %mul3A_24 = arith.constant 640 : i32
    %mul3A_25 = arith.muli %arg1, %mul3A_24 : i32
    %mul3A_26 = arith.constant 640 : i32
    %mul3A_27 = arith.muli %arg1, %mul3A_26 : i32
    %mul3A_28 = arith.constant 128 : i32
    %mul3A_29 = arith.muli %arg0, %mul3A_28 : i32
    "tpu.region"() ({
      %run_scoped3A = tpu.sem_alloc : memref<!tpu.dma_semaphore, #tpu.memory_space<semaphore_mem>>
      %dma_start3A = tpu.memref_slice %arg6[%mul3A_27, %mul3A_29] : memref<10240x256xf32, #tpu.memory_space<hbm>> -> memref<640x128xf32, #tpu.memory_space<hbm>>
      %dma_start3A_30 = arith.constant 0 : i32
      %dma_start3A_31 = tpu.memref_slice %arg11[%mul3A_25, %dma_start3A_30] : memref<10240x128xf32, #tpu.memory_space<vmem_shared>> -> memref<640x128xf32, #tpu.memory_space<vmem_shared>>
      tpu.enqueue_dma source(%dma_start3A_31 : memref<640x128xf32, #tpu.memory_space<vmem_shared>>) target(%dma_start3A : memref<640x128xf32, #tpu.memory_space<hbm>>) target_semaphore(%run_scoped3A : memref<!tpu.dma_semaphore, #tpu.memory_space<semaphore_mem>>)
      %dma_wait3A = tpu.memref_slice %arg6[%mul3A_27, %mul3A_29] : memref<10240x256xf32, #tpu.memory_space<hbm>> -> memref<640x128xf32, #tpu.memory_space<hbm>>
      %dma_wait3A_32 = arith.constant 0 : i32
      %dma_wait3A_33 = tpu.memref_slice %arg11[%mul3A_25, %dma_wait3A_32] : memref<10240x128xf32, #tpu.memory_space<vmem_shared>> -> memref<640x128xf32, #tpu.memory_space<vmem_shared>>
      tpu.wait_dma2 semaphore(%run_scoped3A : memref<!tpu.dma_semaphore, #tpu.memory_space<semaphore_mem>>) src(%dma_wait3A_33 : memref<640x128xf32, #tpu.memory_space<vmem_shared>>) dst(%dma_wait3A : memref<640x128xf32, #tpu.memory_space<hbm>>)
      tpu.yield
    }) : () -> ()
    return
  }
}

#map = affine_map<(d0, d1) -> (0, 0)>
module attributes {stable_mosaic.version = 14 : i64} {
  func.func @_sc_agg(%arg0: i32, %arg1: i32, %arg2: memref<80000x128xf32, #tpu.memory_space<hbm>>, %arg3: memref<5120x128xi32, #tpu.memory_space<hbm>>, %arg4: memref<2560x128xi32, #tpu.memory_space<hbm>>, %arg5: memref<128x128xf32, #tpu.memory_space<hbm>>, %arg6: memref<10240x256xf32, #tpu.memory_space<hbm>>, %arg7: memref<40x128xi32, #tpu.memory_space<vmem>>, %arg8: memref<40x128xi32, #tpu.memory_space<vmem>>, %arg9: memref<128x128xf32, #tpu.memory_space<vmem>>, %arg10: memref<128x128xf32, #tpu.memory_space<vmem>>, %arg11: memref<10240x128xf32, #tpu.memory_space<vmem_shared>>, %arg12: memref<!tpu.dma_semaphore, #tpu.memory_space<semaphore_mem>>, %arg13: memref<!tpu.dma_semaphore, #tpu.memory_space<semaphore_mem>>) attributes {dimension_semantics = [#tpu.dimension_semantics<core_parallel>, #tpu.dimension_semantics<subcore_parallel>], iteration_bounds = array<i64: 2, 16>, scalar_prefetch = 0 : i64, scratch_operands = 7 : i64, tpu.core_type = #tpu.core_type<sc_vector_subcore>, window_params = [{transform_indices = #map}, {transform_indices = #map}, {transform_indices = #map}, {transform_indices = #map}, {transform_indices = #map}]} {
    "tpu.region"() ({
      %run_scoped3A = tpu.sem_alloc : memref<!tpu.dma_semaphore, #tpu.memory_space<semaphore_mem>>
      tpu.enqueue_dma source(%arg5 : memref<128x128xf32, #tpu.memory_space<hbm>>) target(%arg9 : memref<128x128xf32, #tpu.memory_space<vmem>>) target_semaphore(%run_scoped3A : memref<!tpu.dma_semaphore, #tpu.memory_space<semaphore_mem>>)
      tpu.wait_dma2 semaphore(%run_scoped3A : memref<!tpu.dma_semaphore, #tpu.memory_space<semaphore_mem>>) src(%arg5 : memref<128x128xf32, #tpu.memory_space<hbm>>) dst(%arg9 : memref<128x128xf32, #tpu.memory_space<vmem>>)
      tpu.yield
    }) : () -> ()
    %mul3A = arith.constant 640 : i32
    %mul3A_0 = arith.muli %arg1, %mul3A : i32
    %add3A = arith.constant 0 : i32
    %add3A_1 = arith.addi %mul3A_0, %add3A : i32
    "tpu.region"() ({
      %run_scoped3A = tpu.sem_alloc : memref<!tpu.dma_semaphore, #tpu.memory_space<semaphore_mem>>
      %dma_start3A = arith.constant 0 : i32
      %dma_start3A_30 = tpu.memref_slice %arg11[%add3A_1, %dma_start3A] : memref<10240x128xf32, #tpu.memory_space<vmem_shared>> -> memref<128x128xf32, #tpu.memory_space<vmem_shared>>
      %dma_start3A_31 = arith.constant 0 : i32
      %dma_start3A_32 = tpu.memref_slice %arg11[%add3A_1, %dma_start3A_31] : memref<10240x128xf32, #tpu.memory_space<vmem_shared>> -> memref<128x128xf32, #tpu.memory_space<vmem_shared>>
      tpu.enqueue_dma source(%arg9 : memref<128x128xf32, #tpu.memory_space<vmem>>) target(%dma_start3A_32 : memref<128x128xf32, #tpu.memory_space<vmem_shared>>) target_semaphore(%run_scoped3A : memref<!tpu.dma_semaphore, #tpu.memory_space<semaphore_mem>>)
      %dma_wait3A = arith.constant 0 : i32
      %dma_wait3A_33 = tpu.memref_slice %arg11[%add3A_1, %dma_wait3A] : memref<10240x128xf32, #tpu.memory_space<vmem_shared>> -> memref<128x128xf32, #tpu.memory_space<vmem_shared>>
      %dma_wait3A_34 = arith.constant 0 : i32
      %dma_wait3A_35 = tpu.memref_slice %arg11[%add3A_1, %dma_wait3A_34] : memref<10240x128xf32, #tpu.memory_space<vmem_shared>> -> memref<128x128xf32, #tpu.memory_space<vmem_shared>>
      tpu.wait_dma2 semaphore(%run_scoped3A : memref<!tpu.dma_semaphore, #tpu.memory_space<semaphore_mem>>) src(%arg9 : memref<128x128xf32, #tpu.memory_space<vmem>>) dst(%dma_wait3A_35 : memref<128x128xf32, #tpu.memory_space<vmem_shared>>)
      tpu.yield
    }) : () -> ()
    %mul3A_2 = arith.constant 640 : i32
    %mul3A_3 = arith.muli %arg1, %mul3A_2 : i32
    %add3A_4 = arith.constant 128 : i32
    %add3A_5 = arith.addi %mul3A_3, %add3A_4 : i32
    "tpu.region"() ({
      %run_scoped3A = tpu.sem_alloc : memref<!tpu.dma_semaphore, #tpu.memory_space<semaphore_mem>>
      %dma_start3A = arith.constant 0 : i32
      %dma_start3A_30 = tpu.memref_slice %arg11[%add3A_5, %dma_start3A] : memref<10240x128xf32, #tpu.memory_space<vmem_shared>> -> memref<128x128xf32, #tpu.memory_space<vmem_shared>>
      %dma_start3A_31 = arith.constant 0 : i32
      %dma_start3A_32 = tpu.memref_slice %arg11[%add3A_5, %dma_start3A_31] : memref<10240x128xf32, #tpu.memory_space<vmem_shared>> -> memref<128x128xf32, #tpu.memory_space<vmem_shared>>
      tpu.enqueue_dma source(%arg9 : memref<128x128xf32, #tpu.memory_space<vmem>>) target(%dma_start3A_32 : memref<128x128xf32, #tpu.memory_space<vmem_shared>>) target_semaphore(%run_scoped3A : memref<!tpu.dma_semaphore, #tpu.memory_space<semaphore_mem>>)
      %dma_wait3A = arith.constant 0 : i32
      %dma_wait3A_33 = tpu.memref_slice %arg11[%add3A_5, %dma_wait3A] : memref<10240x128xf32, #tpu.memory_space<vmem_shared>> -> memref<128x128xf32, #tpu.memory_space<vmem_shared>>
      %dma_wait3A_34 = arith.constant 0 : i32
      %dma_wait3A_35 = tpu.memref_slice %arg11[%add3A_5, %dma_wait3A_34] : memref<10240x128xf32, #tpu.memory_space<vmem_shared>> -> memref<128x128xf32, #tpu.memory_space<vmem_shared>>
      tpu.wait_dma2 semaphore(%run_scoped3A : memref<!tpu.dma_semaphore, #tpu.memory_space<semaphore_mem>>) src(%arg9 : memref<128x128xf32, #tpu.memory_space<vmem>>) dst(%dma_wait3A_35 : memref<128x128xf32, #tpu.memory_space<vmem_shared>>)
      tpu.yield
    }) : () -> ()
    %mul3A_6 = arith.constant 640 : i32
    %mul3A_7 = arith.muli %arg1, %mul3A_6 : i32
    %add3A_8 = arith.constant 256 : i32
    %add3A_9 = arith.addi %mul3A_7, %add3A_8 : i32
    "tpu.region"() ({
      %run_scoped3A = tpu.sem_alloc : memref<!tpu.dma_semaphore, #tpu.memory_space<semaphore_mem>>
      %dma_start3A = arith.constant 0 : i32
      %dma_start3A_30 = tpu.memref_slice %arg11[%add3A_9, %dma_start3A] : memref<10240x128xf32, #tpu.memory_space<vmem_shared>> -> memref<128x128xf32, #tpu.memory_space<vmem_shared>>
      %dma_start3A_31 = arith.constant 0 : i32
      %dma_start3A_32 = tpu.memref_slice %arg11[%add3A_9, %dma_start3A_31] : memref<10240x128xf32, #tpu.memory_space<vmem_shared>> -> memref<128x128xf32, #tpu.memory_space<vmem_shared>>
      tpu.enqueue_dma source(%arg9 : memref<128x128xf32, #tpu.memory_space<vmem>>) target(%dma_start3A_32 : memref<128x128xf32, #tpu.memory_space<vmem_shared>>) target_semaphore(%run_scoped3A : memref<!tpu.dma_semaphore, #tpu.memory_space<semaphore_mem>>)
      %dma_wait3A = arith.constant 0 : i32
      %dma_wait3A_33 = tpu.memref_slice %arg11[%add3A_9, %dma_wait3A] : memref<10240x128xf32, #tpu.memory_space<vmem_shared>> -> memref<128x128xf32, #tpu.memory_space<vmem_shared>>
      %dma_wait3A_34 = arith.constant 0 : i32
      %dma_wait3A_35 = tpu.memref_slice %arg11[%add3A_9, %dma_wait3A_34] : memref<10240x128xf32, #tpu.memory_space<vmem_shared>> -> memref<128x128xf32, #tpu.memory_space<vmem_shared>>
      tpu.wait_dma2 semaphore(%run_scoped3A : memref<!tpu.dma_semaphore, #tpu.memory_space<semaphore_mem>>) src(%arg9 : memref<128x128xf32, #tpu.memory_space<vmem>>) dst(%dma_wait3A_35 : memref<128x128xf32, #tpu.memory_space<vmem_shared>>)
      tpu.yield
    }) : () -> ()
    %mul3A_10 = arith.constant 640 : i32
    %mul3A_11 = arith.muli %arg1, %mul3A_10 : i32
    %add3A_12 = arith.constant 384 : i32
    %add3A_13 = arith.addi %mul3A_11, %add3A_12 : i32
    "tpu.region"() ({
      %run_scoped3A = tpu.sem_alloc : memref<!tpu.dma_semaphore, #tpu.memory_space<semaphore_mem>>
      %dma_start3A = arith.constant 0 : i32
      %dma_start3A_30 = tpu.memref_slice %arg11[%add3A_13, %dma_start3A] : memref<10240x128xf32, #tpu.memory_space<vmem_shared>> -> memref<128x128xf32, #tpu.memory_space<vmem_shared>>
      %dma_start3A_31 = arith.constant 0 : i32
      %dma_start3A_32 = tpu.memref_slice %arg11[%add3A_13, %dma_start3A_31] : memref<10240x128xf32, #tpu.memory_space<vmem_shared>> -> memref<128x128xf32, #tpu.memory_space<vmem_shared>>
      tpu.enqueue_dma source(%arg9 : memref<128x128xf32, #tpu.memory_space<vmem>>) target(%dma_start3A_32 : memref<128x128xf32, #tpu.memory_space<vmem_shared>>) target_semaphore(%run_scoped3A : memref<!tpu.dma_semaphore, #tpu.memory_space<semaphore_mem>>)
      %dma_wait3A = arith.constant 0 : i32
      %dma_wait3A_33 = tpu.memref_slice %arg11[%add3A_13, %dma_wait3A] : memref<10240x128xf32, #tpu.memory_space<vmem_shared>> -> memref<128x128xf32, #tpu.memory_space<vmem_shared>>
      %dma_wait3A_34 = arith.constant 0 : i32
      %dma_wait3A_35 = tpu.memref_slice %arg11[%add3A_13, %dma_wait3A_34] : memref<10240x128xf32, #tpu.memory_space<vmem_shared>> -> memref<128x128xf32, #tpu.memory_space<vmem_shared>>
      tpu.wait_dma2 semaphore(%run_scoped3A : memref<!tpu.dma_semaphore, #tpu.memory_space<semaphore_mem>>) src(%arg9 : memref<128x128xf32, #tpu.memory_space<vmem>>) dst(%dma_wait3A_35 : memref<128x128xf32, #tpu.memory_space<vmem_shared>>)
      tpu.yield
    }) : () -> ()
    %mul3A_14 = arith.constant 640 : i32
    %mul3A_15 = arith.muli %arg1, %mul3A_14 : i32
    %add3A_16 = arith.constant 512 : i32
    %add3A_17 = arith.addi %mul3A_15, %add3A_16 : i32
    "tpu.region"() ({
      %run_scoped3A = tpu.sem_alloc : memref<!tpu.dma_semaphore, #tpu.memory_space<semaphore_mem>>
      %dma_start3A = arith.constant 0 : i32
      %dma_start3A_30 = tpu.memref_slice %arg11[%add3A_17, %dma_start3A] : memref<10240x128xf32, #tpu.memory_space<vmem_shared>> -> memref<128x128xf32, #tpu.memory_space<vmem_shared>>
      %dma_start3A_31 = arith.constant 0 : i32
      %dma_start3A_32 = tpu.memref_slice %arg11[%add3A_17, %dma_start3A_31] : memref<10240x128xf32, #tpu.memory_space<vmem_shared>> -> memref<128x128xf32, #tpu.memory_space<vmem_shared>>
      tpu.enqueue_dma source(%arg9 : memref<128x128xf32, #tpu.memory_space<vmem>>) target(%dma_start3A_32 : memref<128x128xf32, #tpu.memory_space<vmem_shared>>) target_semaphore(%run_scoped3A : memref<!tpu.dma_semaphore, #tpu.memory_space<semaphore_mem>>)
      %dma_wait3A = arith.constant 0 : i32
      %dma_wait3A_33 = tpu.memref_slice %arg11[%add3A_17, %dma_wait3A] : memref<10240x128xf32, #tpu.memory_space<vmem_shared>> -> memref<128x128xf32, #tpu.memory_space<vmem_shared>>
      %dma_wait3A_34 = arith.constant 0 : i32
      %dma_wait3A_35 = tpu.memref_slice %arg11[%add3A_17, %dma_wait3A_34] : memref<10240x128xf32, #tpu.memory_space<vmem_shared>> -> memref<128x128xf32, #tpu.memory_space<vmem_shared>>
      tpu.wait_dma2 semaphore(%run_scoped3A : memref<!tpu.dma_semaphore, #tpu.memory_space<semaphore_mem>>) src(%arg9 : memref<128x128xf32, #tpu.memory_space<vmem>>) dst(%dma_wait3A_35 : memref<128x128xf32, #tpu.memory_space<vmem_shared>>)
      tpu.yield
    }) : () -> ()
    %barrier3A = arith.constant 0 : index
    tpu.barrier barrier_id(%barrier3A)
    %scan3A = arith.constant 0 : i32
    %scan3A_18 = arith.constant 0 : i32
    %scan3A_19 = arith.constant 4 : i32
    %scan3A_20 = arith.addi %scan3A_18, %scan3A_19 : i32
    %scan3A_21 = arith.constant 1 : i32
    scf.for %scan3A_30 = %scan3A_18 to %scan3A_20 step %scan3A_21  : i32 {
      %mul3A_31 = arith.constant 2560 : i32
      %mul3A_32 = arith.muli %arg0, %mul3A_31 : i32
      %mul3A_33 = arith.constant 160 : i32
      %mul3A_34 = arith.muli %arg1, %mul3A_33 : i32
      %add3A_35 = arith.addi %mul3A_32, %mul3A_34 : i32
      %mul3A_36 = arith.constant 40 : i32
      %mul3A_37 = arith.muli %scan3A_30, %mul3A_36 : i32
      %add3A_38 = arith.addi %add3A_35, %mul3A_37 : i32
      "tpu.region"() ({
        %run_scoped3A = tpu.sem_alloc : memref<!tpu.dma_semaphore, #tpu.memory_space<semaphore_mem>>
        %dma_start3A_62 = arith.constant 0 : i32
        %dma_start3A_63 = tpu.memref_slice %arg3[%add3A_38, %dma_start3A_62] : memref<5120x128xi32, #tpu.memory_space<hbm>> -> memref<40x128xi32, #tpu.memory_space<hbm>>
        %dma_start3A_64 = arith.constant 0 : i32
        %dma_start3A_65 = tpu.memref_slice %arg3[%add3A_38, %dma_start3A_64] : memref<5120x128xi32, #tpu.memory_space<hbm>> -> memref<40x128xi32, #tpu.memory_space<hbm>>
        tpu.enqueue_dma source(%dma_start3A_65 : memref<40x128xi32, #tpu.memory_space<hbm>>) target(%arg7 : memref<40x128xi32, #tpu.memory_space<vmem>>) target_semaphore(%run_scoped3A : memref<!tpu.dma_semaphore, #tpu.memory_space<semaphore_mem>>)
        %dma_wait3A_66 = arith.constant 0 : i32
        %dma_wait3A_67 = tpu.memref_slice %arg3[%add3A_38, %dma_wait3A_66] : memref<5120x128xi32, #tpu.memory_space<hbm>> -> memref<40x128xi32, #tpu.memory_space<hbm>>
        %dma_wait3A_68 = arith.constant 0 : i32
        %dma_wait3A_69 = tpu.memref_slice %arg3[%add3A_38, %dma_wait3A_68] : memref<5120x128xi32, #tpu.memory_space<hbm>> -> memref<40x128xi32, #tpu.memory_space<hbm>>
        tpu.wait_dma2 semaphore(%run_scoped3A : memref<!tpu.dma_semaphore, #tpu.memory_space<semaphore_mem>>) src(%dma_wait3A_69 : memref<40x128xi32, #tpu.memory_space<hbm>>) dst(%arg7 : memref<40x128xi32, #tpu.memory_space<vmem>>)
        tpu.yield
      }) : () -> ()
      %mul3A_39 = arith.constant 160 : i32
      %mul3A_40 = arith.muli %arg1, %mul3A_39 : i32
      %mul3A_41 = arith.constant 40 : i32
      %mul3A_42 = arith.muli %scan3A_30, %mul3A_41 : i32
      %add3A_43 = arith.addi %mul3A_40, %mul3A_42 : i32
      "tpu.region"() ({
        %run_scoped3A = tpu.sem_alloc : memref<!tpu.dma_semaphore, #tpu.memory_space<semaphore_mem>>
        %dma_start3A_62 = arith.constant 0 : i32
        %dma_start3A_63 = tpu.memref_slice %arg4[%add3A_43, %dma_start3A_62] : memref<2560x128xi32, #tpu.memory_space<hbm>> -> memref<40x128xi32, #tpu.memory_space<hbm>>
        %dma_start3A_64 = arith.constant 0 : i32
        %dma_start3A_65 = tpu.memref_slice %arg4[%add3A_43, %dma_start3A_64] : memref<2560x128xi32, #tpu.memory_space<hbm>> -> memref<40x128xi32, #tpu.memory_space<hbm>>
        tpu.enqueue_dma source(%dma_start3A_65 : memref<40x128xi32, #tpu.memory_space<hbm>>) target(%arg8 : memref<40x128xi32, #tpu.memory_space<vmem>>) target_semaphore(%run_scoped3A : memref<!tpu.dma_semaphore, #tpu.memory_space<semaphore_mem>>)
        %dma_wait3A_66 = arith.constant 0 : i32
        %dma_wait3A_67 = tpu.memref_slice %arg4[%add3A_43, %dma_wait3A_66] : memref<2560x128xi32, #tpu.memory_space<hbm>> -> memref<40x128xi32, #tpu.memory_space<hbm>>
        %dma_wait3A_68 = arith.constant 0 : i32
        %dma_wait3A_69 = tpu.memref_slice %arg4[%add3A_43, %dma_wait3A_68] : memref<2560x128xi32, #tpu.memory_space<hbm>> -> memref<40x128xi32, #tpu.memory_space<hbm>>
        tpu.wait_dma2 semaphore(%run_scoped3A : memref<!tpu.dma_semaphore, #tpu.memory_space<semaphore_mem>>) src(%dma_wait3A_69 : memref<40x128xi32, #tpu.memory_space<hbm>>) dst(%arg8 : memref<40x128xi32, #tpu.memory_space<vmem>>)
        tpu.yield
      }) : () -> ()
      %dma_start3A = arith.constant 0 : i32
      %dma_start3A_44 = arith.constant 0 : i32
      %dma_start3A_45 = tpu.memref_slice %arg7[%dma_start3A, %dma_start3A_44] : memref<40x128xi32, #tpu.memory_space<vmem>> -> memref<1x128xi32, #tpu.memory_space<vmem>>
      %dma_start3A_46 = tpu.memref_squeeze %dma_start3A_45 : memref<1x128xi32, #tpu.memory_space<vmem>> -> memref<128xi32, #tpu.memory_space<vmem>>
      %dma_start3A_47 = arith.constant 0 : i32
      %dma_start3A_48 = arith.constant 0 : i32
      %dma_start3A_49 = tpu.memref_slice %arg2[%dma_start3A_47, %dma_start3A_48] : memref<80000x128xf32, #tpu.memory_space<hbm>> -> memref<80000x128xf32, #tpu.memory_space<hbm>>
      tpu.enqueue_indirect_dma source(%dma_start3A_49 : memref<80000x128xf32, #tpu.memory_space<hbm>>) target(%arg9 : memref<128x128xf32, #tpu.memory_space<vmem>>) offsets(%dma_start3A_46 : memref<128xi32, #tpu.memory_space<vmem>>) semaphore(%arg12 : memref<!tpu.dma_semaphore, #tpu.memory_space<semaphore_mem>>)
      %scan3A_50 = arith.constant 0 : i32
      %scan3A_51 = arith.constant 0 : i32
      %scan3A_52 = arith.constant 20 : i32
      %scan3A_53 = arith.addi %scan3A_51, %scan3A_52 : i32
      %scan3A_54 = arith.constant 1 : i32
      scf.for %scan3A_62 = %scan3A_51 to %scan3A_53 step %scan3A_54  : i32 {
        %mul3A_63 = arith.constant 2 : i32
        %mul3A_64 = arith.muli %mul3A_63, %scan3A_62 : i32
        %add3A_65 = arith.constant 1 : i32
        %add3A_66 = arith.addi %mul3A_64, %add3A_65 : i32
        %dma_start3A_67 = arith.constant 0 : i32
        %dma_start3A_68 = tpu.memref_slice %arg7[%add3A_66, %dma_start3A_67] : memref<40x128xi32, #tpu.memory_space<vmem>> -> memref<1x128xi32, #tpu.memory_space<vmem>>
        %dma_start3A_69 = tpu.memref_squeeze %dma_start3A_68 : memref<1x128xi32, #tpu.memory_space<vmem>> -> memref<128xi32, #tpu.memory_space<vmem>>
        %dma_start3A_70 = arith.constant 0 : i32
        %dma_start3A_71 = arith.constant 0 : i32
        %dma_start3A_72 = tpu.memref_slice %arg2[%dma_start3A_70, %dma_start3A_71] : memref<80000x128xf32, #tpu.memory_space<hbm>> -> memref<80000x128xf32, #tpu.memory_space<hbm>>
        tpu.enqueue_indirect_dma source(%dma_start3A_72 : memref<80000x128xf32, #tpu.memory_space<hbm>>) target(%arg10 : memref<128x128xf32, #tpu.memory_space<vmem>>) offsets(%dma_start3A_69 : memref<128xi32, #tpu.memory_space<vmem>>) semaphore(%arg13 : memref<!tpu.dma_semaphore, #tpu.memory_space<semaphore_mem>>)
        %dma_wait3A_73 = arith.constant 0 : i32
        %dma_wait3A_74 = arith.constant 0 : i32
        %dma_wait3A_75 = tpu.memref_slice %arg7[%dma_wait3A_73, %dma_wait3A_74] : memref<40x128xi32, #tpu.memory_space<vmem>> -> memref<1x128xi32, #tpu.memory_space<vmem>>
        %dma_wait3A_76 = tpu.memref_squeeze %dma_wait3A_75 : memref<1x128xi32, #tpu.memory_space<vmem>> -> memref<128xi32, #tpu.memory_space<vmem>>
        %dma_wait3A_77 = arith.constant 0 : i32
        %dma_wait3A_78 = arith.constant 0 : i32
        %dma_wait3A_79 = tpu.memref_slice %arg2[%dma_wait3A_77, %dma_wait3A_78] : memref<80000x128xf32, #tpu.memory_space<hbm>> -> memref<80000x128xf32, #tpu.memory_space<hbm>>
        tpu.wait_indirect_dma semaphore(%arg12 : memref<!tpu.dma_semaphore, #tpu.memory_space<semaphore_mem>>) src(%dma_wait3A_79 : memref<80000x128xf32, #tpu.memory_space<hbm>>) dst(%arg9 : memref<128x128xf32, #tpu.memory_space<vmem>>)
        "tpu.region"() ({
          %run_scoped3A = tpu.sem_alloc : memref<!tpu.dma_semaphore, #tpu.memory_space<semaphore_mem>>
          %dma_start3A_98 = arith.constant 0 : i32
          %dma_start3A_99 = tpu.memref_slice %arg8[%mul3A_64, %dma_start3A_98] : memref<40x128xi32, #tpu.memory_space<vmem>> -> memref<1x128xi32, #tpu.memory_space<vmem>>
          %dma_start3A_100 = tpu.memref_squeeze %dma_start3A_99 : memref<1x128xi32, #tpu.memory_space<vmem>> -> memref<128xi32, #tpu.memory_space<vmem>>
          %dma_start3A_101 = arith.constant 0 : i32
          %dma_start3A_102 = arith.constant 0 : i32
          %dma_start3A_103 = tpu.memref_slice %arg11[%dma_start3A_101, %dma_start3A_102] : memref<10240x128xf32, #tpu.memory_space<vmem_shared>> -> memref<10240x128xf32, #tpu.memory_space<vmem_shared>>
          tpu.enqueue_indirect_dma source(%arg9 : memref<128x128xf32, #tpu.memory_space<vmem>>) target(%dma_start3A_103 : memref<10240x128xf32, #tpu.memory_space<vmem_shared>>) offsets(%dma_start3A_100 : memref<128xi32, #tpu.memory_space<vmem>>) semaphore(%run_scoped3A : memref<!tpu.dma_semaphore, #tpu.memory_space<semaphore_mem>>) {add = true}
          %dma_wait3A_104 = arith.constant 0 : i32
          %dma_wait3A_105 = tpu.memref_slice %arg8[%mul3A_64, %dma_wait3A_104] : memref<40x128xi32, #tpu.memory_space<vmem>> -> memref<1x128xi32, #tpu.memory_space<vmem>>
          %dma_wait3A_106 = tpu.memref_squeeze %dma_wait3A_105 : memref<1x128xi32, #tpu.memory_space<vmem>> -> memref<128xi32, #tpu.memory_space<vmem>>
          %dma_wait3A_107 = arith.constant 0 : i32
          %dma_wait3A_108 = arith.constant 0 : i32
          %dma_wait3A_109 = tpu.memref_slice %arg11[%dma_wait3A_107, %dma_wait3A_108] : memref<10240x128xf32, #tpu.memory_space<vmem_shared>> -> memref<10240x128xf32, #tpu.memory_space<vmem_shared>>
          tpu.wait_indirect_dma semaphore(%run_scoped3A : memref<!tpu.dma_semaphore, #tpu.memory_space<semaphore_mem>>) src(%arg9 : memref<128x128xf32, #tpu.memory_space<vmem>>) dst(%dma_wait3A_109 : memref<10240x128xf32, #tpu.memory_space<vmem_shared>>)
          tpu.yield
        }) : () -> ()
        %add3A_80 = arith.constant 2 : i32
        %add3A_81 = arith.addi %mul3A_64, %add3A_80 : i32
        %min3A = arith.constant 39 : i32
        %min3A_82 = arith.minsi %add3A_81, %min3A : i32
        %dma_start3A_83 = arith.constant 0 : i32
        %dma_start3A_84 = tpu.memref_slice %arg7[%min3A_82, %dma_start3A_83] : memref<40x128xi32, #tpu.memory_space<vmem>> -> memref<1x128xi32, #tpu.memory_space<vmem>>
        %dma_start3A_85 = tpu.memref_squeeze %dma_start3A_84 : memref<1x128xi32, #tpu.memory_space<vmem>> -> memref<128xi32, #tpu.memory_space<vmem>>
        %dma_start3A_86 = arith.constant 0 : i32
        %dma_start3A_87 = arith.constant 0 : i32
        %dma_start3A_88 = tpu.memref_slice %arg2[%dma_start3A_86, %dma_start3A_87] : memref<80000x128xf32, #tpu.memory_space<hbm>> -> memref<80000x128xf32, #tpu.memory_space<hbm>>
        tpu.enqueue_indirect_dma source(%dma_start3A_88 : memref<80000x128xf32, #tpu.memory_space<hbm>>) target(%arg9 : memref<128x128xf32, #tpu.memory_space<vmem>>) offsets(%dma_start3A_85 : memref<128xi32, #tpu.memory_space<vmem>>) semaphore(%arg12 : memref<!tpu.dma_semaphore, #tpu.memory_space<semaphore_mem>>)
        %dma_wait3A_89 = arith.constant 0 : i32
        %dma_wait3A_90 = arith.constant 0 : i32
        %dma_wait3A_91 = tpu.memref_slice %arg7[%dma_wait3A_89, %dma_wait3A_90] : memref<40x128xi32, #tpu.memory_space<vmem>> -> memref<1x128xi32, #tpu.memory_space<vmem>>
        %dma_wait3A_92 = tpu.memref_squeeze %dma_wait3A_91 : memref<1x128xi32, #tpu.memory_space<vmem>> -> memref<128xi32, #tpu.memory_space<vmem>>
        %dma_wait3A_93 = arith.constant 0 : i32
        %dma_wait3A_94 = arith.constant 0 : i32
        %dma_wait3A_95 = tpu.memref_slice %arg2[%dma_wait3A_93, %dma_wait3A_94] : memref<80000x128xf32, #tpu.memory_space<hbm>> -> memref<80000x128xf32, #tpu.memory_space<hbm>>
        tpu.wait_indirect_dma semaphore(%arg13 : memref<!tpu.dma_semaphore, #tpu.memory_space<semaphore_mem>>) src(%dma_wait3A_95 : memref<80000x128xf32, #tpu.memory_space<hbm>>) dst(%arg10 : memref<128x128xf32, #tpu.memory_space<vmem>>)
        %add3A_96 = arith.constant 1 : i32
        %add3A_97 = arith.addi %mul3A_64, %add3A_96 : i32
        "tpu.region"() ({
          %run_scoped3A = tpu.sem_alloc : memref<!tpu.dma_semaphore, #tpu.memory_space<semaphore_mem>>
          %dma_start3A_98 = arith.constant 0 : i32
          %dma_start3A_99 = tpu.memref_slice %arg8[%add3A_97, %dma_start3A_98] : memref<40x128xi32, #tpu.memory_space<vmem>> -> memref<1x128xi32, #tpu.memory_space<vmem>>
          %dma_start3A_100 = tpu.memref_squeeze %dma_start3A_99 : memref<1x128xi32, #tpu.memory_space<vmem>> -> memref<128xi32, #tpu.memory_space<vmem>>
          %dma_start3A_101 = arith.constant 0 : i32
          %dma_start3A_102 = arith.constant 0 : i32
          %dma_start3A_103 = tpu.memref_slice %arg11[%dma_start3A_101, %dma_start3A_102] : memref<10240x128xf32, #tpu.memory_space<vmem_shared>> -> memref<10240x128xf32, #tpu.memory_space<vmem_shared>>
          tpu.enqueue_indirect_dma source(%arg10 : memref<128x128xf32, #tpu.memory_space<vmem>>) target(%dma_start3A_103 : memref<10240x128xf32, #tpu.memory_space<vmem_shared>>) offsets(%dma_start3A_100 : memref<128xi32, #tpu.memory_space<vmem>>) semaphore(%run_scoped3A : memref<!tpu.dma_semaphore, #tpu.memory_space<semaphore_mem>>) {add = true}
          %dma_wait3A_104 = arith.constant 0 : i32
          %dma_wait3A_105 = tpu.memref_slice %arg8[%add3A_97, %dma_wait3A_104] : memref<40x128xi32, #tpu.memory_space<vmem>> -> memref<1x128xi32, #tpu.memory_space<vmem>>
          %dma_wait3A_106 = tpu.memref_squeeze %dma_wait3A_105 : memref<1x128xi32, #tpu.memory_space<vmem>> -> memref<128xi32, #tpu.memory_space<vmem>>
          %dma_wait3A_107 = arith.constant 0 : i32
          %dma_wait3A_108 = arith.constant 0 : i32
          %dma_wait3A_109 = tpu.memref_slice %arg11[%dma_wait3A_107, %dma_wait3A_108] : memref<10240x128xf32, #tpu.memory_space<vmem_shared>> -> memref<10240x128xf32, #tpu.memory_space<vmem_shared>>
          tpu.wait_indirect_dma semaphore(%run_scoped3A : memref<!tpu.dma_semaphore, #tpu.memory_space<semaphore_mem>>) src(%arg10 : memref<128x128xf32, #tpu.memory_space<vmem>>) dst(%dma_wait3A_109 : memref<10240x128xf32, #tpu.memory_space<vmem_shared>>)
          tpu.yield
        }) : () -> ()
      }
      %scan3A_55 = arith.constant 20 : i32
      %dma_wait3A = arith.constant 0 : i32
      %dma_wait3A_56 = arith.constant 0 : i32
      %dma_wait3A_57 = tpu.memref_slice %arg7[%dma_wait3A, %dma_wait3A_56] : memref<40x128xi32, #tpu.memory_space<vmem>> -> memref<1x128xi32, #tpu.memory_space<vmem>>
      %dma_wait3A_58 = tpu.memref_squeeze %dma_wait3A_57 : memref<1x128xi32, #tpu.memory_space<vmem>> -> memref<128xi32, #tpu.memory_space<vmem>>
      %dma_wait3A_59 = arith.constant 0 : i32
      %dma_wait3A_60 = arith.constant 0 : i32
      %dma_wait3A_61 = tpu.memref_slice %arg2[%dma_wait3A_59, %dma_wait3A_60] : memref<80000x128xf32, #tpu.memory_space<hbm>> -> memref<80000x128xf32, #tpu.memory_space<hbm>>
      tpu.wait_indirect_dma semaphore(%arg12 : memref<!tpu.dma_semaphore, #tpu.memory_space<semaphore_mem>>) src(%dma_wait3A_61 : memref<80000x128xf32, #tpu.memory_space<hbm>>) dst(%arg9 : memref<128x128xf32, #tpu.memory_space<vmem>>)
    }
    %scan3A_22 = arith.constant 4 : i32
    %barrier3A_23 = arith.constant 0 : index
    tpu.barrier barrier_id(%barrier3A_23)
    %mul3A_24 = arith.constant 640 : i32
    %mul3A_25 = arith.muli %arg1, %mul3A_24 : i32
    %mul3A_26 = arith.constant 640 : i32
    %mul3A_27 = arith.muli %arg1, %mul3A_26 : i32
    %mul3A_28 = arith.constant 128 : i32
    %mul3A_29 = arith.muli %arg0, %mul3A_28 : i32
    "tpu.region"() ({
      %run_scoped3A = tpu.sem_alloc : memref<!tpu.dma_semaphore, #tpu.memory_space<semaphore_mem>>
      %dma_start3A = tpu.memref_slice %arg6[%mul3A_27, %mul3A_29] : memref<10240x256xf32, #tpu.memory_space<hbm>> -> memref<640x128xf32, #tpu.memory_space<hbm>>
      %dma_start3A_30 = arith.constant 0 : i32
      %dma_start3A_31 = tpu.memref_slice %arg11[%mul3A_25, %dma_start3A_30] : memref<10240x128xf32, #tpu.memory_space<vmem_shared>> -> memref<640x128xf32, #tpu.memory_space<vmem_shared>>
      tpu.enqueue_dma source(%dma_start3A_31 : memref<640x128xf32, #tpu.memory_space<vmem_shared>>) target(%dma_start3A : memref<640x128xf32, #tpu.memory_space<hbm>>) target_semaphore(%run_scoped3A : memref<!tpu.dma_semaphore, #tpu.memory_space<semaphore_mem>>)
      %dma_wait3A = tpu.memref_slice %arg6[%mul3A_27, %mul3A_29] : memref<10240x256xf32, #tpu.memory_space<hbm>> -> memref<640x128xf32, #tpu.memory_space<hbm>>
      %dma_wait3A_32 = arith.constant 0 : i32
      %dma_wait3A_33 = tpu.memref_slice %arg11[%mul3A_25, %dma_wait3A_32] : memref<10240x128xf32, #tpu.memory_space<vmem_shared>> -> memref<640x128xf32, #tpu.memory_space<vmem_shared>>
      tpu.wait_dma2 semaphore(%run_scoped3A : memref<!tpu.dma_semaphore, #tpu.memory_space<semaphore_mem>>) src(%dma_wait3A_33 : memref<640x128xf32, #tpu.memory_space<vmem_shared>>) dst(%dma_wait3A : memref<640x128xf32, #tpu.memory_space<hbm>>)
      tpu.yield
    }) : () -> ()
    return
  }
}

#map = affine_map<(d0, d1) -> (0, 0)>
module attributes {stable_mosaic.version = 14 : i64} {
  func.func @_sc_agg(%arg0: i32, %arg1: i32, %arg2: memref<80000x128xf32, #tpu.memory_space<hbm>>, %arg3: memref<5120x128xi32, #tpu.memory_space<hbm>>, %arg4: memref<2560x128xi32, #tpu.memory_space<hbm>>, %arg5: memref<128x128xf32, #tpu.memory_space<hbm>>, %arg6: memref<10240x256xf32, #tpu.memory_space<hbm>>, %arg7: memref<40x128xi32, #tpu.memory_space<vmem>>, %arg8: memref<40x128xi32, #tpu.memory_space<vmem>>, %arg9: memref<128x128xf32, #tpu.memory_space<vmem>>, %arg10: memref<128x128xf32, #tpu.memory_space<vmem>>, %arg11: memref<10240x128xf32, #tpu.memory_space<vmem_shared>>, %arg12: memref<!tpu.dma_semaphore, #tpu.memory_space<semaphore_mem>>, %arg13: memref<!tpu.dma_semaphore, #tpu.memory_space<semaphore_mem>>) attributes {dimension_semantics = [#tpu.dimension_semantics<core_parallel>, #tpu.dimension_semantics<subcore_parallel>], iteration_bounds = array<i64: 2, 16>, scalar_prefetch = 0 : i64, scratch_operands = 7 : i64, tpu.core_type = #tpu.core_type<sc_vector_subcore>, window_params = [{transform_indices = #map}, {transform_indices = #map}, {transform_indices = #map}, {transform_indices = #map}, {transform_indices = #map}]} {
    "tpu.region"() ({
      %run_scoped3A = tpu.sem_alloc : memref<!tpu.dma_semaphore, #tpu.memory_space<semaphore_mem>>
      tpu.enqueue_dma source(%arg5 : memref<128x128xf32, #tpu.memory_space<hbm>>) target(%arg9 : memref<128x128xf32, #tpu.memory_space<vmem>>) target_semaphore(%run_scoped3A : memref<!tpu.dma_semaphore, #tpu.memory_space<semaphore_mem>>)
      tpu.wait_dma2 semaphore(%run_scoped3A : memref<!tpu.dma_semaphore, #tpu.memory_space<semaphore_mem>>) src(%arg5 : memref<128x128xf32, #tpu.memory_space<hbm>>) dst(%arg9 : memref<128x128xf32, #tpu.memory_space<vmem>>)
      tpu.yield
    }) : () -> ()
    %mul3A = arith.constant 640 : i32
    %mul3A_0 = arith.muli %arg1, %mul3A : i32
    %add3A = arith.constant 0 : i32
    %add3A_1 = arith.addi %mul3A_0, %add3A : i32
    "tpu.region"() ({
      %run_scoped3A = tpu.sem_alloc : memref<!tpu.dma_semaphore, #tpu.memory_space<semaphore_mem>>
      %dma_start3A = arith.constant 0 : i32
      %dma_start3A_30 = tpu.memref_slice %arg11[%add3A_1, %dma_start3A] : memref<10240x128xf32, #tpu.memory_space<vmem_shared>> -> memref<128x128xf32, #tpu.memory_space<vmem_shared>>
      %dma_start3A_31 = arith.constant 0 : i32
      %dma_start3A_32 = tpu.memref_slice %arg11[%add3A_1, %dma_start3A_31] : memref<10240x128xf32, #tpu.memory_space<vmem_shared>> -> memref<128x128xf32, #tpu.memory_space<vmem_shared>>
      tpu.enqueue_dma source(%arg9 : memref<128x128xf32, #tpu.memory_space<vmem>>) target(%dma_start3A_32 : memref<128x128xf32, #tpu.memory_space<vmem_shared>>) target_semaphore(%run_scoped3A : memref<!tpu.dma_semaphore, #tpu.memory_space<semaphore_mem>>)
      %dma_wait3A = arith.constant 0 : i32
      %dma_wait3A_33 = tpu.memref_slice %arg11[%add3A_1, %dma_wait3A] : memref<10240x128xf32, #tpu.memory_space<vmem_shared>> -> memref<128x128xf32, #tpu.memory_space<vmem_shared>>
      %dma_wait3A_34 = arith.constant 0 : i32
      %dma_wait3A_35 = tpu.memref_slice %arg11[%add3A_1, %dma_wait3A_34] : memref<10240x128xf32, #tpu.memory_space<vmem_shared>> -> memref<128x128xf32, #tpu.memory_space<vmem_shared>>
      tpu.wait_dma2 semaphore(%run_scoped3A : memref<!tpu.dma_semaphore, #tpu.memory_space<semaphore_mem>>) src(%arg9 : memref<128x128xf32, #tpu.memory_space<vmem>>) dst(%dma_wait3A_35 : memref<128x128xf32, #tpu.memory_space<vmem_shared>>)
      tpu.yield
    }) : () -> ()
    %mul3A_2 = arith.constant 640 : i32
    %mul3A_3 = arith.muli %arg1, %mul3A_2 : i32
    %add3A_4 = arith.constant 128 : i32
    %add3A_5 = arith.addi %mul3A_3, %add3A_4 : i32
    "tpu.region"() ({
      %run_scoped3A = tpu.sem_alloc : memref<!tpu.dma_semaphore, #tpu.memory_space<semaphore_mem>>
      %dma_start3A = arith.constant 0 : i32
      %dma_start3A_30 = tpu.memref_slice %arg11[%add3A_5, %dma_start3A] : memref<10240x128xf32, #tpu.memory_space<vmem_shared>> -> memref<128x128xf32, #tpu.memory_space<vmem_shared>>
      %dma_start3A_31 = arith.constant 0 : i32
      %dma_start3A_32 = tpu.memref_slice %arg11[%add3A_5, %dma_start3A_31] : memref<10240x128xf32, #tpu.memory_space<vmem_shared>> -> memref<128x128xf32, #tpu.memory_space<vmem_shared>>
      tpu.enqueue_dma source(%arg9 : memref<128x128xf32, #tpu.memory_space<vmem>>) target(%dma_start3A_32 : memref<128x128xf32, #tpu.memory_space<vmem_shared>>) target_semaphore(%run_scoped3A : memref<!tpu.dma_semaphore, #tpu.memory_space<semaphore_mem>>)
      %dma_wait3A = arith.constant 0 : i32
      %dma_wait3A_33 = tpu.memref_slice %arg11[%add3A_5, %dma_wait3A] : memref<10240x128xf32, #tpu.memory_space<vmem_shared>> -> memref<128x128xf32, #tpu.memory_space<vmem_shared>>
      %dma_wait3A_34 = arith.constant 0 : i32
      %dma_wait3A_35 = tpu.memref_slice %arg11[%add3A_5, %dma_wait3A_34] : memref<10240x128xf32, #tpu.memory_space<vmem_shared>> -> memref<128x128xf32, #tpu.memory_space<vmem_shared>>
      tpu.wait_dma2 semaphore(%run_scoped3A : memref<!tpu.dma_semaphore, #tpu.memory_space<semaphore_mem>>) src(%arg9 : memref<128x128xf32, #tpu.memory_space<vmem>>) dst(%dma_wait3A_35 : memref<128x128xf32, #tpu.memory_space<vmem_shared>>)
      tpu.yield
    }) : () -> ()
    %mul3A_6 = arith.constant 640 : i32
    %mul3A_7 = arith.muli %arg1, %mul3A_6 : i32
    %add3A_8 = arith.constant 256 : i32
    %add3A_9 = arith.addi %mul3A_7, %add3A_8 : i32
    "tpu.region"() ({
      %run_scoped3A = tpu.sem_alloc : memref<!tpu.dma_semaphore, #tpu.memory_space<semaphore_mem>>
      %dma_start3A = arith.constant 0 : i32
      %dma_start3A_30 = tpu.memref_slice %arg11[%add3A_9, %dma_start3A] : memref<10240x128xf32, #tpu.memory_space<vmem_shared>> -> memref<128x128xf32, #tpu.memory_space<vmem_shared>>
      %dma_start3A_31 = arith.constant 0 : i32
      %dma_start3A_32 = tpu.memref_slice %arg11[%add3A_9, %dma_start3A_31] : memref<10240x128xf32, #tpu.memory_space<vmem_shared>> -> memref<128x128xf32, #tpu.memory_space<vmem_shared>>
      tpu.enqueue_dma source(%arg9 : memref<128x128xf32, #tpu.memory_space<vmem>>) target(%dma_start3A_32 : memref<128x128xf32, #tpu.memory_space<vmem_shared>>) target_semaphore(%run_scoped3A : memref<!tpu.dma_semaphore, #tpu.memory_space<semaphore_mem>>)
      %dma_wait3A = arith.constant 0 : i32
      %dma_wait3A_33 = tpu.memref_slice %arg11[%add3A_9, %dma_wait3A] : memref<10240x128xf32, #tpu.memory_space<vmem_shared>> -> memref<128x128xf32, #tpu.memory_space<vmem_shared>>
      %dma_wait3A_34 = arith.constant 0 : i32
      %dma_wait3A_35 = tpu.memref_slice %arg11[%add3A_9, %dma_wait3A_34] : memref<10240x128xf32, #tpu.memory_space<vmem_shared>> -> memref<128x128xf32, #tpu.memory_space<vmem_shared>>
      tpu.wait_dma2 semaphore(%run_scoped3A : memref<!tpu.dma_semaphore, #tpu.memory_space<semaphore_mem>>) src(%arg9 : memref<128x128xf32, #tpu.memory_space<vmem>>) dst(%dma_wait3A_35 : memref<128x128xf32, #tpu.memory_space<vmem_shared>>)
      tpu.yield
    }) : () -> ()
    %mul3A_10 = arith.constant 640 : i32
    %mul3A_11 = arith.muli %arg1, %mul3A_10 : i32
    %add3A_12 = arith.constant 384 : i32
    %add3A_13 = arith.addi %mul3A_11, %add3A_12 : i32
    "tpu.region"() ({
      %run_scoped3A = tpu.sem_alloc : memref<!tpu.dma_semaphore, #tpu.memory_space<semaphore_mem>>
      %dma_start3A = arith.constant 0 : i32
      %dma_start3A_30 = tpu.memref_slice %arg11[%add3A_13, %dma_start3A] : memref<10240x128xf32, #tpu.memory_space<vmem_shared>> -> memref<128x128xf32, #tpu.memory_space<vmem_shared>>
      %dma_start3A_31 = arith.constant 0 : i32
      %dma_start3A_32 = tpu.memref_slice %arg11[%add3A_13, %dma_start3A_31] : memref<10240x128xf32, #tpu.memory_space<vmem_shared>> -> memref<128x128xf32, #tpu.memory_space<vmem_shared>>
      tpu.enqueue_dma source(%arg9 : memref<128x128xf32, #tpu.memory_space<vmem>>) target(%dma_start3A_32 : memref<128x128xf32, #tpu.memory_space<vmem_shared>>) target_semaphore(%run_scoped3A : memref<!tpu.dma_semaphore, #tpu.memory_space<semaphore_mem>>)
      %dma_wait3A = arith.constant 0 : i32
      %dma_wait3A_33 = tpu.memref_slice %arg11[%add3A_13, %dma_wait3A] : memref<10240x128xf32, #tpu.memory_space<vmem_shared>> -> memref<128x128xf32, #tpu.memory_space<vmem_shared>>
      %dma_wait3A_34 = arith.constant 0 : i32
      %dma_wait3A_35 = tpu.memref_slice %arg11[%add3A_13, %dma_wait3A_34] : memref<10240x128xf32, #tpu.memory_space<vmem_shared>> -> memref<128x128xf32, #tpu.memory_space<vmem_shared>>
      tpu.wait_dma2 semaphore(%run_scoped3A : memref<!tpu.dma_semaphore, #tpu.memory_space<semaphore_mem>>) src(%arg9 : memref<128x128xf32, #tpu.memory_space<vmem>>) dst(%dma_wait3A_35 : memref<128x128xf32, #tpu.memory_space<vmem_shared>>)
      tpu.yield
    }) : () -> ()
    %mul3A_14 = arith.constant 640 : i32
    %mul3A_15 = arith.muli %arg1, %mul3A_14 : i32
    %add3A_16 = arith.constant 512 : i32
    %add3A_17 = arith.addi %mul3A_15, %add3A_16 : i32
    "tpu.region"() ({
      %run_scoped3A = tpu.sem_alloc : memref<!tpu.dma_semaphore, #tpu.memory_space<semaphore_mem>>
      %dma_start3A = arith.constant 0 : i32
      %dma_start3A_30 = tpu.memref_slice %arg11[%add3A_17, %dma_start3A] : memref<10240x128xf32, #tpu.memory_space<vmem_shared>> -> memref<128x128xf32, #tpu.memory_space<vmem_shared>>
      %dma_start3A_31 = arith.constant 0 : i32
      %dma_start3A_32 = tpu.memref_slice %arg11[%add3A_17, %dma_start3A_31] : memref<10240x128xf32, #tpu.memory_space<vmem_shared>> -> memref<128x128xf32, #tpu.memory_space<vmem_shared>>
      tpu.enqueue_dma source(%arg9 : memref<128x128xf32, #tpu.memory_space<vmem>>) target(%dma_start3A_32 : memref<128x128xf32, #tpu.memory_space<vmem_shared>>) target_semaphore(%run_scoped3A : memref<!tpu.dma_semaphore, #tpu.memory_space<semaphore_mem>>)
      %dma_wait3A = arith.constant 0 : i32
      %dma_wait3A_33 = tpu.memref_slice %arg11[%add3A_17, %dma_wait3A] : memref<10240x128xf32, #tpu.memory_space<vmem_shared>> -> memref<128x128xf32, #tpu.memory_space<vmem_shared>>
      %dma_wait3A_34 = arith.constant 0 : i32
      %dma_wait3A_35 = tpu.memref_slice %arg11[%add3A_17, %dma_wait3A_34] : memref<10240x128xf32, #tpu.memory_space<vmem_shared>> -> memref<128x128xf32, #tpu.memory_space<vmem_shared>>
      tpu.wait_dma2 semaphore(%run_scoped3A : memref<!tpu.dma_semaphore, #tpu.memory_space<semaphore_mem>>) src(%arg9 : memref<128x128xf32, #tpu.memory_space<vmem>>) dst(%dma_wait3A_35 : memref<128x128xf32, #tpu.memory_space<vmem_shared>>)
      tpu.yield
    }) : () -> ()
    %barrier3A = arith.constant 0 : index
    tpu.barrier barrier_id(%barrier3A)
    %scan3A = arith.constant 0 : i32
    %scan3A_18 = arith.constant 0 : i32
    %scan3A_19 = arith.constant 4 : i32
    %scan3A_20 = arith.addi %scan3A_18, %scan3A_19 : i32
    %scan3A_21 = arith.constant 1 : i32
    scf.for %scan3A_30 = %scan3A_18 to %scan3A_20 step %scan3A_21  : i32 {
      %mul3A_31 = arith.constant 2560 : i32
      %mul3A_32 = arith.muli %arg0, %mul3A_31 : i32
      %mul3A_33 = arith.constant 160 : i32
      %mul3A_34 = arith.muli %arg1, %mul3A_33 : i32
      %add3A_35 = arith.addi %mul3A_32, %mul3A_34 : i32
      %mul3A_36 = arith.constant 40 : i32
      %mul3A_37 = arith.muli %scan3A_30, %mul3A_36 : i32
      %add3A_38 = arith.addi %add3A_35, %mul3A_37 : i32
      "tpu.region"() ({
        %run_scoped3A = tpu.sem_alloc : memref<!tpu.dma_semaphore, #tpu.memory_space<semaphore_mem>>
        %dma_start3A_62 = arith.constant 0 : i32
        %dma_start3A_63 = tpu.memref_slice %arg3[%add3A_38, %dma_start3A_62] : memref<5120x128xi32, #tpu.memory_space<hbm>> -> memref<40x128xi32, #tpu.memory_space<hbm>>
        %dma_start3A_64 = arith.constant 0 : i32
        %dma_start3A_65 = tpu.memref_slice %arg3[%add3A_38, %dma_start3A_64] : memref<5120x128xi32, #tpu.memory_space<hbm>> -> memref<40x128xi32, #tpu.memory_space<hbm>>
        tpu.enqueue_dma source(%dma_start3A_65 : memref<40x128xi32, #tpu.memory_space<hbm>>) target(%arg7 : memref<40x128xi32, #tpu.memory_space<vmem>>) target_semaphore(%run_scoped3A : memref<!tpu.dma_semaphore, #tpu.memory_space<semaphore_mem>>)
        %dma_wait3A_66 = arith.constant 0 : i32
        %dma_wait3A_67 = tpu.memref_slice %arg3[%add3A_38, %dma_wait3A_66] : memref<5120x128xi32, #tpu.memory_space<hbm>> -> memref<40x128xi32, #tpu.memory_space<hbm>>
        %dma_wait3A_68 = arith.constant 0 : i32
        %dma_wait3A_69 = tpu.memref_slice %arg3[%add3A_38, %dma_wait3A_68] : memref<5120x128xi32, #tpu.memory_space<hbm>> -> memref<40x128xi32, #tpu.memory_space<hbm>>
        tpu.wait_dma2 semaphore(%run_scoped3A : memref<!tpu.dma_semaphore, #tpu.memory_space<semaphore_mem>>) src(%dma_wait3A_69 : memref<40x128xi32, #tpu.memory_space<hbm>>) dst(%arg7 : memref<40x128xi32, #tpu.memory_space<vmem>>)
        tpu.yield
      }) : () -> ()
      %mul3A_39 = arith.constant 160 : i32
      %mul3A_40 = arith.muli %arg1, %mul3A_39 : i32
      %mul3A_41 = arith.constant 40 : i32
      %mul3A_42 = arith.muli %scan3A_30, %mul3A_41 : i32
      %add3A_43 = arith.addi %mul3A_40, %mul3A_42 : i32
      "tpu.region"() ({
        %run_scoped3A = tpu.sem_alloc : memref<!tpu.dma_semaphore, #tpu.memory_space<semaphore_mem>>
        %dma_start3A_62 = arith.constant 0 : i32
        %dma_start3A_63 = tpu.memref_slice %arg4[%add3A_43, %dma_start3A_62] : memref<2560x128xi32, #tpu.memory_space<hbm>> -> memref<40x128xi32, #tpu.memory_space<hbm>>
        %dma_start3A_64 = arith.constant 0 : i32
        %dma_start3A_65 = tpu.memref_slice %arg4[%add3A_43, %dma_start3A_64] : memref<2560x128xi32, #tpu.memory_space<hbm>> -> memref<40x128xi32, #tpu.memory_space<hbm>>
        tpu.enqueue_dma source(%dma_start3A_65 : memref<40x128xi32, #tpu.memory_space<hbm>>) target(%arg8 : memref<40x128xi32, #tpu.memory_space<vmem>>) target_semaphore(%run_scoped3A : memref<!tpu.dma_semaphore, #tpu.memory_space<semaphore_mem>>)
        %dma_wait3A_66 = arith.constant 0 : i32
        %dma_wait3A_67 = tpu.memref_slice %arg4[%add3A_43, %dma_wait3A_66] : memref<2560x128xi32, #tpu.memory_space<hbm>> -> memref<40x128xi32, #tpu.memory_space<hbm>>
        %dma_wait3A_68 = arith.constant 0 : i32
        %dma_wait3A_69 = tpu.memref_slice %arg4[%add3A_43, %dma_wait3A_68] : memref<2560x128xi32, #tpu.memory_space<hbm>> -> memref<40x128xi32, #tpu.memory_space<hbm>>
        tpu.wait_dma2 semaphore(%run_scoped3A : memref<!tpu.dma_semaphore, #tpu.memory_space<semaphore_mem>>) src(%dma_wait3A_69 : memref<40x128xi32, #tpu.memory_space<hbm>>) dst(%arg8 : memref<40x128xi32, #tpu.memory_space<vmem>>)
        tpu.yield
      }) : () -> ()
      %dma_start3A = arith.constant 0 : i32
      %dma_start3A_44 = arith.constant 0 : i32
      %dma_start3A_45 = tpu.memref_slice %arg7[%dma_start3A, %dma_start3A_44] : memref<40x128xi32, #tpu.memory_space<vmem>> -> memref<1x128xi32, #tpu.memory_space<vmem>>
      %dma_start3A_46 = tpu.memref_squeeze %dma_start3A_45 : memref<1x128xi32, #tpu.memory_space<vmem>> -> memref<128xi32, #tpu.memory_space<vmem>>
      %dma_start3A_47 = arith.constant 0 : i32
      %dma_start3A_48 = arith.constant 0 : i32
      %dma_start3A_49 = tpu.memref_slice %arg2[%dma_start3A_47, %dma_start3A_48] : memref<80000x128xf32, #tpu.memory_space<hbm>> -> memref<80000x128xf32, #tpu.memory_space<hbm>>
      tpu.enqueue_indirect_dma source(%dma_start3A_49 : memref<80000x128xf32, #tpu.memory_space<hbm>>) target(%arg9 : memref<128x128xf32, #tpu.memory_space<vmem>>) offsets(%dma_start3A_46 : memref<128xi32, #tpu.memory_space<vmem>>) semaphore(%arg12 : memref<!tpu.dma_semaphore, #tpu.memory_space<semaphore_mem>>)
      %scan3A_50 = arith.constant 0 : i32
      %scan3A_51 = arith.constant 0 : i32
      %scan3A_52 = arith.constant 20 : i32
      %scan3A_53 = arith.addi %scan3A_51, %scan3A_52 : i32
      %scan3A_54 = arith.constant 1 : i32
      scf.for %scan3A_62 = %scan3A_51 to %scan3A_53 step %scan3A_54  : i32 {
        %mul3A_63 = arith.constant 2 : i32
        %mul3A_64 = arith.muli %mul3A_63, %scan3A_62 : i32
        %add3A_65 = arith.constant 1 : i32
        %add3A_66 = arith.addi %mul3A_64, %add3A_65 : i32
        %dma_start3A_67 = arith.constant 0 : i32
        %dma_start3A_68 = tpu.memref_slice %arg7[%add3A_66, %dma_start3A_67] : memref<40x128xi32, #tpu.memory_space<vmem>> -> memref<1x128xi32, #tpu.memory_space<vmem>>
        %dma_start3A_69 = tpu.memref_squeeze %dma_start3A_68 : memref<1x128xi32, #tpu.memory_space<vmem>> -> memref<128xi32, #tpu.memory_space<vmem>>
        %dma_start3A_70 = arith.constant 0 : i32
        %dma_start3A_71 = arith.constant 0 : i32
        %dma_start3A_72 = tpu.memref_slice %arg2[%dma_start3A_70, %dma_start3A_71] : memref<80000x128xf32, #tpu.memory_space<hbm>> -> memref<80000x128xf32, #tpu.memory_space<hbm>>
        tpu.enqueue_indirect_dma source(%dma_start3A_72 : memref<80000x128xf32, #tpu.memory_space<hbm>>) target(%arg10 : memref<128x128xf32, #tpu.memory_space<vmem>>) offsets(%dma_start3A_69 : memref<128xi32, #tpu.memory_space<vmem>>) semaphore(%arg13 : memref<!tpu.dma_semaphore, #tpu.memory_space<semaphore_mem>>)
        %dma_wait3A_73 = arith.constant 0 : i32
        %dma_wait3A_74 = arith.constant 0 : i32
        %dma_wait3A_75 = tpu.memref_slice %arg7[%dma_wait3A_73, %dma_wait3A_74] : memref<40x128xi32, #tpu.memory_space<vmem>> -> memref<1x128xi32, #tpu.memory_space<vmem>>
        %dma_wait3A_76 = tpu.memref_squeeze %dma_wait3A_75 : memref<1x128xi32, #tpu.memory_space<vmem>> -> memref<128xi32, #tpu.memory_space<vmem>>
        %dma_wait3A_77 = arith.constant 0 : i32
        %dma_wait3A_78 = arith.constant 0 : i32
        %dma_wait3A_79 = tpu.memref_slice %arg2[%dma_wait3A_77, %dma_wait3A_78] : memref<80000x128xf32, #tpu.memory_space<hbm>> -> memref<80000x128xf32, #tpu.memory_space<hbm>>
        tpu.wait_indirect_dma semaphore(%arg12 : memref<!tpu.dma_semaphore, #tpu.memory_space<semaphore_mem>>) src(%dma_wait3A_79 : memref<80000x128xf32, #tpu.memory_space<hbm>>) dst(%arg9 : memref<128x128xf32, #tpu.memory_space<vmem>>)
        "tpu.region"() ({
          %run_scoped3A = tpu.sem_alloc : memref<!tpu.dma_semaphore, #tpu.memory_space<semaphore_mem>>
          %dma_start3A_98 = arith.constant 0 : i32
          %dma_start3A_99 = tpu.memref_slice %arg8[%mul3A_64, %dma_start3A_98] : memref<40x128xi32, #tpu.memory_space<vmem>> -> memref<1x128xi32, #tpu.memory_space<vmem>>
          %dma_start3A_100 = tpu.memref_squeeze %dma_start3A_99 : memref<1x128xi32, #tpu.memory_space<vmem>> -> memref<128xi32, #tpu.memory_space<vmem>>
          %dma_start3A_101 = arith.constant 0 : i32
          %dma_start3A_102 = arith.constant 0 : i32
          %dma_start3A_103 = tpu.memref_slice %arg11[%dma_start3A_101, %dma_start3A_102] : memref<10240x128xf32, #tpu.memory_space<vmem_shared>> -> memref<10240x128xf32, #tpu.memory_space<vmem_shared>>
          tpu.enqueue_indirect_dma source(%arg9 : memref<128x128xf32, #tpu.memory_space<vmem>>) target(%dma_start3A_103 : memref<10240x128xf32, #tpu.memory_space<vmem_shared>>) offsets(%dma_start3A_100 : memref<128xi32, #tpu.memory_space<vmem>>) semaphore(%run_scoped3A : memref<!tpu.dma_semaphore, #tpu.memory_space<semaphore_mem>>) {add = true}
          %dma_wait3A_104 = arith.constant 0 : i32
          %dma_wait3A_105 = tpu.memref_slice %arg8[%mul3A_64, %dma_wait3A_104] : memref<40x128xi32, #tpu.memory_space<vmem>> -> memref<1x128xi32, #tpu.memory_space<vmem>>
          %dma_wait3A_106 = tpu.memref_squeeze %dma_wait3A_105 : memref<1x128xi32, #tpu.memory_space<vmem>> -> memref<128xi32, #tpu.memory_space<vmem>>
          %dma_wait3A_107 = arith.constant 0 : i32
          %dma_wait3A_108 = arith.constant 0 : i32
          %dma_wait3A_109 = tpu.memref_slice %arg11[%dma_wait3A_107, %dma_wait3A_108] : memref<10240x128xf32, #tpu.memory_space<vmem_shared>> -> memref<10240x128xf32, #tpu.memory_space<vmem_shared>>
          tpu.wait_indirect_dma semaphore(%run_scoped3A : memref<!tpu.dma_semaphore, #tpu.memory_space<semaphore_mem>>) src(%arg9 : memref<128x128xf32, #tpu.memory_space<vmem>>) dst(%dma_wait3A_109 : memref<10240x128xf32, #tpu.memory_space<vmem_shared>>)
          tpu.yield
        }) : () -> ()
        %add3A_80 = arith.constant 2 : i32
        %add3A_81 = arith.addi %mul3A_64, %add3A_80 : i32
        %min3A = arith.constant 39 : i32
        %min3A_82 = arith.minsi %add3A_81, %min3A : i32
        %dma_start3A_83 = arith.constant 0 : i32
        %dma_start3A_84 = tpu.memref_slice %arg7[%min3A_82, %dma_start3A_83] : memref<40x128xi32, #tpu.memory_space<vmem>> -> memref<1x128xi32, #tpu.memory_space<vmem>>
        %dma_start3A_85 = tpu.memref_squeeze %dma_start3A_84 : memref<1x128xi32, #tpu.memory_space<vmem>> -> memref<128xi32, #tpu.memory_space<vmem>>
        %dma_start3A_86 = arith.constant 0 : i32
        %dma_start3A_87 = arith.constant 0 : i32
        %dma_start3A_88 = tpu.memref_slice %arg2[%dma_start3A_86, %dma_start3A_87] : memref<80000x128xf32, #tpu.memory_space<hbm>> -> memref<80000x128xf32, #tpu.memory_space<hbm>>
        tpu.enqueue_indirect_dma source(%dma_start3A_88 : memref<80000x128xf32, #tpu.memory_space<hbm>>) target(%arg9 : memref<128x128xf32, #tpu.memory_space<vmem>>) offsets(%dma_start3A_85 : memref<128xi32, #tpu.memory_space<vmem>>) semaphore(%arg12 : memref<!tpu.dma_semaphore, #tpu.memory_space<semaphore_mem>>)
        %dma_wait3A_89 = arith.constant 0 : i32
        %dma_wait3A_90 = arith.constant 0 : i32
        %dma_wait3A_91 = tpu.memref_slice %arg7[%dma_wait3A_89, %dma_wait3A_90] : memref<40x128xi32, #tpu.memory_space<vmem>> -> memref<1x128xi32, #tpu.memory_space<vmem>>
        %dma_wait3A_92 = tpu.memref_squeeze %dma_wait3A_91 : memref<1x128xi32, #tpu.memory_space<vmem>> -> memref<128xi32, #tpu.memory_space<vmem>>
        %dma_wait3A_93 = arith.constant 0 : i32
        %dma_wait3A_94 = arith.constant 0 : i32
        %dma_wait3A_95 = tpu.memref_slice %arg2[%dma_wait3A_93, %dma_wait3A_94] : memref<80000x128xf32, #tpu.memory_space<hbm>> -> memref<80000x128xf32, #tpu.memory_space<hbm>>
        tpu.wait_indirect_dma semaphore(%arg13 : memref<!tpu.dma_semaphore, #tpu.memory_space<semaphore_mem>>) src(%dma_wait3A_95 : memref<80000x128xf32, #tpu.memory_space<hbm>>) dst(%arg10 : memref<128x128xf32, #tpu.memory_space<vmem>>)
        %add3A_96 = arith.constant 1 : i32
        %add3A_97 = arith.addi %mul3A_64, %add3A_96 : i32
        "tpu.region"() ({
          %run_scoped3A = tpu.sem_alloc : memref<!tpu.dma_semaphore, #tpu.memory_space<semaphore_mem>>
          %dma_start3A_98 = arith.constant 0 : i32
          %dma_start3A_99 = tpu.memref_slice %arg8[%add3A_97, %dma_start3A_98] : memref<40x128xi32, #tpu.memory_space<vmem>> -> memref<1x128xi32, #tpu.memory_space<vmem>>
          %dma_start3A_100 = tpu.memref_squeeze %dma_start3A_99 : memref<1x128xi32, #tpu.memory_space<vmem>> -> memref<128xi32, #tpu.memory_space<vmem>>
          %dma_start3A_101 = arith.constant 0 : i32
          %dma_start3A_102 = arith.constant 0 : i32
          %dma_start3A_103 = tpu.memref_slice %arg11[%dma_start3A_101, %dma_start3A_102] : memref<10240x128xf32, #tpu.memory_space<vmem_shared>> -> memref<10240x128xf32, #tpu.memory_space<vmem_shared>>
          tpu.enqueue_indirect_dma source(%arg10 : memref<128x128xf32, #tpu.memory_space<vmem>>) target(%dma_start3A_103 : memref<10240x128xf32, #tpu.memory_space<vmem_shared>>) offsets(%dma_start3A_100 : memref<128xi32, #tpu.memory_space<vmem>>) semaphore(%run_scoped3A : memref<!tpu.dma_semaphore, #tpu.memory_space<semaphore_mem>>) {add = true}
          %dma_wait3A_104 = arith.constant 0 : i32
          %dma_wait3A_105 = tpu.memref_slice %arg8[%add3A_97, %dma_wait3A_104] : memref<40x128xi32, #tpu.memory_space<vmem>> -> memref<1x128xi32, #tpu.memory_space<vmem>>
          %dma_wait3A_106 = tpu.memref_squeeze %dma_wait3A_105 : memref<1x128xi32, #tpu.memory_space<vmem>> -> memref<128xi32, #tpu.memory_space<vmem>>
          %dma_wait3A_107 = arith.constant 0 : i32
          %dma_wait3A_108 = arith.constant 0 : i32
          %dma_wait3A_109 = tpu.memref_slice %arg11[%dma_wait3A_107, %dma_wait3A_108] : memref<10240x128xf32, #tpu.memory_space<vmem_shared>> -> memref<10240x128xf32, #tpu.memory_space<vmem_shared>>
          tpu.wait_indirect_dma semaphore(%run_scoped3A : memref<!tpu.dma_semaphore, #tpu.memory_space<semaphore_mem>>) src(%arg10 : memref<128x128xf32, #tpu.memory_space<vmem>>) dst(%dma_wait3A_109 : memref<10240x128xf32, #tpu.memory_space<vmem_shared>>)
          tpu.yield
        }) : () -> ()
      }
      %scan3A_55 = arith.constant 20 : i32
      %dma_wait3A = arith.constant 0 : i32
      %dma_wait3A_56 = arith.constant 0 : i32
      %dma_wait3A_57 = tpu.memref_slice %arg7[%dma_wait3A, %dma_wait3A_56] : memref<40x128xi32, #tpu.memory_space<vmem>> -> memref<1x128xi32, #tpu.memory_space<vmem>>
      %dma_wait3A_58 = tpu.memref_squeeze %dma_wait3A_57 : memref<1x128xi32, #tpu.memory_space<vmem>> -> memref<128xi32, #tpu.memory_space<vmem>>
      %dma_wait3A_59 = arith.constant 0 : i32
      %dma_wait3A_60 = arith.constant 0 : i32
      %dma_wait3A_61 = tpu.memref_slice %arg2[%dma_wait3A_59, %dma_wait3A_60] : memref<80000x128xf32, #tpu.memory_space<hbm>> -> memref<80000x128xf32, #tpu.memory_space<hbm>>
      tpu.wait_indirect_dma semaphore(%arg12 : memref<!tpu.dma_semaphore, #tpu.memory_space<semaphore_mem>>) src(%dma_wait3A_61 : memref<80000x128xf32, #tpu.memory_space<hbm>>) dst(%arg9 : memref<128x128xf32, #tpu.memory_space<vmem>>)
    }
    %scan3A_22 = arith.constant 4 : i32
    %barrier3A_23 = arith.constant 0 : index
    tpu.barrier barrier_id(%barrier3A_23)
    %mul3A_24 = arith.constant 640 : i32
    %mul3A_25 = arith.muli %arg1, %mul3A_24 : i32
    %mul3A_26 = arith.constant 640 : i32
    %mul3A_27 = arith.muli %arg1, %mul3A_26 : i32
    %mul3A_28 = arith.constant 128 : i32
    %mul3A_29 = arith.muli %arg0, %mul3A_28 : i32
    "tpu.region"() ({
      %run_scoped3A = tpu.sem_alloc : memref<!tpu.dma_semaphore, #tpu.memory_space<semaphore_mem>>
      %dma_start3A = tpu.memref_slice %arg6[%mul3A_27, %mul3A_29] : memref<10240x256xf32, #tpu.memory_space<hbm>> -> memref<640x128xf32, #tpu.memory_space<hbm>>
      %dma_start3A_30 = arith.constant 0 : i32
      %dma_start3A_31 = tpu.memref_slice %arg11[%mul3A_25, %dma_start3A_30] : memref<10240x128xf32, #tpu.memory_space<vmem_shared>> -> memref<640x128xf32, #tpu.memory_space<vmem_shared>>
      tpu.enqueue_dma source(%dma_start3A_31 : memref<640x128xf32, #tpu.memory_space<vmem_shared>>) target(%dma_start3A : memref<640x128xf32, #tpu.memory_space<hbm>>) target_semaphore(%run_scoped3A : memref<!tpu.dma_semaphore, #tpu.memory_space<semaphore_mem>>)
      %dma_wait3A = tpu.memref_slice %arg6[%mul3A_27, %mul3A_29] : memref<10240x256xf32, #tpu.memory_space<hbm>> -> memref<640x128xf32, #tpu.memory_space<hbm>>
      %dma_wait3A_32 = arith.constant 0 : i32
      %dma_wait3A_33 = tpu.memref_slice %arg11[%mul3A_25, %dma_wait3A_32] : memref<10240x128xf32, #tpu.memory_space<vmem_shared>> -> memref<640x128xf32, #tpu.memory_space<vmem_shared>>
      tpu.wait_dma2 semaphore(%run_scoped3A : memref<!tpu.dma_semaphore, #tpu.memory_space<semaphore_mem>>) src(%dma_wait3A_33 : memref<640x128xf32, #tpu.memory_space<vmem_shared>>) dst(%dma_wait3A : memref<640x128xf32, #tpu.memory_space<hbm>>)
      tpu.yield
    }) : () -> ()
    return
  }
}

#map = affine_map<(d0, d1) -> (0, 0)>
module attributes {stable_mosaic.version = 14 : i64} {
  func.func @_sc_agg(%arg0: i32, %arg1: i32, %arg2: memref<80000x128xf32, #tpu.memory_space<hbm>>, %arg3: memref<5120x128xi32, #tpu.memory_space<hbm>>, %arg4: memref<2560x128xi32, #tpu.memory_space<hbm>>, %arg5: memref<128x128xf32, #tpu.memory_space<hbm>>, %arg6: memref<10240x256xf32, #tpu.memory_space<hbm>>, %arg7: memref<40x128xi32, #tpu.memory_space<vmem>>, %arg8: memref<40x128xi32, #tpu.memory_space<vmem>>, %arg9: memref<128x128xf32, #tpu.memory_space<vmem>>, %arg10: memref<128x128xf32, #tpu.memory_space<vmem>>, %arg11: memref<10240x128xf32, #tpu.memory_space<vmem_shared>>, %arg12: memref<!tpu.dma_semaphore, #tpu.memory_space<semaphore_mem>>, %arg13: memref<!tpu.dma_semaphore, #tpu.memory_space<semaphore_mem>>) attributes {dimension_semantics = [#tpu.dimension_semantics<core_parallel>, #tpu.dimension_semantics<subcore_parallel>], iteration_bounds = array<i64: 2, 16>, scalar_prefetch = 0 : i64, scratch_operands = 7 : i64, tpu.core_type = #tpu.core_type<sc_vector_subcore>, window_params = [{transform_indices = #map}, {transform_indices = #map}, {transform_indices = #map}, {transform_indices = #map}, {transform_indices = #map}]} {
    "tpu.region"() ({
      %run_scoped3A = tpu.sem_alloc : memref<!tpu.dma_semaphore, #tpu.memory_space<semaphore_mem>>
      tpu.enqueue_dma source(%arg5 : memref<128x128xf32, #tpu.memory_space<hbm>>) target(%arg9 : memref<128x128xf32, #tpu.memory_space<vmem>>) target_semaphore(%run_scoped3A : memref<!tpu.dma_semaphore, #tpu.memory_space<semaphore_mem>>)
      tpu.wait_dma2 semaphore(%run_scoped3A : memref<!tpu.dma_semaphore, #tpu.memory_space<semaphore_mem>>) src(%arg5 : memref<128x128xf32, #tpu.memory_space<hbm>>) dst(%arg9 : memref<128x128xf32, #tpu.memory_space<vmem>>)
      tpu.yield
    }) : () -> ()
    %mul3A = arith.constant 640 : i32
    %mul3A_0 = arith.muli %arg1, %mul3A : i32
    %add3A = arith.constant 0 : i32
    %add3A_1 = arith.addi %mul3A_0, %add3A : i32
    "tpu.region"() ({
      %run_scoped3A = tpu.sem_alloc : memref<!tpu.dma_semaphore, #tpu.memory_space<semaphore_mem>>
      %dma_start3A = arith.constant 0 : i32
      %dma_start3A_30 = tpu.memref_slice %arg11[%add3A_1, %dma_start3A] : memref<10240x128xf32, #tpu.memory_space<vmem_shared>> -> memref<128x128xf32, #tpu.memory_space<vmem_shared>>
      %dma_start3A_31 = arith.constant 0 : i32
      %dma_start3A_32 = tpu.memref_slice %arg11[%add3A_1, %dma_start3A_31] : memref<10240x128xf32, #tpu.memory_space<vmem_shared>> -> memref<128x128xf32, #tpu.memory_space<vmem_shared>>
      tpu.enqueue_dma source(%arg9 : memref<128x128xf32, #tpu.memory_space<vmem>>) target(%dma_start3A_32 : memref<128x128xf32, #tpu.memory_space<vmem_shared>>) target_semaphore(%run_scoped3A : memref<!tpu.dma_semaphore, #tpu.memory_space<semaphore_mem>>)
      %dma_wait3A = arith.constant 0 : i32
      %dma_wait3A_33 = tpu.memref_slice %arg11[%add3A_1, %dma_wait3A] : memref<10240x128xf32, #tpu.memory_space<vmem_shared>> -> memref<128x128xf32, #tpu.memory_space<vmem_shared>>
      %dma_wait3A_34 = arith.constant 0 : i32
      %dma_wait3A_35 = tpu.memref_slice %arg11[%add3A_1, %dma_wait3A_34] : memref<10240x128xf32, #tpu.memory_space<vmem_shared>> -> memref<128x128xf32, #tpu.memory_space<vmem_shared>>
      tpu.wait_dma2 semaphore(%run_scoped3A : memref<!tpu.dma_semaphore, #tpu.memory_space<semaphore_mem>>) src(%arg9 : memref<128x128xf32, #tpu.memory_space<vmem>>) dst(%dma_wait3A_35 : memref<128x128xf32, #tpu.memory_space<vmem_shared>>)
      tpu.yield
    }) : () -> ()
    %mul3A_2 = arith.constant 640 : i32
    %mul3A_3 = arith.muli %arg1, %mul3A_2 : i32
    %add3A_4 = arith.constant 128 : i32
    %add3A_5 = arith.addi %mul3A_3, %add3A_4 : i32
    "tpu.region"() ({
      %run_scoped3A = tpu.sem_alloc : memref<!tpu.dma_semaphore, #tpu.memory_space<semaphore_mem>>
      %dma_start3A = arith.constant 0 : i32
      %dma_start3A_30 = tpu.memref_slice %arg11[%add3A_5, %dma_start3A] : memref<10240x128xf32, #tpu.memory_space<vmem_shared>> -> memref<128x128xf32, #tpu.memory_space<vmem_shared>>
      %dma_start3A_31 = arith.constant 0 : i32
      %dma_start3A_32 = tpu.memref_slice %arg11[%add3A_5, %dma_start3A_31] : memref<10240x128xf32, #tpu.memory_space<vmem_shared>> -> memref<128x128xf32, #tpu.memory_space<vmem_shared>>
      tpu.enqueue_dma source(%arg9 : memref<128x128xf32, #tpu.memory_space<vmem>>) target(%dma_start3A_32 : memref<128x128xf32, #tpu.memory_space<vmem_shared>>) target_semaphore(%run_scoped3A : memref<!tpu.dma_semaphore, #tpu.memory_space<semaphore_mem>>)
      %dma_wait3A = arith.constant 0 : i32
      %dma_wait3A_33 = tpu.memref_slice %arg11[%add3A_5, %dma_wait3A] : memref<10240x128xf32, #tpu.memory_space<vmem_shared>> -> memref<128x128xf32, #tpu.memory_space<vmem_shared>>
      %dma_wait3A_34 = arith.constant 0 : i32
      %dma_wait3A_35 = tpu.memref_slice %arg11[%add3A_5, %dma_wait3A_34] : memref<10240x128xf32, #tpu.memory_space<vmem_shared>> -> memref<128x128xf32, #tpu.memory_space<vmem_shared>>
      tpu.wait_dma2 semaphore(%run_scoped3A : memref<!tpu.dma_semaphore, #tpu.memory_space<semaphore_mem>>) src(%arg9 : memref<128x128xf32, #tpu.memory_space<vmem>>) dst(%dma_wait3A_35 : memref<128x128xf32, #tpu.memory_space<vmem_shared>>)
      tpu.yield
    }) : () -> ()
    %mul3A_6 = arith.constant 640 : i32
    %mul3A_7 = arith.muli %arg1, %mul3A_6 : i32
    %add3A_8 = arith.constant 256 : i32
    %add3A_9 = arith.addi %mul3A_7, %add3A_8 : i32
    "tpu.region"() ({
      %run_scoped3A = tpu.sem_alloc : memref<!tpu.dma_semaphore, #tpu.memory_space<semaphore_mem>>
      %dma_start3A = arith.constant 0 : i32
      %dma_start3A_30 = tpu.memref_slice %arg11[%add3A_9, %dma_start3A] : memref<10240x128xf32, #tpu.memory_space<vmem_shared>> -> memref<128x128xf32, #tpu.memory_space<vmem_shared>>
      %dma_start3A_31 = arith.constant 0 : i32
      %dma_start3A_32 = tpu.memref_slice %arg11[%add3A_9, %dma_start3A_31] : memref<10240x128xf32, #tpu.memory_space<vmem_shared>> -> memref<128x128xf32, #tpu.memory_space<vmem_shared>>
      tpu.enqueue_dma source(%arg9 : memref<128x128xf32, #tpu.memory_space<vmem>>) target(%dma_start3A_32 : memref<128x128xf32, #tpu.memory_space<vmem_shared>>) target_semaphore(%run_scoped3A : memref<!tpu.dma_semaphore, #tpu.memory_space<semaphore_mem>>)
      %dma_wait3A = arith.constant 0 : i32
      %dma_wait3A_33 = tpu.memref_slice %arg11[%add3A_9, %dma_wait3A] : memref<10240x128xf32, #tpu.memory_space<vmem_shared>> -> memref<128x128xf32, #tpu.memory_space<vmem_shared>>
      %dma_wait3A_34 = arith.constant 0 : i32
      %dma_wait3A_35 = tpu.memref_slice %arg11[%add3A_9, %dma_wait3A_34] : memref<10240x128xf32, #tpu.memory_space<vmem_shared>> -> memref<128x128xf32, #tpu.memory_space<vmem_shared>>
      tpu.wait_dma2 semaphore(%run_scoped3A : memref<!tpu.dma_semaphore, #tpu.memory_space<semaphore_mem>>) src(%arg9 : memref<128x128xf32, #tpu.memory_space<vmem>>) dst(%dma_wait3A_35 : memref<128x128xf32, #tpu.memory_space<vmem_shared>>)
      tpu.yield
    }) : () -> ()
    %mul3A_10 = arith.constant 640 : i32
    %mul3A_11 = arith.muli %arg1, %mul3A_10 : i32
    %add3A_12 = arith.constant 384 : i32
    %add3A_13 = arith.addi %mul3A_11, %add3A_12 : i32
    "tpu.region"() ({
      %run_scoped3A = tpu.sem_alloc : memref<!tpu.dma_semaphore, #tpu.memory_space<semaphore_mem>>
      %dma_start3A = arith.constant 0 : i32
      %dma_start3A_30 = tpu.memref_slice %arg11[%add3A_13, %dma_start3A] : memref<10240x128xf32, #tpu.memory_space<vmem_shared>> -> memref<128x128xf32, #tpu.memory_space<vmem_shared>>
      %dma_start3A_31 = arith.constant 0 : i32
      %dma_start3A_32 = tpu.memref_slice %arg11[%add3A_13, %dma_start3A_31] : memref<10240x128xf32, #tpu.memory_space<vmem_shared>> -> memref<128x128xf32, #tpu.memory_space<vmem_shared>>
      tpu.enqueue_dma source(%arg9 : memref<128x128xf32, #tpu.memory_space<vmem>>) target(%dma_start3A_32 : memref<128x128xf32, #tpu.memory_space<vmem_shared>>) target_semaphore(%run_scoped3A : memref<!tpu.dma_semaphore, #tpu.memory_space<semaphore_mem>>)
      %dma_wait3A = arith.constant 0 : i32
      %dma_wait3A_33 = tpu.memref_slice %arg11[%add3A_13, %dma_wait3A] : memref<10240x128xf32, #tpu.memory_space<vmem_shared>> -> memref<128x128xf32, #tpu.memory_space<vmem_shared>>
      %dma_wait3A_34 = arith.constant 0 : i32
      %dma_wait3A_35 = tpu.memref_slice %arg11[%add3A_13, %dma_wait3A_34] : memref<10240x128xf32, #tpu.memory_space<vmem_shared>> -> memref<128x128xf32, #tpu.memory_space<vmem_shared>>
      tpu.wait_dma2 semaphore(%run_scoped3A : memref<!tpu.dma_semaphore, #tpu.memory_space<semaphore_mem>>) src(%arg9 : memref<128x128xf32, #tpu.memory_space<vmem>>) dst(%dma_wait3A_35 : memref<128x128xf32, #tpu.memory_space<vmem_shared>>)
      tpu.yield
    }) : () -> ()
    %mul3A_14 = arith.constant 640 : i32
    %mul3A_15 = arith.muli %arg1, %mul3A_14 : i32
    %add3A_16 = arith.constant 512 : i32
    %add3A_17 = arith.addi %mul3A_15, %add3A_16 : i32
    "tpu.region"() ({
      %run_scoped3A = tpu.sem_alloc : memref<!tpu.dma_semaphore, #tpu.memory_space<semaphore_mem>>
      %dma_start3A = arith.constant 0 : i32
      %dma_start3A_30 = tpu.memref_slice %arg11[%add3A_17, %dma_start3A] : memref<10240x128xf32, #tpu.memory_space<vmem_shared>> -> memref<128x128xf32, #tpu.memory_space<vmem_shared>>
      %dma_start3A_31 = arith.constant 0 : i32
      %dma_start3A_32 = tpu.memref_slice %arg11[%add3A_17, %dma_start3A_31] : memref<10240x128xf32, #tpu.memory_space<vmem_shared>> -> memref<128x128xf32, #tpu.memory_space<vmem_shared>>
      tpu.enqueue_dma source(%arg9 : memref<128x128xf32, #tpu.memory_space<vmem>>) target(%dma_start3A_32 : memref<128x128xf32, #tpu.memory_space<vmem_shared>>) target_semaphore(%run_scoped3A : memref<!tpu.dma_semaphore, #tpu.memory_space<semaphore_mem>>)
      %dma_wait3A = arith.constant 0 : i32
      %dma_wait3A_33 = tpu.memref_slice %arg11[%add3A_17, %dma_wait3A] : memref<10240x128xf32, #tpu.memory_space<vmem_shared>> -> memref<128x128xf32, #tpu.memory_space<vmem_shared>>
      %dma_wait3A_34 = arith.constant 0 : i32
      %dma_wait3A_35 = tpu.memref_slice %arg11[%add3A_17, %dma_wait3A_34] : memref<10240x128xf32, #tpu.memory_space<vmem_shared>> -> memref<128x128xf32, #tpu.memory_space<vmem_shared>>
      tpu.wait_dma2 semaphore(%run_scoped3A : memref<!tpu.dma_semaphore, #tpu.memory_space<semaphore_mem>>) src(%arg9 : memref<128x128xf32, #tpu.memory_space<vmem>>) dst(%dma_wait3A_35 : memref<128x128xf32, #tpu.memory_space<vmem_shared>>)
      tpu.yield
    }) : () -> ()
    %barrier3A = arith.constant 0 : index
    tpu.barrier barrier_id(%barrier3A)
    %scan3A = arith.constant 0 : i32
    %scan3A_18 = arith.constant 0 : i32
    %scan3A_19 = arith.constant 4 : i32
    %scan3A_20 = arith.addi %scan3A_18, %scan3A_19 : i32
    %scan3A_21 = arith.constant 1 : i32
    scf.for %scan3A_30 = %scan3A_18 to %scan3A_20 step %scan3A_21  : i32 {
      %mul3A_31 = arith.constant 2560 : i32
      %mul3A_32 = arith.muli %arg0, %mul3A_31 : i32
      %mul3A_33 = arith.constant 160 : i32
      %mul3A_34 = arith.muli %arg1, %mul3A_33 : i32
      %add3A_35 = arith.addi %mul3A_32, %mul3A_34 : i32
      %mul3A_36 = arith.constant 40 : i32
      %mul3A_37 = arith.muli %scan3A_30, %mul3A_36 : i32
      %add3A_38 = arith.addi %add3A_35, %mul3A_37 : i32
      "tpu.region"() ({
        %run_scoped3A = tpu.sem_alloc : memref<!tpu.dma_semaphore, #tpu.memory_space<semaphore_mem>>
        %dma_start3A_62 = arith.constant 0 : i32
        %dma_start3A_63 = tpu.memref_slice %arg3[%add3A_38, %dma_start3A_62] : memref<5120x128xi32, #tpu.memory_space<hbm>> -> memref<40x128xi32, #tpu.memory_space<hbm>>
        %dma_start3A_64 = arith.constant 0 : i32
        %dma_start3A_65 = tpu.memref_slice %arg3[%add3A_38, %dma_start3A_64] : memref<5120x128xi32, #tpu.memory_space<hbm>> -> memref<40x128xi32, #tpu.memory_space<hbm>>
        tpu.enqueue_dma source(%dma_start3A_65 : memref<40x128xi32, #tpu.memory_space<hbm>>) target(%arg7 : memref<40x128xi32, #tpu.memory_space<vmem>>) target_semaphore(%run_scoped3A : memref<!tpu.dma_semaphore, #tpu.memory_space<semaphore_mem>>)
        %dma_wait3A_66 = arith.constant 0 : i32
        %dma_wait3A_67 = tpu.memref_slice %arg3[%add3A_38, %dma_wait3A_66] : memref<5120x128xi32, #tpu.memory_space<hbm>> -> memref<40x128xi32, #tpu.memory_space<hbm>>
        %dma_wait3A_68 = arith.constant 0 : i32
        %dma_wait3A_69 = tpu.memref_slice %arg3[%add3A_38, %dma_wait3A_68] : memref<5120x128xi32, #tpu.memory_space<hbm>> -> memref<40x128xi32, #tpu.memory_space<hbm>>
        tpu.wait_dma2 semaphore(%run_scoped3A : memref<!tpu.dma_semaphore, #tpu.memory_space<semaphore_mem>>) src(%dma_wait3A_69 : memref<40x128xi32, #tpu.memory_space<hbm>>) dst(%arg7 : memref<40x128xi32, #tpu.memory_space<vmem>>)
        tpu.yield
      }) : () -> ()
      %mul3A_39 = arith.constant 160 : i32
      %mul3A_40 = arith.muli %arg1, %mul3A_39 : i32
      %mul3A_41 = arith.constant 40 : i32
      %mul3A_42 = arith.muli %scan3A_30, %mul3A_41 : i32
      %add3A_43 = arith.addi %mul3A_40, %mul3A_42 : i32
      "tpu.region"() ({
        %run_scoped3A = tpu.sem_alloc : memref<!tpu.dma_semaphore, #tpu.memory_space<semaphore_mem>>
        %dma_start3A_62 = arith.constant 0 : i32
        %dma_start3A_63 = tpu.memref_slice %arg4[%add3A_43, %dma_start3A_62] : memref<2560x128xi32, #tpu.memory_space<hbm>> -> memref<40x128xi32, #tpu.memory_space<hbm>>
        %dma_start3A_64 = arith.constant 0 : i32
        %dma_start3A_65 = tpu.memref_slice %arg4[%add3A_43, %dma_start3A_64] : memref<2560x128xi32, #tpu.memory_space<hbm>> -> memref<40x128xi32, #tpu.memory_space<hbm>>
        tpu.enqueue_dma source(%dma_start3A_65 : memref<40x128xi32, #tpu.memory_space<hbm>>) target(%arg8 : memref<40x128xi32, #tpu.memory_space<vmem>>) target_semaphore(%run_scoped3A : memref<!tpu.dma_semaphore, #tpu.memory_space<semaphore_mem>>)
        %dma_wait3A_66 = arith.constant 0 : i32
        %dma_wait3A_67 = tpu.memref_slice %arg4[%add3A_43, %dma_wait3A_66] : memref<2560x128xi32, #tpu.memory_space<hbm>> -> memref<40x128xi32, #tpu.memory_space<hbm>>
        %dma_wait3A_68 = arith.constant 0 : i32
        %dma_wait3A_69 = tpu.memref_slice %arg4[%add3A_43, %dma_wait3A_68] : memref<2560x128xi32, #tpu.memory_space<hbm>> -> memref<40x128xi32, #tpu.memory_space<hbm>>
        tpu.wait_dma2 semaphore(%run_scoped3A : memref<!tpu.dma_semaphore, #tpu.memory_space<semaphore_mem>>) src(%dma_wait3A_69 : memref<40x128xi32, #tpu.memory_space<hbm>>) dst(%arg8 : memref<40x128xi32, #tpu.memory_space<vmem>>)
        tpu.yield
      }) : () -> ()
      %dma_start3A = arith.constant 0 : i32
      %dma_start3A_44 = arith.constant 0 : i32
      %dma_start3A_45 = tpu.memref_slice %arg7[%dma_start3A, %dma_start3A_44] : memref<40x128xi32, #tpu.memory_space<vmem>> -> memref<1x128xi32, #tpu.memory_space<vmem>>
      %dma_start3A_46 = tpu.memref_squeeze %dma_start3A_45 : memref<1x128xi32, #tpu.memory_space<vmem>> -> memref<128xi32, #tpu.memory_space<vmem>>
      %dma_start3A_47 = arith.constant 0 : i32
      %dma_start3A_48 = arith.constant 0 : i32
      %dma_start3A_49 = tpu.memref_slice %arg2[%dma_start3A_47, %dma_start3A_48] : memref<80000x128xf32, #tpu.memory_space<hbm>> -> memref<80000x128xf32, #tpu.memory_space<hbm>>
      tpu.enqueue_indirect_dma source(%dma_start3A_49 : memref<80000x128xf32, #tpu.memory_space<hbm>>) target(%arg9 : memref<128x128xf32, #tpu.memory_space<vmem>>) offsets(%dma_start3A_46 : memref<128xi32, #tpu.memory_space<vmem>>) semaphore(%arg12 : memref<!tpu.dma_semaphore, #tpu.memory_space<semaphore_mem>>)
      %scan3A_50 = arith.constant 0 : i32
      %scan3A_51 = arith.constant 0 : i32
      %scan3A_52 = arith.constant 20 : i32
      %scan3A_53 = arith.addi %scan3A_51, %scan3A_52 : i32
      %scan3A_54 = arith.constant 1 : i32
      scf.for %scan3A_62 = %scan3A_51 to %scan3A_53 step %scan3A_54  : i32 {
        %mul3A_63 = arith.constant 2 : i32
        %mul3A_64 = arith.muli %mul3A_63, %scan3A_62 : i32
        %add3A_65 = arith.constant 1 : i32
        %add3A_66 = arith.addi %mul3A_64, %add3A_65 : i32
        %dma_start3A_67 = arith.constant 0 : i32
        %dma_start3A_68 = tpu.memref_slice %arg7[%add3A_66, %dma_start3A_67] : memref<40x128xi32, #tpu.memory_space<vmem>> -> memref<1x128xi32, #tpu.memory_space<vmem>>
        %dma_start3A_69 = tpu.memref_squeeze %dma_start3A_68 : memref<1x128xi32, #tpu.memory_space<vmem>> -> memref<128xi32, #tpu.memory_space<vmem>>
        %dma_start3A_70 = arith.constant 0 : i32
        %dma_start3A_71 = arith.constant 0 : i32
        %dma_start3A_72 = tpu.memref_slice %arg2[%dma_start3A_70, %dma_start3A_71] : memref<80000x128xf32, #tpu.memory_space<hbm>> -> memref<80000x128xf32, #tpu.memory_space<hbm>>
        tpu.enqueue_indirect_dma source(%dma_start3A_72 : memref<80000x128xf32, #tpu.memory_space<hbm>>) target(%arg10 : memref<128x128xf32, #tpu.memory_space<vmem>>) offsets(%dma_start3A_69 : memref<128xi32, #tpu.memory_space<vmem>>) semaphore(%arg13 : memref<!tpu.dma_semaphore, #tpu.memory_space<semaphore_mem>>)
        %dma_wait3A_73 = arith.constant 0 : i32
        %dma_wait3A_74 = arith.constant 0 : i32
        %dma_wait3A_75 = tpu.memref_slice %arg7[%dma_wait3A_73, %dma_wait3A_74] : memref<40x128xi32, #tpu.memory_space<vmem>> -> memref<1x128xi32, #tpu.memory_space<vmem>>
        %dma_wait3A_76 = tpu.memref_squeeze %dma_wait3A_75 : memref<1x128xi32, #tpu.memory_space<vmem>> -> memref<128xi32, #tpu.memory_space<vmem>>
        %dma_wait3A_77 = arith.constant 0 : i32
        %dma_wait3A_78 = arith.constant 0 : i32
        %dma_wait3A_79 = tpu.memref_slice %arg2[%dma_wait3A_77, %dma_wait3A_78] : memref<80000x128xf32, #tpu.memory_space<hbm>> -> memref<80000x128xf32, #tpu.memory_space<hbm>>
        tpu.wait_indirect_dma semaphore(%arg12 : memref<!tpu.dma_semaphore, #tpu.memory_space<semaphore_mem>>) src(%dma_wait3A_79 : memref<80000x128xf32, #tpu.memory_space<hbm>>) dst(%arg9 : memref<128x128xf32, #tpu.memory_space<vmem>>)
        "tpu.region"() ({
          %run_scoped3A = tpu.sem_alloc : memref<!tpu.dma_semaphore, #tpu.memory_space<semaphore_mem>>
          %dma_start3A_98 = arith.constant 0 : i32
          %dma_start3A_99 = tpu.memref_slice %arg8[%mul3A_64, %dma_start3A_98] : memref<40x128xi32, #tpu.memory_space<vmem>> -> memref<1x128xi32, #tpu.memory_space<vmem>>
          %dma_start3A_100 = tpu.memref_squeeze %dma_start3A_99 : memref<1x128xi32, #tpu.memory_space<vmem>> -> memref<128xi32, #tpu.memory_space<vmem>>
          %dma_start3A_101 = arith.constant 0 : i32
          %dma_start3A_102 = arith.constant 0 : i32
          %dma_start3A_103 = tpu.memref_slice %arg11[%dma_start3A_101, %dma_start3A_102] : memref<10240x128xf32, #tpu.memory_space<vmem_shared>> -> memref<10240x128xf32, #tpu.memory_space<vmem_shared>>
          tpu.enqueue_indirect_dma source(%arg9 : memref<128x128xf32, #tpu.memory_space<vmem>>) target(%dma_start3A_103 : memref<10240x128xf32, #tpu.memory_space<vmem_shared>>) offsets(%dma_start3A_100 : memref<128xi32, #tpu.memory_space<vmem>>) semaphore(%run_scoped3A : memref<!tpu.dma_semaphore, #tpu.memory_space<semaphore_mem>>) {add = true}
          %dma_wait3A_104 = arith.constant 0 : i32
          %dma_wait3A_105 = tpu.memref_slice %arg8[%mul3A_64, %dma_wait3A_104] : memref<40x128xi32, #tpu.memory_space<vmem>> -> memref<1x128xi32, #tpu.memory_space<vmem>>
          %dma_wait3A_106 = tpu.memref_squeeze %dma_wait3A_105 : memref<1x128xi32, #tpu.memory_space<vmem>> -> memref<128xi32, #tpu.memory_space<vmem>>
          %dma_wait3A_107 = arith.constant 0 : i32
          %dma_wait3A_108 = arith.constant 0 : i32
          %dma_wait3A_109 = tpu.memref_slice %arg11[%dma_wait3A_107, %dma_wait3A_108] : memref<10240x128xf32, #tpu.memory_space<vmem_shared>> -> memref<10240x128xf32, #tpu.memory_space<vmem_shared>>
          tpu.wait_indirect_dma semaphore(%run_scoped3A : memref<!tpu.dma_semaphore, #tpu.memory_space<semaphore_mem>>) src(%arg9 : memref<128x128xf32, #tpu.memory_space<vmem>>) dst(%dma_wait3A_109 : memref<10240x128xf32, #tpu.memory_space<vmem_shared>>)
          tpu.yield
        }) : () -> ()
        %add3A_80 = arith.constant 2 : i32
        %add3A_81 = arith.addi %mul3A_64, %add3A_80 : i32
        %min3A = arith.constant 39 : i32
        %min3A_82 = arith.minsi %add3A_81, %min3A : i32
        %dma_start3A_83 = arith.constant 0 : i32
        %dma_start3A_84 = tpu.memref_slice %arg7[%min3A_82, %dma_start3A_83] : memref<40x128xi32, #tpu.memory_space<vmem>> -> memref<1x128xi32, #tpu.memory_space<vmem>>
        %dma_start3A_85 = tpu.memref_squeeze %dma_start3A_84 : memref<1x128xi32, #tpu.memory_space<vmem>> -> memref<128xi32, #tpu.memory_space<vmem>>
        %dma_start3A_86 = arith.constant 0 : i32
        %dma_start3A_87 = arith.constant 0 : i32
        %dma_start3A_88 = tpu.memref_slice %arg2[%dma_start3A_86, %dma_start3A_87] : memref<80000x128xf32, #tpu.memory_space<hbm>> -> memref<80000x128xf32, #tpu.memory_space<hbm>>
        tpu.enqueue_indirect_dma source(%dma_start3A_88 : memref<80000x128xf32, #tpu.memory_space<hbm>>) target(%arg9 : memref<128x128xf32, #tpu.memory_space<vmem>>) offsets(%dma_start3A_85 : memref<128xi32, #tpu.memory_space<vmem>>) semaphore(%arg12 : memref<!tpu.dma_semaphore, #tpu.memory_space<semaphore_mem>>)
        %dma_wait3A_89 = arith.constant 0 : i32
        %dma_wait3A_90 = arith.constant 0 : i32
        %dma_wait3A_91 = tpu.memref_slice %arg7[%dma_wait3A_89, %dma_wait3A_90] : memref<40x128xi32, #tpu.memory_space<vmem>> -> memref<1x128xi32, #tpu.memory_space<vmem>>
        %dma_wait3A_92 = tpu.memref_squeeze %dma_wait3A_91 : memref<1x128xi32, #tpu.memory_space<vmem>> -> memref<128xi32, #tpu.memory_space<vmem>>
        %dma_wait3A_93 = arith.constant 0 : i32
        %dma_wait3A_94 = arith.constant 0 : i32
        %dma_wait3A_95 = tpu.memref_slice %arg2[%dma_wait3A_93, %dma_wait3A_94] : memref<80000x128xf32, #tpu.memory_space<hbm>> -> memref<80000x128xf32, #tpu.memory_space<hbm>>
        tpu.wait_indirect_dma semaphore(%arg13 : memref<!tpu.dma_semaphore, #tpu.memory_space<semaphore_mem>>) src(%dma_wait3A_95 : memref<80000x128xf32, #tpu.memory_space<hbm>>) dst(%arg10 : memref<128x128xf32, #tpu.memory_space<vmem>>)
        %add3A_96 = arith.constant 1 : i32
        %add3A_97 = arith.addi %mul3A_64, %add3A_96 : i32
        "tpu.region"() ({
          %run_scoped3A = tpu.sem_alloc : memref<!tpu.dma_semaphore, #tpu.memory_space<semaphore_mem>>
          %dma_start3A_98 = arith.constant 0 : i32
          %dma_start3A_99 = tpu.memref_slice %arg8[%add3A_97, %dma_start3A_98] : memref<40x128xi32, #tpu.memory_space<vmem>> -> memref<1x128xi32, #tpu.memory_space<vmem>>
          %dma_start3A_100 = tpu.memref_squeeze %dma_start3A_99 : memref<1x128xi32, #tpu.memory_space<vmem>> -> memref<128xi32, #tpu.memory_space<vmem>>
          %dma_start3A_101 = arith.constant 0 : i32
          %dma_start3A_102 = arith.constant 0 : i32
          %dma_start3A_103 = tpu.memref_slice %arg11[%dma_start3A_101, %dma_start3A_102] : memref<10240x128xf32, #tpu.memory_space<vmem_shared>> -> memref<10240x128xf32, #tpu.memory_space<vmem_shared>>
          tpu.enqueue_indirect_dma source(%arg10 : memref<128x128xf32, #tpu.memory_space<vmem>>) target(%dma_start3A_103 : memref<10240x128xf32, #tpu.memory_space<vmem_shared>>) offsets(%dma_start3A_100 : memref<128xi32, #tpu.memory_space<vmem>>) semaphore(%run_scoped3A : memref<!tpu.dma_semaphore, #tpu.memory_space<semaphore_mem>>) {add = true}
          %dma_wait3A_104 = arith.constant 0 : i32
          %dma_wait3A_105 = tpu.memref_slice %arg8[%add3A_97, %dma_wait3A_104] : memref<40x128xi32, #tpu.memory_space<vmem>> -> memref<1x128xi32, #tpu.memory_space<vmem>>
          %dma_wait3A_106 = tpu.memref_squeeze %dma_wait3A_105 : memref<1x128xi32, #tpu.memory_space<vmem>> -> memref<128xi32, #tpu.memory_space<vmem>>
          %dma_wait3A_107 = arith.constant 0 : i32
          %dma_wait3A_108 = arith.constant 0 : i32
          %dma_wait3A_109 = tpu.memref_slice %arg11[%dma_wait3A_107, %dma_wait3A_108] : memref<10240x128xf32, #tpu.memory_space<vmem_shared>> -> memref<10240x128xf32, #tpu.memory_space<vmem_shared>>
          tpu.wait_indirect_dma semaphore(%run_scoped3A : memref<!tpu.dma_semaphore, #tpu.memory_space<semaphore_mem>>) src(%arg10 : memref<128x128xf32, #tpu.memory_space<vmem>>) dst(%dma_wait3A_109 : memref<10240x128xf32, #tpu.memory_space<vmem_shared>>)
          tpu.yield
        }) : () -> ()
      }
      %scan3A_55 = arith.constant 20 : i32
      %dma_wait3A = arith.constant 0 : i32
      %dma_wait3A_56 = arith.constant 0 : i32
      %dma_wait3A_57 = tpu.memref_slice %arg7[%dma_wait3A, %dma_wait3A_56] : memref<40x128xi32, #tpu.memory_space<vmem>> -> memref<1x128xi32, #tpu.memory_space<vmem>>
      %dma_wait3A_58 = tpu.memref_squeeze %dma_wait3A_57 : memref<1x128xi32, #tpu.memory_space<vmem>> -> memref<128xi32, #tpu.memory_space<vmem>>
      %dma_wait3A_59 = arith.constant 0 : i32
      %dma_wait3A_60 = arith.constant 0 : i32
      %dma_wait3A_61 = tpu.memref_slice %arg2[%dma_wait3A_59, %dma_wait3A_60] : memref<80000x128xf32, #tpu.memory_space<hbm>> -> memref<80000x128xf32, #tpu.memory_space<hbm>>
      tpu.wait_indirect_dma semaphore(%arg12 : memref<!tpu.dma_semaphore, #tpu.memory_space<semaphore_mem>>) src(%dma_wait3A_61 : memref<80000x128xf32, #tpu.memory_space<hbm>>) dst(%arg9 : memref<128x128xf32, #tpu.memory_space<vmem>>)
    }
    %scan3A_22 = arith.constant 4 : i32
    %barrier3A_23 = arith.constant 0 : index
    tpu.barrier barrier_id(%barrier3A_23)
    %mul3A_24 = arith.constant 640 : i32
    %mul3A_25 = arith.muli %arg1, %mul3A_24 : i32
    %mul3A_26 = arith.constant 640 : i32
    %mul3A_27 = arith.muli %arg1, %mul3A_26 : i32
    %mul3A_28 = arith.constant 128 : i32
    %mul3A_29 = arith.muli %arg0, %mul3A_28 : i32
    "tpu.region"() ({
      %run_scoped3A = tpu.sem_alloc : memref<!tpu.dma_semaphore, #tpu.memory_space<semaphore_mem>>
      %dma_start3A = tpu.memref_slice %arg6[%mul3A_27, %mul3A_29] : memref<10240x256xf32, #tpu.memory_space<hbm>> -> memref<640x128xf32, #tpu.memory_space<hbm>>
      %dma_start3A_30 = arith.constant 0 : i32
      %dma_start3A_31 = tpu.memref_slice %arg11[%mul3A_25, %dma_start3A_30] : memref<10240x128xf32, #tpu.memory_space<vmem_shared>> -> memref<640x128xf32, #tpu.memory_space<vmem_shared>>
      tpu.enqueue_dma source(%dma_start3A_31 : memref<640x128xf32, #tpu.memory_space<vmem_shared>>) target(%dma_start3A : memref<640x128xf32, #tpu.memory_space<hbm>>) target_semaphore(%run_scoped3A : memref<!tpu.dma_semaphore, #tpu.memory_space<semaphore_mem>>)
      %dma_wait3A = tpu.memref_slice %arg6[%mul3A_27, %mul3A_29] : memref<10240x256xf32, #tpu.memory_space<hbm>> -> memref<640x128xf32, #tpu.memory_space<hbm>>
      %dma_wait3A_32 = arith.constant 0 : i32
      %dma_wait3A_33 = tpu.memref_slice %arg11[%mul3A_25, %dma_wait3A_32] : memref<10240x128xf32, #tpu.memory_space<vmem_shared>> -> memref<640x128xf32, #tpu.memory_space<vmem_shared>>
      tpu.wait_dma2 semaphore(%run_scoped3A : memref<!tpu.dma_semaphore, #tpu.memory_space<semaphore_mem>>) src(%dma_wait3A_33 : memref<640x128xf32, #tpu.memory_space<vmem_shared>>) dst(%dma_wait3A : memref<640x128xf32, #tpu.memory_space<hbm>>)
      tpu.yield
    }) : () -> ()
    return
  }
}

#map = affine_map<(d0, d1) -> (0, 0)>
module attributes {stable_mosaic.version = 14 : i64} {
  func.func @_sc_agg(%arg0: i32, %arg1: i32, %arg2: memref<80000x128xf32, #tpu.memory_space<hbm>>, %arg3: memref<5120x128xi32, #tpu.memory_space<hbm>>, %arg4: memref<2560x128xi32, #tpu.memory_space<hbm>>, %arg5: memref<128x128xf32, #tpu.memory_space<hbm>>, %arg6: memref<10240x256xf32, #tpu.memory_space<hbm>>, %arg7: memref<40x128xi32, #tpu.memory_space<vmem>>, %arg8: memref<40x128xi32, #tpu.memory_space<vmem>>, %arg9: memref<128x128xf32, #tpu.memory_space<vmem>>, %arg10: memref<128x128xf32, #tpu.memory_space<vmem>>, %arg11: memref<10240x128xf32, #tpu.memory_space<vmem_shared>>, %arg12: memref<!tpu.dma_semaphore, #tpu.memory_space<semaphore_mem>>, %arg13: memref<!tpu.dma_semaphore, #tpu.memory_space<semaphore_mem>>) attributes {dimension_semantics = [#tpu.dimension_semantics<core_parallel>, #tpu.dimension_semantics<subcore_parallel>], iteration_bounds = array<i64: 2, 16>, scalar_prefetch = 0 : i64, scratch_operands = 7 : i64, tpu.core_type = #tpu.core_type<sc_vector_subcore>, window_params = [{transform_indices = #map}, {transform_indices = #map}, {transform_indices = #map}, {transform_indices = #map}, {transform_indices = #map}]} {
    "tpu.region"() ({
      %run_scoped3A = tpu.sem_alloc : memref<!tpu.dma_semaphore, #tpu.memory_space<semaphore_mem>>
      tpu.enqueue_dma source(%arg5 : memref<128x128xf32, #tpu.memory_space<hbm>>) target(%arg9 : memref<128x128xf32, #tpu.memory_space<vmem>>) target_semaphore(%run_scoped3A : memref<!tpu.dma_semaphore, #tpu.memory_space<semaphore_mem>>)
      tpu.wait_dma2 semaphore(%run_scoped3A : memref<!tpu.dma_semaphore, #tpu.memory_space<semaphore_mem>>) src(%arg5 : memref<128x128xf32, #tpu.memory_space<hbm>>) dst(%arg9 : memref<128x128xf32, #tpu.memory_space<vmem>>)
      tpu.yield
    }) : () -> ()
    %mul3A = arith.constant 640 : i32
    %mul3A_0 = arith.muli %arg1, %mul3A : i32
    %add3A = arith.constant 0 : i32
    %add3A_1 = arith.addi %mul3A_0, %add3A : i32
    "tpu.region"() ({
      %run_scoped3A = tpu.sem_alloc : memref<!tpu.dma_semaphore, #tpu.memory_space<semaphore_mem>>
      %dma_start3A = arith.constant 0 : i32
      %dma_start3A_30 = tpu.memref_slice %arg11[%add3A_1, %dma_start3A] : memref<10240x128xf32, #tpu.memory_space<vmem_shared>> -> memref<128x128xf32, #tpu.memory_space<vmem_shared>>
      %dma_start3A_31 = arith.constant 0 : i32
      %dma_start3A_32 = tpu.memref_slice %arg11[%add3A_1, %dma_start3A_31] : memref<10240x128xf32, #tpu.memory_space<vmem_shared>> -> memref<128x128xf32, #tpu.memory_space<vmem_shared>>
      tpu.enqueue_dma source(%arg9 : memref<128x128xf32, #tpu.memory_space<vmem>>) target(%dma_start3A_32 : memref<128x128xf32, #tpu.memory_space<vmem_shared>>) target_semaphore(%run_scoped3A : memref<!tpu.dma_semaphore, #tpu.memory_space<semaphore_mem>>)
      %dma_wait3A = arith.constant 0 : i32
      %dma_wait3A_33 = tpu.memref_slice %arg11[%add3A_1, %dma_wait3A] : memref<10240x128xf32, #tpu.memory_space<vmem_shared>> -> memref<128x128xf32, #tpu.memory_space<vmem_shared>>
      %dma_wait3A_34 = arith.constant 0 : i32
      %dma_wait3A_35 = tpu.memref_slice %arg11[%add3A_1, %dma_wait3A_34] : memref<10240x128xf32, #tpu.memory_space<vmem_shared>> -> memref<128x128xf32, #tpu.memory_space<vmem_shared>>
      tpu.wait_dma2 semaphore(%run_scoped3A : memref<!tpu.dma_semaphore, #tpu.memory_space<semaphore_mem>>) src(%arg9 : memref<128x128xf32, #tpu.memory_space<vmem>>) dst(%dma_wait3A_35 : memref<128x128xf32, #tpu.memory_space<vmem_shared>>)
      tpu.yield
    }) : () -> ()
    %mul3A_2 = arith.constant 640 : i32
    %mul3A_3 = arith.muli %arg1, %mul3A_2 : i32
    %add3A_4 = arith.constant 128 : i32
    %add3A_5 = arith.addi %mul3A_3, %add3A_4 : i32
    "tpu.region"() ({
      %run_scoped3A = tpu.sem_alloc : memref<!tpu.dma_semaphore, #tpu.memory_space<semaphore_mem>>
      %dma_start3A = arith.constant 0 : i32
      %dma_start3A_30 = tpu.memref_slice %arg11[%add3A_5, %dma_start3A] : memref<10240x128xf32, #tpu.memory_space<vmem_shared>> -> memref<128x128xf32, #tpu.memory_space<vmem_shared>>
      %dma_start3A_31 = arith.constant 0 : i32
      %dma_start3A_32 = tpu.memref_slice %arg11[%add3A_5, %dma_start3A_31] : memref<10240x128xf32, #tpu.memory_space<vmem_shared>> -> memref<128x128xf32, #tpu.memory_space<vmem_shared>>
      tpu.enqueue_dma source(%arg9 : memref<128x128xf32, #tpu.memory_space<vmem>>) target(%dma_start3A_32 : memref<128x128xf32, #tpu.memory_space<vmem_shared>>) target_semaphore(%run_scoped3A : memref<!tpu.dma_semaphore, #tpu.memory_space<semaphore_mem>>)
      %dma_wait3A = arith.constant 0 : i32
      %dma_wait3A_33 = tpu.memref_slice %arg11[%add3A_5, %dma_wait3A] : memref<10240x128xf32, #tpu.memory_space<vmem_shared>> -> memref<128x128xf32, #tpu.memory_space<vmem_shared>>
      %dma_wait3A_34 = arith.constant 0 : i32
      %dma_wait3A_35 = tpu.memref_slice %arg11[%add3A_5, %dma_wait3A_34] : memref<10240x128xf32, #tpu.memory_space<vmem_shared>> -> memref<128x128xf32, #tpu.memory_space<vmem_shared>>
      tpu.wait_dma2 semaphore(%run_scoped3A : memref<!tpu.dma_semaphore, #tpu.memory_space<semaphore_mem>>) src(%arg9 : memref<128x128xf32, #tpu.memory_space<vmem>>) dst(%dma_wait3A_35 : memref<128x128xf32, #tpu.memory_space<vmem_shared>>)
      tpu.yield
    }) : () -> ()
    %mul3A_6 = arith.constant 640 : i32
    %mul3A_7 = arith.muli %arg1, %mul3A_6 : i32
    %add3A_8 = arith.constant 256 : i32
    %add3A_9 = arith.addi %mul3A_7, %add3A_8 : i32
    "tpu.region"() ({
      %run_scoped3A = tpu.sem_alloc : memref<!tpu.dma_semaphore, #tpu.memory_space<semaphore_mem>>
      %dma_start3A = arith.constant 0 : i32
      %dma_start3A_30 = tpu.memref_slice %arg11[%add3A_9, %dma_start3A] : memref<10240x128xf32, #tpu.memory_space<vmem_shared>> -> memref<128x128xf32, #tpu.memory_space<vmem_shared>>
      %dma_start3A_31 = arith.constant 0 : i32
      %dma_start3A_32 = tpu.memref_slice %arg11[%add3A_9, %dma_start3A_31] : memref<10240x128xf32, #tpu.memory_space<vmem_shared>> -> memref<128x128xf32, #tpu.memory_space<vmem_shared>>
      tpu.enqueue_dma source(%arg9 : memref<128x128xf32, #tpu.memory_space<vmem>>) target(%dma_start3A_32 : memref<128x128xf32, #tpu.memory_space<vmem_shared>>) target_semaphore(%run_scoped3A : memref<!tpu.dma_semaphore, #tpu.memory_space<semaphore_mem>>)
      %dma_wait3A = arith.constant 0 : i32
      %dma_wait3A_33 = tpu.memref_slice %arg11[%add3A_9, %dma_wait3A] : memref<10240x128xf32, #tpu.memory_space<vmem_shared>> -> memref<128x128xf32, #tpu.memory_space<vmem_shared>>
      %dma_wait3A_34 = arith.constant 0 : i32
      %dma_wait3A_35 = tpu.memref_slice %arg11[%add3A_9, %dma_wait3A_34] : memref<10240x128xf32, #tpu.memory_space<vmem_shared>> -> memref<128x128xf32, #tpu.memory_space<vmem_shared>>
      tpu.wait_dma2 semaphore(%run_scoped3A : memref<!tpu.dma_semaphore, #tpu.memory_space<semaphore_mem>>) src(%arg9 : memref<128x128xf32, #tpu.memory_space<vmem>>) dst(%dma_wait3A_35 : memref<128x128xf32, #tpu.memory_space<vmem_shared>>)
      tpu.yield
    }) : () -> ()
    %mul3A_10 = arith.constant 640 : i32
    %mul3A_11 = arith.muli %arg1, %mul3A_10 : i32
    %add3A_12 = arith.constant 384 : i32
    %add3A_13 = arith.addi %mul3A_11, %add3A_12 : i32
    "tpu.region"() ({
      %run_scoped3A = tpu.sem_alloc : memref<!tpu.dma_semaphore, #tpu.memory_space<semaphore_mem>>
      %dma_start3A = arith.constant 0 : i32
      %dma_start3A_30 = tpu.memref_slice %arg11[%add3A_13, %dma_start3A] : memref<10240x128xf32, #tpu.memory_space<vmem_shared>> -> memref<128x128xf32, #tpu.memory_space<vmem_shared>>
      %dma_start3A_31 = arith.constant 0 : i32
      %dma_start3A_32 = tpu.memref_slice %arg11[%add3A_13, %dma_start3A_31] : memref<10240x128xf32, #tpu.memory_space<vmem_shared>> -> memref<128x128xf32, #tpu.memory_space<vmem_shared>>
      tpu.enqueue_dma source(%arg9 : memref<128x128xf32, #tpu.memory_space<vmem>>) target(%dma_start3A_32 : memref<128x128xf32, #tpu.memory_space<vmem_shared>>) target_semaphore(%run_scoped3A : memref<!tpu.dma_semaphore, #tpu.memory_space<semaphore_mem>>)
      %dma_wait3A = arith.constant 0 : i32
      %dma_wait3A_33 = tpu.memref_slice %arg11[%add3A_13, %dma_wait3A] : memref<10240x128xf32, #tpu.memory_space<vmem_shared>> -> memref<128x128xf32, #tpu.memory_space<vmem_shared>>
      %dma_wait3A_34 = arith.constant 0 : i32
      %dma_wait3A_35 = tpu.memref_slice %arg11[%add3A_13, %dma_wait3A_34] : memref<10240x128xf32, #tpu.memory_space<vmem_shared>> -> memref<128x128xf32, #tpu.memory_space<vmem_shared>>
      tpu.wait_dma2 semaphore(%run_scoped3A : memref<!tpu.dma_semaphore, #tpu.memory_space<semaphore_mem>>) src(%arg9 : memref<128x128xf32, #tpu.memory_space<vmem>>) dst(%dma_wait3A_35 : memref<128x128xf32, #tpu.memory_space<vmem_shared>>)
      tpu.yield
    }) : () -> ()
    %mul3A_14 = arith.constant 640 : i32
    %mul3A_15 = arith.muli %arg1, %mul3A_14 : i32
    %add3A_16 = arith.constant 512 : i32
    %add3A_17 = arith.addi %mul3A_15, %add3A_16 : i32
    "tpu.region"() ({
      %run_scoped3A = tpu.sem_alloc : memref<!tpu.dma_semaphore, #tpu.memory_space<semaphore_mem>>
      %dma_start3A = arith.constant 0 : i32
      %dma_start3A_30 = tpu.memref_slice %arg11[%add3A_17, %dma_start3A] : memref<10240x128xf32, #tpu.memory_space<vmem_shared>> -> memref<128x128xf32, #tpu.memory_space<vmem_shared>>
      %dma_start3A_31 = arith.constant 0 : i32
      %dma_start3A_32 = tpu.memref_slice %arg11[%add3A_17, %dma_start3A_31] : memref<10240x128xf32, #tpu.memory_space<vmem_shared>> -> memref<128x128xf32, #tpu.memory_space<vmem_shared>>
      tpu.enqueue_dma source(%arg9 : memref<128x128xf32, #tpu.memory_space<vmem>>) target(%dma_start3A_32 : memref<128x128xf32, #tpu.memory_space<vmem_shared>>) target_semaphore(%run_scoped3A : memref<!tpu.dma_semaphore, #tpu.memory_space<semaphore_mem>>)
      %dma_wait3A = arith.constant 0 : i32
      %dma_wait3A_33 = tpu.memref_slice %arg11[%add3A_17, %dma_wait3A] : memref<10240x128xf32, #tpu.memory_space<vmem_shared>> -> memref<128x128xf32, #tpu.memory_space<vmem_shared>>
      %dma_wait3A_34 = arith.constant 0 : i32
      %dma_wait3A_35 = tpu.memref_slice %arg11[%add3A_17, %dma_wait3A_34] : memref<10240x128xf32, #tpu.memory_space<vmem_shared>> -> memref<128x128xf32, #tpu.memory_space<vmem_shared>>
      tpu.wait_dma2 semaphore(%run_scoped3A : memref<!tpu.dma_semaphore, #tpu.memory_space<semaphore_mem>>) src(%arg9 : memref<128x128xf32, #tpu.memory_space<vmem>>) dst(%dma_wait3A_35 : memref<128x128xf32, #tpu.memory_space<vmem_shared>>)
      tpu.yield
    }) : () -> ()
    %barrier3A = arith.constant 0 : index
    tpu.barrier barrier_id(%barrier3A)
    %scan3A = arith.constant 0 : i32
    %scan3A_18 = arith.constant 0 : i32
    %scan3A_19 = arith.constant 4 : i32
    %scan3A_20 = arith.addi %scan3A_18, %scan3A_19 : i32
    %scan3A_21 = arith.constant 1 : i32
    scf.for %scan3A_30 = %scan3A_18 to %scan3A_20 step %scan3A_21  : i32 {
      %mul3A_31 = arith.constant 2560 : i32
      %mul3A_32 = arith.muli %arg0, %mul3A_31 : i32
      %mul3A_33 = arith.constant 160 : i32
      %mul3A_34 = arith.muli %arg1, %mul3A_33 : i32
      %add3A_35 = arith.addi %mul3A_32, %mul3A_34 : i32
      %mul3A_36 = arith.constant 40 : i32
      %mul3A_37 = arith.muli %scan3A_30, %mul3A_36 : i32
      %add3A_38 = arith.addi %add3A_35, %mul3A_37 : i32
      "tpu.region"() ({
        %run_scoped3A = tpu.sem_alloc : memref<!tpu.dma_semaphore, #tpu.memory_space<semaphore_mem>>
        %dma_start3A_62 = arith.constant 0 : i32
        %dma_start3A_63 = tpu.memref_slice %arg3[%add3A_38, %dma_start3A_62] : memref<5120x128xi32, #tpu.memory_space<hbm>> -> memref<40x128xi32, #tpu.memory_space<hbm>>
        %dma_start3A_64 = arith.constant 0 : i32
        %dma_start3A_65 = tpu.memref_slice %arg3[%add3A_38, %dma_start3A_64] : memref<5120x128xi32, #tpu.memory_space<hbm>> -> memref<40x128xi32, #tpu.memory_space<hbm>>
        tpu.enqueue_dma source(%dma_start3A_65 : memref<40x128xi32, #tpu.memory_space<hbm>>) target(%arg7 : memref<40x128xi32, #tpu.memory_space<vmem>>) target_semaphore(%run_scoped3A : memref<!tpu.dma_semaphore, #tpu.memory_space<semaphore_mem>>)
        %dma_wait3A_66 = arith.constant 0 : i32
        %dma_wait3A_67 = tpu.memref_slice %arg3[%add3A_38, %dma_wait3A_66] : memref<5120x128xi32, #tpu.memory_space<hbm>> -> memref<40x128xi32, #tpu.memory_space<hbm>>
        %dma_wait3A_68 = arith.constant 0 : i32
        %dma_wait3A_69 = tpu.memref_slice %arg3[%add3A_38, %dma_wait3A_68] : memref<5120x128xi32, #tpu.memory_space<hbm>> -> memref<40x128xi32, #tpu.memory_space<hbm>>
        tpu.wait_dma2 semaphore(%run_scoped3A : memref<!tpu.dma_semaphore, #tpu.memory_space<semaphore_mem>>) src(%dma_wait3A_69 : memref<40x128xi32, #tpu.memory_space<hbm>>) dst(%arg7 : memref<40x128xi32, #tpu.memory_space<vmem>>)
        tpu.yield
      }) : () -> ()
      %mul3A_39 = arith.constant 160 : i32
      %mul3A_40 = arith.muli %arg1, %mul3A_39 : i32
      %mul3A_41 = arith.constant 40 : i32
      %mul3A_42 = arith.muli %scan3A_30, %mul3A_41 : i32
      %add3A_43 = arith.addi %mul3A_40, %mul3A_42 : i32
      "tpu.region"() ({
        %run_scoped3A = tpu.sem_alloc : memref<!tpu.dma_semaphore, #tpu.memory_space<semaphore_mem>>
        %dma_start3A_62 = arith.constant 0 : i32
        %dma_start3A_63 = tpu.memref_slice %arg4[%add3A_43, %dma_start3A_62] : memref<2560x128xi32, #tpu.memory_space<hbm>> -> memref<40x128xi32, #tpu.memory_space<hbm>>
        %dma_start3A_64 = arith.constant 0 : i32
        %dma_start3A_65 = tpu.memref_slice %arg4[%add3A_43, %dma_start3A_64] : memref<2560x128xi32, #tpu.memory_space<hbm>> -> memref<40x128xi32, #tpu.memory_space<hbm>>
        tpu.enqueue_dma source(%dma_start3A_65 : memref<40x128xi32, #tpu.memory_space<hbm>>) target(%arg8 : memref<40x128xi32, #tpu.memory_space<vmem>>) target_semaphore(%run_scoped3A : memref<!tpu.dma_semaphore, #tpu.memory_space<semaphore_mem>>)
        %dma_wait3A_66 = arith.constant 0 : i32
        %dma_wait3A_67 = tpu.memref_slice %arg4[%add3A_43, %dma_wait3A_66] : memref<2560x128xi32, #tpu.memory_space<hbm>> -> memref<40x128xi32, #tpu.memory_space<hbm>>
        %dma_wait3A_68 = arith.constant 0 : i32
        %dma_wait3A_69 = tpu.memref_slice %arg4[%add3A_43, %dma_wait3A_68] : memref<2560x128xi32, #tpu.memory_space<hbm>> -> memref<40x128xi32, #tpu.memory_space<hbm>>
        tpu.wait_dma2 semaphore(%run_scoped3A : memref<!tpu.dma_semaphore, #tpu.memory_space<semaphore_mem>>) src(%dma_wait3A_69 : memref<40x128xi32, #tpu.memory_space<hbm>>) dst(%arg8 : memref<40x128xi32, #tpu.memory_space<vmem>>)
        tpu.yield
      }) : () -> ()
      %dma_start3A = arith.constant 0 : i32
      %dma_start3A_44 = arith.constant 0 : i32
      %dma_start3A_45 = tpu.memref_slice %arg7[%dma_start3A, %dma_start3A_44] : memref<40x128xi32, #tpu.memory_space<vmem>> -> memref<1x128xi32, #tpu.memory_space<vmem>>
      %dma_start3A_46 = tpu.memref_squeeze %dma_start3A_45 : memref<1x128xi32, #tpu.memory_space<vmem>> -> memref<128xi32, #tpu.memory_space<vmem>>
      %dma_start3A_47 = arith.constant 0 : i32
      %dma_start3A_48 = arith.constant 0 : i32
      %dma_start3A_49 = tpu.memref_slice %arg2[%dma_start3A_47, %dma_start3A_48] : memref<80000x128xf32, #tpu.memory_space<hbm>> -> memref<80000x128xf32, #tpu.memory_space<hbm>>
      tpu.enqueue_indirect_dma source(%dma_start3A_49 : memref<80000x128xf32, #tpu.memory_space<hbm>>) target(%arg9 : memref<128x128xf32, #tpu.memory_space<vmem>>) offsets(%dma_start3A_46 : memref<128xi32, #tpu.memory_space<vmem>>) semaphore(%arg12 : memref<!tpu.dma_semaphore, #tpu.memory_space<semaphore_mem>>)
      %scan3A_50 = arith.constant 0 : i32
      %scan3A_51 = arith.constant 0 : i32
      %scan3A_52 = arith.constant 20 : i32
      %scan3A_53 = arith.addi %scan3A_51, %scan3A_52 : i32
      %scan3A_54 = arith.constant 1 : i32
      scf.for %scan3A_62 = %scan3A_51 to %scan3A_53 step %scan3A_54  : i32 {
        %mul3A_63 = arith.constant 2 : i32
        %mul3A_64 = arith.muli %mul3A_63, %scan3A_62 : i32
        %add3A_65 = arith.constant 1 : i32
        %add3A_66 = arith.addi %mul3A_64, %add3A_65 : i32
        %dma_start3A_67 = arith.constant 0 : i32
        %dma_start3A_68 = tpu.memref_slice %arg7[%add3A_66, %dma_start3A_67] : memref<40x128xi32, #tpu.memory_space<vmem>> -> memref<1x128xi32, #tpu.memory_space<vmem>>
        %dma_start3A_69 = tpu.memref_squeeze %dma_start3A_68 : memref<1x128xi32, #tpu.memory_space<vmem>> -> memref<128xi32, #tpu.memory_space<vmem>>
        %dma_start3A_70 = arith.constant 0 : i32
        %dma_start3A_71 = arith.constant 0 : i32
        %dma_start3A_72 = tpu.memref_slice %arg2[%dma_start3A_70, %dma_start3A_71] : memref<80000x128xf32, #tpu.memory_space<hbm>> -> memref<80000x128xf32, #tpu.memory_space<hbm>>
        tpu.enqueue_indirect_dma source(%dma_start3A_72 : memref<80000x128xf32, #tpu.memory_space<hbm>>) target(%arg10 : memref<128x128xf32, #tpu.memory_space<vmem>>) offsets(%dma_start3A_69 : memref<128xi32, #tpu.memory_space<vmem>>) semaphore(%arg13 : memref<!tpu.dma_semaphore, #tpu.memory_space<semaphore_mem>>)
        %dma_wait3A_73 = arith.constant 0 : i32
        %dma_wait3A_74 = arith.constant 0 : i32
        %dma_wait3A_75 = tpu.memref_slice %arg7[%dma_wait3A_73, %dma_wait3A_74] : memref<40x128xi32, #tpu.memory_space<vmem>> -> memref<1x128xi32, #tpu.memory_space<vmem>>
        %dma_wait3A_76 = tpu.memref_squeeze %dma_wait3A_75 : memref<1x128xi32, #tpu.memory_space<vmem>> -> memref<128xi32, #tpu.memory_space<vmem>>
        %dma_wait3A_77 = arith.constant 0 : i32
        %dma_wait3A_78 = arith.constant 0 : i32
        %dma_wait3A_79 = tpu.memref_slice %arg2[%dma_wait3A_77, %dma_wait3A_78] : memref<80000x128xf32, #tpu.memory_space<hbm>> -> memref<80000x128xf32, #tpu.memory_space<hbm>>
        tpu.wait_indirect_dma semaphore(%arg12 : memref<!tpu.dma_semaphore, #tpu.memory_space<semaphore_mem>>) src(%dma_wait3A_79 : memref<80000x128xf32, #tpu.memory_space<hbm>>) dst(%arg9 : memref<128x128xf32, #tpu.memory_space<vmem>>)
        "tpu.region"() ({
          %run_scoped3A = tpu.sem_alloc : memref<!tpu.dma_semaphore, #tpu.memory_space<semaphore_mem>>
          %dma_start3A_98 = arith.constant 0 : i32
          %dma_start3A_99 = tpu.memref_slice %arg8[%mul3A_64, %dma_start3A_98] : memref<40x128xi32, #tpu.memory_space<vmem>> -> memref<1x128xi32, #tpu.memory_space<vmem>>
          %dma_start3A_100 = tpu.memref_squeeze %dma_start3A_99 : memref<1x128xi32, #tpu.memory_space<vmem>> -> memref<128xi32, #tpu.memory_space<vmem>>
          %dma_start3A_101 = arith.constant 0 : i32
          %dma_start3A_102 = arith.constant 0 : i32
          %dma_start3A_103 = tpu.memref_slice %arg11[%dma_start3A_101, %dma_start3A_102] : memref<10240x128xf32, #tpu.memory_space<vmem_shared>> -> memref<10240x128xf32, #tpu.memory_space<vmem_shared>>
          tpu.enqueue_indirect_dma source(%arg9 : memref<128x128xf32, #tpu.memory_space<vmem>>) target(%dma_start3A_103 : memref<10240x128xf32, #tpu.memory_space<vmem_shared>>) offsets(%dma_start3A_100 : memref<128xi32, #tpu.memory_space<vmem>>) semaphore(%run_scoped3A : memref<!tpu.dma_semaphore, #tpu.memory_space<semaphore_mem>>) {add = true}
          %dma_wait3A_104 = arith.constant 0 : i32
          %dma_wait3A_105 = tpu.memref_slice %arg8[%mul3A_64, %dma_wait3A_104] : memref<40x128xi32, #tpu.memory_space<vmem>> -> memref<1x128xi32, #tpu.memory_space<vmem>>
          %dma_wait3A_106 = tpu.memref_squeeze %dma_wait3A_105 : memref<1x128xi32, #tpu.memory_space<vmem>> -> memref<128xi32, #tpu.memory_space<vmem>>
          %dma_wait3A_107 = arith.constant 0 : i32
          %dma_wait3A_108 = arith.constant 0 : i32
          %dma_wait3A_109 = tpu.memref_slice %arg11[%dma_wait3A_107, %dma_wait3A_108] : memref<10240x128xf32, #tpu.memory_space<vmem_shared>> -> memref<10240x128xf32, #tpu.memory_space<vmem_shared>>
          tpu.wait_indirect_dma semaphore(%run_scoped3A : memref<!tpu.dma_semaphore, #tpu.memory_space<semaphore_mem>>) src(%arg9 : memref<128x128xf32, #tpu.memory_space<vmem>>) dst(%dma_wait3A_109 : memref<10240x128xf32, #tpu.memory_space<vmem_shared>>)
          tpu.yield
        }) : () -> ()
        %add3A_80 = arith.constant 2 : i32
        %add3A_81 = arith.addi %mul3A_64, %add3A_80 : i32
        %min3A = arith.constant 39 : i32
        %min3A_82 = arith.minsi %add3A_81, %min3A : i32
        %dma_start3A_83 = arith.constant 0 : i32
        %dma_start3A_84 = tpu.memref_slice %arg7[%min3A_82, %dma_start3A_83] : memref<40x128xi32, #tpu.memory_space<vmem>> -> memref<1x128xi32, #tpu.memory_space<vmem>>
        %dma_start3A_85 = tpu.memref_squeeze %dma_start3A_84 : memref<1x128xi32, #tpu.memory_space<vmem>> -> memref<128xi32, #tpu.memory_space<vmem>>
        %dma_start3A_86 = arith.constant 0 : i32
        %dma_start3A_87 = arith.constant 0 : i32
        %dma_start3A_88 = tpu.memref_slice %arg2[%dma_start3A_86, %dma_start3A_87] : memref<80000x128xf32, #tpu.memory_space<hbm>> -> memref<80000x128xf32, #tpu.memory_space<hbm>>
        tpu.enqueue_indirect_dma source(%dma_start3A_88 : memref<80000x128xf32, #tpu.memory_space<hbm>>) target(%arg9 : memref<128x128xf32, #tpu.memory_space<vmem>>) offsets(%dma_start3A_85 : memref<128xi32, #tpu.memory_space<vmem>>) semaphore(%arg12 : memref<!tpu.dma_semaphore, #tpu.memory_space<semaphore_mem>>)
        %dma_wait3A_89 = arith.constant 0 : i32
        %dma_wait3A_90 = arith.constant 0 : i32
        %dma_wait3A_91 = tpu.memref_slice %arg7[%dma_wait3A_89, %dma_wait3A_90] : memref<40x128xi32, #tpu.memory_space<vmem>> -> memref<1x128xi32, #tpu.memory_space<vmem>>
        %dma_wait3A_92 = tpu.memref_squeeze %dma_wait3A_91 : memref<1x128xi32, #tpu.memory_space<vmem>> -> memref<128xi32, #tpu.memory_space<vmem>>
        %dma_wait3A_93 = arith.constant 0 : i32
        %dma_wait3A_94 = arith.constant 0 : i32
        %dma_wait3A_95 = tpu.memref_slice %arg2[%dma_wait3A_93, %dma_wait3A_94] : memref<80000x128xf32, #tpu.memory_space<hbm>> -> memref<80000x128xf32, #tpu.memory_space<hbm>>
        tpu.wait_indirect_dma semaphore(%arg13 : memref<!tpu.dma_semaphore, #tpu.memory_space<semaphore_mem>>) src(%dma_wait3A_95 : memref<80000x128xf32, #tpu.memory_space<hbm>>) dst(%arg10 : memref<128x128xf32, #tpu.memory_space<vmem>>)
        %add3A_96 = arith.constant 1 : i32
        %add3A_97 = arith.addi %mul3A_64, %add3A_96 : i32
        "tpu.region"() ({
          %run_scoped3A = tpu.sem_alloc : memref<!tpu.dma_semaphore, #tpu.memory_space<semaphore_mem>>
          %dma_start3A_98 = arith.constant 0 : i32
          %dma_start3A_99 = tpu.memref_slice %arg8[%add3A_97, %dma_start3A_98] : memref<40x128xi32, #tpu.memory_space<vmem>> -> memref<1x128xi32, #tpu.memory_space<vmem>>
          %dma_start3A_100 = tpu.memref_squeeze %dma_start3A_99 : memref<1x128xi32, #tpu.memory_space<vmem>> -> memref<128xi32, #tpu.memory_space<vmem>>
          %dma_start3A_101 = arith.constant 0 : i32
          %dma_start3A_102 = arith.constant 0 : i32
          %dma_start3A_103 = tpu.memref_slice %arg11[%dma_start3A_101, %dma_start3A_102] : memref<10240x128xf32, #tpu.memory_space<vmem_shared>> -> memref<10240x128xf32, #tpu.memory_space<vmem_shared>>
          tpu.enqueue_indirect_dma source(%arg10 : memref<128x128xf32, #tpu.memory_space<vmem>>) target(%dma_start3A_103 : memref<10240x128xf32, #tpu.memory_space<vmem_shared>>) offsets(%dma_start3A_100 : memref<128xi32, #tpu.memory_space<vmem>>) semaphore(%run_scoped3A : memref<!tpu.dma_semaphore, #tpu.memory_space<semaphore_mem>>) {add = true}
          %dma_wait3A_104 = arith.constant 0 : i32
          %dma_wait3A_105 = tpu.memref_slice %arg8[%add3A_97, %dma_wait3A_104] : memref<40x128xi32, #tpu.memory_space<vmem>> -> memref<1x128xi32, #tpu.memory_space<vmem>>
          %dma_wait3A_106 = tpu.memref_squeeze %dma_wait3A_105 : memref<1x128xi32, #tpu.memory_space<vmem>> -> memref<128xi32, #tpu.memory_space<vmem>>
          %dma_wait3A_107 = arith.constant 0 : i32
          %dma_wait3A_108 = arith.constant 0 : i32
          %dma_wait3A_109 = tpu.memref_slice %arg11[%dma_wait3A_107, %dma_wait3A_108] : memref<10240x128xf32, #tpu.memory_space<vmem_shared>> -> memref<10240x128xf32, #tpu.memory_space<vmem_shared>>
          tpu.wait_indirect_dma semaphore(%run_scoped3A : memref<!tpu.dma_semaphore, #tpu.memory_space<semaphore_mem>>) src(%arg10 : memref<128x128xf32, #tpu.memory_space<vmem>>) dst(%dma_wait3A_109 : memref<10240x128xf32, #tpu.memory_space<vmem_shared>>)
          tpu.yield
        }) : () -> ()
      }
      %scan3A_55 = arith.constant 20 : i32
      %dma_wait3A = arith.constant 0 : i32
      %dma_wait3A_56 = arith.constant 0 : i32
      %dma_wait3A_57 = tpu.memref_slice %arg7[%dma_wait3A, %dma_wait3A_56] : memref<40x128xi32, #tpu.memory_space<vmem>> -> memref<1x128xi32, #tpu.memory_space<vmem>>
      %dma_wait3A_58 = tpu.memref_squeeze %dma_wait3A_57 : memref<1x128xi32, #tpu.memory_space<vmem>> -> memref<128xi32, #tpu.memory_space<vmem>>
      %dma_wait3A_59 = arith.constant 0 : i32
      %dma_wait3A_60 = arith.constant 0 : i32
      %dma_wait3A_61 = tpu.memref_slice %arg2[%dma_wait3A_59, %dma_wait3A_60] : memref<80000x128xf32, #tpu.memory_space<hbm>> -> memref<80000x128xf32, #tpu.memory_space<hbm>>
      tpu.wait_indirect_dma semaphore(%arg12 : memref<!tpu.dma_semaphore, #tpu.memory_space<semaphore_mem>>) src(%dma_wait3A_61 : memref<80000x128xf32, #tpu.memory_space<hbm>>) dst(%arg9 : memref<128x128xf32, #tpu.memory_space<vmem>>)
    }
    %scan3A_22 = arith.constant 4 : i32
    %barrier3A_23 = arith.constant 0 : index
    tpu.barrier barrier_id(%barrier3A_23)
    %mul3A_24 = arith.constant 640 : i32
    %mul3A_25 = arith.muli %arg1, %mul3A_24 : i32
    %mul3A_26 = arith.constant 640 : i32
    %mul3A_27 = arith.muli %arg1, %mul3A_26 : i32
    %mul3A_28 = arith.constant 128 : i32
    %mul3A_29 = arith.muli %arg0, %mul3A_28 : i32
    "tpu.region"() ({
      %run_scoped3A = tpu.sem_alloc : memref<!tpu.dma_semaphore, #tpu.memory_space<semaphore_mem>>
      %dma_start3A = tpu.memref_slice %arg6[%mul3A_27, %mul3A_29] : memref<10240x256xf32, #tpu.memory_space<hbm>> -> memref<640x128xf32, #tpu.memory_space<hbm>>
      %dma_start3A_30 = arith.constant 0 : i32
      %dma_start3A_31 = tpu.memref_slice %arg11[%mul3A_25, %dma_start3A_30] : memref<10240x128xf32, #tpu.memory_space<vmem_shared>> -> memref<640x128xf32, #tpu.memory_space<vmem_shared>>
      tpu.enqueue_dma source(%dma_start3A_31 : memref<640x128xf32, #tpu.memory_space<vmem_shared>>) target(%dma_start3A : memref<640x128xf32, #tpu.memory_space<hbm>>) target_semaphore(%run_scoped3A : memref<!tpu.dma_semaphore, #tpu.memory_space<semaphore_mem>>)
      %dma_wait3A = tpu.memref_slice %arg6[%mul3A_27, %mul3A_29] : memref<10240x256xf32, #tpu.memory_space<hbm>> -> memref<640x128xf32, #tpu.memory_space<hbm>>
      %dma_wait3A_32 = arith.constant 0 : i32
      %dma_wait3A_33 = tpu.memref_slice %arg11[%mul3A_25, %dma_wait3A_32] : memref<10240x128xf32, #tpu.memory_space<vmem_shared>> -> memref<640x128xf32, #tpu.memory_space<vmem_shared>>
      tpu.wait_dma2 semaphore(%run_scoped3A : memref<!tpu.dma_semaphore, #tpu.memory_space<semaphore_mem>>) src(%dma_wait3A_33 : memref<640x128xf32, #tpu.memory_space<vmem_shared>>) dst(%dma_wait3A : memref<640x128xf32, #tpu.memory_space<hbm>>)
      tpu.yield
    }) : () -> ()
    return
  }
}

module attributes {stable_mosaic.version = 14 : i64} {
  func.func @_hw_body(%arg0: i32, %arg1: i32, %arg2: i32, %arg3: memref<2000x256xf32, #tpu.memory_space<vmem>>, %arg4: memref<1x256x128xf32, #tpu.memory_space<vmem>>, %arg5: memref<2000x128xf32, #tpu.memory_space<vmem>>) attributes {dimension_semantics = [#tpu.dimension_semantics<arbitrary>, #tpu.dimension_semantics<arbitrary>, #tpu.dimension_semantics<arbitrary>], iteration_bounds = array<i64: 2, 4, 5>, scalar_prefetch = 0 : i64, scratch_operands = 0 : i64, tpu.core_type = #tpu.core_type<tc>, window_params = [{transform_indices = @transform_0, window_bounds = array<i64: 2000, 256>}, {transform_indices = @transform_1, window_bounds = array<i64: 1, 256, 128>}, {transform_indices = @transform_2, window_bounds = array<i64: 2000, 128>}]} {
    %get3A = arith.constant 0 : index
    %get3A_0 = arith.constant 0 : index
    %get3A_1 = vector.load %arg3[%get3A, %get3A_0] : memref<2000x256xf32, #tpu.memory_space<vmem>>, vector<2000x256xf32>
    %get3A_2 = arith.constant 0 : index
    %get3A_3 = arith.constant 0 : index
    %get3A_4 = arith.constant 0 : index
    %get3A_5 = vector.load %arg4[%get3A_2, %get3A_3, %get3A_4] : memref<1x256x128xf32, #tpu.memory_space<vmem>>, vector<1x256x128xf32>
    %get3A_6 = vector.shape_cast %get3A_5 : vector<1x256x128xf32> to vector<256x128xf32>
    %dot_general3A = arith.constant dense<0.000000e+00> : vector<2000x128xf32>
    %dot_general3A_7 = tpu.matmul %get3A_1, %get3A_6, %dot_general3A {dimension_numbers = #tpu.dot_dimension_numbers<[1], [0], [0], [1], [0, 0, 1, 1], [], []>, transpose_lhs_hint = false} : vector<2000x256xf32>, vector<256x128xf32>, vector<2000x128xf32> -> vector<2000x128xf32>
    %swap3A = arith.constant 0 : index
    %swap3A_8 = arith.constant 0 : index
    %swap3A_9 = vector.load %arg5[%swap3A, %swap3A_8] : memref<2000x128xf32, #tpu.memory_space<vmem>>, vector<2000x128xf32>
    tpu.vector_store %arg5[%swap3A, %swap3A_8], %dot_general3A_7 {strides = array<i32>} : memref<2000x128xf32, #tpu.memory_space<vmem>>, vector<2000x128xf32>,
    return
  }
  func.func @transform_0(%arg0: i32, %arg1: i32, %arg2: i32) -> (i32, i32) {
    %c0_i32 = arith.constant 0 : i32
    %c0_i32_0 = arith.constant 0 : i32
    return %arg2, %c0_i32 : i32, i32
  }
  func.func @transform_1(%arg0: i32, %arg1: i32, %arg2: i32) -> (i32, i32, i32) {
    %c0_i32 = arith.constant 0 : i32
    %c0_i32_0 = arith.constant 0 : i32
    return %arg1, %c0_i32, %arg0 : i32, i32, i32
  }
  func.func @transform_2(%arg0: i32, %arg1: i32, %arg2: i32) -> (i32, i32) {
    %mul3A = arith.constant 20 : i32
    %mul3A_0 = arith.muli %arg0, %mul3A : i32
    %mul3A_1 = arith.constant 5 : i32
    %mul3A_2 = arith.muli %arg1, %mul3A_1 : i32
    %add3A = arith.addi %mul3A_0, %mul3A_2 : i32
    %add3A_3 = arith.addi %add3A, %arg2 : i32
    %c0_i32 = arith.constant 0 : i32
    %c0_i32_4 = arith.constant 0 : i32
    return %add3A_3, %c0_i32 : i32, i32
  }
}

module attributes {stable_mosaic.version = 14 : i64} {
  func.func @_gru_body(%arg0: i32, %arg1: memref<1000x256xf32, #tpu.memory_space<vmem>>, %arg2: memref<1000x256xf32, #tpu.memory_space<vmem>>, %arg3: memref<768x256xf32, #tpu.memory_space<vmem>>, %arg4: memref<768x256xf32, #tpu.memory_space<vmem>>, %arg5: memref<1x768xf32, #tpu.memory_space<vmem>>, %arg6: memref<1x768xf32, #tpu.memory_space<vmem>>, %arg7: memref<1000x256xf32, #tpu.memory_space<vmem>>) attributes {dimension_semantics = [#tpu.dimension_semantics<arbitrary>], iteration_bounds = array<i64: 10>, scalar_prefetch = 0 : i64, scratch_operands = 0 : i64, tpu.core_type = #tpu.core_type<tc>, window_params = [{transform_indices = @transform_0, window_bounds = array<i64: 1000, 256>}, {transform_indices = @transform_1, window_bounds = array<i64: 1000, 256>}, {pipeline_mode = #tpu.pipeline_mode<synchronous>, transform_indices = @transform_2, window_bounds = array<i64: 768, 256>}, {pipeline_mode = #tpu.pipeline_mode<synchronous>, transform_indices = @transform_3, window_bounds = array<i64: 768, 256>}, {pipeline_mode = #tpu.pipeline_mode<synchronous>, transform_indices = @transform_4, window_bounds = array<i64: 1, 768>}, {pipeline_mode = #tpu.pipeline_mode<synchronous>, transform_indices = @transform_5, window_bounds = array<i64: 1, 768>}, {transform_indices = @transform_6, window_bounds = array<i64: 1000, 256>}]} {
    %get3A = arith.constant 0 : index
    %get3A_0 = arith.constant 0 : index
    %get3A_1 = vector.load %arg1[%get3A, %get3A_0] : memref<1000x256xf32, #tpu.memory_space<vmem>>, vector<1000x256xf32>
    %get3A_2 = arith.constant 0 : index
    %get3A_3 = arith.constant 0 : index
    %get3A_4 = vector.load %arg2[%get3A_2, %get3A_3] : memref<1000x256xf32, #tpu.memory_space<vmem>>, vector<1000x256xf32>
    %get3A_5 = arith.constant 0 : index
    %get3A_6 = arith.constant 0 : index
    %get3A_7 = vector.load %arg3[%get3A_5, %get3A_6] : memref<768x256xf32, #tpu.memory_space<vmem>>, vector<768x256xf32>
    %dot_general3A = arith.constant dense<0.000000e+00> : vector<1000x768xf32>
    %dot_general3A_8 = tpu.matmul %get3A_1, %get3A_7, %dot_general3A {dimension_numbers = #tpu.dot_dimension_numbers<[1], [1], [0], [0], [0, 0, 1, 0], [], []>, transpose_lhs_hint = false} : vector<1000x256xf32>, vector<768x256xf32>, vector<1000x768xf32> -> vector<1000x768xf32>
    %get3A_9 = arith.constant 0 : index
    %get3A_10 = arith.constant 0 : index
    %get3A_11 = vector.load %arg5[%get3A_9, %get3A_10] : memref<1x768xf32, #tpu.memory_space<vmem>>, vector<1x768xf32>
    %add3A = vector.broadcast %get3A_11 : vector<1x768xf32> to vector<1000x768xf32>
    %add3A_12 = arith.addf %dot_general3A_8, %add3A : vector<1000x768xf32>
    %get3A_13 = arith.constant 0 : index
    %get3A_14 = arith.constant 0 : index
    %get3A_15 = vector.load %arg4[%get3A_13, %get3A_14] : memref<768x256xf32, #tpu.memory_space<vmem>>, vector<768x256xf32>
    %dot_general3A_16 = arith.constant dense<0.000000e+00> : vector<1000x768xf32>
    %dot_general3A_17 = tpu.matmul %get3A_4, %get3A_15, %dot_general3A_16 {dimension_numbers = #tpu.dot_dimension_numbers<[1], [1], [0], [0], [0, 0, 1, 0], [], []>, transpose_lhs_hint = false} : vector<1000x256xf32>, vector<768x256xf32>, vector<1000x768xf32> -> vector<1000x768xf32>
    %get3A_18 = arith.constant 0 : index
    %get3A_19 = arith.constant 0 : index
    %get3A_20 = vector.load %arg6[%get3A_18, %get3A_19] : memref<1x768xf32, #tpu.memory_space<vmem>>, vector<1x768xf32>
    %add3A_21 = vector.broadcast %get3A_20 : vector<1x768xf32> to vector<1000x768xf32>
    %add3A_22 = arith.addf %dot_general3A_17, %add3A_21 : vector<1000x768xf32>
    %slice3A = vector.extract_strided_slice %add3A_12 {offsets = [0, 0], sizes = [1000, 256], strides = [1, 1]} : vector<1000x768xf32> to vector<1000x256xf32>
    %slice3A_23 = vector.extract_strided_slice %add3A_22 {offsets = [0, 0], sizes = [1000, 256], strides = [1, 1]} : vector<1000x768xf32> to vector<1000x256xf32>
    %add3A_24 = arith.addf %slice3A, %slice3A_23 : vector<1000x256xf32>
    %logistic3A = arith.negf %add3A_24 : vector<1000x256xf32>
    %logistic3A_25 = math.exp %logistic3A : vector<1000x256xf32>
    %logistic3A_26 = arith.constant 1.000000e+00 : f32
    %logistic3A_27 = vector.broadcast %logistic3A_26 : f32 to vector<1000x256xf32>
    %logistic3A_28 = arith.addf %logistic3A_27, %logistic3A_25 : vector<1000x256xf32>
    %logistic3A_29 = arith.divf %logistic3A_27, %logistic3A_28 : vector<1000x256xf32>
    %slice3A_30 = vector.extract_strided_slice %add3A_12 {offsets = [0, 256], sizes = [1000, 256], strides = [1, 1]} : vector<1000x768xf32> to vector<1000x256xf32>
    %slice3A_31 = vector.extract_strided_slice %add3A_22 {offsets = [0, 256], sizes = [1000, 256], strides = [1, 1]} : vector<1000x768xf32> to vector<1000x256xf32>
    %add3A_32 = arith.addf %slice3A_30, %slice3A_31 : vector<1000x256xf32>
    %logistic3A_33 = arith.negf %add3A_32 : vector<1000x256xf32>
    %logistic3A_34 = math.exp %logistic3A_33 : vector<1000x256xf32>
    %logistic3A_35 = arith.constant 1.000000e+00 : f32
    %logistic3A_36 = vector.broadcast %logistic3A_35 : f32 to vector<1000x256xf32>
    %logistic3A_37 = arith.addf %logistic3A_36, %logistic3A_34 : vector<1000x256xf32>
    %logistic3A_38 = arith.divf %logistic3A_36, %logistic3A_37 : vector<1000x256xf32>
    %slice3A_39 = vector.extract_strided_slice %add3A_12 {offsets = [0, 512], sizes = [1000, 256], strides = [1, 1]} : vector<1000x768xf32> to vector<1000x256xf32>
    %slice3A_40 = vector.extract_strided_slice %add3A_22 {offsets = [0, 512], sizes = [1000, 256], strides = [1, 1]} : vector<1000x768xf32> to vector<1000x256xf32>
    %mul3A = arith.mulf %logistic3A_29, %slice3A_40 : vector<1000x256xf32>
    %add3A_41 = arith.addf %slice3A_39, %mul3A : vector<1000x256xf32>
    %tanh3A = math.tanh %add3A_41 : vector<1000x256xf32>
    %sub3A = arith.constant 1.000000e+00 : f32
    %sub3A_42 = vector.broadcast %sub3A : f32 to vector<1000x256xf32>
    %sub3A_43 = arith.subf %sub3A_42, %logistic3A_38 : vector<1000x256xf32>
    %mul3A_44 = arith.mulf %sub3A_43, %tanh3A : vector<1000x256xf32>
    %mul3A_45 = arith.mulf %logistic3A_38, %get3A_4 : vector<1000x256xf32>
    %add3A_46 = arith.addf %mul3A_44, %mul3A_45 : vector<1000x256xf32>
    %swap3A = arith.constant 0 : index
    %swap3A_47 = arith.constant 0 : index
    %swap3A_48 = vector.load %arg7[%swap3A, %swap3A_47] : memref<1000x256xf32, #tpu.memory_space<vmem>>, vector<1000x256xf32>
    tpu.vector_store %arg7[%swap3A, %swap3A_47], %add3A_46 {strides = array<i32>} : memref<1000x256xf32, #tpu.memory_space<vmem>>, vector<1000x256xf32>,
    return
  }
  func.func @transform_0(%arg0: i32) -> (i32, i32) {
    %c0_i32 = arith.constant 0 : i32
    %c0_i32_0 = arith.constant 0 : i32
    return %arg0, %c0_i32 : i32, i32
  }
  func.func @transform_1(%arg0: i32) -> (i32, i32) {
    %c0_i32 = arith.constant 0 : i32
    %c0_i32_0 = arith.constant 0 : i32
    return %arg0, %c0_i32 : i32, i32
  }
  func.func @transform_2(%arg0: i32) -> (i32, i32) {
    %c0_i32 = arith.constant 0 : i32
    %c0_i32_0 = arith.constant 0 : i32
    %c0_i32_1 = arith.constant 0 : i32
    return %c0_i32, %c0_i32_0 : i32, i32
  }
  func.func @transform_3(%arg0: i32) -> (i32, i32) {
    %c0_i32 = arith.constant 0 : i32
    %c0_i32_0 = arith.constant 0 : i32
    %c0_i32_1 = arith.constant 0 : i32
    return %c0_i32, %c0_i32_0 : i32, i32
  }
  func.func @transform_4(%arg0: i32) -> (i32, i32) {
    %c0_i32 = arith.constant 0 : i32
    %c0_i32_0 = arith.constant 0 : i32
    %c0_i32_1 = arith.constant 0 : i32
    return %c0_i32, %c0_i32_0 : i32, i32
  }
  func.func @transform_5(%arg0: i32) -> (i32, i32) {
    %c0_i32 = arith.constant 0 : i32
    %c0_i32_0 = arith.constant 0 : i32
    %c0_i32_1 = arith.constant 0 : i32
    return %c0_i32, %c0_i32_0 : i32, i32
  }
  func.func @transform_6(%arg0: i32) -> (i32, i32) {
    %c0_i32 = arith.constant 0 : i32
    %c0_i32_0 = arith.constant 0 : i32
    return %arg0, %c0_i32 : i32, i32
  }
}

module attributes {stable_mosaic.version = 14 : i64} {
  func.func @_head_body(%arg0: i32, %arg1: memref<10096x384xf32, #tpu.memory_space<vmem>>, %arg2: memref<3x384x384xf32, #tpu.memory_space<vmem>>, %arg3: memref<1x384xf32, #tpu.memory_space<vmem>>, %arg4: memref<1x384x384xf32, #tpu.memory_space<vmem>>, %arg5: memref<1x384xf32, #tpu.memory_space<vmem>>, %arg6: memref<3x256x256xf32, #tpu.memory_space<vmem>>, %arg7: memref<1x256xf32, #tpu.memory_space<vmem>>, %arg8: memref<1x256x256xf32, #tpu.memory_space<vmem>>, %arg9: memref<1x256xf32, #tpu.memory_space<vmem>>, %arg10: memref<384x1xf32, #tpu.memory_space<vmem>>, %arg11: memref<1x1xf32, #tpu.memory_space<vmem>>, %arg12: memref<256x1xf32, #tpu.memory_space<vmem>>, %arg13: memref<1x1xf32, #tpu.memory_space<vmem>>, %arg14: memref<1x128xf32, #tpu.memory_space<vmem>>) attributes {dimension_semantics = [#tpu.dimension_semantics<arbitrary>], iteration_bounds = array<i64: 20>, scalar_prefetch = 0 : i64, scratch_operands = 0 : i64, tpu.core_type = #tpu.core_type<tc>, window_params = [{pipeline_mode = #tpu.pipeline_mode<synchronous>, transform_indices = @transform_0, window_bounds = array<i64: 10096, 384>}, {pipeline_mode = #tpu.pipeline_mode<synchronous>, transform_indices = @transform_1, window_bounds = array<i64: 3, 384, 384>}, {pipeline_mode = #tpu.pipeline_mode<synchronous>, transform_indices = @transform_2, window_bounds = array<i64: 1, 384>}, {pipeline_mode = #tpu.pipeline_mode<synchronous>, transform_indices = @transform_3, window_bounds = array<i64: 1, 384, 384>}, {pipeline_mode = #tpu.pipeline_mode<synchronous>, transform_indices = @transform_4, window_bounds = array<i64: 1, 384>}, {pipeline_mode = #tpu.pipeline_mode<synchronous>, transform_indices = @transform_5, window_bounds = array<i64: 3, 256, 256>}, {pipeline_mode = #tpu.pipeline_mode<synchronous>, transform_indices = @transform_6, window_bounds = array<i64: 1, 256>}, {pipeline_mode = #tpu.pipeline_mode<synchronous>, transform_indices = @transform_7, window_bounds = array<i64: 1, 256, 256>}, {pipeline_mode = #tpu.pipeline_mode<synchronous>, transform_indices = @transform_8, window_bounds = array<i64: 1, 256>}, {pipeline_mode = #tpu.pipeline_mode<synchronous>, transform_indices = @transform_9, window_bounds = array<i64: 384, 1>}, {pipeline_mode = #tpu.pipeline_mode<synchronous>, transform_indices = @transform_10, window_bounds = array<i64: 1, 1>}, {pipeline_mode = #tpu.pipeline_mode<synchronous>, transform_indices = @transform_11, window_bounds = array<i64: 256, 1>}, {pipeline_mode = #tpu.pipeline_mode<synchronous>, transform_indices = @transform_12, window_bounds = array<i64: 1, 1>}, {pipeline_mode = #tpu.pipeline_mode<synchronous>, transform_indices = @transform_13, window_bounds = array<i64: 1, 128>}]} {
    %mul3A = arith.constant 504 : i32
    %mul3A_0 = arith.muli %mul3A, %arg0 : i32
    %get3A = arith.index_cast %mul3A_0 : i32 to index
    %get3A_1 = arith.constant 0 : index
    %get3A_2 = vector.load %arg1[%get3A, %get3A_1] : memref<10096x384xf32, #tpu.memory_space<vmem>>, vector<520x384xf32>
    %get3A_3 = arith.constant 0 : index
    %get3A_4 = arith.constant 0 : index
    %get3A_5 = arith.constant 0 : index
    %get3A_6 = vector.load %arg2[%get3A_3, %get3A_4, %get3A_5] : memref<3x384x384xf32, #tpu.memory_space<vmem>>, vector<3x384x384xf32>
    %get3A_7 = arith.constant 0 : index
    %get3A_8 = arith.constant 0 : index
    %get3A_9 = vector.load %arg3[%get3A_7, %get3A_8] : memref<1x384xf32, #tpu.memory_space<vmem>>, vector<1x384xf32>
    %get3A_10 = arith.constant 0 : index
    %get3A_11 = arith.constant 0 : index
    %get3A_12 = arith.constant 0 : index
    %get3A_13 = vector.load %arg4[%get3A_10, %get3A_11, %get3A_12] : memref<1x384x384xf32, #tpu.memory_space<vmem>>, vector<1x384x384xf32>
    %get3A_14 = arith.constant 0 : index
    %get3A_15 = arith.constant 0 : index
    %get3A_16 = vector.load %arg5[%get3A_14, %get3A_15] : memref<1x384xf32, #tpu.memory_space<vmem>>, vector<1x384xf32>
    %slice3A = vector.extract_strided_slice %get3A_2 {offsets = [0, 0], sizes = [512, 384], strides = [1, 1]} : vector<520x384xf32> to vector<512x384xf32>
    %slice3A_17 = vector.extract_strided_slice %get3A_6 {offsets = [0, 0, 0], sizes = [1, 384, 384], strides = [1, 1, 1]} : vector<3x384x384xf32> to vector<1x384x384xf32>
    %squeeze3A = vector.shape_cast %slice3A_17 : vector<1x384x384xf32> to vector<384x384xf32>
    %dot_general3A = arith.constant dense<0.000000e+00> : vector<512x384xf32>
    %dot_general3A_18 = tpu.matmul %slice3A, %squeeze3A, %dot_general3A {dimension_numbers = #tpu.dot_dimension_numbers<[1], [1], [0], [0], [0, 0, 1, 0], [], []>, transpose_lhs_hint = false} : vector<512x384xf32>, vector<384x384xf32>, vector<512x384xf32> -> vector<512x384xf32>
    %slice3A_19 = vector.extract_strided_slice %get3A_2 {offsets = [1, 0], sizes = [512, 384], strides = [1, 1]} : vector<520x384xf32> to vector<512x384xf32>
    %slice3A_20 = vector.extract_strided_slice %get3A_6 {offsets = [1, 0, 0], sizes = [1, 384, 384], strides = [1, 1, 1]} : vector<3x384x384xf32> to vector<1x384x384xf32>
    %squeeze3A_21 = vector.shape_cast %slice3A_20 : vector<1x384x384xf32> to vector<384x384xf32>
    %dot_general3A_22 = arith.constant dense<0.000000e+00> : vector<512x384xf32>
    %dot_general3A_23 = tpu.matmul %slice3A_19, %squeeze3A_21, %dot_general3A_22 {dimension_numbers = #tpu.dot_dimension_numbers<[1], [1], [0], [0], [0, 0, 1, 0], [], []>, transpose_lhs_hint = false} : vector<512x384xf32>, vector<384x384xf32>, vector<512x384xf32> -> vector<512x384xf32>
    %add3A = arith.addf %dot_general3A_18, %dot_general3A_23 : vector<512x384xf32>
    %slice3A_24 = vector.extract_strided_slice %get3A_2 {offsets = [2, 0], sizes = [512, 384], strides = [1, 1]} : vector<520x384xf32> to vector<512x384xf32>
    %slice3A_25 = vector.extract_strided_slice %get3A_6 {offsets = [2, 0, 0], sizes = [1, 384, 384], strides = [1, 1, 1]} : vector<3x384x384xf32> to vector<1x384x384xf32>
    %squeeze3A_26 = vector.shape_cast %slice3A_25 : vector<1x384x384xf32> to vector<384x384xf32>
    %dot_general3A_27 = arith.constant dense<0.000000e+00> : vector<512x384xf32>
    %dot_general3A_28 = tpu.matmul %slice3A_24, %squeeze3A_26, %dot_general3A_27 {dimension_numbers = #tpu.dot_dimension_numbers<[1], [1], [0], [0], [0, 0, 1, 0], [], []>, transpose_lhs_hint = false} : vector<512x384xf32>, vector<384x384xf32>, vector<512x384xf32> -> vector<512x384xf32>
    %add3A_29 = arith.addf %add3A, %dot_general3A_28 : vector<512x384xf32>
    %add3A_30 = vector.broadcast %get3A_9 : vector<1x384xf32> to vector<512x384xf32>
    %add3A_31 = arith.addf %add3A_29, %add3A_30 : vector<512x384xf32>
    %max3A = arith.constant 0.000000e+00 : f32
    %max3A_32 = vector.broadcast %max3A : f32 to vector<512x384xf32>
    %max3A_33 = arith.maximumf %add3A_31, %max3A_32 : vector<512x384xf32>
    %reshape3A = vector.shape_cast %max3A_33 : vector<512x384xf32> to vector<256x2x384xf32>
    %slice3A_34 = vector.extract_strided_slice %reshape3A {offsets = [0, 0, 0], sizes = [256, 1, 384], strides = [1, 1, 1]} : vector<256x2x384xf32> to vector<256x1x384xf32>
    %squeeze3A_35 = vector.shape_cast %slice3A_34 : vector<256x1x384xf32> to vector<256x384xf32>
    %slice3A_36 = vector.extract_strided_slice %reshape3A {offsets = [0, 1, 0], sizes = [256, 1, 384], strides = [1, 1, 1]} : vector<256x2x384xf32> to vector<256x1x384xf32>
    %squeeze3A_37 = vector.shape_cast %slice3A_36 : vector<256x1x384xf32> to vector<256x384xf32>
    %slice3A_38 = vector.extract_strided_slice %squeeze3A_35 {offsets = [0, 0], sizes = [252, 384], strides = [1, 1]} : vector<256x384xf32> to vector<252x384xf32>
    %slice3A_39 = vector.extract_strided_slice %squeeze3A_37 {offsets = [0, 0], sizes = [252, 384], strides = [1, 1]} : vector<256x384xf32> to vector<252x384xf32>
    %max3A_40 = arith.maximumf %slice3A_38, %slice3A_39 : vector<252x384xf32>
    %slice3A_41 = vector.extract_strided_slice %squeeze3A_35 {offsets = [1, 0], sizes = [252, 384], strides = [1, 1]} : vector<256x384xf32> to vector<252x384xf32>
    %max3A_42 = arith.maximumf %max3A_40, %slice3A_41 : vector<252x384xf32>
    %squeeze3A_43 = vector.shape_cast %get3A_13 : vector<1x384x384xf32> to vector<384x384xf32>
    %dot_general3A_44 = arith.constant dense<0.000000e+00> : vector<252x384xf32>
    %dot_general3A_45 = tpu.matmul %max3A_42, %squeeze3A_43, %dot_general3A_44 {dimension_numbers = #tpu.dot_dimension_numbers<[1], [1], [0], [0], [0, 0, 1, 0], [], []>, transpose_lhs_hint = false} : vector<252x384xf32>, vector<384x384xf32>, vector<252x384xf32> -> vector<252x384xf32>
    %add3A_46 = vector.broadcast %get3A_16 : vector<1x384xf32> to vector<252x384xf32>
    %add3A_47 = arith.addf %dot_general3A_45, %add3A_46 : vector<252x384xf32>
    %reshape3A_48 = vector.shape_cast %add3A_47 : vector<252x384xf32> to vector<126x2x384xf32>
    %reduce_max3A = arith.constant dense<0xFF800000> : vector<126x384xf32>
    %reduce_max3A_49 = vector.multi_reduction <maximumf>, %reshape3A_48, %reduce_max3A [1] : vector<126x2x384xf32> to vector<126x384xf32>
    %slice3A_50 = vector.extract_strided_slice %get3A_2 {offsets = [0, 0], sizes = [520, 256], strides = [1, 1]} : vector<520x384xf32> to vector<520x256xf32>
    %get3A_51 = arith.constant 0 : index
    %get3A_52 = arith.constant 0 : index
    %get3A_53 = arith.constant 0 : index
    %get3A_54 = vector.load %arg6[%get3A_51, %get3A_52, %get3A_53] : memref<3x256x256xf32, #tpu.memory_space<vmem>>, vector<3x256x256xf32>
    %get3A_55 = arith.constant 0 : index
    %get3A_56 = arith.constant 0 : index
    %get3A_57 = vector.load %arg7[%get3A_55, %get3A_56] : memref<1x256xf32, #tpu.memory_space<vmem>>, vector<1x256xf32>
    %get3A_58 = arith.constant 0 : index
    %get3A_59 = arith.constant 0 : index
    %get3A_60 = arith.constant 0 : index
    %get3A_61 = vector.load %arg8[%get3A_58, %get3A_59, %get3A_60] : memref<1x256x256xf32, #tpu.memory_space<vmem>>, vector<1x256x256xf32>
    %get3A_62 = arith.constant 0 : index
    %get3A_63 = arith.constant 0 : index
    %get3A_64 = vector.load %arg9[%get3A_62, %get3A_63] : memref<1x256xf32, #tpu.memory_space<vmem>>, vector<1x256xf32>
    %slice3A_65 = vector.extract_strided_slice %slice3A_50 {offsets = [0, 0], sizes = [512, 256], strides = [1, 1]} : vector<520x256xf32> to vector<512x256xf32>
    %slice3A_66 = vector.extract_strided_slice %get3A_54 {offsets = [0, 0, 0], sizes = [1, 256, 256], strides = [1, 1, 1]} : vector<3x256x256xf32> to vector<1x256x256xf32>
    %squeeze3A_67 = vector.shape_cast %slice3A_66 : vector<1x256x256xf32> to vector<256x256xf32>
    %dot_general3A_68 = arith.constant dense<0.000000e+00> : vector<512x256xf32>
    %dot_general3A_69 = tpu.matmul %slice3A_65, %squeeze3A_67, %dot_general3A_68 {dimension_numbers = #tpu.dot_dimension_numbers<[1], [1], [0], [0], [0, 0, 1, 0], [], []>, transpose_lhs_hint = false} : vector<512x256xf32>, vector<256x256xf32>, vector<512x256xf32> -> vector<512x256xf32>
    %slice3A_70 = vector.extract_strided_slice %slice3A_50 {offsets = [1, 0], sizes = [512, 256], strides = [1, 1]} : vector<520x256xf32> to vector<512x256xf32>
    %slice3A_71 = vector.extract_strided_slice %get3A_54 {offsets = [1, 0, 0], sizes = [1, 256, 256], strides = [1, 1, 1]} : vector<3x256x256xf32> to vector<1x256x256xf32>
    %squeeze3A_72 = vector.shape_cast %slice3A_71 : vector<1x256x256xf32> to vector<256x256xf32>
    %dot_general3A_73 = arith.constant dense<0.000000e+00> : vector<512x256xf32>
    %dot_general3A_74 = tpu.matmul %slice3A_70, %squeeze3A_72, %dot_general3A_73 {dimension_numbers = #tpu.dot_dimension_numbers<[1], [1], [0], [0], [0, 0, 1, 0], [], []>, transpose_lhs_hint = false} : vector<512x256xf32>, vector<256x256xf32>, vector<512x256xf32> -> vector<512x256xf32>
    %add3A_75 = arith.addf %dot_general3A_69, %dot_general3A_74 : vector<512x256xf32>
    %slice3A_76 = vector.extract_strided_slice %slice3A_50 {offsets = [2, 0], sizes = [512, 256], strides = [1, 1]} : vector<520x256xf32> to vector<512x256xf32>
    %slice3A_77 = vector.extract_strided_slice %get3A_54 {offsets = [2, 0, 0], sizes = [1, 256, 256], strides = [1, 1, 1]} : vector<3x256x256xf32> to vector<1x256x256xf32>
    %squeeze3A_78 = vector.shape_cast %slice3A_77 : vector<1x256x256xf32> to vector<256x256xf32>
    %dot_general3A_79 = arith.constant dense<0.000000e+00> : vector<512x256xf32>
    %dot_general3A_80 = tpu.matmul %slice3A_76, %squeeze3A_78, %dot_general3A_79 {dimension_numbers = #tpu.dot_dimension_numbers<[1], [1], [0], [0], [0, 0, 1, 0], [], []>, transpose_lhs_hint = false} : vector<512x256xf32>, vector<256x256xf32>, vector<512x256xf32> -> vector<512x256xf32>
    %add3A_81 = arith.addf %add3A_75, %dot_general3A_80 : vector<512x256xf32>
    %add3A_82 = vector.broadcast %get3A_57 : vector<1x256xf32> to vector<512x256xf32>
    %add3A_83 = arith.addf %add3A_81, %add3A_82 : vector<512x256xf32>
    %max3A_84 = arith.constant 0.000000e+00 : f32
    %max3A_85 = vector.broadcast %max3A_84 : f32 to vector<512x256xf32>
    %max3A_86 = arith.maximumf %add3A_83, %max3A_85 : vector<512x256xf32>
    %reshape3A_87 = vector.shape_cast %max3A_86 : vector<512x256xf32> to vector<256x2x256xf32>
    %slice3A_88 = vector.extract_strided_slice %reshape3A_87 {offsets = [0, 0, 0], sizes = [256, 1, 256], strides = [1, 1, 1]} : vector<256x2x256xf32> to vector<256x1x256xf32>
    %squeeze3A_89 = vector.shape_cast %slice3A_88 : vector<256x1x256xf32> to vector<256x256xf32>
    %slice3A_90 = vector.extract_strided_slice %reshape3A_87 {offsets = [0, 1, 0], sizes = [256, 1, 256], strides = [1, 1, 1]} : vector<256x2x256xf32> to vector<256x1x256xf32>
    %squeeze3A_91 = vector.shape_cast %slice3A_90 : vector<256x1x256xf32> to vector<256x256xf32>
    %slice3A_92 = vector.extract_strided_slice %squeeze3A_89 {offsets = [0, 0], sizes = [252, 256], strides = [1, 1]} : vector<256x256xf32> to vector<252x256xf32>
    %slice3A_93 = vector.extract_strided_slice %squeeze3A_91 {offsets = [0, 0], sizes = [252, 256], strides = [1, 1]} : vector<256x256xf32> to vector<252x256xf32>
    %max3A_94 = arith.maximumf %slice3A_92, %slice3A_93 : vector<252x256xf32>
    %slice3A_95 = vector.extract_strided_slice %squeeze3A_89 {offsets = [1, 0], sizes = [252, 256], strides = [1, 1]} : vector<256x256xf32> to vector<252x256xf32>
    %max3A_96 = arith.maximumf %max3A_94, %slice3A_95 : vector<252x256xf32>
    %squeeze3A_97 = vector.shape_cast %get3A_61 : vector<1x256x256xf32> to vector<256x256xf32>
    %dot_general3A_98 = arith.constant dense<0.000000e+00> : vector<252x256xf32>
    %dot_general3A_99 = tpu.matmul %max3A_96, %squeeze3A_97, %dot_general3A_98 {dimension_numbers = #tpu.dot_dimension_numbers<[1], [1], [0], [0], [0, 0, 1, 0], [], []>, transpose_lhs_hint = false} : vector<252x256xf32>, vector<256x256xf32>, vector<252x256xf32> -> vector<252x256xf32>
    %add3A_100 = vector.broadcast %get3A_64 : vector<1x256xf32> to vector<252x256xf32>
    %add3A_101 = arith.addf %dot_general3A_99, %add3A_100 : vector<252x256xf32>
    %reshape3A_102 = vector.shape_cast %add3A_101 : vector<252x256xf32> to vector<126x2x256xf32>
    %reduce_max3A_103 = arith.constant dense<0xFF800000> : vector<126x256xf32>
    %reduce_max3A_104 = vector.multi_reduction <maximumf>, %reshape3A_102, %reduce_max3A_103 [1] : vector<126x2x256xf32> to vector<126x256xf32>
    %get3A_105 = arith.constant 0 : index
    %get3A_106 = arith.constant 0 : index
    %get3A_107 = vector.load %arg10[%get3A_105, %get3A_106] : memref<384x1xf32, #tpu.memory_space<vmem>>, vector<384x1xf32>
    %dot_general3A_108 = arith.constant dense<0.000000e+00> : vector<126x1xf32>
    %dot_general3A_109 = tpu.matmul %reduce_max3A_49, %get3A_107, %dot_general3A_108 {dimension_numbers = #tpu.dot_dimension_numbers<[1], [0], [0], [1], [0, 0, 1, 1], [], []>, transpose_lhs_hint = false} : vector<126x384xf32>, vector<384x1xf32>, vector<126x1xf32> -> vector<126x1xf32>
    %get3A_110 = arith.constant 0 : index
    %get3A_111 = arith.constant 0 : index
    %get3A_112 = vector.load %arg11[%get3A_110, %get3A_111] : memref<1x1xf32, #tpu.memory_space<vmem>>, vector<1x1xf32>
    %add3A_113 = vector.broadcast %get3A_112 : vector<1x1xf32> to vector<126x1xf32>
    %add3A_114 = arith.addf %dot_general3A_109, %add3A_113 : vector<126x1xf32>
    %get3A_115 = arith.constant 0 : index
    %get3A_116 = arith.constant 0 : index
    %get3A_117 = vector.load %arg12[%get3A_115, %get3A_116] : memref<256x1xf32, #tpu.memory_space<vmem>>, vector<256x1xf32>
    %dot_general3A_118 = arith.constant dense<0.000000e+00> : vector<126x1xf32>
    %dot_general3A_119 = tpu.matmul %reduce_max3A_104, %get3A_117, %dot_general3A_118 {dimension_numbers = #tpu.dot_dimension_numbers<[1], [0], [0], [1], [0, 0, 1, 1], [], []>, transpose_lhs_hint = false} : vector<126x256xf32>, vector<256x1xf32>, vector<126x1xf32> -> vector<126x1xf32>
    %get3A_120 = arith.constant 0 : index
    %get3A_121 = arith.constant 0 : index
    %get3A_122 = vector.load %arg13[%get3A_120, %get3A_121] : memref<1x1xf32, #tpu.memory_space<vmem>>, vector<1x1xf32>
    %add3A_123 = vector.broadcast %get3A_122 : vector<1x1xf32> to vector<126x1xf32>
    %add3A_124 = arith.addf %dot_general3A_119, %add3A_123 : vector<126x1xf32>
    %mul3A_125 = arith.mulf %add3A_114, %add3A_124 : vector<126x1xf32>
    %mul3A_126 = arith.constant 126 : i32
    %mul3A_127 = arith.muli %mul3A_126, %arg0 : i32
    %iota3A = tpu.iota {dimensions = array<i32: 0>} : vector<126x1xi32>
    %add3A_128 = vector.broadcast %mul3A_127 : i32 to vector<126x1xi32>
    %add3A_129 = arith.addi %add3A_128, %iota3A : vector<126x1xi32>
    %lt3A = arith.constant 2499 : i32
    %lt3A_130 = vector.broadcast %lt3A : i32 to vector<126x1xi32>
    %lt3A_131 = arith.cmpi slt, %add3A_129, %lt3A_130 : vector<126x1xi32>
    %jit3A = arith.constant 0.000000e+00 : f32
    %broadcast_in_dim3A = vector.broadcast %jit3A : f32 to vector<126x1xf32>
    %select_n3A = arith.select %lt3A_131, %mul3A_125, %broadcast_in_dim3A : vector<126x1xi1>, vector<126x1xf32>
    %reduce_sum3A = vector.shape_cast %select_n3A : vector<126x1xf32> to vector<1x126x1xf32>
    %reduce_sum3A_132 = arith.constant dense<0.000000e+00> : vector<1xf32>
    %reduce_sum3A_133 = vector.multi_reduction <add>, %reduce_sum3A, %reduce_sum3A_132 [1, 2] : vector<1x126x1xf32> to vector<1xf32>
    %reduce_sum3A_134 = vector.shape_cast %reduce_sum3A_133 : vector<1xf32> to vector<1x1x1xf32>
    %reduce_sum3A_135 = vector.extract %reduce_sum3A_134[0, 0, 0] : f32 from vector<1x1x1xf32>
    %iota3A_136 = tpu.iota {dimensions = array<i32: 1>} : vector<1x128xi32>
    %eq3A = arith.constant 0 : i32
    %eq3A_137 = vector.broadcast %eq3A : i32 to vector<1x128xi32>
    %eq3A_138 = arith.cmpi eq, %iota3A_136, %eq3A_137 : vector<1x128xi32>
    %jit3A_139 = arith.constant 0.000000e+00 : f32
    %broadcast_in_dim3A_140 = vector.broadcast %reduce_sum3A_135 : f32 to vector<1x128xf32>
    %broadcast_in_dim3A_141 = vector.broadcast %jit3A_139 : f32 to vector<1x128xf32>
    %select_n3A_142 = arith.select %eq3A_138, %broadcast_in_dim3A_140, %broadcast_in_dim3A_141 : vector<1x128xi1>, vector<1x128xf32>
    %eq3A_143 = arith.constant 0 : i32
    %eq3A_144 = arith.cmpi eq, %arg0, %eq3A_143 : i32
    %convert_element_type3A = arith.extui %eq3A_144 : i1 to i32
    %cond3A = arith.constant 0 : i32
    %cond3A_145 = arith.cmpi ne, %convert_element_type3A, %cond3A : i32
    scf.if %cond3A_145 {
      %broadcast_in_dim3A_157 = arith.constant 0.000000e+00 : f32
      %broadcast_in_dim3A_158 = vector.broadcast %broadcast_in_dim3A_157 : f32 to vector<1x128xf32>
      %swap3A_159 = arith.constant 0 : index
      %swap3A_160 = arith.constant 0 : index
      %swap3A_161 = vector.load %arg14[%swap3A_159, %swap3A_160] : memref<1x128xf32, #tpu.memory_space<vmem>>, vector<1x128xf32>
      tpu.vector_store %arg14[%swap3A_159, %swap3A_160], %broadcast_in_dim3A_158 {strides = array<i32>} : memref<1x128xf32, #tpu.memory_space<vmem>>, vector<1x128xf32>,
    } else {
    }
    %get3A_146 = arith.constant 0 : index
    %get3A_147 = arith.constant 0 : index
    %get3A_148 = vector.load %arg14[%get3A_146, %get3A_147] : memref<1x128xf32, #tpu.memory_space<vmem>>, vector<1x128xf32>
    %add3A_149 = arith.addf %get3A_148, %select_n3A_142 : vector<1x128xf32>
    %swap3A = arith.constant 0 : index
    %swap3A_150 = arith.constant 0 : index
    %swap3A_151 = vector.load %arg14[%swap3A, %swap3A_150] : memref<1x128xf32, #tpu.memory_space<vmem>>, vector<1x128xf32>
    tpu.vector_store %arg14[%swap3A, %swap3A_150], %add3A_149 {strides = array<i32>} : memref<1x128xf32, #tpu.memory_space<vmem>>, vector<1x128xf32>,
    %eq3A_152 = arith.constant 19 : i32
    %eq3A_153 = arith.cmpi eq, %arg0, %eq3A_152 : i32
    %convert_element_type3A_154 = arith.extui %eq3A_153 : i1 to i32
    %cond3A_155 = arith.constant 0 : i32
    %cond3A_156 = arith.cmpi ne, %convert_element_type3A_154, %cond3A_155 : i32
    scf.if %cond3A_156 {
      %div3A = arith.constant 2.499000e+03 : f32
      %div3A_157 = vector.broadcast %div3A : f32 to vector<1x128xf32>
      %div3A_158 = arith.divf %add3A_149, %div3A_157 : vector<1x128xf32>
      %logistic3A = arith.negf %div3A_158 : vector<1x128xf32>
      %logistic3A_159 = math.exp %logistic3A : vector<1x128xf32>
      %logistic3A_160 = arith.constant 1.000000e+00 : f32
      %logistic3A_161 = vector.broadcast %logistic3A_160 : f32 to vector<1x128xf32>
      %logistic3A_162 = arith.addf %logistic3A_161, %logistic3A_159 : vector<1x128xf32>
      %logistic3A_163 = arith.divf %logistic3A_161, %logistic3A_162 : vector<1x128xf32>
      %swap3A_164 = arith.constant 0 : index
      %swap3A_165 = arith.constant 0 : index
      %swap3A_166 = vector.load %arg14[%swap3A_164, %swap3A_165] : memref<1x128xf32, #tpu.memory_space<vmem>>, vector<1x128xf32>
      tpu.vector_store %arg14[%swap3A_164, %swap3A_165], %logistic3A_163 {strides = array<i32>} : memref<1x128xf32, #tpu.memory_space<vmem>>, vector<1x128xf32>,
    } else {
    }
    return
  }
  func.func @transform_0(%arg0: i32) -> (i32, i32) {
    %c0_i32 = arith.constant 0 : i32
    %c0_i32_0 = arith.constant 0 : i32
    %c0_i32_1 = arith.constant 0 : i32
    return %c0_i32, %c0_i32_0 : i32, i32
  }
  func.func @transform_1(%arg0: i32) -> (i32, i32, i32) {
    %c0_i32 = arith.constant 0 : i32
    %c0_i32_0 = arith.constant 0 : i32
    %c0_i32_1 = arith.constant 0 : i32
    %c0_i32_2 = arith.constant 0 : i32
    return %c0_i32, %c0_i32_0, %c0_i32_1 : i32, i32, i32
  }
  func.func @transform_2(%arg0: i32) -> (i32, i32) {
    %c0_i32 = arith.constant 0 : i32
    %c0_i32_0 = arith.constant 0 : i32
    %c0_i32_1 = arith.constant 0 : i32
    return %c0_i32, %c0_i32_0 : i32, i32
  }
  func.func @transform_3(%arg0: i32) -> (i32, i32, i32) {
    %c0_i32 = arith.constant 0 : i32
    %c0_i32_0 = arith.constant 0 : i32
    %c0_i32_1 = arith.constant 0 : i32
    %c0_i32_2 = arith.constant 0 : i32
    return %c0_i32, %c0_i32_0, %c0_i32_1 : i32, i32, i32
  }
  func.func @transform_4(%arg0: i32) -> (i32, i32) {
    %c0_i32 = arith.constant 0 : i32
    %c0_i32_0 = arith.constant 0 : i32
    %c0_i32_1 = arith.constant 0 : i32
    return %c0_i32, %c0_i32_0 : i32, i32
  }
  func.func @transform_5(%arg0: i32) -> (i32, i32, i32) {
    %c0_i32 = arith.constant 0 : i32
    %c0_i32_0 = arith.constant 0 : i32
    %c0_i32_1 = arith.constant 0 : i32
    %c0_i32_2 = arith.constant 0 : i32
    return %c0_i32, %c0_i32_0, %c0_i32_1 : i32, i32, i32
  }
  func.func @transform_6(%arg0: i32) -> (i32, i32) {
    %c0_i32 = arith.constant 0 : i32
    %c0_i32_0 = arith.constant 0 : i32
    %c0_i32_1 = arith.constant 0 : i32
    return %c0_i32, %c0_i32_0 : i32, i32
  }
  func.func @transform_7(%arg0: i32) -> (i32, i32, i32) {
    %c0_i32 = arith.constant 0 : i32
    %c0_i32_0 = arith.constant 0 : i32
    %c0_i32_1 = arith.constant 0 : i32
    %c0_i32_2 = arith.constant 0 : i32
    return %c0_i32, %c0_i32_0, %c0_i32_1 : i32, i32, i32
  }
  func.func @transform_8(%arg0: i32) -> (i32, i32) {
    %c0_i32 = arith.constant 0 : i32
    %c0_i32_0 = arith.constant 0 : i32
    %c0_i32_1 = arith.constant 0 : i32
    return %c0_i32, %c0_i32_0 : i32, i32
  }
  func.func @transform_9(%arg0: i32) -> (i32, i32) {
    %c0_i32 = arith.constant 0 : i32
    %c0_i32_0 = arith.constant 0 : i32
    %c0_i32_1 = arith.constant 0 : i32
    return %c0_i32, %c0_i32_0 : i32, i32
  }
  func.func @transform_10(%arg0: i32) -> (i32, i32) {
    %c0_i32 = arith.constant 0 : i32
    %c0_i32_0 = arith.constant 0 : i32
    %c0_i32_1 = arith.constant 0 : i32
    return %c0_i32, %c0_i32_0 : i32, i32
  }
  func.func @transform_11(%arg0: i32) -> (i32, i32) {
    %c0_i32 = arith.constant 0 : i32
    %c0_i32_0 = arith.constant 0 : i32
    %c0_i32_1 = arith.constant 0 : i32
    return %c0_i32, %c0_i32_0 : i32, i32
  }
  func.func @transform_12(%arg0: i32) -> (i32, i32) {
    %c0_i32 = arith.constant 0 : i32
    %c0_i32_0 = arith.constant 0 : i32
    %c0_i32_1 = arith.constant 0 : i32
    return %c0_i32, %c0_i32_0 : i32, i32
  }
  func.func @transform_13(%arg0: i32) -> (i32, i32) {
    %c0_i32 = arith.constant 0 : i32
    %c0_i32_0 = arith.constant 0 : i32
    %c0_i32_1 = arith.constant 0 : i32
    return %c0_i32, %c0_i32_0 : i32, i32
  }
}

</mosaic_0001>

<sc_bundles>
// kernel: kernel.21.cloned.1.call-start
scs
__scs_entry_jumppad:
0x0: {  	(pc) =	sbr.rel $0x88, $3  }
0x1: {  	(tag) =	ssettag $0x0;
	lr =	simm.s32 $0x1  }
0x2: {  	[smem:$0x3F8B] =	sst lr;
	_ =	strace $0xD0000000  }
0x3: {  	_ = 	snop  }
0x4: {  	_ = 	snop  }
0x5: {  	_ = 	snop  }
0x6: {  	_ = 	snop  }
0x7: {  	_ = 	snop  }
__scs_overlays_trampoline_lowered:
0x8: {  	[smem:$0x3F9A] =	sst s0  }
0x9: {  	[smem:$0x3F9B] =	sst s1  }
0xa: {  	[smem:$0x3F9C] =	sst s2  }
0xb: {  	[smem:$0x3F9D] =	sst s3  }
0xc: {  	[smem:$0x3F9E] =	sst s4  }
0xd: {  	[smem:$0x3F9F] =	sst s5  }
0xe: {  	[smem:$0x3FA0] =	sst s6  }
0xf: {  	[smem:$0x3FA1] =	sst s7  }
0x10: {  	[smem:$0x3FA2] =	sst s8  }
0x11: {  	[smem:$0x3FA3] =	sst s9;
	s0 =	simm.s32 @!p0 $0x0  }
0x12: {  	s1 =	sld [smem:$0x3F89];
	s0 =	simm.s32 @p0 $0x1  }
0x13: {  	[smem:$0x3FA4] =	sst s0;
	s0 =	simm.s32 @!p1 $0x0  }
0x14: {  	s2 =	sld [smem:$0x3F88];
	s0 =	simm.s32 @p1 $0x1  }
0x15: {  	[smem:$0x3FA5] =	sst s0;
	s0 =	simm.s32 @!p2 $0x0  }
0x16: {  	s3 =	sld [smem:$0x3FDB];
	s0 =	simm.s32 @p2 $0x1  }
0x17: {  	s4 =	simm.s32 $0x1BF5;
	[smem:$0x3FA7] =	sst s0  }
0x18: {  	s0 =	sld [smem:$0x3F8A];
	_ =	swait.ge [sflag:s4], $0x0  }
0x19: {  	s7 =	sld [smem:$0x3F8B]  }
0x1a: {  	s8 =	sadd.s32 $0xFFFFE003, lr  }
0x1b: {  	s9 =	sadd.s32 $0xFFFFFEF7, lr;
	s5 =	simm.s32 $0xFFFFFFFF;
	p2 =	slt.u32 s8, $0xFFFFF086  }
0x1c: {  	p1 =	slt.u32 s9, $0xF7A;
	s5 =	simm.s32 @!p2 $0x0  }
0x1d: {  	s5 =	simm.s32 @p1 $0x1;
	p0 =	seq.s32 s7, s2  }
0x1e: {  	s7 =	smul.u32 @!p0 $0xF7A, s2;
	p2 =	seq.s32 @!p0 s5, $0x0  }
0x1f: {  	s9 =	smul.u32 $0xF7A, s1;
	s8 =	simm.s32 @!p0 $0x1BF5;
	p2 =	por !p2, p0  }
0x20: {  	[sflag:s8] =	ssyncset.s32 @!p0 $0xFFFFF086;
	s6 =	sadd.s32 @!p0 s3, s7;
	s7 =	simm.s32 @!p0 $0x108  }
0x21: {  	s3 =	sadd.s32 s3, s9;
	s6 =	sadd.s32 @!p0 $0x88, s6;
	s7 =	simm.s32 @p2 $0x1082  }
0x22: {  	[simem:s7], [sflag:s8] =	dma.local @!p0 [hbm:s6], $0xF7A  }
0x23: {  	s9 =	sor.u32 $0xD0000000, s2;
	s6 =	simm.s32 $0x108;
	_ =	swait.ge @!p0 [sflag:s8], $0x0  }
0x24: {  	s3 =	sadd.s32 $0x88, s3;
	s6 =	simm.s32 @!p1 $0x1082;
	[sflag:s4] =	ssyncset.s32 $0xFFFFF086  }
0x25: {  	[simem:s6], [sflag:s4] =	dma.local [hbm:s3], $0xF7A  }
0x26: {  	[smem:$0x3F8B] =	sst s1;
	(tag) =	ssettag s2;
	_ =	strace s9  }
0x27: {  	s1 =	sld [smem:$0x3F9B]  }
0x28: {  	s2 =	sld [smem:$0x3F9C]  }
0x29: {  	s4 =	sld [smem:$0x3F9E]  }
0x2a: {  	p0 =	seq.s32 s5, $0x0;
	s5 =	sld [smem:$0x3F9F]  }
0x2b: {  	s6 =	sld [smem:$0x3FA0]  }
0x2c: {  	s7 =	sld [smem:$0x3FA1]  }
0x2d: {  	s3 =	simm.s32 $0x108;
	s8 =	sld [smem:$0x3FA2]  }
0x2e: {  	s3 =	simm.s32 @!p0 $0x1082;
	s9 =	sld [smem:$0x3FA3]  }
0x2f: {  	lr =	sadd.s32 s0, s3;
	s0 =	sld [smem:$0x3F9A]  }
0x30: {  	s3 =	sld [smem:$0x3F9D]  }
0x31: {  	[smem:$0x3FA6] =	sst s10  }
0x32: {  	s10 =	sld [smem:$0x3FA4];
	_ =	sdelay $0x3  }
0x33: {  	p0 =	seq.s32 s10, $0x1;
	s10 =	sld [smem:$0x3FA6];
	_ =	sdelay $0x3  }
0x34: {  	[smem:$0x3FA6] =	sst s10  }
0x35: {  	s10 =	sld [smem:$0x3FA5];
	_ =	sdelay $0x3  }
0x36: {  	p1 =	seq.s32 s10, $0x1;
	s10 =	sld [smem:$0x3FA6];
	_ =	sdelay $0x3  }
0x37: {  	[smem:$0x3FA6] =	sst s10  }
0x38: {  	s10 =	sld [smem:$0x3FA7]  }
0x39: {  	_ = 	snop;
	(pc) =	sbr.ind lr, $3  }
0x3a: {  	_ = 	snop  }
0x3b: {  	_ = 	snop  }
0x3c: {  	p2 =	seq.s32 s10, $0x1;
	s10 =	sld [smem:$0x3FA6]  }
0x3d: {  	_ =	shalt  }
0x3e: {  	_ =	shalt  }
0x3f: {  	_ =	shalt  }
0x40: {  	_ =	shalt  }
0x41: {  	_ =	shalt  }
0x42: {  	_ =	shalt  }
0x43: {  	_ =	shalt  }
0x44: {  	_ =	shalt  }
0x45: {  	_ =	shalt  }
0x46: {  	_ =	shalt  }
0x47: {  	_ =	shalt  }
0x48: {  	_ =	shalt  }
0x49: {  	_ =	shalt  }
0x4a: {  	_ =	shalt  }
0x4b: {  	_ =	shalt  }
0x4c: {  	_ =	shalt  }
0x4d: {  	_ =	shalt  }
0x4e: {  	_ =	shalt  }
0x4f: {  	_ =	shalt  }
0x50: {  	_ =	shalt  }
0x51: {  	_ =	shalt  }
0x52: {  	_ =	shalt  }
0x53: {  	_ =	shalt  }
0x54: {  	_ =	shalt  }
0x55: {  	_ =	shalt  }
0x56: {  	_ =	shalt  }
0x57: {  	_ =	shalt  }
0x58: {  	_ =	shalt  }
0x59: {  	_ =	shalt  }
0x5a: {  	_ =	shalt  }
0x5b: {  	_ =	shalt  }
0x5c: {  	_ =	shalt  }
0x5d: {  	_ =	shalt  }
0x5e: {  	_ =	shalt  }
0x5f: {  	_ =	shalt  }
0x60: {  	_ =	shalt  }
0x61: {  	_ =	shalt  }
0x62: {  	_ =	shalt  }
0x63: {  	_ =	shalt  }
0x64: {  	_ =	shalt  }
0x65: {  	_ =	shalt  }
0x66: {  	_ =	shalt  }
0x67: {  	_ =	shalt  }
0x68: {  	_ =	shalt  }
0x69: {  	_ =	shalt  }
0x6a: {  	_ =	shalt  }
0x6b: {  	_ =	shalt  }
0x6c: {  	_ =	shalt  }
0x6d: {  	_ =	shalt  }
0x6e: {  	_ =	shalt  }
0x6f: {  	_ =	shalt  }
0x70: {  	_ =	shalt  }
0x71: {  	_ =	shalt  }
0x72: {  	_ =	shalt  }
0x73: {  	_ =	shalt  }
0x74: {  	_ =	shalt  }
0x75: {  	_ =	shalt  }
0x76: {  	_ =	shalt  }
0x77: {  	_ =	shalt  }
0x78: {  	_ =	shalt  }
0x79: {  	_ =	shalt  }
0x7a: {  	_ =	shalt  }
0x7b: {  	_ =	shalt  }
0x7c: {  	_ =	shalt  }
0x7d: {  	_ =	shalt  }
0x7e: {  	_ =	shalt  }
0x7f: {  	_ =	shalt  }
0x80: {  	_ =	shalt  }
0x81: {  	_ =	shalt  }
0x82: {  	_ =	shalt  }
0x83: {  	_ =	shalt  }
0x84: {  	_ =	shalt  }
0x85: {  	_ =	shalt  }
0x86: {  	_ =	shalt  }
0x87: {  	_ =	shalt  }
.Lfunc_end0:
.L_simem_size_0:
called_computation_lowered:
.L_overlay_start_0:
0x88: {  	s2 =	sld [smem:$0x3FD9]  }
0x89: {  	s3 =	sld [smem:$0x3FFE];
	_ =	sdelay $0x1  }
0x8a: {  	s1 =	srdreg.scid  }
0x8b: {  	s0 =	sand.u32 $0x1, s1  }
0x8c: {  	s16 =	sshll.u32 s0, $0xA;
	s2 =	sadd.s32 s3, s2  }
0x8d: {  	s2 =	sadd.s32 s2, s16  }
0x8e: {  	[smem:$0x3FB2] =	sst s2  }
0x8f: {  	_ = 	snop  }
0x90: {  	(tm) =	ssettm $0x1  }
0x91: {  	s17 =	sld [smem:$0x3FFB];
	_ =	sdelay $0x3  }
0x92: {  	_ =	strace s17  }
0x93: {  	s2 =	sld [smem:$0x3FFC];
	_ =	sdelay $0x3  }
0x94: {  	_ =	strace s2  }
0x95: {  	s2 =	sld [smem:$0x3FFD];
	_ =	sdelay $0x3  }
0x96: {  	_ =	strace s2  }
0x97: {  	_ =	strace $0x8FFFFFFF  }
0x98: {  	s18 =	sld [smem:$0x3FDB];
	_ =	sdelay $0x1  }
0x99: {  	s19 =	simm.s32 $_scs_section_size  }
0x9a: {  	s4 =	simm.s32 $_size__tile_overlayer_lowered;
	s5 =	simm.s32 $_tile_overlayer_lowered  }
0x9b: {  	s22 =	simm.s32 $0x1BFF;
	s21 =	sshll.u32 s5, $0x1;
	s2 =	sadd.s32 s19, s18  }
0x9c: {  	s6 =	simm.s32 $0x0;
	s20 =	sshll.u32 s4, $0x1;
	s4 =	sadd.s32 s21, s2  }
0x9d: {  	[timem:s6], [sflag:s22] =	dma.local [hbm:s4], s20  }
0x9e: {  	_ =	swait.ge [sflag:s22], s20  }
0x9f: {  	s3 =	ssub.s32 $0x0, s20;
	[sflag:s22] =	ssyncset.done $0x0  }
0xa0: {  	[sflag:s22] =	ssyncadd.s32 s3;
	_ =	sdelay $0x1  }
0xa1: {  	s23 =	simm.s32 $0x1B8B  }
0xa2: {  	_ =	swait.ge [sflag:s23], $0x1  }
0xa3: {  	[sflag:s23] =	ssyncset.done $0x0  }
0xa4: {  	s25 =	simm.s32 $0x1B8E;
	s24 =	sld [smem:$0x3FFE];
	[sflag:s23] =	ssyncadd.s32 $0xFFFFFFFF  }
0xa5: {  	s26 =	simm.s32 $execute0_lowered;
	[smem:$0x3FD2] =	sst s25  }
0xa6: {  	s4 =	sshll.u32 s26, $0x1;
	_ =	strace $0x80000046;
	[dreg:$0x1] =	wrdreg $0xFFFFFFFF  }
0xa7: {  	s28 =	simm.s32 $_size_execute0_lowered;
	s2 =	sadd.s32 s2, s4;
	[dreg:$0x0] =	wrdreg $0x0  }
0xa8: {  	s4 =	sshll.u32 s28, $0x1;
	[dreg:$0x2] =	wrdreg s2  }
0xa9: {  	[dreg:$0x3] =	wrdreg s4  }
0xaa: {  	[dreg:$0x4] =	wrdreg $0xC0  }
0xab: {  	_ =	task [dreg:s6], $0x5FFFF  }
0xac: {  	[dreg:$0x1] =	wrdreg $0xFFFFFFFF  }
0xad: {  	[dreg:$0x0] =	wrdreg $0x60  }
0xae: {  	[dreg:$0x2] =	wrdreg s24  }
0xaf: {  	[dreg:$0x3] =	wrdreg $0xA8000  }
0xb0: {  	[dreg:$0x4] =	wrdreg $0x9  }
0xb1: {  	_ =	task.clear_ibuf [dreg:s6], $0x5FFFF;
	_ =	strace $0x90000046  }
0xb2: {  	s29 =	simm.s32 $0x9;
	_ =	strace $0x80000048  }
0xb3: {  	_ =	swait.ge [sflag:s29], $0x1  }
0xb4: {  	[sflag:s29] =	ssyncadd.s32 $0xFFFFFFFF  }
0xb5: {  	_ =	strace $0x90000048  }
0xb6: {  	_ =	sfence  }
0xb7: {  	s30 =	sld [smem:$0x0];
	_ =	sdelay $0x2  }
0xb8: {  	s31 =	sshll.u32 s1, $0xD;
	s1 =	sshrl.u32 s1, $0x2  }
0xb9: {  	s3 =	sand.u32 $0x4000, s31;
	s1 =	sadd.s32 s1, s30  }
0xba: {  	s0 =	sor.u32 s3, s0;
	s1 =	sshll.u32 s1, $0x11  }
0xbb: {  	s0 =	sor.u32 s1, s0  }
0xbc: {  	s0 =	sadd.s32 $0x8F2B, s0  }
0xbd: {  	[sflag:s0] =	ssyncadd.remote.s32 $0x1  }
0xbe: {  	_ =	sfence.sel $0xFFFF  }
0xbf: {  	[dreg:$0x0] =	wrdreg $0xFFFFFFFF;
	(pc) =	sbr.abs _section_cstart, $3  }
0xc0: {  	[dreg:$0x1] =	wrdreg $0xFFFFFFFF  }
0xc1: {  	_ =	task.clear_ibuf [dreg:s6], $0x2FFFF;
	_ =	strace $0x9FFFFFFF  }
0xc2: {  	(tm) =	ssettm $0x7FFFFFFF  }
0xc3: {  	_ =	shalt  }
tec
execute0_lowered:
.L_overlay_start_1:
0x0: {  	(tag) =	ssettag $0x1  }
0x1: {  	s0 =	rddreg [dreg:$0x0]  }
0x2: {  	s2 =	rddreg [dreg:$0x1];
	s3 =	simm.s32 $0x0;
	s1 =	srdreg.scid  }
0x3: {  	s7 =	stileid.u32;
	s17 =	simm.s32 $0x2800;
	s18 =	simm.s32 $0x3  }
0x4: {  	s19 =	simm.s32 $0x1400;
	s20 =	simm.s32 $0x80;
	s21 =	simm.s32 $0x6800  }
0x5: {  	s22 =	simm.s32 $0x1;
	s23 =	simm.s32 $0x2;
	s24 =	simm.s32 $0x1380  }
0x6: {  	s28 =	simm.s32 $0x2780;
	s31 =	simm.s32 $0x0;
	[smem:$0x7FF] =	sst s3  }
0x7: {  	s1 =	sand.u32 $0x1, s1;
	s25 =	smul.u32 $0x28000, s7;
	s4 =	sadd.s32 $0x90200, s0  }
0x8: {  	s5 =	sadd.s32 $0x2E000, s0;
	s8 =	smul.u32 $0x50000, s7;
	s9 =	sadd.s32 $0x1C8A00, s0  }
0x9: {  	s10 =	smul.u32 $0xA0, s7;
	s30 =	sshll.u32 s7, $0x6;
	_ =	strace $0x80000047  }
0xa: {  	s6 =	sshll.u32 s1, $0xA;
	[dreg:$0x3] =	wrdreg s9;
	s26 =	ssub.s32 $0x2, s1  }
0xb: {  	s1 =	smul.u32 $0xA00, s1;
	s3 =	sor.u32 s6, s25;
	s6 =	sadd.s32 $0x4000, s0  }
0xc: {  	s8 =	sshrl.u32 s8, $0x2;
	s29 =	sshrl.u32 s26, $0x1;
	s25 =	sor.u32 $0x1C03, s30  }
0xd: {  	s3 =	sshrl.u32 s3, $0x3;
	s8 =	sadd.s32 s8, s2;
	s14 =	sadd.s32 s1, s10  }
0xe: {  	s0 =	sadd.s32 s3, s0;
	s3 =	ssub.s32 s26, s29;
	s9 =	sadd.s32 $0x4000, s8  }
0xf: {  	s11 =	sadd.s32 $0x8000, s8;
	s12 =	sadd.s32 $0xC000, s8;
	s13 =	sadd.s32 $0x10000, s8  }
0x10: {  	s26 =	simm.s32 $0x2700;
	s15 =	sadd.s32 $0x1C9200, s0;
	s16 =	smax.u32 s3, $0x1  }
.LBB2_1:
0x11: {  	s0 =	simm.s32 $0x0;
	s1 =	rddreg [dreg:$0x3]  }
0x12: {  	[tilespmem:s17], [sflag:$0x3] =	stream.linear.gather [hbm4b:s1+s0], $0x4000, $0x38;
	[tilespmem:$0x1E800] =	vst v63  }
0x13: {  	_ =	swait.ge [sflag:s18], $0x4000  }
0x14: {  	[sflag:s18] =	ssyncset.done $0x0  }
0x15: {  	[sflag:s18] =	ssyncadd.s32 $0xFFFFC000  }
0x16: {  	[spmem:s8] =	stream.linear.scatter [tilespmem:s17], [sflag:$0x3], $0x4000, $0x38;
	[tilespmem:$0x1E800] =	vst v63  }
0x17: {  	_ =	swait.ge [sflag:s18], $0x4000  }
0x18: {  	[sflag:s18] =	ssyncset.done $0x0  }
0x19: {  	[sflag:s18] =	ssyncadd.s32 $0xFFFFC000  }
0x1a: {  	[spmem:s9] =	stream.linear.scatter [tilespmem:s17], [sflag:$0x3], $0x4000, $0x38;
	[tilespmem:$0x1E800] =	vst v63  }
0x1b: {  	_ =	swait.ge [sflag:s18], $0x4000  }
0x1c: {  	[sflag:s18] =	ssyncset.done $0x0  }
0x1d: {  	[sflag:s18] =	ssyncadd.s32 $0xFFFFC000  }
0x1e: {  	[spmem:s11] =	stream.linear.scatter [tilespmem:s17], [sflag:$0x3], $0x4000, $0x38;
	[tilespmem:$0x1E800] =	vst v63  }
0x1f: {  	_ =	swait.ge [sflag:s18], $0x4000  }
0x20: {  	[sflag:s18] =	ssyncset.done $0x0  }
0x21: {  	[sflag:s18] =	ssyncadd.s32 $0xFFFFC000  }
0x22: {  	[spmem:s12] =	stream.linear.scatter [tilespmem:s17], [sflag:$0x3], $0x4000, $0x38;
	[tilespmem:$0x1E800] =	vst v63  }
0x23: {  	_ =	swait.ge [sflag:s18], $0x4000  }
0x24: {  	[sflag:s18] =	ssyncset.done $0x0  }
0x25: {  	[sflag:s18] =	ssyncadd.s32 $0xFFFFC000  }
0x26: {  	[spmem:s13] =	stream.linear.scatter [tilespmem:s17], [sflag:$0x3], $0x4000, $0x38;
	[tilespmem:$0x1E800] =	vst v63  }
0x27: {  	_ =	swait.ge [sflag:s18], $0x4000  }
0x28: {  	[sflag:s18] =	ssyncset.done $0x0  }
0x29: {  	[sflag:s18] =	ssyncadd.s32 $0xFFFFC000  }
0x2a: {  	s0 =	simm.s32 $0x0;
	[bflag:$0x0] =	sbarrier.arrive $0xFFFF  }
.LBB2_2:
0x2b: {  	s1 =	smul.u32 $0x28, s0;
	_ =	sdelay $0x1  }
0x2c: {  	s3 =	sadd.s32 s14, s1  }
0x2d: {  	s3 =	sshll.u32 s3, $0x4  }
0x2e: {  	s29 =	simm.s32 $0x0;
	s3 =	sadd.s32 s5, s3  }
0x2f: {  	[tilespmem:s29], [sflag:$0x3] =	stream.linear.gather [hbm4b:s3+s29], $0x1400, $0x38;
	[tilespmem:$0x1E800] =	vst v63  }
0x30: {  	s1 =	sadd.s32 s10, s1;
	_ =	swait.ge [sflag:s18], $0x1400  }
0x31: {  	s1 =	sshll.u32 s1, $0x4;
	[sflag:s18] =	ssyncset.done $0x0  }
0x32: {  	s1 =	sadd.s32 s6, s1;
	[sflag:s18] =	ssyncadd.s32 $0xFFFFEC00  }
0x33: {  	[tilespmem:s19], [sflag:$0x3] =	stream.linear.gather [hbm4b:s1+s29], $0x1400, $0x38;
	[tilespmem:$0x1E800] =	vst v63  }
0x34: {  	_ =	swait.ge [sflag:s18], $0x1400  }
0x35: {  	[sflag:s18] =	ssyncset.done $0x0  }
0x36: {  	[sflag:s18] =	ssyncadd.s32 $0xFFFFEC00  }
0x37: {  	[tilespmem:s17], [sflag:$0x1] =	stream.indirect.gather [hbm4b:s4+s20], $0x80, s29, s20, $0xb8;
	[tilespmem:$0x1E800] =	vst v63  }
0x38: {  	s3 =	simm.s32 $0x80  }
0x39: {  	[tilespmem:s21], [sflag:$0x2] =	stream.indirect.gather [hbm4b:s4+s20], $0x80, s3, s20, $0xb8;
	[tilespmem:$0x1E800] =	vst v63  }
0x3a: {  	_ =	swait.ge [sflag:s22], $0x4000  }
0x3b: {  	[sflag:s22] =	ssyncset.done $0x0  }
0x3c: {  	s7 =	simm.s32 $0x1400;
	[sflag:s22] =	ssyncadd.s32 $0xFFFFC000  }
0x3d: {  	[spmem:s2] =	stream.indirect.scatter.add.f32 [tilespmem:s17], [sflag:$0x3], $0x80, s7, s20, $0xb8;
	[tilespmem:$0x1E800] =	vst v63  }
0x3e: {  	_ =	swait.ge [sflag:s18], $0x4000  }
0x3f: {  	[sflag:s18] =	ssyncset.done $0x0  }
0x40: {  	s29 =	simm.s32 $0x100;
	[sflag:s18] =	ssyncadd.s32 $0xFFFFC000  }
0x41: {  	[tilespmem:s17], [sflag:$0x1] =	stream.indirect.gather [hbm4b:s4+s20], $0x80, s29, s20, $0xb8;
	[tilespmem:$0x1E800] =	vst v63  }
0x42: {  	_ =	swait.ge [sflag:s23], $0x4000  }
0x43: {  	[sflag:s23] =	ssyncset.done $0x0  }
0x44: {  	s30 =	simm.s32 $0x1480;
	[sflag:s23] =	ssyncadd.s32 $0xFFFFC000  }
0x45: {  	[spmem:s2] =	stream.indirect.scatter.add.f32 [tilespmem:s21], [sflag:$0x3], $0x80, s30, s20, $0xb8;
	[tilespmem:$0x1E800] =	vst v63  }
0x46: {  	_ =	swait.ge [sflag:s18], $0x4000  }
0x47: {  	s1 =	simm.s32 $0x100;
	s3 =	simm.s32 $0x800;
	[sflag:s18] =	ssyncset.done $0x0  }
.LBB2_3:
0x48: {  	s29 =	sadd.s32 $0x80, s1  }
0x49: {  	[sflag:s18] =	ssyncadd.s32 $0xFFFFC000;
	s30 =	smov.u32 s3;
	s7 =	sadd.s32 $0x400, s3  }
0x4a: {  	[tilespmem:s21], [sflag:$0x2] =	stream.indirect.gather [hbm4b:s4+s20], $0x80, s29, s20, $0xb8;
	[tilespmem:$0x1E800] =	vst v63  }
0x4b: {  	p0 =	sne.s32 s3, $0x4800;
	_ =	swait.ge [sflag:s22], $0x4000  }
0x4c: {  	[sflag:s22] =	ssyncset.done $0x0  }
0x4d: {  	s3 =	sadd.s32 $0x1400, s1;
	[sflag:s22] =	ssyncadd.s32 $0xFFFFC000  }
0x4e: {  	[spmem:s2] =	stream.indirect.scatter.add.f32 [tilespmem:s17], [sflag:$0x3], $0x80, s3, s20, $0xb8;
	[tilespmem:$0x1E800] =	vst v63  }
0x4f: {  	_ =	swait.ge [sflag:s18], $0x4000  }
0x50: {  	[sflag:s18] =	ssyncset.done $0x0  }
0x51: {  	s3 =	sadd.s32 $0x100, s1;
	[sflag:s18] =	ssyncadd.s32 $0xFFFFC000  }
0x52: {  	[tilespmem:s17], [sflag:$0x1] =	stream.indirect.gather [hbm4b:s4+s20], $0x80, s3, s20, $0xb8;
	[tilespmem:$0x1E800] =	vst v63  }
0x53: {  	_ =	swait.ge [sflag:s23], $0x4000  }
.Ltmp0:
0x54: {  	[sflag:s23] =	ssyncset.done $0x0;
	(pc) =	sbr.rel @p0 .LBB2_3-.Ltmp0, $4  }
0x55: {  	s1 =	sadd.s32 $0x1480, s1;
	[sflag:s23] =	ssyncadd.s32 $0xFFFFC000  }
0x56: {  	[spmem:s2] =	stream.indirect.scatter.add.f32 [tilespmem:s21], [sflag:$0x3], $0x80, s1, s20, $0xb8;
	[tilespmem:$0x1E800] =	vst v63  }
0x57: {  	_ =	swait.ge [sflag:s18], $0x4000  }
0x58: {  	s3 =	smov.u32 s7;
	s1 =	sshra.s32 s30, $0x2;
	[sflag:s18] =	ssyncset.done $0x0  }
0x59: {  	s3 =	sadd.s32 $0x80, s1;
	[sflag:s18] =	ssyncadd.s32 $0xFFFFC000  }
0x5a: {  	[tilespmem:s21], [sflag:$0x2] =	stream.indirect.gather [hbm4b:s4+s20], $0x80, s3, s20, $0xb8;
	[tilespmem:$0x1E800] =	vst v63  }
0x5b: {  	_ =	swait.ge [sflag:s22], $0x4000  }
0x5c: {  	[sflag:s22] =	ssyncset.done $0x0  }
0x5d: {  	s7 =	sadd.s32 $0x1400, s1;
	[sflag:s22] =	ssyncadd.s32 $0xFFFFC000  }
0x5e: {  	[spmem:s2] =	stream.indirect.scatter.add.f32 [tilespmem:s17], [sflag:$0x3], $0x80, s7, s20, $0xb8;
	[tilespmem:$0x1E800] =	vst v63  }
0x5f: {  	_ =	swait.ge [sflag:s18], $0x4000  }
0x60: {  	[sflag:s18] =	ssyncset.done $0x0  }
0x61: {  	s29 =	sadd.s32 $0x100, s1;
	[sflag:s18] =	ssyncadd.s32 $0xFFFFC000  }
0x62: {  	[tilespmem:s17], [sflag:$0x1] =	stream.indirect.gather [hbm4b:s4+s20], $0x80, s29, s20, $0xb8;
	[tilespmem:$0x1E800] =	vst v63  }
0x63: {  	_ =	swait.ge [sflag:s23], $0x4000  }
0x64: {  	[sflag:s23] =	ssyncset.done $0x0  }
0x65: {  	s30 =	sadd.s32 $0x1480, s1;
	[sflag:s23] =	ssyncadd.s32 $0xFFFFC000  }
0x66: {  	[spmem:s2] =	stream.indirect.scatter.add.f32 [tilespmem:s21], [sflag:$0x3], $0x80, s30, s20, $0xb8;
	[tilespmem:$0x1E800] =	vst v63  }
0x67: {  	_ =	swait.ge [sflag:s18], $0x4000  }
0x68: {  	[sflag:s18] =	ssyncset.done $0x0  }
0x69: {  	[sflag:s18] =	ssyncadd.s32 $0xFFFFC000  }
0x6a: {  	[tilespmem:s21], [sflag:$0x2] =	stream.indirect.gather [hbm4b:s4+s20], $0x80, s24, s20, $0xb8;
	[tilespmem:$0x1E800] =	vst v63  }
0x6b: {  	_ =	swait.ge [sflag:s22], $0x4000  }
0x6c: {  	[sflag:s22] =	ssyncset.done $0x0  }
0x6d: {  	[sflag:s22] =	ssyncadd.s32 $0xFFFFC000  }
0x6e: {  	[spmem:s2] =	stream.indirect.scatter.add.f32 [tilespmem:s17], [sflag:$0x3], $0x80, s26, s20, $0xb8;
	[tilespmem:$0x1E800] =	vst v63  }
0x6f: {  	_ =	swait.ge [sflag:s18], $0x4000  }
0x70: {  	[sflag:s18] =	ssyncset.done $0x0  }
0x71: {  	[sflag:s18] =	ssyncadd.s32 $0xFFFFC000  }
0x72: {  	[tilespmem:s17], [sflag:$0x1] =	stream.indirect.gather [hbm4b:s4+s20], $0x80, s24, s20, $0xb8;
	[tilespmem:$0x1E800] =	vst v63  }
0x73: {  	_ =	swait.ge [sflag:s23], $0x4000  }
0x74: {  	[sflag:s23] =	ssyncset.done $0x0  }
0x75: {  	s0 =	sadd.s32 $0x1, s0;
	[sflag:s23] =	ssyncadd.s32 $0xFFFFC000  }
0x76: {  	[spmem:s2] =	stream.indirect.scatter.add.f32 [tilespmem:s21], [sflag:$0x3], $0x80, s28, s20, $0xb8;
	[tilespmem:$0x1E800] =	vst v63  }
0x77: {  	p0 =	sne.s32 s0, $0x4;
	_ =	swait.ge [sflag:s18], $0x4000  }
.Ltmp1:
0x78: {  	[sflag:s18] =	ssyncset.done $0x0;
	(pc) =	sbr.rel @p0 .LBB2_2-.Ltmp1, $4  }
0x79: {  	[sflag:s18] =	ssyncadd.s32 $0xFFFFC000  }
0x7a: {  	_ =	swait.ge [sflag:s22], $0x4000  }
0x7b: {  	[sflag:s22] =	ssyncset.done $0x0  }
0x7c: {  	[sflag:s22] =	ssyncadd.s32 $0xFFFFC000  }
0x7d: {  	s31 =	sadd.s32 $0x1, s31  }
0x7e: {  	[bflag:$0x0] =	sbarrier.arrive $0xFFFF;
	s0 =	sshrl.u32 s8, $0x3;
	p0 =	sne.s32 s31, s16  }
.Ltmp2:
0x7f: {  	s1 =	simm.s32 $0x8;
	s3 =	simm.s32 $0x100;
	(pc) =	sbr.rel @p0 .LBB2_1-.Ltmp2, $4  }
0x80: {  	[hbm:s15@s3], [sflag:s25] =	dma.strided [spmem:s0@s20], $0x2800, s1, $0x10   }
0x81: {  	_ =	swait.ge [sflag:s18], $0x2800  }
0x82: {  	[sflag:s18] =	ssyncset.done $0x0  }
0x83: {  	[sflag:s18] =	ssyncadd.s32 $0xFFFFD800  }
0x84: {  	_ =	sfence.sel $0x180000  }
0x85: {  	[bflag:$0x0] =	sbarrier.arrive $0xFFFF  }
0x86: {  	_ =	strace $0x90000047  }
0x87: {  	s0 =	stileid.u32;
	[bflag:$0x2] =	sbarrier.arrive $0xFFFF  }
0x88: {  	p0 =	sne.s32 s0, $0x0;
	s0 =	rddreg [dreg:$0x2]  }
0x89: {  	s0 =	sadd.s32 @!p0 $0x100000, s0  }
0x8a: {  	[sflag:s0] =	ssyncadd.tile.s32 @!p0 $0x1;
	_ =	shalt  }
.Lfunc_end2:
_tile_overlayer_lowered:
.L_overlay_start_2:
0x8b: {  	(tag) =	ssettag $0x2  }
0x8c: {  	s0 =	rddreg [dreg:$0x0];
	s2 =	stileid.u32  }
0x8d: {  	s1 =	rddreg [dreg:$0x1];
	p0 =	sne.s32 s2, $0x0  }
0x8e: {  	s3 =	rddreg [dreg:$0x2];
	[bflag:$0x3] =	sbarrier.arrive $0xFFFF;
	s2 =	simm.s32 @!p0 $0x1C03  }
0x8f: {  	[timem:s3], [sflag:s2] =	dma.local @!p0 [hbm:s0], s1  }
0x90: {  	s0 =	simm.s32 @!p0 $0x3  }
0x91: {  	_ =	swait.ge @!p0 [sflag:s0], s1  }
0x92: {  	s1 =	ssub.s32 @!p0 $0x0, s1;
	[sflag:s0] =	ssyncset.done @!p0 $0x0  }
0x93: {  	[sflag:s0] =	ssyncadd.s32 @!p0 s1  }
0x94: {  	[bflag:$0x3] =	sbarrier.arrive $0xFFFF  }
0x95: {  	_ =	shalt  }

// kernel: kernel.24.cloned.1.call-start
scs
__scs_entry_jumppad:
0x0: {  	(pc) =	sbr.rel $0x88, $3  }
0x1: {  	(tag) =	ssettag $0x0;
	lr =	simm.s32 $0x1  }
0x2: {  	[smem:$0x3F8B] =	sst lr;
	_ =	strace $0xD0000000  }
0x3: {  	_ = 	snop  }
0x4: {  	_ = 	snop  }
0x5: {  	_ = 	snop  }
0x6: {  	_ = 	snop  }
0x7: {  	_ = 	snop  }
__scs_overlays_trampoline_lowered:
0x8: {  	[smem:$0x3F9A] =	sst s0  }
0x9: {  	[smem:$0x3F9B] =	sst s1  }
0xa: {  	[smem:$0x3F9C] =	sst s2  }
0xb: {  	[smem:$0x3F9D] =	sst s3  }
0xc: {  	[smem:$0x3F9E] =	sst s4  }
0xd: {  	[smem:$0x3F9F] =	sst s5  }
0xe: {  	[smem:$0x3FA0] =	sst s6  }
0xf: {  	[smem:$0x3FA1] =	sst s7  }
0x10: {  	[smem:$0x3FA2] =	sst s8  }
0x11: {  	[smem:$0x3FA3] =	sst s9;
	s0 =	simm.s32 @!p0 $0x0  }
0x12: {  	s1 =	sld [smem:$0x3F89];
	s0 =	simm.s32 @p0 $0x1  }
0x13: {  	[smem:$0x3FA4] =	sst s0;
	s0 =	simm.s32 @!p1 $0x0  }
0x14: {  	s2 =	sld [smem:$0x3F88];
	s0 =	simm.s32 @p1 $0x1  }
0x15: {  	[smem:$0x3FA5] =	sst s0;
	s0 =	simm.s32 @!p2 $0x0  }
0x16: {  	s3 =	sld [smem:$0x3FDB];
	s0 =	simm.s32 @p2 $0x1  }
0x17: {  	s4 =	simm.s32 $0x1BF5;
	[smem:$0x3FA7] =	sst s0  }
0x18: {  	s0 =	sld [smem:$0x3F8A];
	_ =	swait.ge [sflag:s4], $0x0  }
0x19: {  	s7 =	sld [smem:$0x3F8B]  }
0x1a: {  	s8 =	sadd.s32 $0xFFFFE003, lr  }
0x1b: {  	s9 =	sadd.s32 $0xFFFFFEF7, lr;
	s5 =	simm.s32 $0xFFFFFFFF;
	p2 =	slt.u32 s8, $0xFFFFF086  }
0x1c: {  	p1 =	slt.u32 s9, $0xF7A;
	s5 =	simm.s32 @!p2 $0x0  }
0x1d: {  	s5 =	simm.s32 @p1 $0x1;
	p0 =	seq.s32 s7, s2  }
0x1e: {  	s7 =	smul.u32 @!p0 $0xF7A, s2;
	p2 =	seq.s32 @!p0 s5, $0x0  }
0x1f: {  	s9 =	smul.u32 $0xF7A, s1;
	s8 =	simm.s32 @!p0 $0x1BF5;
	p2 =	por !p2, p0  }
0x20: {  	[sflag:s8] =	ssyncset.s32 @!p0 $0xFFFFF086;
	s6 =	sadd.s32 @!p0 s3, s7;
	s7 =	simm.s32 @!p0 $0x108  }
0x21: {  	s3 =	sadd.s32 s3, s9;
	s6 =	sadd.s32 @!p0 $0x88, s6;
	s7 =	simm.s32 @p2 $0x1082  }
0x22: {  	[simem:s7], [sflag:s8] =	dma.local @!p0 [hbm:s6], $0xF7A  }
0x23: {  	s9 =	sor.u32 $0xD0000000, s2;
	s6 =	simm.s32 $0x108;
	_ =	swait.ge @!p0 [sflag:s8], $0x0  }
0x24: {  	s3 =	sadd.s32 $0x88, s3;
	s6 =	simm.s32 @!p1 $0x1082;
	[sflag:s4] =	ssyncset.s32 $0xFFFFF086  }
0x25: {  	[simem:s6], [sflag:s4] =	dma.local [hbm:s3], $0xF7A  }
0x26: {  	[smem:$0x3F8B] =	sst s1;
	(tag) =	ssettag s2;
	_ =	strace s9  }
0x27: {  	s1 =	sld [smem:$0x3F9B]  }
0x28: {  	s2 =	sld [smem:$0x3F9C]  }
0x29: {  	s4 =	sld [smem:$0x3F9E]  }
0x2a: {  	p0 =	seq.s32 s5, $0x0;
	s5 =	sld [smem:$0x3F9F]  }
0x2b: {  	s6 =	sld [smem:$0x3FA0]  }
0x2c: {  	s7 =	sld [smem:$0x3FA1]  }
0x2d: {  	s3 =	simm.s32 $0x108;
	s8 =	sld [smem:$0x3FA2]  }
0x2e: {  	s3 =	simm.s32 @!p0 $0x1082;
	s9 =	sld [smem:$0x3FA3]  }
0x2f: {  	lr =	sadd.s32 s0, s3;
	s0 =	sld [smem:$0x3F9A]  }
0x30: {  	s3 =	sld [smem:$0x3F9D]  }
0x31: {  	[smem:$0x3FA6] =	sst s10  }
0x32: {  	s10 =	sld [smem:$0x3FA4];
	_ =	sdelay $0x3  }
0x33: {  	p0 =	seq.s32 s10, $0x1;
	s10 =	sld [smem:$0x3FA6];
	_ =	sdelay $0x3  }
0x34: {  	[smem:$0x3FA6] =	sst s10  }
0x35: {  	s10 =	sld [smem:$0x3FA5];
	_ =	sdelay $0x3  }
0x36: {  	p1 =	seq.s32 s10, $0x1;
	s10 =	sld [smem:$0x3FA6];
	_ =	sdelay $0x3  }
0x37: {  	[smem:$0x3FA6] =	sst s10  }
0x38: {  	s10 =	sld [smem:$0x3FA7]  }
0x39: {  	_ = 	snop;
	(pc) =	sbr.ind lr, $3  }
0x3a: {  	_ = 	snop  }
0x3b: {  	_ = 	snop  }
0x3c: {  	p2 =	seq.s32 s10, $0x1;
	s10 =	sld [smem:$0x3FA6]  }
0x3d: {  	_ =	shalt  }
0x3e: {  	_ =	shalt  }
0x3f: {  	_ =	shalt  }
0x40: {  	_ =	shalt  }
0x41: {  	_ =	shalt  }
0x42: {  	_ =	shalt  }
0x43: {  	_ =	shalt  }
0x44: {  	_ =	shalt  }
0x45: {  	_ =	shalt  }
0x46: {  	_ =	shalt  }
0x47: {  	_ =	shalt  }
0x48: {  	_ =	shalt  }
0x49: {  	_ =	shalt  }
0x4a: {  	_ =	shalt  }
0x4b: {  	_ =	shalt  }
0x4c: {  	_ =	shalt  }
0x4d: {  	_ =	shalt  }
0x4e: {  	_ =	shalt  }
0x4f: {  	_ =	shalt  }
0x50: {  	_ =	shalt  }
0x51: {  	_ =	shalt  }
0x52: {  	_ =	shalt  }
0x53: {  	_ =	shalt  }
0x54: {  	_ =	shalt  }
0x55: {  	_ =	shalt  }
0x56: {  	_ =	shalt  }
0x57: {  	_ =	shalt  }
0x58: {  	_ =	shalt  }
0x59: {  	_ =	shalt  }
0x5a: {  	_ =	shalt  }
0x5b: {  	_ =	shalt  }
0x5c: {  	_ =	shalt  }
0x5d: {  	_ =	shalt  }
0x5e: {  	_ =	shalt  }
0x5f: {  	_ =	shalt  }
0x60: {  	_ =	shalt  }
0x61: {  	_ =	shalt  }
0x62: {  	_ =	shalt  }
0x63: {  	_ =	shalt  }
0x64: {  	_ =	shalt  }
0x65: {  	_ =	shalt  }
0x66: {  	_ =	shalt  }
0x67: {  	_ =	shalt  }
0x68: {  	_ =	shalt  }
0x69: {  	_ =	shalt  }
0x6a: {  	_ =	shalt  }
0x6b: {  	_ =	shalt  }
0x6c: {  	_ =	shalt  }
0x6d: {  	_ =	shalt  }
0x6e: {  	_ =	shalt  }
0x6f: {  	_ =	shalt  }
0x70: {  	_ =	shalt  }
0x71: {  	_ =	shalt  }
0x72: {  	_ =	shalt  }
0x73: {  	_ =	shalt  }
0x74: {  	_ =	shalt  }
0x75: {  	_ =	shalt  }
0x76: {  	_ =	shalt  }
0x77: {  	_ =	shalt  }
0x78: {  	_ =	shalt  }
0x79: {  	_ =	shalt  }
0x7a: {  	_ =	shalt  }
0x7b: {  	_ =	shalt  }
0x7c: {  	_ =	shalt  }
0x7d: {  	_ =	shalt  }
0x7e: {  	_ =	shalt  }
0x7f: {  	_ =	shalt  }
0x80: {  	_ =	shalt  }
0x81: {  	_ =	shalt  }
0x82: {  	_ =	shalt  }
0x83: {  	_ =	shalt  }
0x84: {  	_ =	shalt  }
0x85: {  	_ =	shalt  }
0x86: {  	_ =	shalt  }
0x87: {  	_ =	shalt  }
.Lfunc_end0:
.L_simem_size_0:
called_computation.1_lowered:
.L_overlay_start_0:
0x88: {  	s2 =	sld [smem:$0x3FD9]  }
0x89: {  	s3 =	sld [smem:$0x3FFE];
	_ =	sdelay $0x1  }
0x8a: {  	s1 =	srdreg.scid  }
0x8b: {  	s0 =	sand.u32 $0x1, s1  }
0x8c: {  	s16 =	sshll.u32 s0, $0xA;
	s2 =	sadd.s32 s3, s2  }
0x8d: {  	s2 =	sadd.s32 s2, s16  }
0x8e: {  	[smem:$0x3FB2] =	sst s2  }
0x8f: {  	_ = 	snop  }
0x90: {  	(tm) =	ssettm $0x1  }
0x91: {  	s17 =	sld [smem:$0x3FFB];
	_ =	sdelay $0x3  }
0x92: {  	_ =	strace s17  }
0x93: {  	s2 =	sld [smem:$0x3FFC];
	_ =	sdelay $0x3  }
0x94: {  	_ =	strace s2  }
0x95: {  	s2 =	sld [smem:$0x3FFD];
	_ =	sdelay $0x3  }
0x96: {  	_ =	strace s2  }
0x97: {  	_ =	strace $0x8FFFFFFF  }
0x98: {  	s18 =	sld [smem:$0x3FDB];
	_ =	sdelay $0x1  }
0x99: {  	s19 =	simm.s32 $_scs_section_size  }
0x9a: {  	s4 =	simm.s32 $_size__tile_overlayer_lowered;
	s5 =	simm.s32 $_tile_overlayer_lowered  }
0x9b: {  	s22 =	simm.s32 $0x1BFF;
	s21 =	sshll.u32 s5, $0x1;
	s2 =	sadd.s32 s19, s18  }
0x9c: {  	s6 =	simm.s32 $0x0;
	s20 =	sshll.u32 s4, $0x1;
	s4 =	sadd.s32 s21, s2  }
0x9d: {  	[timem:s6], [sflag:s22] =	dma.local [hbm:s4], s20  }
0x9e: {  	_ =	swait.ge [sflag:s22], s20  }
0x9f: {  	s3 =	ssub.s32 $0x0, s20;
	[sflag:s22] =	ssyncset.done $0x0  }
0xa0: {  	[sflag:s22] =	ssyncadd.s32 s3;
	_ =	sdelay $0x1  }
0xa1: {  	s23 =	simm.s32 $0x1B8B  }
0xa2: {  	_ =	swait.ge [sflag:s23], $0x1  }
0xa3: {  	[sflag:s23] =	ssyncset.done $0x0  }
0xa4: {  	s25 =	simm.s32 $0x1B8E;
	s24 =	sld [smem:$0x3FFE];
	[sflag:s23] =	ssyncadd.s32 $0xFFFFFFFF  }
0xa5: {  	s26 =	simm.s32 $execute0_lowered;
	[smem:$0x3FD2] =	sst s25  }
0xa6: {  	s4 =	sshll.u32 s26, $0x1;
	_ =	strace $0x80000049;
	[dreg:$0x1] =	wrdreg $0xFFFFFFFF  }
0xa7: {  	s28 =	simm.s32 $_size_execute0_lowered;
	s2 =	sadd.s32 s2, s4;
	[dreg:$0x0] =	wrdreg $0x0  }
0xa8: {  	s4 =	sshll.u32 s28, $0x1;
	[dreg:$0x2] =	wrdreg s2  }
0xa9: {  	[dreg:$0x3] =	wrdreg s4  }
0xaa: {  	[dreg:$0x4] =	wrdreg $0xC0  }
0xab: {  	_ =	task [dreg:s6], $0x5FFFF  }
0xac: {  	[dreg:$0x1] =	wrdreg $0xFFFFFFFF  }
0xad: {  	[dreg:$0x0] =	wrdreg $0x60  }
0xae: {  	[dreg:$0x2] =	wrdreg s24  }
0xaf: {  	[dreg:$0x3] =	wrdreg $0xA8000  }
0xb0: {  	[dreg:$0x4] =	wrdreg $0x9  }
0xb1: {  	_ =	task.clear_ibuf [dreg:s6], $0x5FFFF;
	_ =	strace $0x90000049  }
0xb2: {  	s29 =	simm.s32 $0x9;
	_ =	strace $0x8000004B  }
0xb3: {  	_ =	swait.ge [sflag:s29], $0x1  }
0xb4: {  	[sflag:s29] =	ssyncadd.s32 $0xFFFFFFFF  }
0xb5: {  	_ =	strace $0x9000004B  }
0xb6: {  	_ =	sfence  }
0xb7: {  	s30 =	sld [smem:$0x0];
	_ =	sdelay $0x2  }
0xb8: {  	s31 =	sshll.u32 s1, $0xD;
	s1 =	sshrl.u32 s1, $0x2  }
0xb9: {  	s3 =	sand.u32 $0x4000, s31;
	s1 =	sadd.s32 s1, s30  }
0xba: {  	s0 =	sor.u32 s3, s0;
	s1 =	sshll.u32 s1, $0x11  }
0xbb: {  	s0 =	sor.u32 s1, s0  }
0xbc: {  	s0 =	sadd.s32 $0x8F2B, s0  }
0xbd: {  	[sflag:s0] =	ssyncadd.remote.s32 $0x1  }
0xbe: {  	_ =	sfence.sel $0xFFFF  }
0xbf: {  	[dreg:$0x0] =	wrdreg $0xFFFFFFFF;
	(pc) =	sbr.abs _section_cstart, $3  }
0xc0: {  	[dreg:$0x1] =	wrdreg $0xFFFFFFFF  }
0xc1: {  	_ =	task.clear_ibuf [dreg:s6], $0x2FFFF;
	_ =	strace $0x9FFFFFFF  }
0xc2: {  	(tm) =	ssettm $0x7FFFFFFF  }
0xc3: {  	_ =	shalt  }
tec
execute0_lowered:
.L_overlay_start_1:
0x0: {  	(tag) =	ssettag $0x1  }
0x1: {  	s0 =	rddreg [dreg:$0x0]  }
0x2: {  	s2 =	rddreg [dreg:$0x1];
	s3 =	simm.s32 $0x0;
	s1 =	srdreg.scid  }
0x3: {  	s7 =	stileid.u32;
	s17 =	simm.s32 $0x2800;
	s18 =	simm.s32 $0x3  }
0x4: {  	s19 =	simm.s32 $0x1400;
	s20 =	simm.s32 $0x80;
	s21 =	simm.s32 $0x6800  }
0x5: {  	s22 =	simm.s32 $0x1;
	s23 =	simm.s32 $0x2;
	s24 =	simm.s32 $0x1380  }
0x6: {  	s28 =	simm.s32 $0x2780;
	s31 =	simm.s32 $0x0;
	[smem:$0x7FF] =	sst s3  }
0x7: {  	s1 =	sand.u32 $0x1, s1;
	s25 =	smul.u32 $0x28000, s7;
	s4 =	sadd.s32 $0x90200, s0  }
0x8: {  	s5 =	sadd.s32 $0x2E000, s0;
	s8 =	smul.u32 $0x50000, s7;
	s9 =	sadd.s32 $0x1C8A00, s0  }
0x9: {  	s10 =	smul.u32 $0xA0, s7;
	s30 =	sshll.u32 s7, $0x6;
	_ =	strace $0x8000004A  }
0xa: {  	s6 =	sshll.u32 s1, $0xA;
	[dreg:$0x3] =	wrdreg s9;
	s26 =	ssub.s32 $0x2, s1  }
0xb: {  	s1 =	smul.u32 $0xA00, s1;
	s3 =	sor.u32 s6, s25;
	s6 =	sadd.s32 $0x4000, s0  }
0xc: {  	s8 =	sshrl.u32 s8, $0x2;
	s29 =	sshrl.u32 s26, $0x1;
	s25 =	sor.u32 $0x1C03, s30  }
0xd: {  	s3 =	sshrl.u32 s3, $0x3;
	s8 =	sadd.s32 s8, s2;
	s14 =	sadd.s32 s1, s10  }
0xe: {  	s0 =	sadd.s32 s3, s0;
	s3 =	ssub.s32 s26, s29;
	s9 =	sadd.s32 $0x4000, s8  }
0xf: {  	s11 =	sadd.s32 $0x8000, s8;
	s12 =	sadd.s32 $0xC000, s8;
	s13 =	sadd.s32 $0x10000, s8  }
0x10: {  	s26 =	simm.s32 $0x2700;
	s15 =	sadd.s32 $0x1C9200, s0;
	s16 =	smax.u32 s3, $0x1  }
.LBB2_1:
0x11: {  	s0 =	simm.s32 $0x0;
	s1 =	rddreg [dreg:$0x3]  }
0x12: {  	[tilespmem:s17], [sflag:$0x3] =	stream.linear.gather [hbm4b:s1+s0], $0x4000, $0x38;
	[tilespmem:$0x1E800] =	vst v63  }
0x13: {  	_ =	swait.ge [sflag:s18], $0x4000  }
0x14: {  	[sflag:s18] =	ssyncset.done $0x0  }
0x15: {  	[sflag:s18] =	ssyncadd.s32 $0xFFFFC000  }
0x16: {  	[spmem:s8] =	stream.linear.scatter [tilespmem:s17], [sflag:$0x3], $0x4000, $0x38;
	[tilespmem:$0x1E800] =	vst v63  }
0x17: {  	_ =	swait.ge [sflag:s18], $0x4000  }
0x18: {  	[sflag:s18] =	ssyncset.done $0x0  }
0x19: {  	[sflag:s18] =	ssyncadd.s32 $0xFFFFC000  }
0x1a: {  	[spmem:s9] =	stream.linear.scatter [tilespmem:s17], [sflag:$0x3], $0x4000, $0x38;
	[tilespmem:$0x1E800] =	vst v63  }
0x1b: {  	_ =	swait.ge [sflag:s18], $0x4000  }
0x1c: {  	[sflag:s18] =	ssyncset.done $0x0  }
0x1d: {  	[sflag:s18] =	ssyncadd.s32 $0xFFFFC000  }
0x1e: {  	[spmem:s11] =	stream.linear.scatter [tilespmem:s17], [sflag:$0x3], $0x4000, $0x38;
	[tilespmem:$0x1E800] =	vst v63  }
0x1f: {  	_ =	swait.ge [sflag:s18], $0x4000  }
0x20: {  	[sflag:s18] =	ssyncset.done $0x0  }
0x21: {  	[sflag:s18] =	ssyncadd.s32 $0xFFFFC000  }
0x22: {  	[spmem:s12] =	stream.linear.scatter [tilespmem:s17], [sflag:$0x3], $0x4000, $0x38;
	[tilespmem:$0x1E800] =	vst v63  }
0x23: {  	_ =	swait.ge [sflag:s18], $0x4000  }
0x24: {  	[sflag:s18] =	ssyncset.done $0x0  }
0x25: {  	[sflag:s18] =	ssyncadd.s32 $0xFFFFC000  }
0x26: {  	[spmem:s13] =	stream.linear.scatter [tilespmem:s17], [sflag:$0x3], $0x4000, $0x38;
	[tilespmem:$0x1E800] =	vst v63  }
0x27: {  	_ =	swait.ge [sflag:s18], $0x4000  }
0x28: {  	[sflag:s18] =	ssyncset.done $0x0  }
0x29: {  	[sflag:s18] =	ssyncadd.s32 $0xFFFFC000  }
0x2a: {  	s0 =	simm.s32 $0x0;
	[bflag:$0x0] =	sbarrier.arrive $0xFFFF  }
.LBB2_2:
0x2b: {  	s1 =	smul.u32 $0x28, s0;
	_ =	sdelay $0x1  }
0x2c: {  	s3 =	sadd.s32 s14, s1  }
0x2d: {  	s3 =	sshll.u32 s3, $0x4  }
0x2e: {  	s29 =	simm.s32 $0x0;
	s3 =	sadd.s32 s5, s3  }
0x2f: {  	[tilespmem:s29], [sflag:$0x3] =	stream.linear.gather [hbm4b:s3+s29], $0x1400, $0x38;
	[tilespmem:$0x1E800] =	vst v63  }
0x30: {  	s1 =	sadd.s32 s10, s1;
	_ =	swait.ge [sflag:s18], $0x1400  }
0x31: {  	s1 =	sshll.u32 s1, $0x4;
	[sflag:s18] =	ssyncset.done $0x0  }
0x32: {  	s1 =	sadd.s32 s6, s1;
	[sflag:s18] =	ssyncadd.s32 $0xFFFFEC00  }
0x33: {  	[tilespmem:s19], [sflag:$0x3] =	stream.linear.gather [hbm4b:s1+s29], $0x1400, $0x38;
	[tilespmem:$0x1E800] =	vst v63  }
0x34: {  	_ =	swait.ge [sflag:s18], $0x1400  }
0x35: {  	[sflag:s18] =	ssyncset.done $0x0  }
0x36: {  	[sflag:s18] =	ssyncadd.s32 $0xFFFFEC00  }
0x37: {  	[tilespmem:s17], [sflag:$0x1] =	stream.indirect.gather [hbm4b:s4+s20], $0x80, s29, s20, $0xb8;
	[tilespmem:$0x1E800] =	vst v63  }
0x38: {  	s3 =	simm.s32 $0x80  }
0x39: {  	[tilespmem:s21], [sflag:$0x2] =	stream.indirect.gather [hbm4b:s4+s20], $0x80, s3, s20, $0xb8;
	[tilespmem:$0x1E800] =	vst v63  }
0x3a: {  	_ =	swait.ge [sflag:s22], $0x4000  }
0x3b: {  	[sflag:s22] =	ssyncset.done $0x0  }
0x3c: {  	s7 =	simm.s32 $0x1400;
	[sflag:s22] =	ssyncadd.s32 $0xFFFFC000  }
0x3d: {  	[spmem:s2] =	stream.indirect.scatter.add.f32 [tilespmem:s17], [sflag:$0x3], $0x80, s7, s20, $0xb8;
	[tilespmem:$0x1E800] =	vst v63  }
0x3e: {  	_ =	swait.ge [sflag:s18], $0x4000  }
0x3f: {  	[sflag:s18] =	ssyncset.done $0x0  }
0x40: {  	s29 =	simm.s32 $0x100;
	[sflag:s18] =	ssyncadd.s32 $0xFFFFC000  }
0x41: {  	[tilespmem:s17], [sflag:$0x1] =	stream.indirect.gather [hbm4b:s4+s20], $0x80, s29, s20, $0xb8;
	[tilespmem:$0x1E800] =	vst v63  }
0x42: {  	_ =	swait.ge [sflag:s23], $0x4000  }
0x43: {  	[sflag:s23] =	ssyncset.done $0x0  }
0x44: {  	s30 =	simm.s32 $0x1480;
	[sflag:s23] =	ssyncadd.s32 $0xFFFFC000  }
0x45: {  	[spmem:s2] =	stream.indirect.scatter.add.f32 [tilespmem:s21], [sflag:$0x3], $0x80, s30, s20, $0xb8;
	[tilespmem:$0x1E800] =	vst v63  }
0x46: {  	_ =	swait.ge [sflag:s18], $0x4000  }
0x47: {  	s1 =	simm.s32 $0x100;
	s3 =	simm.s32 $0x800;
	[sflag:s18] =	ssyncset.done $0x0  }
.LBB2_3:
0x48: {  	s29 =	sadd.s32 $0x80, s1  }
0x49: {  	[sflag:s18] =	ssyncadd.s32 $0xFFFFC000;
	s30 =	smov.u32 s3;
	s7 =	sadd.s32 $0x400, s3  }
0x4a: {  	[tilespmem:s21], [sflag:$0x2] =	stream.indirect.gather [hbm4b:s4+s20], $0x80, s29, s20, $0xb8;
	[tilespmem:$0x1E800] =	vst v63  }
0x4b: {  	p0 =	sne.s32 s3, $0x4800;
	_ =	swait.ge [sflag:s22], $0x4000  }
0x4c: {  	[sflag:s22] =	ssyncset.done $0x0  }
0x4d: {  	s3 =	sadd.s32 $0x1400, s1;
	[sflag:s22] =	ssyncadd.s32 $0xFFFFC000  }
0x4e: {  	[spmem:s2] =	stream.indirect.scatter.add.f32 [tilespmem:s17], [sflag:$0x3], $0x80, s3, s20, $0xb8;
	[tilespmem:$0x1E800] =	vst v63  }
0x4f: {  	_ =	swait.ge [sflag:s18], $0x4000  }
0x50: {  	[sflag:s18] =	ssyncset.done $0x0  }
0x51: {  	s3 =	sadd.s32 $0x100, s1;
	[sflag:s18] =	ssyncadd.s32 $0xFFFFC000  }
0x52: {  	[tilespmem:s17], [sflag:$0x1] =	stream.indirect.gather [hbm4b:s4+s20], $0x80, s3, s20, $0xb8;
	[tilespmem:$0x1E800] =	vst v63  }
0x53: {  	_ =	swait.ge [sflag:s23], $0x4000  }
.Ltmp0:
0x54: {  	[sflag:s23] =	ssyncset.done $0x0;
	(pc) =	sbr.rel @p0 .LBB2_3-.Ltmp0, $4  }
0x55: {  	s1 =	sadd.s32 $0x1480, s1;
	[sflag:s23] =	ssyncadd.s32 $0xFFFFC000  }
0x56: {  	[spmem:s2] =	stream.indirect.scatter.add.f32 [tilespmem:s21], [sflag:$0x3], $0x80, s1, s20, $0xb8;
	[tilespmem:$0x1E800] =	vst v63  }
0x57: {  	_ =	swait.ge [sflag:s18], $0x4000  }
0x58: {  	s3 =	smov.u32 s7;
	s1 =	sshra.s32 s30, $0x2;
	[sflag:s18] =	ssyncset.done $0x0  }
0x59: {  	s3 =	sadd.s32 $0x80, s1;
	[sflag:s18] =	ssyncadd.s32 $0xFFFFC000  }
0x5a: {  	[tilespmem:s21], [sflag:$0x2] =	stream.indirect.gather [hbm4b:s4+s20], $0x80, s3, s20, $0xb8;
	[tilespmem:$0x1E800] =	vst v63  }
0x5b: {  	_ =	swait.ge [sflag:s22], $0x4000  }
0x5c: {  	[sflag:s22] =	ssyncset.done $0x0  }
0x5d: {  	s7 =	sadd.s32 $0x1400, s1;
	[sflag:s22] =	ssyncadd.s32 $0xFFFFC000  }
0x5e: {  	[spmem:s2] =	stream.indirect.scatter.add.f32 [tilespmem:s17], [sflag:$0x3], $0x80, s7, s20, $0xb8;
	[tilespmem:$0x1E800] =	vst v63  }
0x5f: {  	_ =	swait.ge [sflag:s18], $0x4000  }
0x60: {  	[sflag:s18] =	ssyncset.done $0x0  }
0x61: {  	s29 =	sadd.s32 $0x100, s1;
	[sflag:s18] =	ssyncadd.s32 $0xFFFFC000  }
0x62: {  	[tilespmem:s17], [sflag:$0x1] =	stream.indirect.gather [hbm4b:s4+s20], $0x80, s29, s20, $0xb8;
	[tilespmem:$0x1E800] =	vst v63  }
0x63: {  	_ =	swait.ge [sflag:s23], $0x4000  }
0x64: {  	[sflag:s23] =	ssyncset.done $0x0  }
0x65: {  	s30 =	sadd.s32 $0x1480, s1;
	[sflag:s23] =	ssyncadd.s32 $0xFFFFC000  }
0x66: {  	[spmem:s2] =	stream.indirect.scatter.add.f32 [tilespmem:s21], [sflag:$0x3], $0x80, s30, s20, $0xb8;
	[tilespmem:$0x1E800] =	vst v63  }
0x67: {  	_ =	swait.ge [sflag:s18], $0x4000  }
0x68: {  	[sflag:s18] =	ssyncset.done $0x0  }
0x69: {  	[sflag:s18] =	ssyncadd.s32 $0xFFFFC000  }
0x6a: {  	[tilespmem:s21], [sflag:$0x2] =	stream.indirect.gather [hbm4b:s4+s20], $0x80, s24, s20, $0xb8;
	[tilespmem:$0x1E800] =	vst v63  }
0x6b: {  	_ =	swait.ge [sflag:s22], $0x4000  }
0x6c: {  	[sflag:s22] =	ssyncset.done $0x0  }
0x6d: {  	[sflag:s22] =	ssyncadd.s32 $0xFFFFC000  }
0x6e: {  	[spmem:s2] =	stream.indirect.scatter.add.f32 [tilespmem:s17], [sflag:$0x3], $0x80, s26, s20, $0xb8;
	[tilespmem:$0x1E800] =	vst v63  }
0x6f: {  	_ =	swait.ge [sflag:s18], $0x4000  }
0x70: {  	[sflag:s18] =	ssyncset.done $0x0  }
0x71: {  	[sflag:s18] =	ssyncadd.s32 $0xFFFFC000  }
0x72: {  	[tilespmem:s17], [sflag:$0x1] =	stream.indirect.gather [hbm4b:s4+s20], $0x80, s24, s20, $0xb8;
	[tilespmem:$0x1E800] =	vst v63  }
0x73: {  	_ =	swait.ge [sflag:s23], $0x4000  }
0x74: {  	[sflag:s23] =	ssyncset.done $0x0  }
0x75: {  	s0 =	sadd.s32 $0x1, s0;
	[sflag:s23] =	ssyncadd.s32 $0xFFFFC000  }
0x76: {  	[spmem:s2] =	stream.indirect.scatter.add.f32 [tilespmem:s21], [sflag:$0x3], $0x80, s28, s20, $0xb8;
	[tilespmem:$0x1E800] =	vst v63  }
0x77: {  	p0 =	sne.s32 s0, $0x4;
	_ =	swait.ge [sflag:s18], $0x4000  }
.Ltmp1:
0x78: {  	[sflag:s18] =	ssyncset.done $0x0;
	(pc) =	sbr.rel @p0 .LBB2_2-.Ltmp1, $4  }
0x79: {  	[sflag:s18] =	ssyncadd.s32 $0xFFFFC000  }
0x7a: {  	_ =	swait.ge [sflag:s22], $0x4000  }
0x7b: {  	[sflag:s22] =	ssyncset.done $0x0  }
0x7c: {  	[sflag:s22] =	ssyncadd.s32 $0xFFFFC000  }
0x7d: {  	s31 =	sadd.s32 $0x1, s31  }
0x7e: {  	[bflag:$0x0] =	sbarrier.arrive $0xFFFF;
	s0 =	sshrl.u32 s8, $0x3;
	p0 =	sne.s32 s31, s16  }
.Ltmp2:
0x7f: {  	s1 =	simm.s32 $0x8;
	s3 =	simm.s32 $0x100;
	(pc) =	sbr.rel @p0 .LBB2_1-.Ltmp2, $4  }
0x80: {  	[hbm:s15@s3], [sflag:s25] =	dma.strided [spmem:s0@s20], $0x2800, s1, $0x10   }
0x81: {  	_ =	swait.ge [sflag:s18], $0x2800  }
0x82: {  	[sflag:s18] =	ssyncset.done $0x0  }
0x83: {  	[sflag:s18] =	ssyncadd.s32 $0xFFFFD800  }
0x84: {  	_ =	sfence.sel $0x180000  }
0x85: {  	[bflag:$0x0] =	sbarrier.arrive $0xFFFF  }
0x86: {  	_ =	strace $0x9000004A  }
0x87: {  	s0 =	stileid.u32;
	[bflag:$0x2] =	sbarrier.arrive $0xFFFF  }
0x88: {  	p0 =	sne.s32 s0, $0x0;
	s0 =	rddreg [dreg:$0x2]  }
0x89: {  	s0 =	sadd.s32 @!p0 $0x100000, s0  }
0x8a: {  	[sflag:s0] =	ssyncadd.tile.s32 @!p0 $0x1;
	_ =	shalt  }
.Lfunc_end2:
_tile_overlayer_lowered:
.L_overlay_start_2:
0x8b: {  	(tag) =	ssettag $0x2  }
0x8c: {  	s0 =	rddreg [dreg:$0x0];
	s2 =	stileid.u32  }
0x8d: {  	s1 =	rddreg [dreg:$0x1];
	p0 =	sne.s32 s2, $0x0  }
0x8e: {  	s3 =	rddreg [dreg:$0x2];
	[bflag:$0x3] =	sbarrier.arrive $0xFFFF;
	s2 =	simm.s32 @!p0 $0x1C03  }
0x8f: {  	[timem:s3], [sflag:s2] =	dma.local @!p0 [hbm:s0], s1  }
0x90: {  	s0 =	simm.s32 @!p0 $0x3  }
0x91: {  	_ =	swait.ge @!p0 [sflag:s0], s1  }
0x92: {  	s1 =	ssub.s32 @!p0 $0x0, s1;
	[sflag:s0] =	ssyncset.done @!p0 $0x0  }
0x93: {  	[sflag:s0] =	ssyncadd.s32 @!p0 s1  }
0x94: {  	[bflag:$0x3] =	sbarrier.arrive $0xFFFF  }
0x95: {  	_ =	shalt  }

// kernel: kernel.27.cloned.1.call-start
scs
__scs_entry_jumppad:
0x0: {  	(pc) =	sbr.rel $0x88, $3  }
0x1: {  	(tag) =	ssettag $0x0;
	lr =	simm.s32 $0x1  }
0x2: {  	[smem:$0x3F8B] =	sst lr;
	_ =	strace $0xD0000000  }
0x3: {  	_ = 	snop  }
0x4: {  	_ = 	snop  }
0x5: {  	_ = 	snop  }
0x6: {  	_ = 	snop  }
0x7: {  	_ = 	snop  }
__scs_overlays_trampoline_lowered:
0x8: {  	[smem:$0x3F9A] =	sst s0  }
0x9: {  	[smem:$0x3F9B] =	sst s1  }
0xa: {  	[smem:$0x3F9C] =	sst s2  }
0xb: {  	[smem:$0x3F9D] =	sst s3  }
0xc: {  	[smem:$0x3F9E] =	sst s4  }
0xd: {  	[smem:$0x3F9F] =	sst s5  }
0xe: {  	[smem:$0x3FA0] =	sst s6  }
0xf: {  	[smem:$0x3FA1] =	sst s7  }
0x10: {  	[smem:$0x3FA2] =	sst s8  }
0x11: {  	[smem:$0x3FA3] =	sst s9;
	s0 =	simm.s32 @!p0 $0x0  }
0x12: {  	s1 =	sld [smem:$0x3F89];
	s0 =	simm.s32 @p0 $0x1  }
0x13: {  	[smem:$0x3FA4] =	sst s0;
	s0 =	simm.s32 @!p1 $0x0  }
0x14: {  	s2 =	sld [smem:$0x3F88];
	s0 =	simm.s32 @p1 $0x1  }
0x15: {  	[smem:$0x3FA5] =	sst s0;
	s0 =	simm.s32 @!p2 $0x0  }
0x16: {  	s3 =	sld [smem:$0x3FDB];
	s0 =	simm.s32 @p2 $0x1  }
0x17: {  	s4 =	simm.s32 $0x1BF5;
	[smem:$0x3FA7] =	sst s0  }
0x18: {  	s0 =	sld [smem:$0x3F8A];
	_ =	swait.ge [sflag:s4], $0x0  }
0x19: {  	s7 =	sld [smem:$0x3F8B]  }
0x1a: {  	s8 =	sadd.s32 $0xFFFFE003, lr  }
0x1b: {  	s9 =	sadd.s32 $0xFFFFFEF7, lr;
	s5 =	simm.s32 $0xFFFFFFFF;
	p2 =	slt.u32 s8, $0xFFFFF086  }
0x1c: {  	p1 =	slt.u32 s9, $0xF7A;
	s5 =	simm.s32 @!p2 $0x0  }
0x1d: {  	s5 =	simm.s32 @p1 $0x1;
	p0 =	seq.s32 s7, s2  }
0x1e: {  	s7 =	smul.u32 @!p0 $0xF7A, s2;
	p2 =	seq.s32 @!p0 s5, $0x0  }
0x1f: {  	s9 =	smul.u32 $0xF7A, s1;
	s8 =	simm.s32 @!p0 $0x1BF5;
	p2 =	por !p2, p0  }
0x20: {  	[sflag:s8] =	ssyncset.s32 @!p0 $0xFFFFF086;
	s6 =	sadd.s32 @!p0 s3, s7;
	s7 =	simm.s32 @!p0 $0x108  }
0x21: {  	s3 =	sadd.s32 s3, s9;
	s6 =	sadd.s32 @!p0 $0x88, s6;
	s7 =	simm.s32 @p2 $0x1082  }
0x22: {  	[simem:s7], [sflag:s8] =	dma.local @!p0 [hbm:s6], $0xF7A  }
0x23: {  	s9 =	sor.u32 $0xD0000000, s2;
	s6 =	simm.s32 $0x108;
	_ =	swait.ge @!p0 [sflag:s8], $0x0  }
0x24: {  	s3 =	sadd.s32 $0x88, s3;
	s6 =	simm.s32 @!p1 $0x1082;
	[sflag:s4] =	ssyncset.s32 $0xFFFFF086  }
0x25: {  	[simem:s6], [sflag:s4] =	dma.local [hbm:s3], $0xF7A  }
0x26: {  	[smem:$0x3F8B] =	sst s1;
	(tag) =	ssettag s2;
	_ =	strace s9  }
0x27: {  	s1 =	sld [smem:$0x3F9B]  }
0x28: {  	s2 =	sld [smem:$0x3F9C]  }
0x29: {  	s4 =	sld [smem:$0x3F9E]  }
0x2a: {  	p0 =	seq.s32 s5, $0x0;
	s5 =	sld [smem:$0x3F9F]  }
0x2b: {  	s6 =	sld [smem:$0x3FA0]  }
0x2c: {  	s7 =	sld [smem:$0x3FA1]  }
0x2d: {  	s3 =	simm.s32 $0x108;
	s8 =	sld [smem:$0x3FA2]  }
0x2e: {  	s3 =	simm.s32 @!p0 $0x1082;
	s9 =	sld [smem:$0x3FA3]  }
0x2f: {  	lr =	sadd.s32 s0, s3;
	s0 =	sld [smem:$0x3F9A]  }
0x30: {  	s3 =	sld [smem:$0x3F9D]  }
0x31: {  	[smem:$0x3FA6] =	sst s10  }
0x32: {  	s10 =	sld [smem:$0x3FA4];
	_ =	sdelay $0x3  }
0x33: {  	p0 =	seq.s32 s10, $0x1;
	s10 =	sld [smem:$0x3FA6];
	_ =	sdelay $0x3  }
0x34: {  	[smem:$0x3FA6] =	sst s10  }
0x35: {  	s10 =	sld [smem:$0x3FA5];
	_ =	sdelay $0x3  }
0x36: {  	p1 =	seq.s32 s10, $0x1;
	s10 =	sld [smem:$0x3FA6];
	_ =	sdelay $0x3  }
0x37: {  	[smem:$0x3FA6] =	sst s10  }
0x38: {  	s10 =	sld [smem:$0x3FA7]  }
0x39: {  	_ = 	snop;
	(pc) =	sbr.ind lr, $3  }
0x3a: {  	_ = 	snop  }
0x3b: {  	_ = 	snop  }
0x3c: {  	p2 =	seq.s32 s10, $0x1;
	s10 =	sld [smem:$0x3FA6]  }
0x3d: {  	_ =	shalt  }
0x3e: {  	_ =	shalt  }
0x3f: {  	_ =	shalt  }
0x40: {  	_ =	shalt  }
0x41: {  	_ =	shalt  }
0x42: {  	_ =	shalt  }
0x43: {  	_ =	shalt  }
0x44: {  	_ =	shalt  }
0x45: {  	_ =	shalt  }
0x46: {  	_ =	shalt  }
0x47: {  	_ =	shalt  }
0x48: {  	_ =	shalt  }
0x49: {  	_ =	shalt  }
0x4a: {  	_ =	shalt  }
0x4b: {  	_ =	shalt  }
0x4c: {  	_ =	shalt  }
0x4d: {  	_ =	shalt  }
0x4e: {  	_ =	shalt  }
0x4f: {  	_ =	shalt  }
0x50: {  	_ =	shalt  }
0x51: {  	_ =	shalt  }
0x52: {  	_ =	shalt  }
0x53: {  	_ =	shalt  }
0x54: {  	_ =	shalt  }
0x55: {  	_ =	shalt  }
0x56: {  	_ =	shalt  }
0x57: {  	_ =	shalt  }
0x58: {  	_ =	shalt  }
0x59: {  	_ =	shalt  }
0x5a: {  	_ =	shalt  }
0x5b: {  	_ =	shalt  }
0x5c: {  	_ =	shalt  }
0x5d: {  	_ =	shalt  }
0x5e: {  	_ =	shalt  }
0x5f: {  	_ =	shalt  }
0x60: {  	_ =	shalt  }
0x61: {  	_ =	shalt  }
0x62: {  	_ =	shalt  }
0x63: {  	_ =	shalt  }
0x64: {  	_ =	shalt  }
0x65: {  	_ =	shalt  }
0x66: {  	_ =	shalt  }
0x67: {  	_ =	shalt  }
0x68: {  	_ =	shalt  }
0x69: {  	_ =	shalt  }
0x6a: {  	_ =	shalt  }
0x6b: {  	_ =	shalt  }
0x6c: {  	_ =	shalt  }
0x6d: {  	_ =	shalt  }
0x6e: {  	_ =	shalt  }
0x6f: {  	_ =	shalt  }
0x70: {  	_ =	shalt  }
0x71: {  	_ =	shalt  }
0x72: {  	_ =	shalt  }
0x73: {  	_ =	shalt  }
0x74: {  	_ =	shalt  }
0x75: {  	_ =	shalt  }
0x76: {  	_ =	shalt  }
0x77: {  	_ =	shalt  }
0x78: {  	_ =	shalt  }
0x79: {  	_ =	shalt  }
0x7a: {  	_ =	shalt  }
0x7b: {  	_ =	shalt  }
0x7c: {  	_ =	shalt  }
0x7d: {  	_ =	shalt  }
0x7e: {  	_ =	shalt  }
0x7f: {  	_ =	shalt  }
0x80: {  	_ =	shalt  }
0x81: {  	_ =	shalt  }
0x82: {  	_ =	shalt  }
0x83: {  	_ =	shalt  }
0x84: {  	_ =	shalt  }
0x85: {  	_ =	shalt  }
0x86: {  	_ =	shalt  }
0x87: {  	_ =	shalt  }
.Lfunc_end0:
.L_simem_size_0:
called_computation.2_lowered:
.L_overlay_start_0:
0x88: {  	s2 =	sld [smem:$0x3FD9]  }
0x89: {  	s3 =	sld [smem:$0x3FFE];
	_ =	sdelay $0x1  }
0x8a: {  	s1 =	srdreg.scid  }
0x8b: {  	s0 =	sand.u32 $0x1, s1  }
0x8c: {  	s16 =	sshll.u32 s0, $0xA;
	s2 =	sadd.s32 s3, s2  }
0x8d: {  	s2 =	sadd.s32 s2, s16  }
0x8e: {  	[smem:$0x3FB2] =	sst s2  }
0x8f: {  	_ = 	snop  }
0x90: {  	(tm) =	ssettm $0x1  }
0x91: {  	s17 =	sld [smem:$0x3FFB];
	_ =	sdelay $0x3  }
0x92: {  	_ =	strace s17  }
0x93: {  	s2 =	sld [smem:$0x3FFC];
	_ =	sdelay $0x3  }
0x94: {  	_ =	strace s2  }
0x95: {  	s2 =	sld [smem:$0x3FFD];
	_ =	sdelay $0x3  }
0x96: {  	_ =	strace s2  }
0x97: {  	_ =	strace $0x8FFFFFFF  }
0x98: {  	s18 =	sld [smem:$0x3FDB];
	_ =	sdelay $0x1  }
0x99: {  	s19 =	simm.s32 $_scs_section_size  }
0x9a: {  	s4 =	simm.s32 $_size__tile_overlayer_lowered;
	s5 =	simm.s32 $_tile_overlayer_lowered  }
0x9b: {  	s22 =	simm.s32 $0x1BFF;
	s21 =	sshll.u32 s5, $0x1;
	s2 =	sadd.s32 s19, s18  }
0x9c: {  	s6 =	simm.s32 $0x0;
	s20 =	sshll.u32 s4, $0x1;
	s4 =	sadd.s32 s21, s2  }
0x9d: {  	[timem:s6], [sflag:s22] =	dma.local [hbm:s4], s20  }
0x9e: {  	_ =	swait.ge [sflag:s22], s20  }
0x9f: {  	s3 =	ssub.s32 $0x0, s20;
	[sflag:s22] =	ssyncset.done $0x0  }
0xa0: {  	[sflag:s22] =	ssyncadd.s32 s3;
	_ =	sdelay $0x1  }
0xa1: {  	s23 =	simm.s32 $0x1B8B  }
0xa2: {  	_ =	swait.ge [sflag:s23], $0x1  }
0xa3: {  	[sflag:s23] =	ssyncset.done $0x0  }
0xa4: {  	s25 =	simm.s32 $0x1B8E;
	s24 =	sld [smem:$0x3FFE];
	[sflag:s23] =	ssyncadd.s32 $0xFFFFFFFF  }
0xa5: {  	s26 =	simm.s32 $execute0_lowered;
	[smem:$0x3FD2] =	sst s25  }
0xa6: {  	s4 =	sshll.u32 s26, $0x1;
	_ =	strace $0x8000004C;
	[dreg:$0x1] =	wrdreg $0xFFFFFFFF  }
0xa7: {  	s28 =	simm.s32 $_size_execute0_lowered;
	s2 =	sadd.s32 s2, s4;
	[dreg:$0x0] =	wrdreg $0x0  }
0xa8: {  	s4 =	sshll.u32 s28, $0x1;
	[dreg:$0x2] =	wrdreg s2  }
0xa9: {  	[dreg:$0x3] =	wrdreg s4  }
0xaa: {  	[dreg:$0x4] =	wrdreg $0xC0  }
0xab: {  	_ =	task [dreg:s6], $0x5FFFF  }
0xac: {  	[dreg:$0x1] =	wrdreg $0xFFFFFFFF  }
0xad: {  	[dreg:$0x0] =	wrdreg $0x60  }
0xae: {  	[dreg:$0x2] =	wrdreg s24  }
0xaf: {  	[dreg:$0x3] =	wrdreg $0xA8000  }
0xb0: {  	[dreg:$0x4] =	wrdreg $0x9  }
0xb1: {  	_ =	task.clear_ibuf [dreg:s6], $0x5FFFF;
	_ =	strace $0x9000004C  }
0xb2: {  	s29 =	simm.s32 $0x9;
	_ =	strace $0x8000004E  }
0xb3: {  	_ =	swait.ge [sflag:s29], $0x1  }
0xb4: {  	[sflag:s29] =	ssyncadd.s32 $0xFFFFFFFF  }
0xb5: {  	_ =	strace $0x9000004E  }
0xb6: {  	_ =	sfence  }
0xb7: {  	s30 =	sld [smem:$0x0];
	_ =	sdelay $0x2  }
0xb8: {  	s31 =	sshll.u32 s1, $0xD;
	s1 =	sshrl.u32 s1, $0x2  }
0xb9: {  	s3 =	sand.u32 $0x4000, s31;
	s1 =	sadd.s32 s1, s30  }
0xba: {  	s0 =	sor.u32 s3, s0;
	s1 =	sshll.u32 s1, $0x11  }
0xbb: {  	s0 =	sor.u32 s1, s0  }
0xbc: {  	s0 =	sadd.s32 $0x8F2B, s0  }
0xbd: {  	[sflag:s0] =	ssyncadd.remote.s32 $0x1  }
0xbe: {  	_ =	sfence.sel $0xFFFF  }
0xbf: {  	[dreg:$0x0] =	wrdreg $0xFFFFFFFF;
	(pc) =	sbr.abs _section_cstart, $3  }
0xc0: {  	[dreg:$0x1] =	wrdreg $0xFFFFFFFF  }
0xc1: {  	_ =	task.clear_ibuf [dreg:s6], $0x2FFFF;
	_ =	strace $0x9FFFFFFF  }
0xc2: {  	(tm) =	ssettm $0x7FFFFFFF  }
0xc3: {  	_ =	shalt  }
tec
execute0_lowered:
.L_overlay_start_1:
0x0: {  	(tag) =	ssettag $0x1  }
0x1: {  	s0 =	rddreg [dreg:$0x0]  }
0x2: {  	s2 =	rddreg [dreg:$0x1];
	s3 =	simm.s32 $0x0;
	s1 =	srdreg.scid  }
0x3: {  	s7 =	stileid.u32;
	s17 =	simm.s32 $0x2800;
	s18 =	simm.s32 $0x3  }
0x4: {  	s19 =	simm.s32 $0x1400;
	s20 =	simm.s32 $0x80;
	s21 =	simm.s32 $0x6800  }
0x5: {  	s22 =	simm.s32 $0x1;
	s23 =	simm.s32 $0x2;
	s24 =	simm.s32 $0x1380  }
0x6: {  	s28 =	simm.s32 $0x2780;
	s31 =	simm.s32 $0x0;
	[smem:$0x7FF] =	sst s3  }
0x7: {  	s1 =	sand.u32 $0x1, s1;
	s25 =	smul.u32 $0x28000, s7;
	s4 =	sadd.s32 $0x90200, s0  }
0x8: {  	s5 =	sadd.s32 $0x2E000, s0;
	s8 =	smul.u32 $0x50000, s7;
	s9 =	sadd.s32 $0x1C8A00, s0  }
0x9: {  	s10 =	smul.u32 $0xA0, s7;
	s30 =	sshll.u32 s7, $0x6;
	_ =	strace $0x8000004D  }
0xa: {  	s6 =	sshll.u32 s1, $0xA;
	[dreg:$0x3] =	wrdreg s9;
	s26 =	ssub.s32 $0x2, s1  }
0xb: {  	s1 =	smul.u32 $0xA00, s1;
	s3 =	sor.u32 s6, s25;
	s6 =	sadd.s32 $0x4000, s0  }
0xc: {  	s8 =	sshrl.u32 s8, $0x2;
	s29 =	sshrl.u32 s26, $0x1;
	s25 =	sor.u32 $0x1C03, s30  }
0xd: {  	s3 =	sshrl.u32 s3, $0x3;
	s8 =	sadd.s32 s8, s2;
	s14 =	sadd.s32 s1, s10  }
0xe: {  	s0 =	sadd.s32 s3, s0;
	s3 =	ssub.s32 s26, s29;
	s9 =	sadd.s32 $0x4000, s8  }
0xf: {  	s11 =	sadd.s32 $0x8000, s8;
	s12 =	sadd.s32 $0xC000, s8;
	s13 =	sadd.s32 $0x10000, s8  }
0x10: {  	s26 =	simm.s32 $0x2700;
	s15 =	sadd.s32 $0x1C9200, s0;
	s16 =	smax.u32 s3, $0x1  }
.LBB2_1:
0x11: {  	s0 =	simm.s32 $0x0;
	s1 =	rddreg [dreg:$0x3]  }
0x12: {  	[tilespmem:s17], [sflag:$0x3] =	stream.linear.gather [hbm4b:s1+s0], $0x4000, $0x38;
	[tilespmem:$0x1E800] =	vst v63  }
0x13: {  	_ =	swait.ge [sflag:s18], $0x4000  }
0x14: {  	[sflag:s18] =	ssyncset.done $0x0  }
0x15: {  	[sflag:s18] =	ssyncadd.s32 $0xFFFFC000  }
0x16: {  	[spmem:s8] =	stream.linear.scatter [tilespmem:s17], [sflag:$0x3], $0x4000, $0x38;
	[tilespmem:$0x1E800] =	vst v63  }
0x17: {  	_ =	swait.ge [sflag:s18], $0x4000  }
0x18: {  	[sflag:s18] =	ssyncset.done $0x0  }
0x19: {  	[sflag:s18] =	ssyncadd.s32 $0xFFFFC000  }
0x1a: {  	[spmem:s9] =	stream.linear.scatter [tilespmem:s17], [sflag:$0x3], $0x4000, $0x38;
	[tilespmem:$0x1E800] =	vst v63  }
0x1b: {  	_ =	swait.ge [sflag:s18], $0x4000  }
0x1c: {  	[sflag:s18] =	ssyncset.done $0x0  }
0x1d: {  	[sflag:s18] =	ssyncadd.s32 $0xFFFFC000  }
0x1e: {  	[spmem:s11] =	stream.linear.scatter [tilespmem:s17], [sflag:$0x3], $0x4000, $0x38;
	[tilespmem:$0x1E800] =	vst v63  }
0x1f: {  	_ =	swait.ge [sflag:s18], $0x4000  }
0x20: {  	[sflag:s18] =	ssyncset.done $0x0  }
0x21: {  	[sflag:s18] =	ssyncadd.s32 $0xFFFFC000  }
0x22: {  	[spmem:s12] =	stream.linear.scatter [tilespmem:s17], [sflag:$0x3], $0x4000, $0x38;
	[tilespmem:$0x1E800] =	vst v63  }
0x23: {  	_ =	swait.ge [sflag:s18], $0x4000  }
0x24: {  	[sflag:s18] =	ssyncset.done $0x0  }
0x25: {  	[sflag:s18] =	ssyncadd.s32 $0xFFFFC000  }
0x26: {  	[spmem:s13] =	stream.linear.scatter [tilespmem:s17], [sflag:$0x3], $0x4000, $0x38;
	[tilespmem:$0x1E800] =	vst v63  }
0x27: {  	_ =	swait.ge [sflag:s18], $0x4000  }
0x28: {  	[sflag:s18] =	ssyncset.done $0x0  }
0x29: {  	[sflag:s18] =	ssyncadd.s32 $0xFFFFC000  }
0x2a: {  	s0 =	simm.s32 $0x0;
	[bflag:$0x0] =	sbarrier.arrive $0xFFFF  }
.LBB2_2:
0x2b: {  	s1 =	smul.u32 $0x28, s0;
	_ =	sdelay $0x1  }
0x2c: {  	s3 =	sadd.s32 s14, s1  }
0x2d: {  	s3 =	sshll.u32 s3, $0x4  }
0x2e: {  	s29 =	simm.s32 $0x0;
	s3 =	sadd.s32 s5, s3  }
0x2f: {  	[tilespmem:s29], [sflag:$0x3] =	stream.linear.gather [hbm4b:s3+s29], $0x1400, $0x38;
	[tilespmem:$0x1E800] =	vst v63  }
0x30: {  	s1 =	sadd.s32 s10, s1;
	_ =	swait.ge [sflag:s18], $0x1400  }
0x31: {  	s1 =	sshll.u32 s1, $0x4;
	[sflag:s18] =	ssyncset.done $0x0  }
0x32: {  	s1 =	sadd.s32 s6, s1;
	[sflag:s18] =	ssyncadd.s32 $0xFFFFEC00  }
0x33: {  	[tilespmem:s19], [sflag:$0x3] =	stream.linear.gather [hbm4b:s1+s29], $0x1400, $0x38;
	[tilespmem:$0x1E800] =	vst v63  }
0x34: {  	_ =	swait.ge [sflag:s18], $0x1400  }
0x35: {  	[sflag:s18] =	ssyncset.done $0x0  }
0x36: {  	[sflag:s18] =	ssyncadd.s32 $0xFFFFEC00  }
0x37: {  	[tilespmem:s17], [sflag:$0x1] =	stream.indirect.gather [hbm4b:s4+s20], $0x80, s29, s20, $0xb8;
	[tilespmem:$0x1E800] =	vst v63  }
0x38: {  	s3 =	simm.s32 $0x80  }
0x39: {  	[tilespmem:s21], [sflag:$0x2] =	stream.indirect.gather [hbm4b:s4+s20], $0x80, s3, s20, $0xb8;
	[tilespmem:$0x1E800] =	vst v63  }
0x3a: {  	_ =	swait.ge [sflag:s22], $0x4000  }
0x3b: {  	[sflag:s22] =	ssyncset.done $0x0  }
0x3c: {  	s7 =	simm.s32 $0x1400;
	[sflag:s22] =	ssyncadd.s32 $0xFFFFC000  }
0x3d: {  	[spmem:s2] =	stream.indirect.scatter.add.f32 [tilespmem:s17], [sflag:$0x3], $0x80, s7, s20, $0xb8;
	[tilespmem:$0x1E800] =	vst v63  }
0x3e: {  	_ =	swait.ge [sflag:s18], $0x4000  }
0x3f: {  	[sflag:s18] =	ssyncset.done $0x0  }
0x40: {  	s29 =	simm.s32 $0x100;
	[sflag:s18] =	ssyncadd.s32 $0xFFFFC000  }
0x41: {  	[tilespmem:s17], [sflag:$0x1] =	stream.indirect.gather [hbm4b:s4+s20], $0x80, s29, s20, $0xb8;
	[tilespmem:$0x1E800] =	vst v63  }
0x42: {  	_ =	swait.ge [sflag:s23], $0x4000  }
0x43: {  	[sflag:s23] =	ssyncset.done $0x0  }
0x44: {  	s30 =	simm.s32 $0x1480;
	[sflag:s23] =	ssyncadd.s32 $0xFFFFC000  }
0x45: {  	[spmem:s2] =	stream.indirect.scatter.add.f32 [tilespmem:s21], [sflag:$0x3], $0x80, s30, s20, $0xb8;
	[tilespmem:$0x1E800] =	vst v63  }
0x46: {  	_ =	swait.ge [sflag:s18], $0x4000  }
0x47: {  	s1 =	simm.s32 $0x100;
	s3 =	simm.s32 $0x800;
	[sflag:s18] =	ssyncset.done $0x0  }
.LBB2_3:
0x48: {  	s29 =	sadd.s32 $0x80, s1  }
0x49: {  	[sflag:s18] =	ssyncadd.s32 $0xFFFFC000;
	s30 =	smov.u32 s3;
	s7 =	sadd.s32 $0x400, s3  }
0x4a: {  	[tilespmem:s21], [sflag:$0x2] =	stream.indirect.gather [hbm4b:s4+s20], $0x80, s29, s20, $0xb8;
	[tilespmem:$0x1E800] =	vst v63  }
0x4b: {  	p0 =	sne.s32 s3, $0x4800;
	_ =	swait.ge [sflag:s22], $0x4000  }
0x4c: {  	[sflag:s22] =	ssyncset.done $0x0  }
0x4d: {  	s3 =	sadd.s32 $0x1400, s1;
	[sflag:s22] =	ssyncadd.s32 $0xFFFFC000  }
0x4e: {  	[spmem:s2] =	stream.indirect.scatter.add.f32 [tilespmem:s17], [sflag:$0x3], $0x80, s3, s20, $0xb8;
	[tilespmem:$0x1E800] =	vst v63  }
0x4f: {  	_ =	swait.ge [sflag:s18], $0x4000  }
0x50: {  	[sflag:s18] =	ssyncset.done $0x0  }
0x51: {  	s3 =	sadd.s32 $0x100, s1;
	[sflag:s18] =	ssyncadd.s32 $0xFFFFC000  }
0x52: {  	[tilespmem:s17], [sflag:$0x1] =	stream.indirect.gather [hbm4b:s4+s20], $0x80, s3, s20, $0xb8;
	[tilespmem:$0x1E800] =	vst v63  }
0x53: {  	_ =	swait.ge [sflag:s23], $0x4000  }
.Ltmp0:
0x54: {  	[sflag:s23] =	ssyncset.done $0x0;
	(pc) =	sbr.rel @p0 .LBB2_3-.Ltmp0, $4  }
0x55: {  	s1 =	sadd.s32 $0x1480, s1;
	[sflag:s23] =	ssyncadd.s32 $0xFFFFC000  }
0x56: {  	[spmem:s2] =	stream.indirect.scatter.add.f32 [tilespmem:s21], [sflag:$0x3], $0x80, s1, s20, $0xb8;
	[tilespmem:$0x1E800] =	vst v63  }
0x57: {  	_ =	swait.ge [sflag:s18], $0x4000  }
0x58: {  	s3 =	smov.u32 s7;
	s1 =	sshra.s32 s30, $0x2;
	[sflag:s18] =	ssyncset.done $0x0  }
0x59: {  	s3 =	sadd.s32 $0x80, s1;
	[sflag:s18] =	ssyncadd.s32 $0xFFFFC000  }
0x5a: {  	[tilespmem:s21], [sflag:$0x2] =	stream.indirect.gather [hbm4b:s4+s20], $0x80, s3, s20, $0xb8;
	[tilespmem:$0x1E800] =	vst v63  }
0x5b: {  	_ =	swait.ge [sflag:s22], $0x4000  }
0x5c: {  	[sflag:s22] =	ssyncset.done $0x0  }
0x5d: {  	s7 =	sadd.s32 $0x1400, s1;
	[sflag:s22] =	ssyncadd.s32 $0xFFFFC000  }
0x5e: {  	[spmem:s2] =	stream.indirect.scatter.add.f32 [tilespmem:s17], [sflag:$0x3], $0x80, s7, s20, $0xb8;
	[tilespmem:$0x1E800] =	vst v63  }
0x5f: {  	_ =	swait.ge [sflag:s18], $0x4000  }
0x60: {  	[sflag:s18] =	ssyncset.done $0x0  }
0x61: {  	s29 =	sadd.s32 $0x100, s1;
	[sflag:s18] =	ssyncadd.s32 $0xFFFFC000  }
0x62: {  	[tilespmem:s17], [sflag:$0x1] =	stream.indirect.gather [hbm4b:s4+s20], $0x80, s29, s20, $0xb8;
	[tilespmem:$0x1E800] =	vst v63  }
0x63: {  	_ =	swait.ge [sflag:s23], $0x4000  }
0x64: {  	[sflag:s23] =	ssyncset.done $0x0  }
0x65: {  	s30 =	sadd.s32 $0x1480, s1;
	[sflag:s23] =	ssyncadd.s32 $0xFFFFC000  }
0x66: {  	[spmem:s2] =	stream.indirect.scatter.add.f32 [tilespmem:s21], [sflag:$0x3], $0x80, s30, s20, $0xb8;
	[tilespmem:$0x1E800] =	vst v63  }
0x67: {  	_ =	swait.ge [sflag:s18], $0x4000  }
0x68: {  	[sflag:s18] =	ssyncset.done $0x0  }
0x69: {  	[sflag:s18] =	ssyncadd.s32 $0xFFFFC000  }
0x6a: {  	[tilespmem:s21], [sflag:$0x2] =	stream.indirect.gather [hbm4b:s4+s20], $0x80, s24, s20, $0xb8;
	[tilespmem:$0x1E800] =	vst v63  }
0x6b: {  	_ =	swait.ge [sflag:s22], $0x4000  }
0x6c: {  	[sflag:s22] =	ssyncset.done $0x0  }
0x6d: {  	[sflag:s22] =	ssyncadd.s32 $0xFFFFC000  }
0x6e: {  	[spmem:s2] =	stream.indirect.scatter.add.f32 [tilespmem:s17], [sflag:$0x3], $0x80, s26, s20, $0xb8;
	[tilespmem:$0x1E800] =	vst v63  }
0x6f: {  	_ =	swait.ge [sflag:s18], $0x4000  }
0x70: {  	[sflag:s18] =	ssyncset.done $0x0  }
0x71: {  	[sflag:s18] =	ssyncadd.s32 $0xFFFFC000  }
0x72: {  	[tilespmem:s17], [sflag:$0x1] =	stream.indirect.gather [hbm4b:s4+s20], $0x80, s24, s20, $0xb8;
	[tilespmem:$0x1E800] =	vst v63  }
0x73: {  	_ =	swait.ge [sflag:s23], $0x4000  }
0x74: {  	[sflag:s23] =	ssyncset.done $0x0  }
0x75: {  	s0 =	sadd.s32 $0x1, s0;
	[sflag:s23] =	ssyncadd.s32 $0xFFFFC000  }
0x76: {  	[spmem:s2] =	stream.indirect.scatter.add.f32 [tilespmem:s21], [sflag:$0x3], $0x80, s28, s20, $0xb8;
	[tilespmem:$0x1E800] =	vst v63  }
0x77: {  	p0 =	sne.s32 s0, $0x4;
	_ =	swait.ge [sflag:s18], $0x4000  }
.Ltmp1:
0x78: {  	[sflag:s18] =	ssyncset.done $0x0;
	(pc) =	sbr.rel @p0 .LBB2_2-.Ltmp1, $4  }
0x79: {  	[sflag:s18] =	ssyncadd.s32 $0xFFFFC000  }
0x7a: {  	_ =	swait.ge [sflag:s22], $0x4000  }
0x7b: {  	[sflag:s22] =	ssyncset.done $0x0  }
0x7c: {  	[sflag:s22] =	ssyncadd.s32 $0xFFFFC000  }
0x7d: {  	s31 =	sadd.s32 $0x1, s31  }
0x7e: {  	[bflag:$0x0] =	sbarrier.arrive $0xFFFF;
	s0 =	sshrl.u32 s8, $0x3;
	p0 =	sne.s32 s31, s16  }
.Ltmp2:
0x7f: {  	s1 =	simm.s32 $0x8;
	s3 =	simm.s32 $0x100;
	(pc) =	sbr.rel @p0 .LBB2_1-.Ltmp2, $4  }
0x80: {  	[hbm:s15@s3], [sflag:s25] =	dma.strided [spmem:s0@s20], $0x2800, s1, $0x10   }
0x81: {  	_ =	swait.ge [sflag:s18], $0x2800  }
0x82: {  	[sflag:s18] =	ssyncset.done $0x0  }
0x83: {  	[sflag:s18] =	ssyncadd.s32 $0xFFFFD800  }
0x84: {  	_ =	sfence.sel $0x180000  }
0x85: {  	[bflag:$0x0] =	sbarrier.arrive $0xFFFF  }
0x86: {  	_ =	strace $0x9000004D  }
0x87: {  	s0 =	stileid.u32;
	[bflag:$0x2] =	sbarrier.arrive $0xFFFF  }
0x88: {  	p0 =	sne.s32 s0, $0x0;
	s0 =	rddreg [dreg:$0x2]  }
0x89: {  	s0 =	sadd.s32 @!p0 $0x100000, s0  }
0x8a: {  	[sflag:s0] =	ssyncadd.tile.s32 @!p0 $0x1;
	_ =	shalt  }
.Lfunc_end2:
_tile_overlayer_lowered:
.L_overlay_start_2:
0x8b: {  	(tag) =	ssettag $0x2  }
0x8c: {  	s0 =	rddreg [dreg:$0x0];
	s2 =	stileid.u32  }
0x8d: {  	s1 =	rddreg [dreg:$0x1];
	p0 =	sne.s32 s2, $0x0  }
0x8e: {  	s3 =	rddreg [dreg:$0x2];
	[bflag:$0x3] =	sbarrier.arrive $0xFFFF;
	s2 =	simm.s32 @!p0 $0x1C03  }
0x8f: {  	[timem:s3], [sflag:s2] =	dma.local @!p0 [hbm:s0], s1  }
0x90: {  	s0 =	simm.s32 @!p0 $0x3  }
0x91: {  	_ =	swait.ge @!p0 [sflag:s0], s1  }
0x92: {  	s1 =	ssub.s32 @!p0 $0x0, s1;
	[sflag:s0] =	ssyncset.done @!p0 $0x0  }
0x93: {  	[sflag:s0] =	ssyncadd.s32 @!p0 s1  }
0x94: {  	[bflag:$0x3] =	sbarrier.arrive $0xFFFF  }
0x95: {  	_ =	shalt  }

// kernel: kernel.30.cloned.1.call-start
scs
__scs_entry_jumppad:
0x0: {  	(pc) =	sbr.rel $0x88, $3  }
0x1: {  	(tag) =	ssettag $0x0;
	lr =	simm.s32 $0x1  }
0x2: {  	[smem:$0x3F8B] =	sst lr;
	_ =	strace $0xD0000000  }
0x3: {  	_ = 	snop  }
0x4: {  	_ = 	snop  }
0x5: {  	_ = 	snop  }
0x6: {  	_ = 	snop  }
0x7: {  	_ = 	snop  }
__scs_overlays_trampoline_lowered:
0x8: {  	[smem:$0x3F9A] =	sst s0  }
0x9: {  	[smem:$0x3F9B] =	sst s1  }
0xa: {  	[smem:$0x3F9C] =	sst s2  }
0xb: {  	[smem:$0x3F9D] =	sst s3  }
0xc: {  	[smem:$0x3F9E] =	sst s4  }
0xd: {  	[smem:$0x3F9F] =	sst s5  }
0xe: {  	[smem:$0x3FA0] =	sst s6  }
0xf: {  	[smem:$0x3FA1] =	sst s7  }
0x10: {  	[smem:$0x3FA2] =	sst s8  }
0x11: {  	[smem:$0x3FA3] =	sst s9;
	s0 =	simm.s32 @!p0 $0x0  }
0x12: {  	s1 =	sld [smem:$0x3F89];
	s0 =	simm.s32 @p0 $0x1  }
0x13: {  	[smem:$0x3FA4] =	sst s0;
	s0 =	simm.s32 @!p1 $0x0  }
0x14: {  	s2 =	sld [smem:$0x3F88];
	s0 =	simm.s32 @p1 $0x1  }
0x15: {  	[smem:$0x3FA5] =	sst s0;
	s0 =	simm.s32 @!p2 $0x0  }
0x16: {  	s3 =	sld [smem:$0x3FDB];
	s0 =	simm.s32 @p2 $0x1  }
0x17: {  	s4 =	simm.s32 $0x1BF5;
	[smem:$0x3FA7] =	sst s0  }
0x18: {  	s0 =	sld [smem:$0x3F8A];
	_ =	swait.ge [sflag:s4], $0x0  }
0x19: {  	s7 =	sld [smem:$0x3F8B]  }
0x1a: {  	s8 =	sadd.s32 $0xFFFFE003, lr  }
0x1b: {  	s9 =	sadd.s32 $0xFFFFFEF7, lr;
	s5 =	simm.s32 $0xFFFFFFFF;
	p2 =	slt.u32 s8, $0xFFFFF086  }
0x1c: {  	p1 =	slt.u32 s9, $0xF7A;
	s5 =	simm.s32 @!p2 $0x0  }
0x1d: {  	s5 =	simm.s32 @p1 $0x1;
	p0 =	seq.s32 s7, s2  }
0x1e: {  	s7 =	smul.u32 @!p0 $0xF7A, s2;
	p2 =	seq.s32 @!p0 s5, $0x0  }
0x1f: {  	s9 =	smul.u32 $0xF7A, s1;
	s8 =	simm.s32 @!p0 $0x1BF5;
	p2 =	por !p2, p0  }
0x20: {  	[sflag:s8] =	ssyncset.s32 @!p0 $0xFFFFF086;
	s6 =	sadd.s32 @!p0 s3, s7;
	s7 =	simm.s32 @!p0 $0x108  }
0x21: {  	s3 =	sadd.s32 s3, s9;
	s6 =	sadd.s32 @!p0 $0x88, s6;
	s7 =	simm.s32 @p2 $0x1082  }
0x22: {  	[simem:s7], [sflag:s8] =	dma.local @!p0 [hbm:s6], $0xF7A  }
0x23: {  	s9 =	sor.u32 $0xD0000000, s2;
	s6 =	simm.s32 $0x108;
	_ =	swait.ge @!p0 [sflag:s8], $0x0  }
0x24: {  	s3 =	sadd.s32 $0x88, s3;
	s6 =	simm.s32 @!p1 $0x1082;
	[sflag:s4] =	ssyncset.s32 $0xFFFFF086  }
0x25: {  	[simem:s6], [sflag:s4] =	dma.local [hbm:s3], $0xF7A  }
0x26: {  	[smem:$0x3F8B] =	sst s1;
	(tag) =	ssettag s2;
	_ =	strace s9  }
0x27: {  	s1 =	sld [smem:$0x3F9B]  }
0x28: {  	s2 =	sld [smem:$0x3F9C]  }
0x29: {  	s4 =	sld [smem:$0x3F9E]  }
0x2a: {  	p0 =	seq.s32 s5, $0x0;
	s5 =	sld [smem:$0x3F9F]  }
0x2b: {  	s6 =	sld [smem:$0x3FA0]  }
0x2c: {  	s7 =	sld [smem:$0x3FA1]  }
0x2d: {  	s3 =	simm.s32 $0x108;
	s8 =	sld [smem:$0x3FA2]  }
0x2e: {  	s3 =	simm.s32 @!p0 $0x1082;
	s9 =	sld [smem:$0x3FA3]  }
0x2f: {  	lr =	sadd.s32 s0, s3;
	s0 =	sld [smem:$0x3F9A]  }
0x30: {  	s3 =	sld [smem:$0x3F9D]  }
0x31: {  	[smem:$0x3FA6] =	sst s10  }
0x32: {  	s10 =	sld [smem:$0x3FA4];
	_ =	sdelay $0x3  }
0x33: {  	p0 =	seq.s32 s10, $0x1;
	s10 =	sld [smem:$0x3FA6];
	_ =	sdelay $0x3  }
0x34: {  	[smem:$0x3FA6] =	sst s10  }
0x35: {  	s10 =	sld [smem:$0x3FA5];
	_ =	sdelay $0x3  }
0x36: {  	p1 =	seq.s32 s10, $0x1;
	s10 =	sld [smem:$0x3FA6];
	_ =	sdelay $0x3  }
0x37: {  	[smem:$0x3FA6] =	sst s10  }
0x38: {  	s10 =	sld [smem:$0x3FA7]  }
0x39: {  	_ = 	snop;
	(pc) =	sbr.ind lr, $3  }
0x3a: {  	_ = 	snop  }
0x3b: {  	_ = 	snop  }
0x3c: {  	p2 =	seq.s32 s10, $0x1;
	s10 =	sld [smem:$0x3FA6]  }
0x3d: {  	_ =	shalt  }
0x3e: {  	_ =	shalt  }
0x3f: {  	_ =	shalt  }
0x40: {  	_ =	shalt  }
0x41: {  	_ =	shalt  }
0x42: {  	_ =	shalt  }
0x43: {  	_ =	shalt  }
0x44: {  	_ =	shalt  }
0x45: {  	_ =	shalt  }
0x46: {  	_ =	shalt  }
0x47: {  	_ =	shalt  }
0x48: {  	_ =	shalt  }
0x49: {  	_ =	shalt  }
0x4a: {  	_ =	shalt  }
0x4b: {  	_ =	shalt  }
0x4c: {  	_ =	shalt  }
0x4d: {  	_ =	shalt  }
0x4e: {  	_ =	shalt  }
0x4f: {  	_ =	shalt  }
0x50: {  	_ =	shalt  }
0x51: {  	_ =	shalt  }
0x52: {  	_ =	shalt  }
0x53: {  	_ =	shalt  }
0x54: {  	_ =	shalt  }
0x55: {  	_ =	shalt  }
0x56: {  	_ =	shalt  }
0x57: {  	_ =	shalt  }
0x58: {  	_ =	shalt  }
0x59: {  	_ =	shalt  }
0x5a: {  	_ =	shalt  }
0x5b: {  	_ =	shalt  }
0x5c: {  	_ =	shalt  }
0x5d: {  	_ =	shalt  }
0x5e: {  	_ =	shalt  }
0x5f: {  	_ =	shalt  }
0x60: {  	_ =	shalt  }
0x61: {  	_ =	shalt  }
0x62: {  	_ =	shalt  }
0x63: {  	_ =	shalt  }
0x64: {  	_ =	shalt  }
0x65: {  	_ =	shalt  }
0x66: {  	_ =	shalt  }
0x67: {  	_ =	shalt  }
0x68: {  	_ =	shalt  }
0x69: {  	_ =	shalt  }
0x6a: {  	_ =	shalt  }
0x6b: {  	_ =	shalt  }
0x6c: {  	_ =	shalt  }
0x6d: {  	_ =	shalt  }
0x6e: {  	_ =	shalt  }
0x6f: {  	_ =	shalt  }
0x70: {  	_ =	shalt  }
0x71: {  	_ =	shalt  }
0x72: {  	_ =	shalt  }
0x73: {  	_ =	shalt  }
0x74: {  	_ =	shalt  }
0x75: {  	_ =	shalt  }
0x76: {  	_ =	shalt  }
0x77: {  	_ =	shalt  }
0x78: {  	_ =	shalt  }
0x79: {  	_ =	shalt  }
0x7a: {  	_ =	shalt  }
0x7b: {  	_ =	shalt  }
0x7c: {  	_ =	shalt  }
0x7d: {  	_ =	shalt  }
0x7e: {  	_ =	shalt  }
0x7f: {  	_ =	shalt  }
0x80: {  	_ =	shalt  }
0x81: {  	_ =	shalt  }
0x82: {  	_ =	shalt  }
0x83: {  	_ =	shalt  }
0x84: {  	_ =	shalt  }
0x85: {  	_ =	shalt  }
0x86: {  	_ =	shalt  }
0x87: {  	_ =	shalt  }
.Lfunc_end0:
.L_simem_size_0:
called_computation.3_lowered:
.L_overlay_start_0:
0x88: {  	s2 =	sld [smem:$0x3FD9]  }
0x89: {  	s3 =	sld [smem:$0x3FFE];
	_ =	sdelay $0x1  }
0x8a: {  	s1 =	srdreg.scid  }
0x8b: {  	s0 =	sand.u32 $0x1, s1  }
0x8c: {  	s16 =	sshll.u32 s0, $0xA;
	s2 =	sadd.s32 s3, s2  }
0x8d: {  	s2 =	sadd.s32 s2, s16  }
0x8e: {  	[smem:$0x3FB2] =	sst s2  }
0x8f: {  	_ = 	snop  }
0x90: {  	(tm) =	ssettm $0x1  }
0x91: {  	s17 =	sld [smem:$0x3FFB];
	_ =	sdelay $0x3  }
0x92: {  	_ =	strace s17  }
0x93: {  	s2 =	sld [smem:$0x3FFC];
	_ =	sdelay $0x3  }
0x94: {  	_ =	strace s2  }
0x95: {  	s2 =	sld [smem:$0x3FFD];
	_ =	sdelay $0x3  }
0x96: {  	_ =	strace s2  }
0x97: {  	_ =	strace $0x8FFFFFFF  }
0x98: {  	s18 =	sld [smem:$0x3FDB];
	_ =	sdelay $0x1  }
0x99: {  	s19 =	simm.s32 $_scs_section_size  }
0x9a: {  	s4 =	simm.s32 $_size__tile_overlayer_lowered;
	s5 =	simm.s32 $_tile_overlayer_lowered  }
0x9b: {  	s22 =	simm.s32 $0x1BFF;
	s21 =	sshll.u32 s5, $0x1;
	s2 =	sadd.s32 s19, s18  }
0x9c: {  	s6 =	simm.s32 $0x0;
	s20 =	sshll.u32 s4, $0x1;
	s4 =	sadd.s32 s21, s2  }
0x9d: {  	[timem:s6], [sflag:s22] =	dma.local [hbm:s4], s20  }
0x9e: {  	_ =	swait.ge [sflag:s22], s20  }
0x9f: {  	s3 =	ssub.s32 $0x0, s20;
	[sflag:s22] =	ssyncset.done $0x0  }
0xa0: {  	[sflag:s22] =	ssyncadd.s32 s3;
	_ =	sdelay $0x1  }
0xa1: {  	s23 =	simm.s32 $0x1B8B  }
0xa2: {  	_ =	swait.ge [sflag:s23], $0x1  }
0xa3: {  	[sflag:s23] =	ssyncset.done $0x0  }
0xa4: {  	s25 =	simm.s32 $0x1B8E;
	s24 =	sld [smem:$0x3FFE];
	[sflag:s23] =	ssyncadd.s32 $0xFFFFFFFF  }
0xa5: {  	s26 =	simm.s32 $execute0_lowered;
	[smem:$0x3FD2] =	sst s25  }
0xa6: {  	s4 =	sshll.u32 s26, $0x1;
	_ =	strace $0x8000004F;
	[dreg:$0x1] =	wrdreg $0xFFFFFFFF  }
0xa7: {  	s28 =	simm.s32 $_size_execute0_lowered;
	s2 =	sadd.s32 s2, s4;
	[dreg:$0x0] =	wrdreg $0x0  }
0xa8: {  	s4 =	sshll.u32 s28, $0x1;
	[dreg:$0x2] =	wrdreg s2  }
0xa9: {  	[dreg:$0x3] =	wrdreg s4  }
0xaa: {  	[dreg:$0x4] =	wrdreg $0xC0  }
0xab: {  	_ =	task [dreg:s6], $0x5FFFF  }
0xac: {  	[dreg:$0x1] =	wrdreg $0xFFFFFFFF  }
0xad: {  	[dreg:$0x0] =	wrdreg $0x60  }
0xae: {  	[dreg:$0x2] =	wrdreg s24  }
0xaf: {  	[dreg:$0x3] =	wrdreg $0xA8000  }
0xb0: {  	[dreg:$0x4] =	wrdreg $0x9  }
0xb1: {  	_ =	task.clear_ibuf [dreg:s6], $0x5FFFF;
	_ =	strace $0x9000004F  }
0xb2: {  	s29 =	simm.s32 $0x9;
	_ =	strace $0x80000051  }
0xb3: {  	_ =	swait.ge [sflag:s29], $0x1  }
0xb4: {  	[sflag:s29] =	ssyncadd.s32 $0xFFFFFFFF  }
0xb5: {  	_ =	strace $0x90000051  }
0xb6: {  	_ =	sfence  }
0xb7: {  	s30 =	sld [smem:$0x0];
	_ =	sdelay $0x2  }
0xb8: {  	s31 =	sshll.u32 s1, $0xD;
	s1 =	sshrl.u32 s1, $0x2  }
0xb9: {  	s3 =	sand.u32 $0x4000, s31;
	s1 =	sadd.s32 s1, s30  }
0xba: {  	s0 =	sor.u32 s3, s0;
	s1 =	sshll.u32 s1, $0x11  }
0xbb: {  	s0 =	sor.u32 s1, s0  }
0xbc: {  	s0 =	sadd.s32 $0x8F2B, s0  }
0xbd: {  	[sflag:s0] =	ssyncadd.remote.s32 $0x1  }
0xbe: {  	_ =	sfence.sel $0xFFFF  }
0xbf: {  	[dreg:$0x0] =	wrdreg $0xFFFFFFFF;
	(pc) =	sbr.abs _section_cstart, $3  }
0xc0: {  	[dreg:$0x1] =	wrdreg $0xFFFFFFFF  }
0xc1: {  	_ =	task.clear_ibuf [dreg:s6], $0x2FFFF;
	_ =	strace $0x9FFFFFFF  }
0xc2: {  	(tm) =	ssettm $0x7FFFFFFF  }
0xc3: {  	_ =	shalt  }
tec
execute0_lowered:
.L_overlay_start_1:
0x0: {  	(tag) =	ssettag $0x1  }
0x1: {  	s0 =	rddreg [dreg:$0x0]  }
0x2: {  	s2 =	rddreg [dreg:$0x1];
	s3 =	simm.s32 $0x0;
	s1 =	srdreg.scid  }
0x3: {  	s7 =	stileid.u32;
	s17 =	simm.s32 $0x2800;
	s18 =	simm.s32 $0x3  }
0x4: {  	s19 =	simm.s32 $0x1400;
	s20 =	simm.s32 $0x80;
	s21 =	simm.s32 $0x6800  }
0x5: {  	s22 =	simm.s32 $0x1;
	s23 =	simm.s32 $0x2;
	s24 =	simm.s32 $0x1380  }
0x6: {  	s28 =	simm.s32 $0x2780;
	s31 =	simm.s32 $0x0;
	[smem:$0x7FF] =	sst s3  }
0x7: {  	s1 =	sand.u32 $0x1, s1;
	s25 =	smul.u32 $0x28000, s7;
	s4 =	sadd.s32 $0x90200, s0  }
0x8: {  	s5 =	sadd.s32 $0x2E000, s0;
	s8 =	smul.u32 $0x50000, s7;
	s9 =	sadd.s32 $0x1C8A00, s0  }
0x9: {  	s10 =	smul.u32 $0xA0, s7;
	s30 =	sshll.u32 s7, $0x6;
	_ =	strace $0x80000050  }
0xa: {  	s6 =	sshll.u32 s1, $0xA;
	[dreg:$0x3] =	wrdreg s9;
	s26 =	ssub.s32 $0x2, s1  }
0xb: {  	s1 =	smul.u32 $0xA00, s1;
	s3 =	sor.u32 s6, s25;
	s6 =	sadd.s32 $0x4000, s0  }
0xc: {  	s8 =	sshrl.u32 s8, $0x2;
	s29 =	sshrl.u32 s26, $0x1;
	s25 =	sor.u32 $0x1C03, s30  }
0xd: {  	s3 =	sshrl.u32 s3, $0x3;
	s8 =	sadd.s32 s8, s2;
	s14 =	sadd.s32 s1, s10  }
0xe: {  	s0 =	sadd.s32 s3, s0;
	s3 =	ssub.s32 s26, s29;
	s9 =	sadd.s32 $0x4000, s8  }
0xf: {  	s11 =	sadd.s32 $0x8000, s8;
	s12 =	sadd.s32 $0xC000, s8;
	s13 =	sadd.s32 $0x10000, s8  }
0x10: {  	s26 =	simm.s32 $0x2700;
	s15 =	sadd.s32 $0x1C9200, s0;
	s16 =	smax.u32 s3, $0x1  }
.LBB2_1:
0x11: {  	s0 =	simm.s32 $0x0;
	s1 =	rddreg [dreg:$0x3]  }
0x12: {  	[tilespmem:s17], [sflag:$0x3] =	stream.linear.gather [hbm4b:s1+s0], $0x4000, $0x38;
	[tilespmem:$0x1E800] =	vst v63  }
0x13: {  	_ =	swait.ge [sflag:s18], $0x4000  }
0x14: {  	[sflag:s18] =	ssyncset.done $0x0  }
0x15: {  	[sflag:s18] =	ssyncadd.s32 $0xFFFFC000  }
0x16: {  	[spmem:s8] =	stream.linear.scatter [tilespmem:s17], [sflag:$0x3], $0x4000, $0x38;
	[tilespmem:$0x1E800] =	vst v63  }
0x17: {  	_ =	swait.ge [sflag:s18], $0x4000  }
0x18: {  	[sflag:s18] =	ssyncset.done $0x0  }
0x19: {  	[sflag:s18] =	ssyncadd.s32 $0xFFFFC000  }
0x1a: {  	[spmem:s9] =	stream.linear.scatter [tilespmem:s17], [sflag:$0x3], $0x4000, $0x38;
	[tilespmem:$0x1E800] =	vst v63  }
0x1b: {  	_ =	swait.ge [sflag:s18], $0x4000  }
0x1c: {  	[sflag:s18] =	ssyncset.done $0x0  }
0x1d: {  	[sflag:s18] =	ssyncadd.s32 $0xFFFFC000  }
0x1e: {  	[spmem:s11] =	stream.linear.scatter [tilespmem:s17], [sflag:$0x3], $0x4000, $0x38;
	[tilespmem:$0x1E800] =	vst v63  }
0x1f: {  	_ =	swait.ge [sflag:s18], $0x4000  }
0x20: {  	[sflag:s18] =	ssyncset.done $0x0  }
0x21: {  	[sflag:s18] =	ssyncadd.s32 $0xFFFFC000  }
0x22: {  	[spmem:s12] =	stream.linear.scatter [tilespmem:s17], [sflag:$0x3], $0x4000, $0x38;
	[tilespmem:$0x1E800] =	vst v63  }
0x23: {  	_ =	swait.ge [sflag:s18], $0x4000  }
0x24: {  	[sflag:s18] =	ssyncset.done $0x0  }
0x25: {  	[sflag:s18] =	ssyncadd.s32 $0xFFFFC000  }
0x26: {  	[spmem:s13] =	stream.linear.scatter [tilespmem:s17], [sflag:$0x3], $0x4000, $0x38;
	[tilespmem:$0x1E800] =	vst v63  }
0x27: {  	_ =	swait.ge [sflag:s18], $0x4000  }
0x28: {  	[sflag:s18] =	ssyncset.done $0x0  }
0x29: {  	[sflag:s18] =	ssyncadd.s32 $0xFFFFC000  }
0x2a: {  	s0 =	simm.s32 $0x0;
	[bflag:$0x0] =	sbarrier.arrive $0xFFFF  }
.LBB2_2:
0x2b: {  	s1 =	smul.u32 $0x28, s0;
	_ =	sdelay $0x1  }
0x2c: {  	s3 =	sadd.s32 s14, s1  }
0x2d: {  	s3 =	sshll.u32 s3, $0x4  }
0x2e: {  	s29 =	simm.s32 $0x0;
	s3 =	sadd.s32 s5, s3  }
0x2f: {  	[tilespmem:s29], [sflag:$0x3] =	stream.linear.gather [hbm4b:s3+s29], $0x1400, $0x38;
	[tilespmem:$0x1E800] =	vst v63  }
0x30: {  	s1 =	sadd.s32 s10, s1;
	_ =	swait.ge [sflag:s18], $0x1400  }
0x31: {  	s1 =	sshll.u32 s1, $0x4;
	[sflag:s18] =	ssyncset.done $0x0  }
0x32: {  	s1 =	sadd.s32 s6, s1;
	[sflag:s18] =	ssyncadd.s32 $0xFFFFEC00  }
0x33: {  	[tilespmem:s19], [sflag:$0x3] =	stream.linear.gather [hbm4b:s1+s29], $0x1400, $0x38;
	[tilespmem:$0x1E800] =	vst v63  }
0x34: {  	_ =	swait.ge [sflag:s18], $0x1400  }
0x35: {  	[sflag:s18] =	ssyncset.done $0x0  }
0x36: {  	[sflag:s18] =	ssyncadd.s32 $0xFFFFEC00  }
0x37: {  	[tilespmem:s17], [sflag:$0x1] =	stream.indirect.gather [hbm4b:s4+s20], $0x80, s29, s20, $0xb8;
	[tilespmem:$0x1E800] =	vst v63  }
0x38: {  	s3 =	simm.s32 $0x80  }
0x39: {  	[tilespmem:s21], [sflag:$0x2] =	stream.indirect.gather [hbm4b:s4+s20], $0x80, s3, s20, $0xb8;
	[tilespmem:$0x1E800] =	vst v63  }
0x3a: {  	_ =	swait.ge [sflag:s22], $0x4000  }
0x3b: {  	[sflag:s22] =	ssyncset.done $0x0  }
0x3c: {  	s7 =	simm.s32 $0x1400;
	[sflag:s22] =	ssyncadd.s32 $0xFFFFC000  }
0x3d: {  	[spmem:s2] =	stream.indirect.scatter.add.f32 [tilespmem:s17], [sflag:$0x3], $0x80, s7, s20, $0xb8;
	[tilespmem:$0x1E800] =	vst v63  }
0x3e: {  	_ =	swait.ge [sflag:s18], $0x4000  }
0x3f: {  	[sflag:s18] =	ssyncset.done $0x0  }
0x40: {  	s29 =	simm.s32 $0x100;
	[sflag:s18] =	ssyncadd.s32 $0xFFFFC000  }
0x41: {  	[tilespmem:s17], [sflag:$0x1] =	stream.indirect.gather [hbm4b:s4+s20], $0x80, s29, s20, $0xb8;
	[tilespmem:$0x1E800] =	vst v63  }
0x42: {  	_ =	swait.ge [sflag:s23], $0x4000  }
0x43: {  	[sflag:s23] =	ssyncset.done $0x0  }
0x44: {  	s30 =	simm.s32 $0x1480;
	[sflag:s23] =	ssyncadd.s32 $0xFFFFC000  }
0x45: {  	[spmem:s2] =	stream.indirect.scatter.add.f32 [tilespmem:s21], [sflag:$0x3], $0x80, s30, s20, $0xb8;
	[tilespmem:$0x1E800] =	vst v63  }
0x46: {  	_ =	swait.ge [sflag:s18], $0x4000  }
0x47: {  	s1 =	simm.s32 $0x100;
	s3 =	simm.s32 $0x800;
	[sflag:s18] =	ssyncset.done $0x0  }
.LBB2_3:
0x48: {  	s29 =	sadd.s32 $0x80, s1  }
0x49: {  	[sflag:s18] =	ssyncadd.s32 $0xFFFFC000;
	s30 =	smov.u32 s3;
	s7 =	sadd.s32 $0x400, s3  }
0x4a: {  	[tilespmem:s21], [sflag:$0x2] =	stream.indirect.gather [hbm4b:s4+s20], $0x80, s29, s20, $0xb8;
	[tilespmem:$0x1E800] =	vst v63  }
0x4b: {  	p0 =	sne.s32 s3, $0x4800;
	_ =	swait.ge [sflag:s22], $0x4000  }
0x4c: {  	[sflag:s22] =	ssyncset.done $0x0  }
0x4d: {  	s3 =	sadd.s32 $0x1400, s1;
	[sflag:s22] =	ssyncadd.s32 $0xFFFFC000  }
0x4e: {  	[spmem:s2] =	stream.indirect.scatter.add.f32 [tilespmem:s17], [sflag:$0x3], $0x80, s3, s20, $0xb8;
	[tilespmem:$0x1E800] =	vst v63  }
0x4f: {  	_ =	swait.ge [sflag:s18], $0x4000  }
0x50: {  	[sflag:s18] =	ssyncset.done $0x0  }
0x51: {  	s3 =	sadd.s32 $0x100, s1;
	[sflag:s18] =	ssyncadd.s32 $0xFFFFC000  }
0x52: {  	[tilespmem:s17], [sflag:$0x1] =	stream.indirect.gather [hbm4b:s4+s20], $0x80, s3, s20, $0xb8;
	[tilespmem:$0x1E800] =	vst v63  }
0x53: {  	_ =	swait.ge [sflag:s23], $0x4000  }
.Ltmp0:
0x54: {  	[sflag:s23] =	ssyncset.done $0x0;
	(pc) =	sbr.rel @p0 .LBB2_3-.Ltmp0, $4  }
0x55: {  	s1 =	sadd.s32 $0x1480, s1;
	[sflag:s23] =	ssyncadd.s32 $0xFFFFC000  }
0x56: {  	[spmem:s2] =	stream.indirect.scatter.add.f32 [tilespmem:s21], [sflag:$0x3], $0x80, s1, s20, $0xb8;
	[tilespmem:$0x1E800] =	vst v63  }
0x57: {  	_ =	swait.ge [sflag:s18], $0x4000  }
0x58: {  	s3 =	smov.u32 s7;
	s1 =	sshra.s32 s30, $0x2;
	[sflag:s18] =	ssyncset.done $0x0  }
0x59: {  	s3 =	sadd.s32 $0x80, s1;
	[sflag:s18] =	ssyncadd.s32 $0xFFFFC000  }
0x5a: {  	[tilespmem:s21], [sflag:$0x2] =	stream.indirect.gather [hbm4b:s4+s20], $0x80, s3, s20, $0xb8;
	[tilespmem:$0x1E800] =	vst v63  }
0x5b: {  	_ =	swait.ge [sflag:s22], $0x4000  }
0x5c: {  	[sflag:s22] =	ssyncset.done $0x0  }
0x5d: {  	s7 =	sadd.s32 $0x1400, s1;
	[sflag:s22] =	ssyncadd.s32 $0xFFFFC000  }
0x5e: {  	[spmem:s2] =	stream.indirect.scatter.add.f32 [tilespmem:s17], [sflag:$0x3], $0x80, s7, s20, $0xb8;
	[tilespmem:$0x1E800] =	vst v63  }
0x5f: {  	_ =	swait.ge [sflag:s18], $0x4000  }
0x60: {  	[sflag:s18] =	ssyncset.done $0x0  }
0x61: {  	s29 =	sadd.s32 $0x100, s1;
	[sflag:s18] =	ssyncadd.s32 $0xFFFFC000  }
0x62: {  	[tilespmem:s17], [sflag:$0x1] =	stream.indirect.gather [hbm4b:s4+s20], $0x80, s29, s20, $0xb8;
	[tilespmem:$0x1E800] =	vst v63  }
0x63: {  	_ =	swait.ge [sflag:s23], $0x4000  }
0x64: {  	[sflag:s23] =	ssyncset.done $0x0  }
0x65: {  	s30 =	sadd.s32 $0x1480, s1;
	[sflag:s23] =	ssyncadd.s32 $0xFFFFC000  }
0x66: {  	[spmem:s2] =	stream.indirect.scatter.add.f32 [tilespmem:s21], [sflag:$0x3], $0x80, s30, s20, $0xb8;
	[tilespmem:$0x1E800] =	vst v63  }
0x67: {  	_ =	swait.ge [sflag:s18], $0x4000  }
0x68: {  	[sflag:s18] =	ssyncset.done $0x0  }
0x69: {  	[sflag:s18] =	ssyncadd.s32 $0xFFFFC000  }
0x6a: {  	[tilespmem:s21], [sflag:$0x2] =	stream.indirect.gather [hbm4b:s4+s20], $0x80, s24, s20, $0xb8;
	[tilespmem:$0x1E800] =	vst v63  }
0x6b: {  	_ =	swait.ge [sflag:s22], $0x4000  }
0x6c: {  	[sflag:s22] =	ssyncset.done $0x0  }
0x6d: {  	[sflag:s22] =	ssyncadd.s32 $0xFFFFC000  }
0x6e: {  	[spmem:s2] =	stream.indirect.scatter.add.f32 [tilespmem:s17], [sflag:$0x3], $0x80, s26, s20, $0xb8;
	[tilespmem:$0x1E800] =	vst v63  }
0x6f: {  	_ =	swait.ge [sflag:s18], $0x4000  }
0x70: {  	[sflag:s18] =	ssyncset.done $0x0  }
0x71: {  	[sflag:s18] =	ssyncadd.s32 $0xFFFFC000  }
0x72: {  	[tilespmem:s17], [sflag:$0x1] =	stream.indirect.gather [hbm4b:s4+s20], $0x80, s24, s20, $0xb8;
	[tilespmem:$0x1E800] =	vst v63  }
0x73: {  	_ =	swait.ge [sflag:s23], $0x4000  }
0x74: {  	[sflag:s23] =	ssyncset.done $0x0  }
0x75: {  	s0 =	sadd.s32 $0x1, s0;
	[sflag:s23] =	ssyncadd.s32 $0xFFFFC000  }
0x76: {  	[spmem:s2] =	stream.indirect.scatter.add.f32 [tilespmem:s21], [sflag:$0x3], $0x80, s28, s20, $0xb8;
	[tilespmem:$0x1E800] =	vst v63  }
0x77: {  	p0 =	sne.s32 s0, $0x4;
	_ =	swait.ge [sflag:s18], $0x4000  }
.Ltmp1:
0x78: {  	[sflag:s18] =	ssyncset.done $0x0;
	(pc) =	sbr.rel @p0 .LBB2_2-.Ltmp1, $4  }
0x79: {  	[sflag:s18] =	ssyncadd.s32 $0xFFFFC000  }
0x7a: {  	_ =	swait.ge [sflag:s22], $0x4000  }
0x7b: {  	[sflag:s22] =	ssyncset.done $0x0  }
0x7c: {  	[sflag:s22] =	ssyncadd.s32 $0xFFFFC000  }
0x7d: {  	s31 =	sadd.s32 $0x1, s31  }
0x7e: {  	[bflag:$0x0] =	sbarrier.arrive $0xFFFF;
	s0 =	sshrl.u32 s8, $0x3;
	p0 =	sne.s32 s31, s16  }
.Ltmp2:
0x7f: {  	s1 =	simm.s32 $0x8;
	s3 =	simm.s32 $0x100;
	(pc) =	sbr.rel @p0 .LBB2_1-.Ltmp2, $4  }
0x80: {  	[hbm:s15@s3], [sflag:s25] =	dma.strided [spmem:s0@s20], $0x2800, s1, $0x10   }
0x81: {  	_ =	swait.ge [sflag:s18], $0x2800  }
0x82: {  	[sflag:s18] =	ssyncset.done $0x0  }
0x83: {  	[sflag:s18] =	ssyncadd.s32 $0xFFFFD800  }
0x84: {  	_ =	sfence.sel $0x180000  }
0x85: {  	[bflag:$0x0] =	sbarrier.arrive $0xFFFF  }
0x86: {  	_ =	strace $0x90000050  }
0x87: {  	s0 =	stileid.u32;
	[bflag:$0x2] =	sbarrier.arrive $0xFFFF  }
0x88: {  	p0 =	sne.s32 s0, $0x0;
	s0 =	rddreg [dreg:$0x2]  }
0x89: {  	s0 =	sadd.s32 @!p0 $0x100000, s0  }
0x8a: {  	[sflag:s0] =	ssyncadd.tile.s32 @!p0 $0x1;
	_ =	shalt  }
.Lfunc_end2:
_tile_overlayer_lowered:
.L_overlay_start_2:
0x8b: {  	(tag) =	ssettag $0x2  }
0x8c: {  	s0 =	rddreg [dreg:$0x0];
	s2 =	stileid.u32  }
0x8d: {  	s1 =	rddreg [dreg:$0x1];
	p0 =	sne.s32 s2, $0x0  }
0x8e: {  	s3 =	rddreg [dreg:$0x2];
	[bflag:$0x3] =	sbarrier.arrive $0xFFFF;
	s2 =	simm.s32 @!p0 $0x1C03  }
0x8f: {  	[timem:s3], [sflag:s2] =	dma.local @!p0 [hbm:s0], s1  }
0x90: {  	s0 =	simm.s32 @!p0 $0x3  }
0x91: {  	_ =	swait.ge @!p0 [sflag:s0], s1  }
0x92: {  	s1 =	ssub.s32 @!p0 $0x0, s1;
	[sflag:s0] =	ssyncset.done @!p0 $0x0  }
0x93: {  	[sflag:s0] =	ssyncadd.s32 @!p0 s1  }
0x94: {  	[bflag:$0x3] =	sbarrier.arrive $0xFFFF  }
0x95: {  	_ =	shalt  }

// kernel: kernel.33.cloned.1.call-start
scs
__scs_entry_jumppad:
0x0: {  	(pc) =	sbr.rel $0x88, $3  }
0x1: {  	(tag) =	ssettag $0x0;
	lr =	simm.s32 $0x1  }
0x2: {  	[smem:$0x3F8B] =	sst lr;
	_ =	strace $0xD0000000  }
0x3: {  	_ = 	snop  }
0x4: {  	_ = 	snop  }
0x5: {  	_ = 	snop  }
0x6: {  	_ = 	snop  }
0x7: {  	_ = 	snop  }
__scs_overlays_trampoline_lowered:
0x8: {  	[smem:$0x3F9A] =	sst s0  }
0x9: {  	[smem:$0x3F9B] =	sst s1  }
0xa: {  	[smem:$0x3F9C] =	sst s2  }
0xb: {  	[smem:$0x3F9D] =	sst s3  }
0xc: {  	[smem:$0x3F9E] =	sst s4  }
0xd: {  	[smem:$0x3F9F] =	sst s5  }
0xe: {  	[smem:$0x3FA0] =	sst s6  }
0xf: {  	[smem:$0x3FA1] =	sst s7  }
0x10: {  	[smem:$0x3FA2] =	sst s8  }
0x11: {  	[smem:$0x3FA3] =	sst s9;
	s0 =	simm.s32 @!p0 $0x0  }
0x12: {  	s1 =	sld [smem:$0x3F89];
	s0 =	simm.s32 @p0 $0x1  }
0x13: {  	[smem:$0x3FA4] =	sst s0;
	s0 =	simm.s32 @!p1 $0x0  }
0x14: {  	s2 =	sld [smem:$0x3F88];
	s0 =	simm.s32 @p1 $0x1  }
0x15: {  	[smem:$0x3FA5] =	sst s0;
	s0 =	simm.s32 @!p2 $0x0  }
0x16: {  	s3 =	sld [smem:$0x3FDB];
	s0 =	simm.s32 @p2 $0x1  }
0x17: {  	s4 =	simm.s32 $0x1BF5;
	[smem:$0x3FA7] =	sst s0  }
0x18: {  	s0 =	sld [smem:$0x3F8A];
	_ =	swait.ge [sflag:s4], $0x0  }
0x19: {  	s7 =	sld [smem:$0x3F8B]  }
0x1a: {  	s8 =	sadd.s32 $0xFFFFE003, lr  }
0x1b: {  	s9 =	sadd.s32 $0xFFFFFEF7, lr;
	s5 =	simm.s32 $0xFFFFFFFF;
	p2 =	slt.u32 s8, $0xFFFFF086  }
0x1c: {  	p1 =	slt.u32 s9, $0xF7A;
	s5 =	simm.s32 @!p2 $0x0  }
0x1d: {  	s5 =	simm.s32 @p1 $0x1;
	p0 =	seq.s32 s7, s2  }
0x1e: {  	s7 =	smul.u32 @!p0 $0xF7A, s2;
	p2 =	seq.s32 @!p0 s5, $0x0  }
0x1f: {  	s9 =	smul.u32 $0xF7A, s1;
	s8 =	simm.s32 @!p0 $0x1BF5;
	p2 =	por !p2, p0  }
0x20: {  	[sflag:s8] =	ssyncset.s32 @!p0 $0xFFFFF086;
	s6 =	sadd.s32 @!p0 s3, s7;
	s7 =	simm.s32 @!p0 $0x108  }
0x21: {  	s3 =	sadd.s32 s3, s9;
	s6 =	sadd.s32 @!p0 $0x88, s6;
	s7 =	simm.s32 @p2 $0x1082  }
0x22: {  	[simem:s7], [sflag:s8] =	dma.local @!p0 [hbm:s6], $0xF7A  }
0x23: {  	s9 =	sor.u32 $0xD0000000, s2;
	s6 =	simm.s32 $0x108;
	_ =	swait.ge @!p0 [sflag:s8], $0x0  }
0x24: {  	s3 =	sadd.s32 $0x88, s3;
	s6 =	simm.s32 @!p1 $0x1082;
	[sflag:s4] =	ssyncset.s32 $0xFFFFF086  }
0x25: {  	[simem:s6], [sflag:s4] =	dma.local [hbm:s3], $0xF7A  }
0x26: {  	[smem:$0x3F8B] =	sst s1;
	(tag) =	ssettag s2;
	_ =	strace s9  }
0x27: {  	s1 =	sld [smem:$0x3F9B]  }
0x28: {  	s2 =	sld [smem:$0x3F9C]  }
0x29: {  	s4 =	sld [smem:$0x3F9E]  }
0x2a: {  	p0 =	seq.s32 s5, $0x0;
	s5 =	sld [smem:$0x3F9F]  }
0x2b: {  	s6 =	sld [smem:$0x3FA0]  }
0x2c: {  	s7 =	sld [smem:$0x3FA1]  }
0x2d: {  	s3 =	simm.s32 $0x108;
	s8 =	sld [smem:$0x3FA2]  }
0x2e: {  	s3 =	simm.s32 @!p0 $0x1082;
	s9 =	sld [smem:$0x3FA3]  }
0x2f: {  	lr =	sadd.s32 s0, s3;
	s0 =	sld [smem:$0x3F9A]  }
0x30: {  	s3 =	sld [smem:$0x3F9D]  }
0x31: {  	[smem:$0x3FA6] =	sst s10  }
0x32: {  	s10 =	sld [smem:$0x3FA4];
	_ =	sdelay $0x3  }
0x33: {  	p0 =	seq.s32 s10, $0x1;
	s10 =	sld [smem:$0x3FA6];
	_ =	sdelay $0x3  }
0x34: {  	[smem:$0x3FA6] =	sst s10  }
0x35: {  	s10 =	sld [smem:$0x3FA5];
	_ =	sdelay $0x3  }
0x36: {  	p1 =	seq.s32 s10, $0x1;
	s10 =	sld [smem:$0x3FA6];
	_ =	sdelay $0x3  }
0x37: {  	[smem:$0x3FA6] =	sst s10  }
0x38: {  	s10 =	sld [smem:$0x3FA7]  }
0x39: {  	_ = 	snop;
	(pc) =	sbr.ind lr, $3  }
0x3a: {  	_ = 	snop  }
0x3b: {  	_ = 	snop  }
0x3c: {  	p2 =	seq.s32 s10, $0x1;
	s10 =	sld [smem:$0x3FA6]  }
0x3d: {  	_ =	shalt  }
0x3e: {  	_ =	shalt  }
0x3f: {  	_ =	shalt  }
0x40: {  	_ =	shalt  }
0x41: {  	_ =	shalt  }
0x42: {  	_ =	shalt  }
0x43: {  	_ =	shalt  }
0x44: {  	_ =	shalt  }
0x45: {  	_ =	shalt  }
0x46: {  	_ =	shalt  }
0x47: {  	_ =	shalt  }
0x48: {  	_ =	shalt  }
0x49: {  	_ =	shalt  }
0x4a: {  	_ =	shalt  }
0x4b: {  	_ =	shalt  }
0x4c: {  	_ =	shalt  }
0x4d: {  	_ =	shalt  }
0x4e: {  	_ =	shalt  }
0x4f: {  	_ =	shalt  }
0x50: {  	_ =	shalt  }
0x51: {  	_ =	shalt  }
0x52: {  	_ =	shalt  }
0x53: {  	_ =	shalt  }
0x54: {  	_ =	shalt  }
0x55: {  	_ =	shalt  }
0x56: {  	_ =	shalt  }
0x57: {  	_ =	shalt  }
0x58: {  	_ =	shalt  }
0x59: {  	_ =	shalt  }
0x5a: {  	_ =	shalt  }
0x5b: {  	_ =	shalt  }
0x5c: {  	_ =	shalt  }
0x5d: {  	_ =	shalt  }
0x5e: {  	_ =	shalt  }
0x5f: {  	_ =	shalt  }
0x60: {  	_ =	shalt  }
0x61: {  	_ =	shalt  }
0x62: {  	_ =	shalt  }
0x63: {  	_ =	shalt  }
0x64: {  	_ =	shalt  }
0x65: {  	_ =	shalt  }
0x66: {  	_ =	shalt  }
0x67: {  	_ =	shalt  }
0x68: {  	_ =	shalt  }
0x69: {  	_ =	shalt  }
0x6a: {  	_ =	shalt  }
0x6b: {  	_ =	shalt  }
0x6c: {  	_ =	shalt  }
0x6d: {  	_ =	shalt  }
0x6e: {  	_ =	shalt  }
0x6f: {  	_ =	shalt  }
0x70: {  	_ =	shalt  }
0x71: {  	_ =	shalt  }
0x72: {  	_ =	shalt  }
0x73: {  	_ =	shalt  }
0x74: {  	_ =	shalt  }
0x75: {  	_ =	shalt  }
0x76: {  	_ =	shalt  }
0x77: {  	_ =	shalt  }
0x78: {  	_ =	shalt  }
0x79: {  	_ =	shalt  }
0x7a: {  	_ =	shalt  }
0x7b: {  	_ =	shalt  }
0x7c: {  	_ =	shalt  }
0x7d: {  	_ =	shalt  }
0x7e: {  	_ =	shalt  }
0x7f: {  	_ =	shalt  }
0x80: {  	_ =	shalt  }
0x81: {  	_ =	shalt  }
0x82: {  	_ =	shalt  }
0x83: {  	_ =	shalt  }
0x84: {  	_ =	shalt  }
0x85: {  	_ =	shalt  }
0x86: {  	_ =	shalt  }
0x87: {  	_ =	shalt  }
.Lfunc_end0:
.L_simem_size_0:
called_computation.4_lowered:
.L_overlay_start_0:
0x88: {  	s2 =	sld [smem:$0x3FD9]  }
0x89: {  	s3 =	sld [smem:$0x3FFE];
	_ =	sdelay $0x1  }
0x8a: {  	s1 =	srdreg.scid  }
0x8b: {  	s0 =	sand.u32 $0x1, s1  }
0x8c: {  	s16 =	sshll.u32 s0, $0xA;
	s2 =	sadd.s32 s3, s2  }
0x8d: {  	s2 =	sadd.s32 s2, s16  }
0x8e: {  	[smem:$0x3FB2] =	sst s2  }
0x8f: {  	_ = 	snop  }
0x90: {  	(tm) =	ssettm $0x1  }
0x91: {  	s17 =	sld [smem:$0x3FFB];
	_ =	sdelay $0x3  }
0x92: {  	_ =	strace s17  }
0x93: {  	s2 =	sld [smem:$0x3FFC];
	_ =	sdelay $0x3  }
0x94: {  	_ =	strace s2  }
0x95: {  	s2 =	sld [smem:$0x3FFD];
	_ =	sdelay $0x3  }
0x96: {  	_ =	strace s2  }
0x97: {  	_ =	strace $0x8FFFFFFF  }
0x98: {  	s18 =	sld [smem:$0x3FDB];
	_ =	sdelay $0x1  }
0x99: {  	s19 =	simm.s32 $_scs_section_size  }
0x9a: {  	s4 =	simm.s32 $_size__tile_overlayer_lowered;
	s5 =	simm.s32 $_tile_overlayer_lowered  }
0x9b: {  	s22 =	simm.s32 $0x1BFF;
	s21 =	sshll.u32 s5, $0x1;
	s2 =	sadd.s32 s19, s18  }
0x9c: {  	s6 =	simm.s32 $0x0;
	s20 =	sshll.u32 s4, $0x1;
	s4 =	sadd.s32 s21, s2  }
0x9d: {  	[timem:s6], [sflag:s22] =	dma.local [hbm:s4], s20  }
0x9e: {  	_ =	swait.ge [sflag:s22], s20  }
0x9f: {  	s3 =	ssub.s32 $0x0, s20;
	[sflag:s22] =	ssyncset.done $0x0  }
0xa0: {  	[sflag:s22] =	ssyncadd.s32 s3;
	_ =	sdelay $0x1  }
0xa1: {  	s23 =	simm.s32 $0x1B8B  }
0xa2: {  	_ =	swait.ge [sflag:s23], $0x1  }
0xa3: {  	[sflag:s23] =	ssyncset.done $0x0  }
0xa4: {  	s25 =	simm.s32 $0x1B8E;
	s24 =	sld [smem:$0x3FFE];
	[sflag:s23] =	ssyncadd.s32 $0xFFFFFFFF  }
0xa5: {  	s26 =	simm.s32 $execute0_lowered;
	[smem:$0x3FD2] =	sst s25  }
0xa6: {  	s4 =	sshll.u32 s26, $0x1;
	_ =	strace $0x80000052;
	[dreg:$0x1] =	wrdreg $0xFFFFFFFF  }
0xa7: {  	s28 =	simm.s32 $_size_execute0_lowered;
	s2 =	sadd.s32 s2, s4;
	[dreg:$0x0] =	wrdreg $0x0  }
0xa8: {  	s4 =	sshll.u32 s28, $0x1;
	[dreg:$0x2] =	wrdreg s2  }
0xa9: {  	[dreg:$0x3] =	wrdreg s4  }
0xaa: {  	[dreg:$0x4] =	wrdreg $0xC0  }
0xab: {  	_ =	task [dreg:s6], $0x5FFFF  }
0xac: {  	[dreg:$0x1] =	wrdreg $0xFFFFFFFF  }
0xad: {  	[dreg:$0x0] =	wrdreg $0x60  }
0xae: {  	[dreg:$0x2] =	wrdreg s24  }
0xaf: {  	[dreg:$0x3] =	wrdreg $0xA8000  }
0xb0: {  	[dreg:$0x4] =	wrdreg $0x9  }
0xb1: {  	_ =	task.clear_ibuf [dreg:s6], $0x5FFFF;
	_ =	strace $0x90000052  }
0xb2: {  	s29 =	simm.s32 $0x9;
	_ =	strace $0x80000054  }
0xb3: {  	_ =	swait.ge [sflag:s29], $0x1  }
0xb4: {  	[sflag:s29] =	ssyncadd.s32 $0xFFFFFFFF  }
0xb5: {  	_ =	strace $0x90000054  }
0xb6: {  	_ =	sfence  }
0xb7: {  	s30 =	sld [smem:$0x0];
	_ =	sdelay $0x2  }
0xb8: {  	s31 =	sshll.u32 s1, $0xD;
	s1 =	sshrl.u32 s1, $0x2  }
0xb9: {  	s3 =	sand.u32 $0x4000, s31;
	s1 =	sadd.s32 s1, s30  }
0xba: {  	s0 =	sor.u32 s3, s0;
	s1 =	sshll.u32 s1, $0x11  }
0xbb: {  	s0 =	sor.u32 s1, s0  }
0xbc: {  	s0 =	sadd.s32 $0x8F2B, s0  }
0xbd: {  	[sflag:s0] =	ssyncadd.remote.s32 $0x1  }
0xbe: {  	_ =	sfence.sel $0xFFFF  }
0xbf: {  	[dreg:$0x0] =	wrdreg $0xFFFFFFFF;
	(pc) =	sbr.abs _section_cstart, $3  }
0xc0: {  	[dreg:$0x1] =	wrdreg $0xFFFFFFFF  }
0xc1: {  	_ =	task.clear_ibuf [dreg:s6], $0x2FFFF;
	_ =	strace $0x9FFFFFFF  }
0xc2: {  	(tm) =	ssettm $0x7FFFFFFF  }
0xc3: {  	_ =	shalt  }
tec
execute0_lowered:
.L_overlay_start_1:
0x0: {  	(tag) =	ssettag $0x1  }
0x1: {  	s0 =	rddreg [dreg:$0x0]  }
0x2: {  	s2 =	rddreg [dreg:$0x1];
	s3 =	simm.s32 $0x0;
	s1 =	srdreg.scid  }
0x3: {  	s7 =	stileid.u32;
	s17 =	simm.s32 $0x2800;
	s18 =	simm.s32 $0x3  }
0x4: {  	s19 =	simm.s32 $0x1400;
	s20 =	simm.s32 $0x80;
	s21 =	simm.s32 $0x6800  }
0x5: {  	s22 =	simm.s32 $0x1;
	s23 =	simm.s32 $0x2;
	s24 =	simm.s32 $0x1380  }
0x6: {  	s28 =	simm.s32 $0x2780;
	s31 =	simm.s32 $0x0;
	[smem:$0x7FF] =	sst s3  }
0x7: {  	s1 =	sand.u32 $0x1, s1;
	s25 =	smul.u32 $0x28000, s7;
	s4 =	sadd.s32 $0x90200, s0  }
0x8: {  	s5 =	sadd.s32 $0x2E000, s0;
	s8 =	smul.u32 $0x50000, s7;
	s9 =	sadd.s32 $0x1C8A00, s0  }
0x9: {  	s10 =	smul.u32 $0xA0, s7;
	s30 =	sshll.u32 s7, $0x6;
	_ =	strace $0x80000053  }
0xa: {  	s6 =	sshll.u32 s1, $0xA;
	[dreg:$0x3] =	wrdreg s9;
	s26 =	ssub.s32 $0x2, s1  }
0xb: {  	s1 =	smul.u32 $0xA00, s1;
	s3 =	sor.u32 s6, s25;
	s6 =	sadd.s32 $0x4000, s0  }
0xc: {  	s8 =	sshrl.u32 s8, $0x2;
	s29 =	sshrl.u32 s26, $0x1;
	s25 =	sor.u32 $0x1C03, s30  }
0xd: {  	s3 =	sshrl.u32 s3, $0x3;
	s8 =	sadd.s32 s8, s2;
	s14 =	sadd.s32 s1, s10  }
0xe: {  	s0 =	sadd.s32 s3, s0;
	s3 =	ssub.s32 s26, s29;
	s9 =	sadd.s32 $0x4000, s8  }
0xf: {  	s11 =	sadd.s32 $0x8000, s8;
	s12 =	sadd.s32 $0xC000, s8;
	s13 =	sadd.s32 $0x10000, s8  }
0x10: {  	s26 =	simm.s32 $0x2700;
	s15 =	sadd.s32 $0x1C9200, s0;
	s16 =	smax.u32 s3, $0x1  }
.LBB2_1:
0x11: {  	s0 =	simm.s32 $0x0;
	s1 =	rddreg [dreg:$0x3]  }
0x12: {  	[tilespmem:s17], [sflag:$0x3] =	stream.linear.gather [hbm4b:s1+s0], $0x4000, $0x38;
	[tilespmem:$0x1E800] =	vst v63  }
0x13: {  	_ =	swait.ge [sflag:s18], $0x4000  }
0x14: {  	[sflag:s18] =	ssyncset.done $0x0  }
0x15: {  	[sflag:s18] =	ssyncadd.s32 $0xFFFFC000  }
0x16: {  	[spmem:s8] =	stream.linear.scatter [tilespmem:s17], [sflag:$0x3], $0x4000, $0x38;
	[tilespmem:$0x1E800] =	vst v63  }
0x17: {  	_ =	swait.ge [sflag:s18], $0x4000  }
0x18: {  	[sflag:s18] =	ssyncset.done $0x0  }
0x19: {  	[sflag:s18] =	ssyncadd.s32 $0xFFFFC000  }
0x1a: {  	[spmem:s9] =	stream.linear.scatter [tilespmem:s17], [sflag:$0x3], $0x4000, $0x38;
	[tilespmem:$0x1E800] =	vst v63  }
0x1b: {  	_ =	swait.ge [sflag:s18], $0x4000  }
0x1c: {  	[sflag:s18] =	ssyncset.done $0x0  }
0x1d: {  	[sflag:s18] =	ssyncadd.s32 $0xFFFFC000  }
0x1e: {  	[spmem:s11] =	stream.linear.scatter [tilespmem:s17], [sflag:$0x3], $0x4000, $0x38;
	[tilespmem:$0x1E800] =	vst v63  }
0x1f: {  	_ =	swait.ge [sflag:s18], $0x4000  }
0x20: {  	[sflag:s18] =	ssyncset.done $0x0  }
0x21: {  	[sflag:s18] =	ssyncadd.s32 $0xFFFFC000  }
0x22: {  	[spmem:s12] =	stream.linear.scatter [tilespmem:s17], [sflag:$0x3], $0x4000, $0x38;
	[tilespmem:$0x1E800] =	vst v63  }
0x23: {  	_ =	swait.ge [sflag:s18], $0x4000  }
0x24: {  	[sflag:s18] =	ssyncset.done $0x0  }
0x25: {  	[sflag:s18] =	ssyncadd.s32 $0xFFFFC000  }
0x26: {  	[spmem:s13] =	stream.linear.scatter [tilespmem:s17], [sflag:$0x3], $0x4000, $0x38;
	[tilespmem:$0x1E800] =	vst v63  }
0x27: {  	_ =	swait.ge [sflag:s18], $0x4000  }
0x28: {  	[sflag:s18] =	ssyncset.done $0x0  }
0x29: {  	[sflag:s18] =	ssyncadd.s32 $0xFFFFC000  }
0x2a: {  	s0 =	simm.s32 $0x0;
	[bflag:$0x0] =	sbarrier.arrive $0xFFFF  }
.LBB2_2:
0x2b: {  	s1 =	smul.u32 $0x28, s0;
	_ =	sdelay $0x1  }
0x2c: {  	s3 =	sadd.s32 s14, s1  }
0x2d: {  	s3 =	sshll.u32 s3, $0x4  }
0x2e: {  	s29 =	simm.s32 $0x0;
	s3 =	sadd.s32 s5, s3  }
0x2f: {  	[tilespmem:s29], [sflag:$0x3] =	stream.linear.gather [hbm4b:s3+s29], $0x1400, $0x38;
	[tilespmem:$0x1E800] =	vst v63  }
0x30: {  	s1 =	sadd.s32 s10, s1;
	_ =	swait.ge [sflag:s18], $0x1400  }
0x31: {  	s1 =	sshll.u32 s1, $0x4;
	[sflag:s18] =	ssyncset.done $0x0  }
0x32: {  	s1 =	sadd.s32 s6, s1;
	[sflag:s18] =	ssyncadd.s32 $0xFFFFEC00  }
0x33: {  	[tilespmem:s19], [sflag:$0x3] =	stream.linear.gather [hbm4b:s1+s29], $0x1400, $0x38;
	[tilespmem:$0x1E800] =	vst v63  }
0x34: {  	_ =	swait.ge [sflag:s18], $0x1400  }
0x35: {  	[sflag:s18] =	ssyncset.done $0x0  }
0x36: {  	[sflag:s18] =	ssyncadd.s32 $0xFFFFEC00  }
0x37: {  	[tilespmem:s17], [sflag:$0x1] =	stream.indirect.gather [hbm4b:s4+s20], $0x80, s29, s20, $0xb8;
	[tilespmem:$0x1E800] =	vst v63  }
0x38: {  	s3 =	simm.s32 $0x80  }
0x39: {  	[tilespmem:s21], [sflag:$0x2] =	stream.indirect.gather [hbm4b:s4+s20], $0x80, s3, s20, $0xb8;
	[tilespmem:$0x1E800] =	vst v63  }
0x3a: {  	_ =	swait.ge [sflag:s22], $0x4000  }
0x3b: {  	[sflag:s22] =	ssyncset.done $0x0  }
0x3c: {  	s7 =	simm.s32 $0x1400;
	[sflag:s22] =	ssyncadd.s32 $0xFFFFC000  }
0x3d: {  	[spmem:s2] =	stream.indirect.scatter.add.f32 [tilespmem:s17], [sflag:$0x3], $0x80, s7, s20, $0xb8;
	[tilespmem:$0x1E800] =	vst v63  }
0x3e: {  	_ =	swait.ge [sflag:s18], $0x4000  }
0x3f: {  	[sflag:s18] =	ssyncset.done $0x0  }
0x40: {  	s29 =	simm.s32 $0x100;
	[sflag:s18] =	ssyncadd.s32 $0xFFFFC000  }
0x41: {  	[tilespmem:s17], [sflag:$0x1] =	stream.indirect.gather [hbm4b:s4+s20], $0x80, s29, s20, $0xb8;
	[tilespmem:$0x1E800] =	vst v63  }
0x42: {  	_ =	swait.ge [sflag:s23], $0x4000  }
0x43: {  	[sflag:s23] =	ssyncset.done $0x0  }
0x44: {  	s30 =	simm.s32 $0x1480;
	[sflag:s23] =	ssyncadd.s32 $0xFFFFC000  }
0x45: {  	[spmem:s2] =	stream.indirect.scatter.add.f32 [tilespmem:s21], [sflag:$0x3], $0x80, s30, s20, $0xb8;
	[tilespmem:$0x1E800] =	vst v63  }
0x46: {  	_ =	swait.ge [sflag:s18], $0x4000  }
0x47: {  	s1 =	simm.s32 $0x100;
	s3 =	simm.s32 $0x800;
	[sflag:s18] =	ssyncset.done $0x0  }
.LBB2_3:
0x48: {  	s29 =	sadd.s32 $0x80, s1  }
0x49: {  	[sflag:s18] =	ssyncadd.s32 $0xFFFFC000;
	s30 =	smov.u32 s3;
	s7 =	sadd.s32 $0x400, s3  }
0x4a: {  	[tilespmem:s21], [sflag:$0x2] =	stream.indirect.gather [hbm4b:s4+s20], $0x80, s29, s20, $0xb8;
	[tilespmem:$0x1E800] =	vst v63  }
0x4b: {  	p0 =	sne.s32 s3, $0x4800;
	_ =	swait.ge [sflag:s22], $0x4000  }
0x4c: {  	[sflag:s22] =	ssyncset.done $0x0  }
0x4d: {  	s3 =	sadd.s32 $0x1400, s1;
	[sflag:s22] =	ssyncadd.s32 $0xFFFFC000  }
0x4e: {  	[spmem:s2] =	stream.indirect.scatter.add.f32 [tilespmem:s17], [sflag:$0x3], $0x80, s3, s20, $0xb8;
	[tilespmem:$0x1E800] =	vst v63  }
0x4f: {  	_ =	swait.ge [sflag:s18], $0x4000  }
0x50: {  	[sflag:s18] =	ssyncset.done $0x0  }
0x51: {  	s3 =	sadd.s32 $0x100, s1;
	[sflag:s18] =	ssyncadd.s32 $0xFFFFC000  }
0x52: {  	[tilespmem:s17], [sflag:$0x1] =	stream.indirect.gather [hbm4b:s4+s20], $0x80, s3, s20, $0xb8;
	[tilespmem:$0x1E800] =	vst v63  }
0x53: {  	_ =	swait.ge [sflag:s23], $0x4000  }
.Ltmp0:
0x54: {  	[sflag:s23] =	ssyncset.done $0x0;
	(pc) =	sbr.rel @p0 .LBB2_3-.Ltmp0, $4  }
0x55: {  	s1 =	sadd.s32 $0x1480, s1;
	[sflag:s23] =	ssyncadd.s32 $0xFFFFC000  }
0x56: {  	[spmem:s2] =	stream.indirect.scatter.add.f32 [tilespmem:s21], [sflag:$0x3], $0x80, s1, s20, $0xb8;
	[tilespmem:$0x1E800] =	vst v63  }
0x57: {  	_ =	swait.ge [sflag:s18], $0x4000  }
0x58: {  	s3 =	smov.u32 s7;
	s1 =	sshra.s32 s30, $0x2;
	[sflag:s18] =	ssyncset.done $0x0  }
0x59: {  	s3 =	sadd.s32 $0x80, s1;
	[sflag:s18] =	ssyncadd.s32 $0xFFFFC000  }
0x5a: {  	[tilespmem:s21], [sflag:$0x2] =	stream.indirect.gather [hbm4b:s4+s20], $0x80, s3, s20, $0xb8;
	[tilespmem:$0x1E800] =	vst v63  }
0x5b: {  	_ =	swait.ge [sflag:s22], $0x4000  }
0x5c: {  	[sflag:s22] =	ssyncset.done $0x0  }
0x5d: {  	s7 =	sadd.s32 $0x1400, s1;
	[sflag:s22] =	ssyncadd.s32 $0xFFFFC000  }
0x5e: {  	[spmem:s2] =	stream.indirect.scatter.add.f32 [tilespmem:s17], [sflag:$0x3], $0x80, s7, s20, $0xb8;
	[tilespmem:$0x1E800] =	vst v63  }
0x5f: {  	_ =	swait.ge [sflag:s18], $0x4000  }
0x60: {  	[sflag:s18] =	ssyncset.done $0x0  }
0x61: {  	s29 =	sadd.s32 $0x100, s1;
	[sflag:s18] =	ssyncadd.s32 $0xFFFFC000  }
0x62: {  	[tilespmem:s17], [sflag:$0x1] =	stream.indirect.gather [hbm4b:s4+s20], $0x80, s29, s20, $0xb8;
	[tilespmem:$0x1E800] =	vst v63  }
0x63: {  	_ =	swait.ge [sflag:s23], $0x4000  }
0x64: {  	[sflag:s23] =	ssyncset.done $0x0  }
0x65: {  	s30 =	sadd.s32 $0x1480, s1;
	[sflag:s23] =	ssyncadd.s32 $0xFFFFC000  }
0x66: {  	[spmem:s2] =	stream.indirect.scatter.add.f32 [tilespmem:s21], [sflag:$0x3], $0x80, s30, s20, $0xb8;
	[tilespmem:$0x1E800] =	vst v63  }
0x67: {  	_ =	swait.ge [sflag:s18], $0x4000  }
0x68: {  	[sflag:s18] =	ssyncset.done $0x0  }
0x69: {  	[sflag:s18] =	ssyncadd.s32 $0xFFFFC000  }
0x6a: {  	[tilespmem:s21], [sflag:$0x2] =	stream.indirect.gather [hbm4b:s4+s20], $0x80, s24, s20, $0xb8;
	[tilespmem:$0x1E800] =	vst v63  }
0x6b: {  	_ =	swait.ge [sflag:s22], $0x4000  }
0x6c: {  	[sflag:s22] =	ssyncset.done $0x0  }
0x6d: {  	[sflag:s22] =	ssyncadd.s32 $0xFFFFC000  }
0x6e: {  	[spmem:s2] =	stream.indirect.scatter.add.f32 [tilespmem:s17], [sflag:$0x3], $0x80, s26, s20, $0xb8;
	[tilespmem:$0x1E800] =	vst v63  }
0x6f: {  	_ =	swait.ge [sflag:s18], $0x4000  }
0x70: {  	[sflag:s18] =	ssyncset.done $0x0  }
0x71: {  	[sflag:s18] =	ssyncadd.s32 $0xFFFFC000  }
0x72: {  	[tilespmem:s17], [sflag:$0x1] =	stream.indirect.gather [hbm4b:s4+s20], $0x80, s24, s20, $0xb8;
	[tilespmem:$0x1E800] =	vst v63  }
0x73: {  	_ =	swait.ge [sflag:s23], $0x4000  }
0x74: {  	[sflag:s23] =	ssyncset.done $0x0  }
0x75: {  	s0 =	sadd.s32 $0x1, s0;
	[sflag:s23] =	ssyncadd.s32 $0xFFFFC000  }
0x76: {  	[spmem:s2] =	stream.indirect.scatter.add.f32 [tilespmem:s21], [sflag:$0x3], $0x80, s28, s20, $0xb8;
	[tilespmem:$0x1E800] =	vst v63  }
0x77: {  	p0 =	sne.s32 s0, $0x4;
	_ =	swait.ge [sflag:s18], $0x4000  }
.Ltmp1:
0x78: {  	[sflag:s18] =	ssyncset.done $0x0;
	(pc) =	sbr.rel @p0 .LBB2_2-.Ltmp1, $4  }
0x79: {  	[sflag:s18] =	ssyncadd.s32 $0xFFFFC000  }
0x7a: {  	_ =	swait.ge [sflag:s22], $0x4000  }
0x7b: {  	[sflag:s22] =	ssyncset.done $0x0  }
0x7c: {  	[sflag:s22] =	ssyncadd.s32 $0xFFFFC000  }
0x7d: {  	s31 =	sadd.s32 $0x1, s31  }
0x7e: {  	[bflag:$0x0] =	sbarrier.arrive $0xFFFF;
	s0 =	sshrl.u32 s8, $0x3;
	p0 =	sne.s32 s31, s16  }
.Ltmp2:
0x7f: {  	s1 =	simm.s32 $0x8;
	s3 =	simm.s32 $0x100;
	(pc) =	sbr.rel @p0 .LBB2_1-.Ltmp2, $4  }
0x80: {  	[hbm:s15@s3], [sflag:s25] =	dma.strided [spmem:s0@s20], $0x2800, s1, $0x10   }
0x81: {  	_ =	swait.ge [sflag:s18], $0x2800  }
0x82: {  	[sflag:s18] =	ssyncset.done $0x0  }
0x83: {  	[sflag:s18] =	ssyncadd.s32 $0xFFFFD800  }
0x84: {  	_ =	sfence.sel $0x180000  }
0x85: {  	[bflag:$0x0] =	sbarrier.arrive $0xFFFF  }
0x86: {  	_ =	strace $0x90000053  }
0x87: {  	s0 =	stileid.u32;
	[bflag:$0x2] =	sbarrier.arrive $0xFFFF  }
0x88: {  	p0 =	sne.s32 s0, $0x0;
	s0 =	rddreg [dreg:$0x2]  }
0x89: {  	s0 =	sadd.s32 @!p0 $0x100000, s0  }
0x8a: {  	[sflag:s0] =	ssyncadd.tile.s32 @!p0 $0x1;
	_ =	shalt  }
.Lfunc_end2:
_tile_overlayer_lowered:
.L_overlay_start_2:
0x8b: {  	(tag) =	ssettag $0x2  }
0x8c: {  	s0 =	rddreg [dreg:$0x0];
	s2 =	stileid.u32  }
0x8d: {  	s1 =	rddreg [dreg:$0x1];
	p0 =	sne.s32 s2, $0x0  }
0x8e: {  	s3 =	rddreg [dreg:$0x2];
	[bflag:$0x3] =	sbarrier.arrive $0xFFFF;
	s2 =	simm.s32 @!p0 $0x1C03  }
0x8f: {  	[timem:s3], [sflag:s2] =	dma.local @!p0 [hbm:s0], s1  }
0x90: {  	s0 =	simm.s32 @!p0 $0x3  }
0x91: {  	_ =	swait.ge @!p0 [sflag:s0], s1  }
0x92: {  	s1 =	ssub.s32 @!p0 $0x0, s1;
	[sflag:s0] =	ssyncset.done @!p0 $0x0  }
0x93: {  	[sflag:s0] =	ssyncadd.s32 @!p0 s1  }
0x94: {  	[bflag:$0x3] =	sbarrier.arrive $0xFFFF  }
0x95: {  	_ =	shalt  }

// kernel: kernel.36.cloned.1.call-start
scs
__scs_entry_jumppad:
0x0: {  	(pc) =	sbr.rel $0x88, $3  }
0x1: {  	(tag) =	ssettag $0x0;
	lr =	simm.s32 $0x1  }
0x2: {  	[smem:$0x3F8B] =	sst lr;
	_ =	strace $0xD0000000  }
0x3: {  	_ = 	snop  }
0x4: {  	_ = 	snop  }
0x5: {  	_ = 	snop  }
0x6: {  	_ = 	snop  }
0x7: {  	_ = 	snop  }
__scs_overlays_trampoline_lowered:
0x8: {  	[smem:$0x3F9A] =	sst s0  }
0x9: {  	[smem:$0x3F9B] =	sst s1  }
0xa: {  	[smem:$0x3F9C] =	sst s2  }
0xb: {  	[smem:$0x3F9D] =	sst s3  }
0xc: {  	[smem:$0x3F9E] =	sst s4  }
0xd: {  	[smem:$0x3F9F] =	sst s5  }
0xe: {  	[smem:$0x3FA0] =	sst s6  }
0xf: {  	[smem:$0x3FA1] =	sst s7  }
0x10: {  	[smem:$0x3FA2] =	sst s8  }
0x11: {  	[smem:$0x3FA3] =	sst s9;
	s0 =	simm.s32 @!p0 $0x0  }
0x12: {  	s1 =	sld [smem:$0x3F89];
	s0 =	simm.s32 @p0 $0x1  }
0x13: {  	[smem:$0x3FA4] =	sst s0;
	s0 =	simm.s32 @!p1 $0x0  }
0x14: {  	s2 =	sld [smem:$0x3F88];
	s0 =	simm.s32 @p1 $0x1  }
0x15: {  	[smem:$0x3FA5] =	sst s0;
	s0 =	simm.s32 @!p2 $0x0  }
0x16: {  	s3 =	sld [smem:$0x3FDB];
	s0 =	simm.s32 @p2 $0x1  }
0x17: {  	s4 =	simm.s32 $0x1BF5;
	[smem:$0x3FA7] =	sst s0  }
0x18: {  	s0 =	sld [smem:$0x3F8A];
	_ =	swait.ge [sflag:s4], $0x0  }
0x19: {  	s7 =	sld [smem:$0x3F8B]  }
0x1a: {  	s8 =	sadd.s32 $0xFFFFE003, lr  }
0x1b: {  	s9 =	sadd.s32 $0xFFFFFEF7, lr;
	s5 =	simm.s32 $0xFFFFFFFF;
	p2 =	slt.u32 s8, $0xFFFFF086  }
0x1c: {  	p1 =	slt.u32 s9, $0xF7A;
	s5 =	simm.s32 @!p2 $0x0  }
0x1d: {  	s5 =	simm.s32 @p1 $0x1;
	p0 =	seq.s32 s7, s2  }
0x1e: {  	s7 =	smul.u32 @!p0 $0xF7A, s2;
	p2 =	seq.s32 @!p0 s5, $0x0  }
0x1f: {  	s9 =	smul.u32 $0xF7A, s1;
	s8 =	simm.s32 @!p0 $0x1BF5;
	p2 =	por !p2, p0  }
0x20: {  	[sflag:s8] =	ssyncset.s32 @!p0 $0xFFFFF086;
	s6 =	sadd.s32 @!p0 s3, s7;
	s7 =	simm.s32 @!p0 $0x108  }
0x21: {  	s3 =	sadd.s32 s3, s9;
	s6 =	sadd.s32 @!p0 $0x88, s6;
	s7 =	simm.s32 @p2 $0x1082  }
0x22: {  	[simem:s7], [sflag:s8] =	dma.local @!p0 [hbm:s6], $0xF7A  }
0x23: {  	s9 =	sor.u32 $0xD0000000, s2;
	s6 =	simm.s32 $0x108;
	_ =	swait.ge @!p0 [sflag:s8], $0x0  }
0x24: {  	s3 =	sadd.s32 $0x88, s3;
	s6 =	simm.s32 @!p1 $0x1082;
	[sflag:s4] =	ssyncset.s32 $0xFFFFF086  }
0x25: {  	[simem:s6], [sflag:s4] =	dma.local [hbm:s3], $0xF7A  }
0x26: {  	[smem:$0x3F8B] =	sst s1;
	(tag) =	ssettag s2;
	_ =	strace s9  }
0x27: {  	s1 =	sld [smem:$0x3F9B]  }
0x28: {  	s2 =	sld [smem:$0x3F9C]  }
0x29: {  	s4 =	sld [smem:$0x3F9E]  }
0x2a: {  	p0 =	seq.s32 s5, $0x0;
	s5 =	sld [smem:$0x3F9F]  }
0x2b: {  	s6 =	sld [smem:$0x3FA0]  }
0x2c: {  	s7 =	sld [smem:$0x3FA1]  }
0x2d: {  	s3 =	simm.s32 $0x108;
	s8 =	sld [smem:$0x3FA2]  }
0x2e: {  	s3 =	simm.s32 @!p0 $0x1082;
	s9 =	sld [smem:$0x3FA3]  }
0x2f: {  	lr =	sadd.s32 s0, s3;
	s0 =	sld [smem:$0x3F9A]  }
0x30: {  	s3 =	sld [smem:$0x3F9D]  }
0x31: {  	[smem:$0x3FA6] =	sst s10  }
0x32: {  	s10 =	sld [smem:$0x3FA4];
	_ =	sdelay $0x3  }
0x33: {  	p0 =	seq.s32 s10, $0x1;
	s10 =	sld [smem:$0x3FA6];
	_ =	sdelay $0x3  }
0x34: {  	[smem:$0x3FA6] =	sst s10  }
0x35: {  	s10 =	sld [smem:$0x3FA5];
	_ =	sdelay $0x3  }
0x36: {  	p1 =	seq.s32 s10, $0x1;
	s10 =	sld [smem:$0x3FA6];
	_ =	sdelay $0x3  }
0x37: {  	[smem:$0x3FA6] =	sst s10  }
0x38: {  	s10 =	sld [smem:$0x3FA7]  }
0x39: {  	_ = 	snop;
	(pc) =	sbr.ind lr, $3  }
0x3a: {  	_ = 	snop  }
0x3b: {  	_ = 	snop  }
0x3c: {  	p2 =	seq.s32 s10, $0x1;
	s10 =	sld [smem:$0x3FA6]  }
0x3d: {  	_ =	shalt  }
0x3e: {  	_ =	shalt  }
0x3f: {  	_ =	shalt  }
0x40: {  	_ =	shalt  }
0x41: {  	_ =	shalt  }
0x42: {  	_ =	shalt  }
0x43: {  	_ =	shalt  }
0x44: {  	_ =	shalt  }
0x45: {  	_ =	shalt  }
0x46: {  	_ =	shalt  }
0x47: {  	_ =	shalt  }
0x48: {  	_ =	shalt  }
0x49: {  	_ =	shalt  }
0x4a: {  	_ =	shalt  }
0x4b: {  	_ =	shalt  }
0x4c: {  	_ =	shalt  }
0x4d: {  	_ =	shalt  }
0x4e: {  	_ =	shalt  }
0x4f: {  	_ =	shalt  }
0x50: {  	_ =	shalt  }
0x51: {  	_ =	shalt  }
0x52: {  	_ =	shalt  }
0x53: {  	_ =	shalt  }
0x54: {  	_ =	shalt  }
0x55: {  	_ =	shalt  }
0x56: {  	_ =	shalt  }
0x57: {  	_ =	shalt  }
0x58: {  	_ =	shalt  }
0x59: {  	_ =	shalt  }
0x5a: {  	_ =	shalt  }
0x5b: {  	_ =	shalt  }
0x5c: {  	_ =	shalt  }
0x5d: {  	_ =	shalt  }
0x5e: {  	_ =	shalt  }
0x5f: {  	_ =	shalt  }
0x60: {  	_ =	shalt  }
0x61: {  	_ =	shalt  }
0x62: {  	_ =	shalt  }
0x63: {  	_ =	shalt  }
0x64: {  	_ =	shalt  }
0x65: {  	_ =	shalt  }
0x66: {  	_ =	shalt  }
0x67: {  	_ =	shalt  }
0x68: {  	_ =	shalt  }
0x69: {  	_ =	shalt  }
0x6a: {  	_ =	shalt  }
0x6b: {  	_ =	shalt  }
0x6c: {  	_ =	shalt  }
0x6d: {  	_ =	shalt  }
0x6e: {  	_ =	shalt  }
0x6f: {  	_ =	shalt  }
0x70: {  	_ =	shalt  }
0x71: {  	_ =	shalt  }
0x72: {  	_ =	shalt  }
0x73: {  	_ =	shalt  }
0x74: {  	_ =	shalt  }
0x75: {  	_ =	shalt  }
0x76: {  	_ =	shalt  }
0x77: {  	_ =	shalt  }
0x78: {  	_ =	shalt  }
0x79: {  	_ =	shalt  }
0x7a: {  	_ =	shalt  }
0x7b: {  	_ =	shalt  }
0x7c: {  	_ =	shalt  }
0x7d: {  	_ =	shalt  }
0x7e: {  	_ =	shalt  }
0x7f: {  	_ =	shalt  }
0x80: {  	_ =	shalt  }
0x81: {  	_ =	shalt  }
0x82: {  	_ =	shalt  }
0x83: {  	_ =	shalt  }
0x84: {  	_ =	shalt  }
0x85: {  	_ =	shalt  }
0x86: {  	_ =	shalt  }
0x87: {  	_ =	shalt  }
.Lfunc_end0:
.L_simem_size_0:
called_computation.5_lowered:
.L_overlay_start_0:
0x88: {  	s2 =	sld [smem:$0x3FD9]  }
0x89: {  	s3 =	sld [smem:$0x3FFE];
	_ =	sdelay $0x1  }
0x8a: {  	s1 =	srdreg.scid  }
0x8b: {  	s0 =	sand.u32 $0x1, s1  }
0x8c: {  	s16 =	sshll.u32 s0, $0xA;
	s2 =	sadd.s32 s3, s2  }
0x8d: {  	s2 =	sadd.s32 s2, s16  }
0x8e: {  	[smem:$0x3FB2] =	sst s2  }
0x8f: {  	_ = 	snop  }
0x90: {  	(tm) =	ssettm $0x1  }
0x91: {  	s17 =	sld [smem:$0x3FFB];
	_ =	sdelay $0x3  }
0x92: {  	_ =	strace s17  }
0x93: {  	s2 =	sld [smem:$0x3FFC];
	_ =	sdelay $0x3  }
0x94: {  	_ =	strace s2  }
0x95: {  	s2 =	sld [smem:$0x3FFD];
	_ =	sdelay $0x3  }
0x96: {  	_ =	strace s2  }
0x97: {  	_ =	strace $0x8FFFFFFF  }
0x98: {  	s18 =	sld [smem:$0x3FDB];
	_ =	sdelay $0x1  }
0x99: {  	s19 =	simm.s32 $_scs_section_size  }
0x9a: {  	s4 =	simm.s32 $_size__tile_overlayer_lowered;
	s5 =	simm.s32 $_tile_overlayer_lowered  }
0x9b: {  	s22 =	simm.s32 $0x1BFF;
	s21 =	sshll.u32 s5, $0x1;
	s2 =	sadd.s32 s19, s18  }
0x9c: {  	s6 =	simm.s32 $0x0;
	s20 =	sshll.u32 s4, $0x1;
	s4 =	sadd.s32 s21, s2  }
0x9d: {  	[timem:s6], [sflag:s22] =	dma.local [hbm:s4], s20  }
0x9e: {  	_ =	swait.ge [sflag:s22], s20  }
0x9f: {  	s3 =	ssub.s32 $0x0, s20;
	[sflag:s22] =	ssyncset.done $0x0  }
0xa0: {  	[sflag:s22] =	ssyncadd.s32 s3;
	_ =	sdelay $0x1  }
0xa1: {  	s23 =	simm.s32 $0x1B8B  }
0xa2: {  	_ =	swait.ge [sflag:s23], $0x1  }
0xa3: {  	[sflag:s23] =	ssyncset.done $0x0  }
0xa4: {  	s25 =	simm.s32 $0x1B8E;
	s24 =	sld [smem:$0x3FFE];
	[sflag:s23] =	ssyncadd.s32 $0xFFFFFFFF  }
0xa5: {  	s26 =	simm.s32 $execute0_lowered;
	[smem:$0x3FD2] =	sst s25  }
0xa6: {  	s4 =	sshll.u32 s26, $0x1;
	_ =	strace $0x80000055;
	[dreg:$0x1] =	wrdreg $0xFFFFFFFF  }
0xa7: {  	s28 =	simm.s32 $_size_execute0_lowered;
	s2 =	sadd.s32 s2, s4;
	[dreg:$0x0] =	wrdreg $0x0  }
0xa8: {  	s4 =	sshll.u32 s28, $0x1;
	[dreg:$0x2] =	wrdreg s2  }
0xa9: {  	[dreg:$0x3] =	wrdreg s4  }
0xaa: {  	[dreg:$0x4] =	wrdreg $0xC0  }
0xab: {  	_ =	task [dreg:s6], $0x5FFFF  }
0xac: {  	[dreg:$0x1] =	wrdreg $0xFFFFFFFF  }
0xad: {  	[dreg:$0x0] =	wrdreg $0x60  }
0xae: {  	[dreg:$0x2] =	wrdreg s24  }
0xaf: {  	[dreg:$0x3] =	wrdreg $0xA8000  }
0xb0: {  	[dreg:$0x4] =	wrdreg $0x9  }
0xb1: {  	_ =	task.clear_ibuf [dreg:s6], $0x5FFFF;
	_ =	strace $0x90000055  }
0xb2: {  	s29 =	simm.s32 $0x9;
	_ =	strace $0x80000057  }
0xb3: {  	_ =	swait.ge [sflag:s29], $0x1  }
0xb4: {  	[sflag:s29] =	ssyncadd.s32 $0xFFFFFFFF  }
0xb5: {  	_ =	strace $0x90000057  }
0xb6: {  	_ =	sfence  }
0xb7: {  	s30 =	sld [smem:$0x0];
	_ =	sdelay $0x2  }
0xb8: {  	s31 =	sshll.u32 s1, $0xD;
	s1 =	sshrl.u32 s1, $0x2  }
0xb9: {  	s3 =	sand.u32 $0x4000, s31;
	s1 =	sadd.s32 s1, s30  }
0xba: {  	s0 =	sor.u32 s3, s0;
	s1 =	sshll.u32 s1, $0x11  }
0xbb: {  	s0 =	sor.u32 s1, s0  }
0xbc: {  	s0 =	sadd.s32 $0x8F2B, s0  }
0xbd: {  	[sflag:s0] =	ssyncadd.remote.s32 $0x1  }
0xbe: {  	_ =	sfence.sel $0xFFFF  }
0xbf: {  	[dreg:$0x0] =	wrdreg $0xFFFFFFFF;
	(pc) =	sbr.abs _section_cstart, $3  }
0xc0: {  	[dreg:$0x1] =	wrdreg $0xFFFFFFFF  }
0xc1: {  	_ =	task.clear_ibuf [dreg:s6], $0x2FFFF;
	_ =	strace $0x9FFFFFFF  }
0xc2: {  	(tm) =	ssettm $0x7FFFFFFF  }
0xc3: {  	_ =	shalt  }
tec
execute0_lowered:
.L_overlay_start_1:
0x0: {  	(tag) =	ssettag $0x1  }
0x1: {  	s0 =	rddreg [dreg:$0x0]  }
0x2: {  	s2 =	rddreg [dreg:$0x1];
	s3 =	simm.s32 $0x0;
	s1 =	srdreg.scid  }
0x3: {  	s7 =	stileid.u32;
	s17 =	simm.s32 $0x2800;
	s18 =	simm.s32 $0x3  }
0x4: {  	s19 =	simm.s32 $0x1400;
	s20 =	simm.s32 $0x80;
	s21 =	simm.s32 $0x6800  }
0x5: {  	s22 =	simm.s32 $0x1;
	s23 =	simm.s32 $0x2;
	s24 =	simm.s32 $0x1380  }
0x6: {  	s28 =	simm.s32 $0x2780;
	s31 =	simm.s32 $0x0;
	[smem:$0x7FF] =	sst s3  }
0x7: {  	s1 =	sand.u32 $0x1, s1;
	s25 =	smul.u32 $0x28000, s7;
	s4 =	sadd.s32 $0x90200, s0  }
0x8: {  	s5 =	sadd.s32 $0x2E000, s0;
	s8 =	smul.u32 $0x50000, s7;
	s9 =	sadd.s32 $0x1C8A00, s0  }
0x9: {  	s10 =	smul.u32 $0xA0, s7;
	s30 =	sshll.u32 s7, $0x6;
	_ =	strace $0x80000056  }
0xa: {  	s6 =	sshll.u32 s1, $0xA;
	[dreg:$0x3] =	wrdreg s9;
	s26 =	ssub.s32 $0x2, s1  }
0xb: {  	s1 =	smul.u32 $0xA00, s1;
	s3 =	sor.u32 s6, s25;
	s6 =	sadd.s32 $0x4000, s0  }
0xc: {  	s8 =	sshrl.u32 s8, $0x2;
	s29 =	sshrl.u32 s26, $0x1;
	s25 =	sor.u32 $0x1C03, s30  }
0xd: {  	s3 =	sshrl.u32 s3, $0x3;
	s8 =	sadd.s32 s8, s2;
	s14 =	sadd.s32 s1, s10  }
0xe: {  	s0 =	sadd.s32 s3, s0;
	s3 =	ssub.s32 s26, s29;
	s9 =	sadd.s32 $0x4000, s8  }
0xf: {  	s11 =	sadd.s32 $0x8000, s8;
	s12 =	sadd.s32 $0xC000, s8;
	s13 =	sadd.s32 $0x10000, s8  }
0x10: {  	s26 =	simm.s32 $0x2700;
	s15 =	sadd.s32 $0x1C9200, s0;
	s16 =	smax.u32 s3, $0x1  }
.LBB2_1:
0x11: {  	s0 =	simm.s32 $0x0;
	s1 =	rddreg [dreg:$0x3]  }
0x12: {  	[tilespmem:s17], [sflag:$0x3] =	stream.linear.gather [hbm4b:s1+s0], $0x4000, $0x38;
	[tilespmem:$0x1E800] =	vst v63  }
0x13: {  	_ =	swait.ge [sflag:s18], $0x4000  }
0x14: {  	[sflag:s18] =	ssyncset.done $0x0  }
0x15: {  	[sflag:s18] =	ssyncadd.s32 $0xFFFFC000  }
0x16: {  	[spmem:s8] =	stream.linear.scatter [tilespmem:s17], [sflag:$0x3], $0x4000, $0x38;
	[tilespmem:$0x1E800] =	vst v63  }
0x17: {  	_ =	swait.ge [sflag:s18], $0x4000  }
0x18: {  	[sflag:s18] =	ssyncset.done $0x0  }
0x19: {  	[sflag:s18] =	ssyncadd.s32 $0xFFFFC000  }
0x1a: {  	[spmem:s9] =	stream.linear.scatter [tilespmem:s17], [sflag:$0x3], $0x4000, $0x38;
	[tilespmem:$0x1E800] =	vst v63  }
0x1b: {  	_ =	swait.ge [sflag:s18], $0x4000  }
0x1c: {  	[sflag:s18] =	ssyncset.done $0x0  }
0x1d: {  	[sflag:s18] =	ssyncadd.s32 $0xFFFFC000  }
0x1e: {  	[spmem:s11] =	stream.linear.scatter [tilespmem:s17], [sflag:$0x3], $0x4000, $0x38;
	[tilespmem:$0x1E800] =	vst v63  }
0x1f: {  	_ =	swait.ge [sflag:s18], $0x4000  }
0x20: {  	[sflag:s18] =	ssyncset.done $0x0  }
0x21: {  	[sflag:s18] =	ssyncadd.s32 $0xFFFFC000  }
0x22: {  	[spmem:s12] =	stream.linear.scatter [tilespmem:s17], [sflag:$0x3], $0x4000, $0x38;
	[tilespmem:$0x1E800] =	vst v63  }
0x23: {  	_ =	swait.ge [sflag:s18], $0x4000  }
0x24: {  	[sflag:s18] =	ssyncset.done $0x0  }
0x25: {  	[sflag:s18] =	ssyncadd.s32 $0xFFFFC000  }
0x26: {  	[spmem:s13] =	stream.linear.scatter [tilespmem:s17], [sflag:$0x3], $0x4000, $0x38;
	[tilespmem:$0x1E800] =	vst v63  }
0x27: {  	_ =	swait.ge [sflag:s18], $0x4000  }
0x28: {  	[sflag:s18] =	ssyncset.done $0x0  }
0x29: {  	[sflag:s18] =	ssyncadd.s32 $0xFFFFC000  }
0x2a: {  	s0 =	simm.s32 $0x0;
	[bflag:$0x0] =	sbarrier.arrive $0xFFFF  }
.LBB2_2:
0x2b: {  	s1 =	smul.u32 $0x28, s0;
	_ =	sdelay $0x1  }
0x2c: {  	s3 =	sadd.s32 s14, s1  }
0x2d: {  	s3 =	sshll.u32 s3, $0x4  }
0x2e: {  	s29 =	simm.s32 $0x0;
	s3 =	sadd.s32 s5, s3  }
0x2f: {  	[tilespmem:s29], [sflag:$0x3] =	stream.linear.gather [hbm4b:s3+s29], $0x1400, $0x38;
	[tilespmem:$0x1E800] =	vst v63  }
0x30: {  	s1 =	sadd.s32 s10, s1;
	_ =	swait.ge [sflag:s18], $0x1400  }
0x31: {  	s1 =	sshll.u32 s1, $0x4;
	[sflag:s18] =	ssyncset.done $0x0  }
0x32: {  	s1 =	sadd.s32 s6, s1;
	[sflag:s18] =	ssyncadd.s32 $0xFFFFEC00  }
0x33: {  	[tilespmem:s19], [sflag:$0x3] =	stream.linear.gather [hbm4b:s1+s29], $0x1400, $0x38;
	[tilespmem:$0x1E800] =	vst v63  }
0x34: {  	_ =	swait.ge [sflag:s18], $0x1400  }
0x35: {  	[sflag:s18] =	ssyncset.done $0x0  }
0x36: {  	[sflag:s18] =	ssyncadd.s32 $0xFFFFEC00  }
0x37: {  	[tilespmem:s17], [sflag:$0x1] =	stream.indirect.gather [hbm4b:s4+s20], $0x80, s29, s20, $0xb8;
	[tilespmem:$0x1E800] =	vst v63  }
0x38: {  	s3 =	simm.s32 $0x80  }
0x39: {  	[tilespmem:s21], [sflag:$0x2] =	stream.indirect.gather [hbm4b:s4+s20], $0x80, s3, s20, $0xb8;
	[tilespmem:$0x1E800] =	vst v63  }
0x3a: {  	_ =	swait.ge [sflag:s22], $0x4000  }
0x3b: {  	[sflag:s22] =	ssyncset.done $0x0  }
0x3c: {  	s7 =	simm.s32 $0x1400;
	[sflag:s22] =	ssyncadd.s32 $0xFFFFC000  }
0x3d: {  	[spmem:s2] =	stream.indirect.scatter.add.f32 [tilespmem:s17], [sflag:$0x3], $0x80, s7, s20, $0xb8;
	[tilespmem:$0x1E800] =	vst v63  }
0x3e: {  	_ =	swait.ge [sflag:s18], $0x4000  }
0x3f: {  	[sflag:s18] =	ssyncset.done $0x0  }
0x40: {  	s29 =	simm.s32 $0x100;
	[sflag:s18] =	ssyncadd.s32 $0xFFFFC000  }
0x41: {  	[tilespmem:s17], [sflag:$0x1] =	stream.indirect.gather [hbm4b:s4+s20], $0x80, s29, s20, $0xb8;
	[tilespmem:$0x1E800] =	vst v63  }
0x42: {  	_ =	swait.ge [sflag:s23], $0x4000  }
0x43: {  	[sflag:s23] =	ssyncset.done $0x0  }
0x44: {  	s30 =	simm.s32 $0x1480;
	[sflag:s23] =	ssyncadd.s32 $0xFFFFC000  }
0x45: {  	[spmem:s2] =	stream.indirect.scatter.add.f32 [tilespmem:s21], [sflag:$0x3], $0x80, s30, s20, $0xb8;
	[tilespmem:$0x1E800] =	vst v63  }
0x46: {  	_ =	swait.ge [sflag:s18], $0x4000  }
0x47: {  	s1 =	simm.s32 $0x100;
	s3 =	simm.s32 $0x800;
	[sflag:s18] =	ssyncset.done $0x0  }
.LBB2_3:
0x48: {  	s29 =	sadd.s32 $0x80, s1  }
0x49: {  	[sflag:s18] =	ssyncadd.s32 $0xFFFFC000;
	s30 =	smov.u32 s3;
	s7 =	sadd.s32 $0x400, s3  }
0x4a: {  	[tilespmem:s21], [sflag:$0x2] =	stream.indirect.gather [hbm4b:s4+s20], $0x80, s29, s20, $0xb8;
	[tilespmem:$0x1E800] =	vst v63  }
0x4b: {  	p0 =	sne.s32 s3, $0x4800;
	_ =	swait.ge [sflag:s22], $0x4000  }
0x4c: {  	[sflag:s22] =	ssyncset.done $0x0  }
0x4d: {  	s3 =	sadd.s32 $0x1400, s1;
	[sflag:s22] =	ssyncadd.s32 $0xFFFFC000  }
0x4e: {  	[spmem:s2] =	stream.indirect.scatter.add.f32 [tilespmem:s17], [sflag:$0x3], $0x80, s3, s20, $0xb8;
	[tilespmem:$0x1E800] =	vst v63  }
0x4f: {  	_ =	swait.ge [sflag:s18], $0x4000  }
0x50: {  	[sflag:s18] =	ssyncset.done $0x0  }
0x51: {  	s3 =	sadd.s32 $0x100, s1;
	[sflag:s18] =	ssyncadd.s32 $0xFFFFC000  }
0x52: {  	[tilespmem:s17], [sflag:$0x1] =	stream.indirect.gather [hbm4b:s4+s20], $0x80, s3, s20, $0xb8;
	[tilespmem:$0x1E800] =	vst v63  }
0x53: {  	_ =	swait.ge [sflag:s23], $0x4000  }
.Ltmp0:
0x54: {  	[sflag:s23] =	ssyncset.done $0x0;
	(pc) =	sbr.rel @p0 .LBB2_3-.Ltmp0, $4  }
0x55: {  	s1 =	sadd.s32 $0x1480, s1;
	[sflag:s23] =	ssyncadd.s32 $0xFFFFC000  }
0x56: {  	[spmem:s2] =	stream.indirect.scatter.add.f32 [tilespmem:s21], [sflag:$0x3], $0x80, s1, s20, $0xb8;
	[tilespmem:$0x1E800] =	vst v63  }
0x57: {  	_ =	swait.ge [sflag:s18], $0x4000  }
0x58: {  	s3 =	smov.u32 s7;
	s1 =	sshra.s32 s30, $0x2;
	[sflag:s18] =	ssyncset.done $0x0  }
0x59: {  	s3 =	sadd.s32 $0x80, s1;
	[sflag:s18] =	ssyncadd.s32 $0xFFFFC000  }
0x5a: {  	[tilespmem:s21], [sflag:$0x2] =	stream.indirect.gather [hbm4b:s4+s20], $0x80, s3, s20, $0xb8;
	[tilespmem:$0x1E800] =	vst v63  }
0x5b: {  	_ =	swait.ge [sflag:s22], $0x4000  }
0x5c: {  	[sflag:s22] =	ssyncset.done $0x0  }
0x5d: {  	s7 =	sadd.s32 $0x1400, s1;
	[sflag:s22] =	ssyncadd.s32 $0xFFFFC000  }
0x5e: {  	[spmem:s2] =	stream.indirect.scatter.add.f32 [tilespmem:s17], [sflag:$0x3], $0x80, s7, s20, $0xb8;
	[tilespmem:$0x1E800] =	vst v63  }
0x5f: {  	_ =	swait.ge [sflag:s18], $0x4000  }
0x60: {  	[sflag:s18] =	ssyncset.done $0x0  }
0x61: {  	s29 =	sadd.s32 $0x100, s1;
	[sflag:s18] =	ssyncadd.s32 $0xFFFFC000  }
0x62: {  	[tilespmem:s17], [sflag:$0x1] =	stream.indirect.gather [hbm4b:s4+s20], $0x80, s29, s20, $0xb8;
	[tilespmem:$0x1E800] =	vst v63  }
0x63: {  	_ =	swait.ge [sflag:s23], $0x4000  }
0x64: {  	[sflag:s23] =	ssyncset.done $0x0  }
0x65: {  	s30 =	sadd.s32 $0x1480, s1;
	[sflag:s23] =	ssyncadd.s32 $0xFFFFC000  }
0x66: {  	[spmem:s2] =	stream.indirect.scatter.add.f32 [tilespmem:s21], [sflag:$0x3], $0x80, s30, s20, $0xb8;
	[tilespmem:$0x1E800] =	vst v63  }
0x67: {  	_ =	swait.ge [sflag:s18], $0x4000  }
0x68: {  	[sflag:s18] =	ssyncset.done $0x0  }
0x69: {  	[sflag:s18] =	ssyncadd.s32 $0xFFFFC000  }
0x6a: {  	[tilespmem:s21], [sflag:$0x2] =	stream.indirect.gather [hbm4b:s4+s20], $0x80, s24, s20, $0xb8;
	[tilespmem:$0x1E800] =	vst v63  }
0x6b: {  	_ =	swait.ge [sflag:s22], $0x4000  }
0x6c: {  	[sflag:s22] =	ssyncset.done $0x0  }
0x6d: {  	[sflag:s22] =	ssyncadd.s32 $0xFFFFC000  }
0x6e: {  	[spmem:s2] =	stream.indirect.scatter.add.f32 [tilespmem:s17], [sflag:$0x3], $0x80, s26, s20, $0xb8;
	[tilespmem:$0x1E800] =	vst v63  }
0x6f: {  	_ =	swait.ge [sflag:s18], $0x4000  }
0x70: {  	[sflag:s18] =	ssyncset.done $0x0  }
0x71: {  	[sflag:s18] =	ssyncadd.s32 $0xFFFFC000  }
0x72: {  	[tilespmem:s17], [sflag:$0x1] =	stream.indirect.gather [hbm4b:s4+s20], $0x80, s24, s20, $0xb8;
	[tilespmem:$0x1E800] =	vst v63  }
0x73: {  	_ =	swait.ge [sflag:s23], $0x4000  }
0x74: {  	[sflag:s23] =	ssyncset.done $0x0  }
0x75: {  	s0 =	sadd.s32 $0x1, s0;
	[sflag:s23] =	ssyncadd.s32 $0xFFFFC000  }
0x76: {  	[spmem:s2] =	stream.indirect.scatter.add.f32 [tilespmem:s21], [sflag:$0x3], $0x80, s28, s20, $0xb8;
	[tilespmem:$0x1E800] =	vst v63  }
0x77: {  	p0 =	sne.s32 s0, $0x4;
	_ =	swait.ge [sflag:s18], $0x4000  }
.Ltmp1:
0x78: {  	[sflag:s18] =	ssyncset.done $0x0;
	(pc) =	sbr.rel @p0 .LBB2_2-.Ltmp1, $4  }
0x79: {  	[sflag:s18] =	ssyncadd.s32 $0xFFFFC000  }
0x7a: {  	_ =	swait.ge [sflag:s22], $0x4000  }
0x7b: {  	[sflag:s22] =	ssyncset.done $0x0  }
0x7c: {  	[sflag:s22] =	ssyncadd.s32 $0xFFFFC000  }
0x7d: {  	s31 =	sadd.s32 $0x1, s31  }
0x7e: {  	[bflag:$0x0] =	sbarrier.arrive $0xFFFF;
	s0 =	sshrl.u32 s8, $0x3;
	p0 =	sne.s32 s31, s16  }
.Ltmp2:
0x7f: {  	s1 =	simm.s32 $0x8;
	s3 =	simm.s32 $0x100;
	(pc) =	sbr.rel @p0 .LBB2_1-.Ltmp2, $4  }
0x80: {  	[hbm:s15@s3], [sflag:s25] =	dma.strided [spmem:s0@s20], $0x2800, s1, $0x10   }
0x81: {  	_ =	swait.ge [sflag:s18], $0x2800  }
0x82: {  	[sflag:s18] =	ssyncset.done $0x0  }
0x83: {  	[sflag:s18] =	ssyncadd.s32 $0xFFFFD800  }
0x84: {  	_ =	sfence.sel $0x180000  }
0x85: {  	[bflag:$0x0] =	sbarrier.arrive $0xFFFF  }
0x86: {  	_ =	strace $0x90000056  }
0x87: {  	s0 =	stileid.u32;
	[bflag:$0x2] =	sbarrier.arrive $0xFFFF  }
0x88: {  	p0 =	sne.s32 s0, $0x0;
	s0 =	rddreg [dreg:$0x2]  }
0x89: {  	s0 =	sadd.s32 @!p0 $0x100000, s0  }
0x8a: {  	[sflag:s0] =	ssyncadd.tile.s32 @!p0 $0x1;
	_ =	shalt  }
.Lfunc_end2:
_tile_overlayer_lowered:
.L_overlay_start_2:
0x8b: {  	(tag) =	ssettag $0x2  }
0x8c: {  	s0 =	rddreg [dreg:$0x0];
	s2 =	stileid.u32  }
0x8d: {  	s1 =	rddreg [dreg:$0x1];
	p0 =	sne.s32 s2, $0x0  }
0x8e: {  	s3 =	rddreg [dreg:$0x2];
	[bflag:$0x3] =	sbarrier.arrive $0xFFFF;
	s2 =	simm.s32 @!p0 $0x1C03  }
0x8f: {  	[timem:s3], [sflag:s2] =	dma.local @!p0 [hbm:s0], s1  }
0x90: {  	s0 =	simm.s32 @!p0 $0x3  }
0x91: {  	_ =	swait.ge @!p0 [sflag:s0], s1  }
0x92: {  	s1 =	ssub.s32 @!p0 $0x0, s1;
	[sflag:s0] =	ssyncset.done @!p0 $0x0  }
0x93: {  	[sflag:s0] =	ssyncadd.s32 @!p0 s1  }
0x94: {  	[bflag:$0x3] =	sbarrier.arrive $0xFFFF  }
0x95: {  	_ =	shalt  }

</sc_bundles>
